<compile_context>
chip_gen: v7x
topology: tpu7x:2x2x1
jax: 0.10.2.dev20260603
libtpu: 0.0.44.dev20260713+nightly
codegen_flags: <defaults>
</compile_context>

<pallas_src>
import jax
import jax.numpy as jnp
from jax import lax
from jax.experimental import pallas as pl
from jax.experimental.pallas import tpu as pltpu
from jax.experimental.pallas import tpu_sc as plsc

_NC = 2
_NS = 16
_NW = _NC * _NS
_SCUT = 3584
_BS = 512


def _sc_body(x_hbm, t_hbm, o_hbm, t_buf, io0, io1, si0, si1, so0, so1):
    S, D = t_hbm.shape
    B = x_hbm.shape[0] // S
    wrows = (S - _SCUT) // _NW
    wid = lax.axis_index("s") * _NC + lax.axis_index("c")
    s0 = _SCUT + wid * wrows
    ios = (io0, io1)
    sin = (si0, si1)
    sout = (so0, so1)

    def issue_in(b):
        return pltpu.async_copy(
            x_hbm.at[pl.ds(b * S + s0, wrows)], ios[b % 2], sin[b % 2]
        )

    def issue_out(b):
        return pltpu.async_copy(
            ios[b % 2], o_hbm.at[pl.ds(b * S + s0, wrows)], sout[b % 2]
        )

    pending_in = {b: issue_in(b) for b in range(min(2, B))}
    pltpu.sync_copy(t_hbm.at[pl.ds(s0, wrows)], t_buf)
    pending_out = {}
    for b in range(B):
        pending_in.pop(b).wait()
        io = ios[b % 2]
        for r in range(wrows):

            @plsc.parallel_loop(0, D, step=16, unroll=8)
            def _add(k):
                io[r, pl.ds(k, 16)] = io[r, pl.ds(k, 16)] + t_buf[r, pl.ds(k, 16)]

        pending_out[b] = issue_out(b)
        if b + 2 < B:
            pending_out.pop(b).wait()
            pending_in[b + 2] = issue_in(b + 2)
    for b in sorted(pending_out):
        pending_out.pop(b).wait()


def _tc_body(alias_ref, x_ref, t_ref, o_ref):
    del alias_ref
    o_ref[...] = x_ref[...] + t_ref[...]


def kernel(inputs, pos_embedding_table):
    B, S, D = inputs.shape
    x = inputs.reshape(B * S, D)
    mesh = plsc.VectorSubcoreMesh(core_axis_name="c", subcore_axis_name="s")
    wrows = (S - _SCUT) // _NW
    sc_out = pl.kernel(
        _sc_body,
        out_type=jax.ShapeDtypeStruct((B * S, D), inputs.dtype),
        mesh=mesh,
        scratch_types=(
            [pltpu.VMEM((wrows, D), jnp.float32)] * 3
            + [pltpu.SemaphoreType.DMA] * 4
        ),
    )(x, pos_embedding_table)

    nsb = S // _BS
    out = pl.pallas_call(
        _tc_body,
        grid=(_SCUT // _BS, B),
        in_specs=[
            pl.BlockSpec(memory_space=pl.ANY),
            pl.BlockSpec((_BS, D), lambda i, b: (b * nsb + i, 0)),
            pl.BlockSpec((_BS, D), lambda i, b: (i, 0)),
        ],
        out_specs=pl.BlockSpec((_BS, D), lambda i, b: (b * nsb + i, 0)),
        out_shape=jax.ShapeDtypeStruct((B * S, D), inputs.dtype),
        input_output_aliases={0: 0},
    )(sc_out, x, pos_embedding_table)
    return out.reshape(B, S, D)

# --- scband reference (transcript-rebuilt; emitter-appended) ---
"""Pipeline reference for scband-positional-encoding-80582176407934 (READ-ONLY COPY).

The authoritative reference and input builder live on the scoring server;
editing this copy changes nothing except your own understanding.
"""

import jax, jax.numpy as jnp
import numpy as np

def setup_inputs(seed: int = 0) -> dict:
    key = jax.random.key(seed)
    k1, k2 = jax.random.split(key)
    inputs = jax.random.normal(k1, (4, 4096, 1024), dtype=jnp.float32)
    pos_embedding_table = jax.random.normal(k2, (4096, 1024), dtype=jnp.float32) * 0.02
    return {"inputs": inputs, "pos_embedding_table": pos_embedding_table}

def reference(inputs, pos_embedding_table):
    # Faithful translation of PositionalEncoding.call:
    # position_indices = range(input_length); embed lookup; add to inputs.
    input_length = inputs.shape[1]
    position_indices = jnp.arange(input_length, dtype=jnp.int32)[None, :]  # [1, S]
    position_embeddings = jnp.take(pos_embedding_table, position_indices, axis=0)  # [1, S, D]
    return position_embeddings + inputs

if __name__ == "__main__":
    import jax
    _d = setup_inputs()
    print(jax.jit(kernel)(*tuple(_d.values())))

</pallas_src>

<mosaic_0001>
#map = affine_map<(d0, d1) -> (0, 0)>
module attributes {stable_mosaic.version = 14 : i64} {
  func.func @_sc_body(%arg0: i32, %arg1: i32, %arg2: memref<16384x1024xf32, #tpu.memory_space<hbm>>, %arg3: memref<4096x1024xf32, #tpu.memory_space<hbm>>, %arg4: memref<16384x1024xf32, #tpu.memory_space<hbm>>, %arg5: memref<16x1024xf32, #tpu.memory_space<vmem>>, %arg6: memref<16x1024xf32, #tpu.memory_space<vmem>>, %arg7: memref<16x1024xf32, #tpu.memory_space<vmem>>, %arg8: memref<!tpu.dma_semaphore, #tpu.memory_space<semaphore_mem>>, %arg9: memref<!tpu.dma_semaphore, #tpu.memory_space<semaphore_mem>>, %arg10: memref<!tpu.dma_semaphore, #tpu.memory_space<semaphore_mem>>, %arg11: memref<!tpu.dma_semaphore, #tpu.memory_space<semaphore_mem>>) attributes {dimension_semantics = [#tpu.dimension_semantics<core_parallel>, #tpu.dimension_semantics<subcore_parallel>], iteration_bounds = array<i64: 2, 16>, scalar_prefetch = 0 : i64, scratch_operands = 7 : i64, tpu.core_type = #tpu.core_type<sc_vector_subcore>, window_params = [{transform_indices = #map}, {transform_indices = #map}, {transform_indices = #map}]} {
    %mul3A = arith.constant 2 : i32
    %mul3A_0 = arith.muli %arg1, %mul3A : i32
    %add3A = arith.addi %mul3A_0, %arg0 : i32
    %mul3A_1 = arith.constant 16 : i32
    %mul3A_2 = arith.muli %add3A, %mul3A_1 : i32
    %add3A_3 = arith.constant 3584 : i32
    %add3A_4 = arith.addi %add3A_3, %mul3A_2 : i32
    %add3A_5 = arith.constant 0 : i32
    %add3A_6 = arith.addi %add3A_5, %add3A_4 : i32
    %dma_start3A = arith.constant 0 : i32
    %dma_start3A_7 = tpu.memref_slice %arg2[%add3A_6, %dma_start3A] : memref<16384x1024xf32, #tpu.memory_space<hbm>> -> memref<16x1024xf32, #tpu.memory_space<hbm>>
    %dma_start3A_8 = arith.constant 0 : i32
    %dma_start3A_9 = tpu.memref_slice %arg2[%add3A_6, %dma_start3A_8] : memref<16384x1024xf32, #tpu.memory_space<hbm>> -> memref<16x1024xf32, #tpu.memory_space<hbm>>
    tpu.enqueue_dma source(%dma_start3A_9 : memref<16x1024xf32, #tpu.memory_space<hbm>>) target(%arg6 : memref<16x1024xf32, #tpu.memory_space<vmem>>) target_semaphore(%arg8 : memref<!tpu.dma_semaphore, #tpu.memory_space<semaphore_mem>>)
    %add3A_10 = arith.constant 4096 : i32
    %add3A_11 = arith.addi %add3A_10, %add3A_4 : i32
    %dma_start3A_12 = arith.constant 0 : i32
    %dma_start3A_13 = tpu.memref_slice %arg2[%add3A_11, %dma_start3A_12] : memref<16384x1024xf32, #tpu.memory_space<hbm>> -> memref<16x1024xf32, #tpu.memory_space<hbm>>
    %dma_start3A_14 = arith.constant 0 : i32
    %dma_start3A_15 = tpu.memref_slice %arg2[%add3A_11, %dma_start3A_14] : memref<16384x1024xf32, #tpu.memory_space<hbm>> -> memref<16x1024xf32, #tpu.memory_space<hbm>>
    tpu.enqueue_dma source(%dma_start3A_15 : memref<16x1024xf32, #tpu.memory_space<hbm>>) target(%arg7 : memref<16x1024xf32, #tpu.memory_space<vmem>>) target_semaphore(%arg9 : memref<!tpu.dma_semaphore, #tpu.memory_space<semaphore_mem>>)
    "tpu.region"() ({
      %run_scoped3A = tpu.sem_alloc : memref<!tpu.dma_semaphore, #tpu.memory_space<semaphore_mem>>
      %dma_start3A_274 = arith.constant 0 : i32
      %dma_start3A_275 = tpu.memref_slice %arg3[%add3A_4, %dma_start3A_274] : memref<4096x1024xf32, #tpu.memory_space<hbm>> -> memref<16x1024xf32, #tpu.memory_space<hbm>>
      %dma_start3A_276 = arith.constant 0 : i32
      %dma_start3A_277 = tpu.memref_slice %arg3[%add3A_4, %dma_start3A_276] : memref<4096x1024xf32, #tpu.memory_space<hbm>> -> memref<16x1024xf32, #tpu.memory_space<hbm>>
      tpu.enqueue_dma source(%dma_start3A_277 : memref<16x1024xf32, #tpu.memory_space<hbm>>) target(%arg5 : memref<16x1024xf32, #tpu.memory_space<vmem>>) target_semaphore(%run_scoped3A : memref<!tpu.dma_semaphore, #tpu.memory_space<semaphore_mem>>)
      %dma_wait3A_278 = arith.constant 0 : i32
      %dma_wait3A_279 = tpu.memref_slice %arg3[%add3A_4, %dma_wait3A_278] : memref<4096x1024xf32, #tpu.memory_space<hbm>> -> memref<16x1024xf32, #tpu.memory_space<hbm>>
      %dma_wait3A_280 = arith.constant 0 : i32
      %dma_wait3A_281 = tpu.memref_slice %arg3[%add3A_4, %dma_wait3A_280] : memref<4096x1024xf32, #tpu.memory_space<hbm>> -> memref<16x1024xf32, #tpu.memory_space<hbm>>
      tpu.wait_dma2 semaphore(%run_scoped3A : memref<!tpu.dma_semaphore, #tpu.memory_space<semaphore_mem>>) src(%dma_wait3A_281 : memref<16x1024xf32, #tpu.memory_space<hbm>>) dst(%arg5 : memref<16x1024xf32, #tpu.memory_space<vmem>>)
      tpu.yield
    }) : () -> ()
    %dma_wait3A = arith.constant 0 : i32
    %dma_wait3A_16 = tpu.memref_slice %arg2[%add3A_6, %dma_wait3A] : memref<16384x1024xf32, #tpu.memory_space<hbm>> -> memref<16x1024xf32, #tpu.memory_space<hbm>>
    %dma_wait3A_17 = arith.constant 0 : i32
    %dma_wait3A_18 = tpu.memref_slice %arg2[%add3A_6, %dma_wait3A_17] : memref<16384x1024xf32, #tpu.memory_space<hbm>> -> memref<16x1024xf32, #tpu.memory_space<hbm>>
    tpu.wait_dma2 semaphore(%arg8 : memref<!tpu.dma_semaphore, #tpu.memory_space<semaphore_mem>>) src(%dma_wait3A_18 : memref<16x1024xf32, #tpu.memory_space<hbm>>) dst(%arg6 : memref<16x1024xf32, #tpu.memory_space<vmem>>)
    %parallel_loop3A = arith.constant 0 : i32
    %parallel_loop3A_19 = arith.constant 1024 : i32
    %parallel_loop3A_20 = arith.constant 16 : i32
    scf.for %parallel_loop3A_274 = %parallel_loop3A to %parallel_loop3A_19 step %parallel_loop3A_20  : i32 {
      %parallel_loop3A_275 = arith.constant 0 : i32
      %parallel_loop3A_276 = arith.index_cast %parallel_loop3A_275 : i32 to index
      %parallel_loop3A_277 = arith.index_cast %parallel_loop3A_274 : i32 to index
      %parallel_loop3A_278 = tpu.vector_load %arg6[%parallel_loop3A_276, %parallel_loop3A_277] {strides = array<i32>} : memref<16x1024xf32, #tpu.memory_space<vmem>>, vector<1x16xf32>,
      %parallel_loop3A_279 = vector.shape_cast %parallel_loop3A_278 : vector<1x16xf32> to vector<16xf32>
      %parallel_loop3A_280 = arith.constant 0 : i32
      %parallel_loop3A_281 = arith.index_cast %parallel_loop3A_280 : i32 to index
      %parallel_loop3A_282 = arith.index_cast %parallel_loop3A_274 : i32 to index
      %parallel_loop3A_283 = tpu.vector_load %arg5[%parallel_loop3A_281, %parallel_loop3A_282] {strides = array<i32>} : memref<16x1024xf32, #tpu.memory_space<vmem>>, vector<1x16xf32>,
      %parallel_loop3A_284 = vector.shape_cast %parallel_loop3A_283 : vector<1x16xf32> to vector<16xf32>
      %parallel_loop3A_285 = arith.addf %parallel_loop3A_279, %parallel_loop3A_284 : vector<16xf32>
      %parallel_loop3A_286 = arith.constant 0 : i32
      %parallel_loop3A_287 = arith.index_cast %parallel_loop3A_286 : i32 to index
      %parallel_loop3A_288 = arith.index_cast %parallel_loop3A_274 : i32 to index
      %parallel_loop3A_289 = tpu.vector_load %arg6[%parallel_loop3A_287, %parallel_loop3A_288] {strides = array<i32>} : memref<16x1024xf32, #tpu.memory_space<vmem>>, vector<1x16xf32>,
      %parallel_loop3A_290 = vector.shape_cast %parallel_loop3A_289 : vector<1x16xf32> to vector<16xf32>
      %parallel_loop3A_291 = vector.shape_cast %parallel_loop3A_285 : vector<16xf32> to vector<1x16xf32>
      tpu.vector_store %arg6[%parallel_loop3A_287, %parallel_loop3A_288], %parallel_loop3A_291 {strides = array<i32>} : memref<16x1024xf32, #tpu.memory_space<vmem>>, vector<1x16xf32>,
    } {sc.loop_unroll_factor = 8 : i64, sc.parallel_access}
    %parallel_loop3A_21 = arith.constant 0 : i32
    %parallel_loop3A_22 = arith.constant 1024 : i32
    %parallel_loop3A_23 = arith.constant 16 : i32
    scf.for %parallel_loop3A_274 = %parallel_loop3A_21 to %parallel_loop3A_22 step %parallel_loop3A_23  : i32 {
      %parallel_loop3A_275 = arith.constant 1 : i32
      %parallel_loop3A_276 = arith.index_cast %parallel_loop3A_275 : i32 to index
      %parallel_loop3A_277 = arith.index_cast %parallel_loop3A_274 : i32 to index
      %parallel_loop3A_278 = tpu.vector_load %arg6[%parallel_loop3A_276, %parallel_loop3A_277] {strides = array<i32>} : memref<16x1024xf32, #tpu.memory_space<vmem>>, vector<1x16xf32>,
      %parallel_loop3A_279 = vector.shape_cast %parallel_loop3A_278 : vector<1x16xf32> to vector<16xf32>
      %parallel_loop3A_280 = arith.constant 1 : i32
      %parallel_loop3A_281 = arith.index_cast %parallel_loop3A_280 : i32 to index
      %parallel_loop3A_282 = arith.index_cast %parallel_loop3A_274 : i32 to index
      %parallel_loop3A_283 = tpu.vector_load %arg5[%parallel_loop3A_281, %parallel_loop3A_282] {strides = array<i32>} : memref<16x1024xf32, #tpu.memory_space<vmem>>, vector<1x16xf32>,
      %parallel_loop3A_284 = vector.shape_cast %parallel_loop3A_283 : vector<1x16xf32> to vector<16xf32>
      %parallel_loop3A_285 = arith.addf %parallel_loop3A_279, %parallel_loop3A_284 : vector<16xf32>
      %parallel_loop3A_286 = arith.constant 1 : i32
      %parallel_loop3A_287 = arith.index_cast %parallel_loop3A_286 : i32 to index
      %parallel_loop3A_288 = arith.index_cast %parallel_loop3A_274 : i32 to index
      %parallel_loop3A_289 = tpu.vector_load %arg6[%parallel_loop3A_287, %parallel_loop3A_288] {strides = array<i32>} : memref<16x1024xf32, #tpu.memory_space<vmem>>, vector<1x16xf32>,
      %parallel_loop3A_290 = vector.shape_cast %parallel_loop3A_289 : vector<1x16xf32> to vector<16xf32>
      %parallel_loop3A_291 = vector.shape_cast %parallel_loop3A_285 : vector<16xf32> to vector<1x16xf32>
      tpu.vector_store %arg6[%parallel_loop3A_287, %parallel_loop3A_288], %parallel_loop3A_291 {strides = array<i32>} : memref<16x1024xf32, #tpu.memory_space<vmem>>, vector<1x16xf32>,
    } {sc.loop_unroll_factor = 8 : i64, sc.parallel_access}
    %parallel_loop3A_24 = arith.constant 0 : i32
    %parallel_loop3A_25 = arith.constant 1024 : i32
    %parallel_loop3A_26 = arith.constant 16 : i32
    scf.for %parallel_loop3A_274 = %parallel_loop3A_24 to %parallel_loop3A_25 step %parallel_loop3A_26  : i32 {
      %parallel_loop3A_275 = arith.constant 2 : i32
      %parallel_loop3A_276 = arith.index_cast %parallel_loop3A_275 : i32 to index
      %parallel_loop3A_277 = arith.index_cast %parallel_loop3A_274 : i32 to index
      %parallel_loop3A_278 = tpu.vector_load %arg6[%parallel_loop3A_276, %parallel_loop3A_277] {strides = array<i32>} : memref<16x1024xf32, #tpu.memory_space<vmem>>, vector<1x16xf32>,
      %parallel_loop3A_279 = vector.shape_cast %parallel_loop3A_278 : vector<1x16xf32> to vector<16xf32>
      %parallel_loop3A_280 = arith.constant 2 : i32
      %parallel_loop3A_281 = arith.index_cast %parallel_loop3A_280 : i32 to index
      %parallel_loop3A_282 = arith.index_cast %parallel_loop3A_274 : i32 to index
      %parallel_loop3A_283 = tpu.vector_load %arg5[%parallel_loop3A_281, %parallel_loop3A_282] {strides = array<i32>} : memref<16x1024xf32, #tpu.memory_space<vmem>>, vector<1x16xf32>,
      %parallel_loop3A_284 = vector.shape_cast %parallel_loop3A_283 : vector<1x16xf32> to vector<16xf32>
      %parallel_loop3A_285 = arith.addf %parallel_loop3A_279, %parallel_loop3A_284 : vector<16xf32>
      %parallel_loop3A_286 = arith.constant 2 : i32
      %parallel_loop3A_287 = arith.index_cast %parallel_loop3A_286 : i32 to index
      %parallel_loop3A_288 = arith.index_cast %parallel_loop3A_274 : i32 to index
      %parallel_loop3A_289 = tpu.vector_load %arg6[%parallel_loop3A_287, %parallel_loop3A_288] {strides = array<i32>} : memref<16x1024xf32, #tpu.memory_space<vmem>>, vector<1x16xf32>,
      %parallel_loop3A_290 = vector.shape_cast %parallel_loop3A_289 : vector<1x16xf32> to vector<16xf32>
      %parallel_loop3A_291 = vector.shape_cast %parallel_loop3A_285 : vector<16xf32> to vector<1x16xf32>
      tpu.vector_store %arg6[%parallel_loop3A_287, %parallel_loop3A_288], %parallel_loop3A_291 {strides = array<i32>} : memref<16x1024xf32, #tpu.memory_space<vmem>>, vector<1x16xf32>,
    } {sc.loop_unroll_factor = 8 : i64, sc.parallel_access}
    %parallel_loop3A_27 = arith.constant 0 : i32
    %parallel_loop3A_28 = arith.constant 1024 : i32
    %parallel_loop3A_29 = arith.constant 16 : i32
    scf.for %parallel_loop3A_274 = %parallel_loop3A_27 to %parallel_loop3A_28 step %parallel_loop3A_29  : i32 {
      %parallel_loop3A_275 = arith.constant 3 : i32
      %parallel_loop3A_276 = arith.index_cast %parallel_loop3A_275 : i32 to index
      %parallel_loop3A_277 = arith.index_cast %parallel_loop3A_274 : i32 to index
      %parallel_loop3A_278 = tpu.vector_load %arg6[%parallel_loop3A_276, %parallel_loop3A_277] {strides = array<i32>} : memref<16x1024xf32, #tpu.memory_space<vmem>>, vector<1x16xf32>,
      %parallel_loop3A_279 = vector.shape_cast %parallel_loop3A_278 : vector<1x16xf32> to vector<16xf32>
      %parallel_loop3A_280 = arith.constant 3 : i32
      %parallel_loop3A_281 = arith.index_cast %parallel_loop3A_280 : i32 to index
      %parallel_loop3A_282 = arith.index_cast %parallel_loop3A_274 : i32 to index
      %parallel_loop3A_283 = tpu.vector_load %arg5[%parallel_loop3A_281, %parallel_loop3A_282] {strides = array<i32>} : memref<16x1024xf32, #tpu.memory_space<vmem>>, vector<1x16xf32>,
      %parallel_loop3A_284 = vector.shape_cast %parallel_loop3A_283 : vector<1x16xf32> to vector<16xf32>
      %parallel_loop3A_285 = arith.addf %parallel_loop3A_279, %parallel_loop3A_284 : vector<16xf32>
      %parallel_loop3A_286 = arith.constant 3 : i32
      %parallel_loop3A_287 = arith.index_cast %parallel_loop3A_286 : i32 to index
      %parallel_loop3A_288 = arith.index_cast %parallel_loop3A_274 : i32 to index
      %parallel_loop3A_289 = tpu.vector_load %arg6[%parallel_loop3A_287, %parallel_loop3A_288] {strides = array<i32>} : memref<16x1024xf32, #tpu.memory_space<vmem>>, vector<1x16xf32>,
      %parallel_loop3A_290 = vector.shape_cast %parallel_loop3A_289 : vector<1x16xf32> to vector<16xf32>
      %parallel_loop3A_291 = vector.shape_cast %parallel_loop3A_285 : vector<16xf32> to vector<1x16xf32>
      tpu.vector_store %arg6[%parallel_loop3A_287, %parallel_loop3A_288], %parallel_loop3A_291 {strides = array<i32>} : memref<16x1024xf32, #tpu.memory_space<vmem>>, vector<1x16xf32>,
    } {sc.loop_unroll_factor = 8 : i64, sc.parallel_access}
    %parallel_loop3A_30 = arith.constant 0 : i32
    %parallel_loop3A_31 = arith.constant 1024 : i32
    %parallel_loop3A_32 = arith.constant 16 : i32
    scf.for %parallel_loop3A_274 = %parallel_loop3A_30 to %parallel_loop3A_31 step %parallel_loop3A_32  : i32 {
      %parallel_loop3A_275 = arith.constant 4 : i32
      %parallel_loop3A_276 = arith.index_cast %parallel_loop3A_275 : i32 to index
      %parallel_loop3A_277 = arith.index_cast %parallel_loop3A_274 : i32 to index
      %parallel_loop3A_278 = tpu.vector_load %arg6[%parallel_loop3A_276, %parallel_loop3A_277] {strides = array<i32>} : memref<16x1024xf32, #tpu.memory_space<vmem>>, vector<1x16xf32>,
      %parallel_loop3A_279 = vector.shape_cast %parallel_loop3A_278 : vector<1x16xf32> to vector<16xf32>
      %parallel_loop3A_280 = arith.constant 4 : i32
      %parallel_loop3A_281 = arith.index_cast %parallel_loop3A_280 : i32 to index
      %parallel_loop3A_282 = arith.index_cast %parallel_loop3A_274 : i32 to index
      %parallel_loop3A_283 = tpu.vector_load %arg5[%parallel_loop3A_281, %parallel_loop3A_282] {strides = array<i32>} : memref<16x1024xf32, #tpu.memory_space<vmem>>, vector<1x16xf32>,
      %parallel_loop3A_284 = vector.shape_cast %parallel_loop3A_283 : vector<1x16xf32> to vector<16xf32>
      %parallel_loop3A_285 = arith.addf %parallel_loop3A_279, %parallel_loop3A_284 : vector<16xf32>
      %parallel_loop3A_286 = arith.constant 4 : i32
      %parallel_loop3A_287 = arith.index_cast %parallel_loop3A_286 : i32 to index
      %parallel_loop3A_288 = arith.index_cast %parallel_loop3A_274 : i32 to index
      %parallel_loop3A_289 = tpu.vector_load %arg6[%parallel_loop3A_287, %parallel_loop3A_288] {strides = array<i32>} : memref<16x1024xf32, #tpu.memory_space<vmem>>, vector<1x16xf32>,
      %parallel_loop3A_290 = vector.shape_cast %parallel_loop3A_289 : vector<1x16xf32> to vector<16xf32>
      %parallel_loop3A_291 = vector.shape_cast %parallel_loop3A_285 : vector<16xf32> to vector<1x16xf32>
      tpu.vector_store %arg6[%parallel_loop3A_287, %parallel_loop3A_288], %parallel_loop3A_291 {strides = array<i32>} : memref<16x1024xf32, #tpu.memory_space<vmem>>, vector<1x16xf32>,
    } {sc.loop_unroll_factor = 8 : i64, sc.parallel_access}
    %parallel_loop3A_33 = arith.constant 0 : i32
    %parallel_loop3A_34 = arith.constant 1024 : i32
    %parallel_loop3A_35 = arith.constant 16 : i32
    scf.for %parallel_loop3A_274 = %parallel_loop3A_33 to %parallel_loop3A_34 step %parallel_loop3A_35  : i32 {
      %parallel_loop3A_275 = arith.constant 5 : i32
      %parallel_loop3A_276 = arith.index_cast %parallel_loop3A_275 : i32 to index
      %parallel_loop3A_277 = arith.index_cast %parallel_loop3A_274 : i32 to index
      %parallel_loop3A_278 = tpu.vector_load %arg6[%parallel_loop3A_276, %parallel_loop3A_277] {strides = array<i32>} : memref<16x1024xf32, #tpu.memory_space<vmem>>, vector<1x16xf32>,
      %parallel_loop3A_279 = vector.shape_cast %parallel_loop3A_278 : vector<1x16xf32> to vector<16xf32>
      %parallel_loop3A_280 = arith.constant 5 : i32
      %parallel_loop3A_281 = arith.index_cast %parallel_loop3A_280 : i32 to index
      %parallel_loop3A_282 = arith.index_cast %parallel_loop3A_274 : i32 to index
      %parallel_loop3A_283 = tpu.vector_load %arg5[%parallel_loop3A_281, %parallel_loop3A_282] {strides = array<i32>} : memref<16x1024xf32, #tpu.memory_space<vmem>>, vector<1x16xf32>,
      %parallel_loop3A_284 = vector.shape_cast %parallel_loop3A_283 : vector<1x16xf32> to vector<16xf32>
      %parallel_loop3A_285 = arith.addf %parallel_loop3A_279, %parallel_loop3A_284 : vector<16xf32>
      %parallel_loop3A_286 = arith.constant 5 : i32
      %parallel_loop3A_287 = arith.index_cast %parallel_loop3A_286 : i32 to index
      %parallel_loop3A_288 = arith.index_cast %parallel_loop3A_274 : i32 to index
      %parallel_loop3A_289 = tpu.vector_load %arg6[%parallel_loop3A_287, %parallel_loop3A_288] {strides = array<i32>} : memref<16x1024xf32, #tpu.memory_space<vmem>>, vector<1x16xf32>,
      %parallel_loop3A_290 = vector.shape_cast %parallel_loop3A_289 : vector<1x16xf32> to vector<16xf32>
      %parallel_loop3A_291 = vector.shape_cast %parallel_loop3A_285 : vector<16xf32> to vector<1x16xf32>
      tpu.vector_store %arg6[%parallel_loop3A_287, %parallel_loop3A_288], %parallel_loop3A_291 {strides = array<i32>} : memref<16x1024xf32, #tpu.memory_space<vmem>>, vector<1x16xf32>,
    } {sc.loop_unroll_factor = 8 : i64, sc.parallel_access}
    %parallel_loop3A_36 = arith.constant 0 : i32
    %parallel_loop3A_37 = arith.constant 1024 : i32
    %parallel_loop3A_38 = arith.constant 16 : i32
    scf.for %parallel_loop3A_274 = %parallel_loop3A_36 to %parallel_loop3A_37 step %parallel_loop3A_38  : i32 {
      %parallel_loop3A_275 = arith.constant 6 : i32
      %parallel_loop3A_276 = arith.index_cast %parallel_loop3A_275 : i32 to index
      %parallel_loop3A_277 = arith.index_cast %parallel_loop3A_274 : i32 to index
      %parallel_loop3A_278 = tpu.vector_load %arg6[%parallel_loop3A_276, %parallel_loop3A_277] {strides = array<i32>} : memref<16x1024xf32, #tpu.memory_space<vmem>>, vector<1x16xf32>,
      %parallel_loop3A_279 = vector.shape_cast %parallel_loop3A_278 : vector<1x16xf32> to vector<16xf32>
      %parallel_loop3A_280 = arith.constant 6 : i32
      %parallel_loop3A_281 = arith.index_cast %parallel_loop3A_280 : i32 to index
      %parallel_loop3A_282 = arith.index_cast %parallel_loop3A_274 : i32 to index
      %parallel_loop3A_283 = tpu.vector_load %arg5[%parallel_loop3A_281, %parallel_loop3A_282] {strides = array<i32>} : memref<16x1024xf32, #tpu.memory_space<vmem>>, vector<1x16xf32>,
      %parallel_loop3A_284 = vector.shape_cast %parallel_loop3A_283 : vector<1x16xf32> to vector<16xf32>
      %parallel_loop3A_285 = arith.addf %parallel_loop3A_279, %parallel_loop3A_284 : vector<16xf32>
      %parallel_loop3A_286 = arith.constant 6 : i32
      %parallel_loop3A_287 = arith.index_cast %parallel_loop3A_286 : i32 to index
      %parallel_loop3A_288 = arith.index_cast %parallel_loop3A_274 : i32 to index
      %parallel_loop3A_289 = tpu.vector_load %arg6[%parallel_loop3A_287, %parallel_loop3A_288] {strides = array<i32>} : memref<16x1024xf32, #tpu.memory_space<vmem>>, vector<1x16xf32>,
      %parallel_loop3A_290 = vector.shape_cast %parallel_loop3A_289 : vector<1x16xf32> to vector<16xf32>
      %parallel_loop3A_291 = vector.shape_cast %parallel_loop3A_285 : vector<16xf32> to vector<1x16xf32>
      tpu.vector_store %arg6[%parallel_loop3A_287, %parallel_loop3A_288], %parallel_loop3A_291 {strides = array<i32>} : memref<16x1024xf32, #tpu.memory_space<vmem>>, vector<1x16xf32>,
    } {sc.loop_unroll_factor = 8 : i64, sc.parallel_access}
    %parallel_loop3A_39 = arith.constant 0 : i32
    %parallel_loop3A_40 = arith.constant 1024 : i32
    %parallel_loop3A_41 = arith.constant 16 : i32
    scf.for %parallel_loop3A_274 = %parallel_loop3A_39 to %parallel_loop3A_40 step %parallel_loop3A_41  : i32 {
      %parallel_loop3A_275 = arith.constant 7 : i32
      %parallel_loop3A_276 = arith.index_cast %parallel_loop3A_275 : i32 to index
      %parallel_loop3A_277 = arith.index_cast %parallel_loop3A_274 : i32 to index
      %parallel_loop3A_278 = tpu.vector_load %arg6[%parallel_loop3A_276, %parallel_loop3A_277] {strides = array<i32>} : memref<16x1024xf32, #tpu.memory_space<vmem>>, vector<1x16xf32>,
      %parallel_loop3A_279 = vector.shape_cast %parallel_loop3A_278 : vector<1x16xf32> to vector<16xf32>
      %parallel_loop3A_280 = arith.constant 7 : i32
      %parallel_loop3A_281 = arith.index_cast %parallel_loop3A_280 : i32 to index
      %parallel_loop3A_282 = arith.index_cast %parallel_loop3A_274 : i32 to index
      %parallel_loop3A_283 = tpu.vector_load %arg5[%parallel_loop3A_281, %parallel_loop3A_282] {strides = array<i32>} : memref<16x1024xf32, #tpu.memory_space<vmem>>, vector<1x16xf32>,
      %parallel_loop3A_284 = vector.shape_cast %parallel_loop3A_283 : vector<1x16xf32> to vector<16xf32>
      %parallel_loop3A_285 = arith.addf %parallel_loop3A_279, %parallel_loop3A_284 : vector<16xf32>
      %parallel_loop3A_286 = arith.constant 7 : i32
      %parallel_loop3A_287 = arith.index_cast %parallel_loop3A_286 : i32 to index
      %parallel_loop3A_288 = arith.index_cast %parallel_loop3A_274 : i32 to index
      %parallel_loop3A_289 = tpu.vector_load %arg6[%parallel_loop3A_287, %parallel_loop3A_288] {strides = array<i32>} : memref<16x1024xf32, #tpu.memory_space<vmem>>, vector<1x16xf32>,
      %parallel_loop3A_290 = vector.shape_cast %parallel_loop3A_289 : vector<1x16xf32> to vector<16xf32>
      %parallel_loop3A_291 = vector.shape_cast %parallel_loop3A_285 : vector<16xf32> to vector<1x16xf32>
      tpu.vector_store %arg6[%parallel_loop3A_287, %parallel_loop3A_288], %parallel_loop3A_291 {strides = array<i32>} : memref<16x1024xf32, #tpu.memory_space<vmem>>, vector<1x16xf32>,
    } {sc.loop_unroll_factor = 8 : i64, sc.parallel_access}
    %parallel_loop3A_42 = arith.constant 0 : i32
    %parallel_loop3A_43 = arith.constant 1024 : i32
    %parallel_loop3A_44 = arith.constant 16 : i32
    scf.for %parallel_loop3A_274 = %parallel_loop3A_42 to %parallel_loop3A_43 step %parallel_loop3A_44  : i32 {
      %parallel_loop3A_275 = arith.constant 8 : i32
      %parallel_loop3A_276 = arith.index_cast %parallel_loop3A_275 : i32 to index
      %parallel_loop3A_277 = arith.index_cast %parallel_loop3A_274 : i32 to index
      %parallel_loop3A_278 = tpu.vector_load %arg6[%parallel_loop3A_276, %parallel_loop3A_277] {strides = array<i32>} : memref<16x1024xf32, #tpu.memory_space<vmem>>, vector<1x16xf32>,
      %parallel_loop3A_279 = vector.shape_cast %parallel_loop3A_278 : vector<1x16xf32> to vector<16xf32>
      %parallel_loop3A_280 = arith.constant 8 : i32
      %parallel_loop3A_281 = arith.index_cast %parallel_loop3A_280 : i32 to index
      %parallel_loop3A_282 = arith.index_cast %parallel_loop3A_274 : i32 to index
      %parallel_loop3A_283 = tpu.vector_load %arg5[%parallel_loop3A_281, %parallel_loop3A_282] {strides = array<i32>} : memref<16x1024xf32, #tpu.memory_space<vmem>>, vector<1x16xf32>,
      %parallel_loop3A_284 = vector.shape_cast %parallel_loop3A_283 : vector<1x16xf32> to vector<16xf32>
      %parallel_loop3A_285 = arith.addf %parallel_loop3A_279, %parallel_loop3A_284 : vector<16xf32>
      %parallel_loop3A_286 = arith.constant 8 : i32
      %parallel_loop3A_287 = arith.index_cast %parallel_loop3A_286 : i32 to index
      %parallel_loop3A_288 = arith.index_cast %parallel_loop3A_274 : i32 to index
      %parallel_loop3A_289 = tpu.vector_load %arg6[%parallel_loop3A_287, %parallel_loop3A_288] {strides = array<i32>} : memref<16x1024xf32, #tpu.memory_space<vmem>>, vector<1x16xf32>,
      %parallel_loop3A_290 = vector.shape_cast %parallel_loop3A_289 : vector<1x16xf32> to vector<16xf32>
      %parallel_loop3A_291 = vector.shape_cast %parallel_loop3A_285 : vector<16xf32> to vector<1x16xf32>
      tpu.vector_store %arg6[%parallel_loop3A_287, %parallel_loop3A_288], %parallel_loop3A_291 {strides = array<i32>} : memref<16x1024xf32, #tpu.memory_space<vmem>>, vector<1x16xf32>,
    } {sc.loop_unroll_factor = 8 : i64, sc.parallel_access}
    %parallel_loop3A_45 = arith.constant 0 : i32
    %parallel_loop3A_46 = arith.constant 1024 : i32
    %parallel_loop3A_47 = arith.constant 16 : i32
    scf.for %parallel_loop3A_274 = %parallel_loop3A_45 to %parallel_loop3A_46 step %parallel_loop3A_47  : i32 {
      %parallel_loop3A_275 = arith.constant 9 : i32
      %parallel_loop3A_276 = arith.index_cast %parallel_loop3A_275 : i32 to index
      %parallel_loop3A_277 = arith.index_cast %parallel_loop3A_274 : i32 to index
      %parallel_loop3A_278 = tpu.vector_load %arg6[%parallel_loop3A_276, %parallel_loop3A_277] {strides = array<i32>} : memref<16x1024xf32, #tpu.memory_space<vmem>>, vector<1x16xf32>,
      %parallel_loop3A_279 = vector.shape_cast %parallel_loop3A_278 : vector<1x16xf32> to vector<16xf32>
      %parallel_loop3A_280 = arith.constant 9 : i32
      %parallel_loop3A_281 = arith.index_cast %parallel_loop3A_280 : i32 to index
      %parallel_loop3A_282 = arith.index_cast %parallel_loop3A_274 : i32 to index
      %parallel_loop3A_283 = tpu.vector_load %arg5[%parallel_loop3A_281, %parallel_loop3A_282] {strides = array<i32>} : memref<16x1024xf32, #tpu.memory_space<vmem>>, vector<1x16xf32>,
      %parallel_loop3A_284 = vector.shape_cast %parallel_loop3A_283 : vector<1x16xf32> to vector<16xf32>
      %parallel_loop3A_285 = arith.addf %parallel_loop3A_279, %parallel_loop3A_284 : vector<16xf32>
      %parallel_loop3A_286 = arith.constant 9 : i32
      %parallel_loop3A_287 = arith.index_cast %parallel_loop3A_286 : i32 to index
      %parallel_loop3A_288 = arith.index_cast %parallel_loop3A_274 : i32 to index
      %parallel_loop3A_289 = tpu.vector_load %arg6[%parallel_loop3A_287, %parallel_loop3A_288] {strides = array<i32>} : memref<16x1024xf32, #tpu.memory_space<vmem>>, vector<1x16xf32>,
      %parallel_loop3A_290 = vector.shape_cast %parallel_loop3A_289 : vector<1x16xf32> to vector<16xf32>
      %parallel_loop3A_291 = vector.shape_cast %parallel_loop3A_285 : vector<16xf32> to vector<1x16xf32>
      tpu.vector_store %arg6[%parallel_loop3A_287, %parallel_loop3A_288], %parallel_loop3A_291 {strides = array<i32>} : memref<16x1024xf32, #tpu.memory_space<vmem>>, vector<1x16xf32>,
    } {sc.loop_unroll_factor = 8 : i64, sc.parallel_access}
    %parallel_loop3A_48 = arith.constant 0 : i32
    %parallel_loop3A_49 = arith.constant 1024 : i32
    %parallel_loop3A_50 = arith.constant 16 : i32
    scf.for %parallel_loop3A_274 = %parallel_loop3A_48 to %parallel_loop3A_49 step %parallel_loop3A_50  : i32 {
      %parallel_loop3A_275 = arith.constant 10 : i32
      %parallel_loop3A_276 = arith.index_cast %parallel_loop3A_275 : i32 to index
      %parallel_loop3A_277 = arith.index_cast %parallel_loop3A_274 : i32 to index
      %parallel_loop3A_278 = tpu.vector_load %arg6[%parallel_loop3A_276, %parallel_loop3A_277] {strides = array<i32>} : memref<16x1024xf32, #tpu.memory_space<vmem>>, vector<1x16xf32>,
      %parallel_loop3A_279 = vector.shape_cast %parallel_loop3A_278 : vector<1x16xf32> to vector<16xf32>
      %parallel_loop3A_280 = arith.constant 10 : i32
      %parallel_loop3A_281 = arith.index_cast %parallel_loop3A_280 : i32 to index
      %parallel_loop3A_282 = arith.index_cast %parallel_loop3A_274 : i32 to index
      %parallel_loop3A_283 = tpu.vector_load %arg5[%parallel_loop3A_281, %parallel_loop3A_282] {strides = array<i32>} : memref<16x1024xf32, #tpu.memory_space<vmem>>, vector<1x16xf32>,
      %parallel_loop3A_284 = vector.shape_cast %parallel_loop3A_283 : vector<1x16xf32> to vector<16xf32>
      %parallel_loop3A_285 = arith.addf %parallel_loop3A_279, %parallel_loop3A_284 : vector<16xf32>
      %parallel_loop3A_286 = arith.constant 10 : i32
      %parallel_loop3A_287 = arith.index_cast %parallel_loop3A_286 : i32 to index
      %parallel_loop3A_288 = arith.index_cast %parallel_loop3A_274 : i32 to index
      %parallel_loop3A_289 = tpu.vector_load %arg6[%parallel_loop3A_287, %parallel_loop3A_288] {strides = array<i32>} : memref<16x1024xf32, #tpu.memory_space<vmem>>, vector<1x16xf32>,
      %parallel_loop3A_290 = vector.shape_cast %parallel_loop3A_289 : vector<1x16xf32> to vector<16xf32>
      %parallel_loop3A_291 = vector.shape_cast %parallel_loop3A_285 : vector<16xf32> to vector<1x16xf32>
      tpu.vector_store %arg6[%parallel_loop3A_287, %parallel_loop3A_288], %parallel_loop3A_291 {strides = array<i32>} : memref<16x1024xf32, #tpu.memory_space<vmem>>, vector<1x16xf32>,
    } {sc.loop_unroll_factor = 8 : i64, sc.parallel_access}
    %parallel_loop3A_51 = arith.constant 0 : i32
    %parallel_loop3A_52 = arith.constant 1024 : i32
    %parallel_loop3A_53 = arith.constant 16 : i32
    scf.for %parallel_loop3A_274 = %parallel_loop3A_51 to %parallel_loop3A_52 step %parallel_loop3A_53  : i32 {
      %parallel_loop3A_275 = arith.constant 11 : i32
      %parallel_loop3A_276 = arith.index_cast %parallel_loop3A_275 : i32 to index
      %parallel_loop3A_277 = arith.index_cast %parallel_loop3A_274 : i32 to index
      %parallel_loop3A_278 = tpu.vector_load %arg6[%parallel_loop3A_276, %parallel_loop3A_277] {strides = array<i32>} : memref<16x1024xf32, #tpu.memory_space<vmem>>, vector<1x16xf32>,
      %parallel_loop3A_279 = vector.shape_cast %parallel_loop3A_278 : vector<1x16xf32> to vector<16xf32>
      %parallel_loop3A_280 = arith.constant 11 : i32
      %parallel_loop3A_281 = arith.index_cast %parallel_loop3A_280 : i32 to index
      %parallel_loop3A_282 = arith.index_cast %parallel_loop3A_274 : i32 to index
      %parallel_loop3A_283 = tpu.vector_load %arg5[%parallel_loop3A_281, %parallel_loop3A_282] {strides = array<i32>} : memref<16x1024xf32, #tpu.memory_space<vmem>>, vector<1x16xf32>,
      %parallel_loop3A_284 = vector.shape_cast %parallel_loop3A_283 : vector<1x16xf32> to vector<16xf32>
      %parallel_loop3A_285 = arith.addf %parallel_loop3A_279, %parallel_loop3A_284 : vector<16xf32>
      %parallel_loop3A_286 = arith.constant 11 : i32
      %parallel_loop3A_287 = arith.index_cast %parallel_loop3A_286 : i32 to index
      %parallel_loop3A_288 = arith.index_cast %parallel_loop3A_274 : i32 to index
      %parallel_loop3A_289 = tpu.vector_load %arg6[%parallel_loop3A_287, %parallel_loop3A_288] {strides = array<i32>} : memref<16x1024xf32, #tpu.memory_space<vmem>>, vector<1x16xf32>,
      %parallel_loop3A_290 = vector.shape_cast %parallel_loop3A_289 : vector<1x16xf32> to vector<16xf32>
      %parallel_loop3A_291 = vector.shape_cast %parallel_loop3A_285 : vector<16xf32> to vector<1x16xf32>
      tpu.vector_store %arg6[%parallel_loop3A_287, %parallel_loop3A_288], %parallel_loop3A_291 {strides = array<i32>} : memref<16x1024xf32, #tpu.memory_space<vmem>>, vector<1x16xf32>,
    } {sc.loop_unroll_factor = 8 : i64, sc.parallel_access}
    %parallel_loop3A_54 = arith.constant 0 : i32
    %parallel_loop3A_55 = arith.constant 1024 : i32
    %parallel_loop3A_56 = arith.constant 16 : i32
    scf.for %parallel_loop3A_274 = %parallel_loop3A_54 to %parallel_loop3A_55 step %parallel_loop3A_56  : i32 {
      %parallel_loop3A_275 = arith.constant 12 : i32
      %parallel_loop3A_276 = arith.index_cast %parallel_loop3A_275 : i32 to index
      %parallel_loop3A_277 = arith.index_cast %parallel_loop3A_274 : i32 to index
      %parallel_loop3A_278 = tpu.vector_load %arg6[%parallel_loop3A_276, %parallel_loop3A_277] {strides = array<i32>} : memref<16x1024xf32, #tpu.memory_space<vmem>>, vector<1x16xf32>,
      %parallel_loop3A_279 = vector.shape_cast %parallel_loop3A_278 : vector<1x16xf32> to vector<16xf32>
      %parallel_loop3A_280 = arith.constant 12 : i32
      %parallel_loop3A_281 = arith.index_cast %parallel_loop3A_280 : i32 to index
      %parallel_loop3A_282 = arith.index_cast %parallel_loop3A_274 : i32 to index
      %parallel_loop3A_283 = tpu.vector_load %arg5[%parallel_loop3A_281, %parallel_loop3A_282] {strides = array<i32>} : memref<16x1024xf32, #tpu.memory_space<vmem>>, vector<1x16xf32>,
      %parallel_loop3A_284 = vector.shape_cast %parallel_loop3A_283 : vector<1x16xf32> to vector<16xf32>
      %parallel_loop3A_285 = arith.addf %parallel_loop3A_279, %parallel_loop3A_284 : vector<16xf32>
      %parallel_loop3A_286 = arith.constant 12 : i32
      %parallel_loop3A_287 = arith.index_cast %parallel_loop3A_286 : i32 to index
      %parallel_loop3A_288 = arith.index_cast %parallel_loop3A_274 : i32 to index
      %parallel_loop3A_289 = tpu.vector_load %arg6[%parallel_loop3A_287, %parallel_loop3A_288] {strides = array<i32>} : memref<16x1024xf32, #tpu.memory_space<vmem>>, vector<1x16xf32>,
      %parallel_loop3A_290 = vector.shape_cast %parallel_loop3A_289 : vector<1x16xf32> to vector<16xf32>
      %parallel_loop3A_291 = vector.shape_cast %parallel_loop3A_285 : vector<16xf32> to vector<1x16xf32>
      tpu.vector_store %arg6[%parallel_loop3A_287, %parallel_loop3A_288], %parallel_loop3A_291 {strides = array<i32>} : memref<16x1024xf32, #tpu.memory_space<vmem>>, vector<1x16xf32>,
    } {sc.loop_unroll_factor = 8 : i64, sc.parallel_access}
    %parallel_loop3A_57 = arith.constant 0 : i32
    %parallel_loop3A_58 = arith.constant 1024 : i32
    %parallel_loop3A_59 = arith.constant 16 : i32
    scf.for %parallel_loop3A_274 = %parallel_loop3A_57 to %parallel_loop3A_58 step %parallel_loop3A_59  : i32 {
      %parallel_loop3A_275 = arith.constant 13 : i32
      %parallel_loop3A_276 = arith.index_cast %parallel_loop3A_275 : i32 to index
      %parallel_loop3A_277 = arith.index_cast %parallel_loop3A_274 : i32 to index
      %parallel_loop3A_278 = tpu.vector_load %arg6[%parallel_loop3A_276, %parallel_loop3A_277] {strides = array<i32>} : memref<16x1024xf32, #tpu.memory_space<vmem>>, vector<1x16xf32>,
      %parallel_loop3A_279 = vector.shape_cast %parallel_loop3A_278 : vector<1x16xf32> to vector<16xf32>
      %parallel_loop3A_280 = arith.constant 13 : i32
      %parallel_loop3A_281 = arith.index_cast %parallel_loop3A_280 : i32 to index
      %parallel_loop3A_282 = arith.index_cast %parallel_loop3A_274 : i32 to index
      %parallel_loop3A_283 = tpu.vector_load %arg5[%parallel_loop3A_281, %parallel_loop3A_282] {strides = array<i32>} : memref<16x1024xf32, #tpu.memory_space<vmem>>, vector<1x16xf32>,
      %parallel_loop3A_284 = vector.shape_cast %parallel_loop3A_283 : vector<1x16xf32> to vector<16xf32>
      %parallel_loop3A_285 = arith.addf %parallel_loop3A_279, %parallel_loop3A_284 : vector<16xf32>
      %parallel_loop3A_286 = arith.constant 13 : i32
      %parallel_loop3A_287 = arith.index_cast %parallel_loop3A_286 : i32 to index
      %parallel_loop3A_288 = arith.index_cast %parallel_loop3A_274 : i32 to index
      %parallel_loop3A_289 = tpu.vector_load %arg6[%parallel_loop3A_287, %parallel_loop3A_288] {strides = array<i32>} : memref<16x1024xf32, #tpu.memory_space<vmem>>, vector<1x16xf32>,
      %parallel_loop3A_290 = vector.shape_cast %parallel_loop3A_289 : vector<1x16xf32> to vector<16xf32>
      %parallel_loop3A_291 = vector.shape_cast %parallel_loop3A_285 : vector<16xf32> to vector<1x16xf32>
      tpu.vector_store %arg6[%parallel_loop3A_287, %parallel_loop3A_288], %parallel_loop3A_291 {strides = array<i32>} : memref<16x1024xf32, #tpu.memory_space<vmem>>, vector<1x16xf32>,
    } {sc.loop_unroll_factor = 8 : i64, sc.parallel_access}
    %parallel_loop3A_60 = arith.constant 0 : i32
    %parallel_loop3A_61 = arith.constant 1024 : i32
    %parallel_loop3A_62 = arith.constant 16 : i32
    scf.for %parallel_loop3A_274 = %parallel_loop3A_60 to %parallel_loop3A_61 step %parallel_loop3A_62  : i32 {
      %parallel_loop3A_275 = arith.constant 14 : i32
      %parallel_loop3A_276 = arith.index_cast %parallel_loop3A_275 : i32 to index
      %parallel_loop3A_277 = arith.index_cast %parallel_loop3A_274 : i32 to index
      %parallel_loop3A_278 = tpu.vector_load %arg6[%parallel_loop3A_276, %parallel_loop3A_277] {strides = array<i32>} : memref<16x1024xf32, #tpu.memory_space<vmem>>, vector<1x16xf32>,
      %parallel_loop3A_279 = vector.shape_cast %parallel_loop3A_278 : vector<1x16xf32> to vector<16xf32>
      %parallel_loop3A_280 = arith.constant 14 : i32
      %parallel_loop3A_281 = arith.index_cast %parallel_loop3A_280 : i32 to index
      %parallel_loop3A_282 = arith.index_cast %parallel_loop3A_274 : i32 to index
      %parallel_loop3A_283 = tpu.vector_load %arg5[%parallel_loop3A_281, %parallel_loop3A_282] {strides = array<i32>} : memref<16x1024xf32, #tpu.memory_space<vmem>>, vector<1x16xf32>,
      %parallel_loop3A_284 = vector.shape_cast %parallel_loop3A_283 : vector<1x16xf32> to vector<16xf32>
      %parallel_loop3A_285 = arith.addf %parallel_loop3A_279, %parallel_loop3A_284 : vector<16xf32>
      %parallel_loop3A_286 = arith.constant 14 : i32
      %parallel_loop3A_287 = arith.index_cast %parallel_loop3A_286 : i32 to index
      %parallel_loop3A_288 = arith.index_cast %parallel_loop3A_274 : i32 to index
      %parallel_loop3A_289 = tpu.vector_load %arg6[%parallel_loop3A_287, %parallel_loop3A_288] {strides = array<i32>} : memref<16x1024xf32, #tpu.memory_space<vmem>>, vector<1x16xf32>,
      %parallel_loop3A_290 = vector.shape_cast %parallel_loop3A_289 : vector<1x16xf32> to vector<16xf32>
      %parallel_loop3A_291 = vector.shape_cast %parallel_loop3A_285 : vector<16xf32> to vector<1x16xf32>
      tpu.vector_store %arg6[%parallel_loop3A_287, %parallel_loop3A_288], %parallel_loop3A_291 {strides = array<i32>} : memref<16x1024xf32, #tpu.memory_space<vmem>>, vector<1x16xf32>,
    } {sc.loop_unroll_factor = 8 : i64, sc.parallel_access}
    %parallel_loop3A_63 = arith.constant 0 : i32
    %parallel_loop3A_64 = arith.constant 1024 : i32
    %parallel_loop3A_65 = arith.constant 16 : i32
    scf.for %parallel_loop3A_274 = %parallel_loop3A_63 to %parallel_loop3A_64 step %parallel_loop3A_65  : i32 {
      %parallel_loop3A_275 = arith.constant 15 : i32
      %parallel_loop3A_276 = arith.index_cast %parallel_loop3A_275 : i32 to index
      %parallel_loop3A_277 = arith.index_cast %parallel_loop3A_274 : i32 to index
      %parallel_loop3A_278 = tpu.vector_load %arg6[%parallel_loop3A_276, %parallel_loop3A_277] {strides = array<i32>} : memref<16x1024xf32, #tpu.memory_space<vmem>>, vector<1x16xf32>,
      %parallel_loop3A_279 = vector.shape_cast %parallel_loop3A_278 : vector<1x16xf32> to vector<16xf32>
      %parallel_loop3A_280 = arith.constant 15 : i32
      %parallel_loop3A_281 = arith.index_cast %parallel_loop3A_280 : i32 to index
      %parallel_loop3A_282 = arith.index_cast %parallel_loop3A_274 : i32 to index
      %parallel_loop3A_283 = tpu.vector_load %arg5[%parallel_loop3A_281, %parallel_loop3A_282] {strides = array<i32>} : memref<16x1024xf32, #tpu.memory_space<vmem>>, vector<1x16xf32>,
      %parallel_loop3A_284 = vector.shape_cast %parallel_loop3A_283 : vector<1x16xf32> to vector<16xf32>
      %parallel_loop3A_285 = arith.addf %parallel_loop3A_279, %parallel_loop3A_284 : vector<16xf32>
      %parallel_loop3A_286 = arith.constant 15 : i32
      %parallel_loop3A_287 = arith.index_cast %parallel_loop3A_286 : i32 to index
      %parallel_loop3A_288 = arith.index_cast %parallel_loop3A_274 : i32 to index
      %parallel_loop3A_289 = tpu.vector_load %arg6[%parallel_loop3A_287, %parallel_loop3A_288] {strides = array<i32>} : memref<16x1024xf32, #tpu.memory_space<vmem>>, vector<1x16xf32>,
      %parallel_loop3A_290 = vector.shape_cast %parallel_loop3A_289 : vector<1x16xf32> to vector<16xf32>
      %parallel_loop3A_291 = vector.shape_cast %parallel_loop3A_285 : vector<16xf32> to vector<1x16xf32>
      tpu.vector_store %arg6[%parallel_loop3A_287, %parallel_loop3A_288], %parallel_loop3A_291 {strides = array<i32>} : memref<16x1024xf32, #tpu.memory_space<vmem>>, vector<1x16xf32>,
    } {sc.loop_unroll_factor = 8 : i64, sc.parallel_access}
    %add3A_66 = arith.constant 0 : i32
    %add3A_67 = arith.addi %add3A_66, %add3A_4 : i32
    %dma_start3A_68 = arith.constant 0 : i32
    %dma_start3A_69 = tpu.memref_slice %arg4[%add3A_67, %dma_start3A_68] : memref<16384x1024xf32, #tpu.memory_space<hbm>> -> memref<16x1024xf32, #tpu.memory_space<hbm>>
    %dma_start3A_70 = arith.constant 0 : i32
    %dma_start3A_71 = tpu.memref_slice %arg4[%add3A_67, %dma_start3A_70] : memref<16384x1024xf32, #tpu.memory_space<hbm>> -> memref<16x1024xf32, #tpu.memory_space<hbm>>
    tpu.enqueue_dma source(%arg6 : memref<16x1024xf32, #tpu.memory_space<vmem>>) target(%dma_start3A_71 : memref<16x1024xf32, #tpu.memory_space<hbm>>) target_semaphore(%arg10 : memref<!tpu.dma_semaphore, #tpu.memory_space<semaphore_mem>>)
    %dma_wait3A_72 = arith.constant 0 : i32
    %dma_wait3A_73 = tpu.memref_slice %arg4[%add3A_67, %dma_wait3A_72] : memref<16384x1024xf32, #tpu.memory_space<hbm>> -> memref<16x1024xf32, #tpu.memory_space<hbm>>
    %dma_wait3A_74 = arith.constant 0 : i32
    %dma_wait3A_75 = tpu.memref_slice %arg4[%add3A_67, %dma_wait3A_74] : memref<16384x1024xf32, #tpu.memory_space<hbm>> -> memref<16x1024xf32, #tpu.memory_space<hbm>>
    tpu.wait_dma2 semaphore(%arg10 : memref<!tpu.dma_semaphore, #tpu.memory_space<semaphore_mem>>) src(%arg6 : memref<16x1024xf32, #tpu.memory_space<vmem>>) dst(%dma_wait3A_75 : memref<16x1024xf32, #tpu.memory_space<hbm>>)
    %add3A_76 = arith.constant 8192 : i32
    %add3A_77 = arith.addi %add3A_76, %add3A_4 : i32
    %dma_start3A_78 = arith.constant 0 : i32
    %dma_start3A_79 = tpu.memref_slice %arg2[%add3A_77, %dma_start3A_78] : memref<16384x1024xf32, #tpu.memory_space<hbm>> -> memref<16x1024xf32, #tpu.memory_space<hbm>>
    %dma_start3A_80 = arith.constant 0 : i32
    %dma_start3A_81 = tpu.memref_slice %arg2[%add3A_77, %dma_start3A_80] : memref<16384x1024xf32, #tpu.memory_space<hbm>> -> memref<16x1024xf32, #tpu.memory_space<hbm>>
    tpu.enqueue_dma source(%dma_start3A_81 : memref<16x1024xf32, #tpu.memory_space<hbm>>) target(%arg6 : memref<16x1024xf32, #tpu.memory_space<vmem>>) target_semaphore(%arg8 : memref<!tpu.dma_semaphore, #tpu.memory_space<semaphore_mem>>)
    %dma_wait3A_82 = arith.constant 0 : i32
    %dma_wait3A_83 = tpu.memref_slice %arg2[%add3A_11, %dma_wait3A_82] : memref<16384x1024xf32, #tpu.memory_space<hbm>> -> memref<16x1024xf32, #tpu.memory_space<hbm>>
    %dma_wait3A_84 = arith.constant 0 : i32
    %dma_wait3A_85 = tpu.memref_slice %arg2[%add3A_11, %dma_wait3A_84] : memref<16384x1024xf32, #tpu.memory_space<hbm>> -> memref<16x1024xf32, #tpu.memory_space<hbm>>
    tpu.wait_dma2 semaphore(%arg9 : memref<!tpu.dma_semaphore, #tpu.memory_space<semaphore_mem>>) src(%dma_wait3A_85 : memref<16x1024xf32, #tpu.memory_space<hbm>>) dst(%arg7 : memref<16x1024xf32, #tpu.memory_space<vmem>>)
    %parallel_loop3A_86 = arith.constant 0 : i32
    %parallel_loop3A_87 = arith.constant 1024 : i32
    %parallel_loop3A_88 = arith.constant 16 : i32
    scf.for %parallel_loop3A_274 = %parallel_loop3A_86 to %parallel_loop3A_87 step %parallel_loop3A_88  : i32 {
      %parallel_loop3A_275 = arith.constant 0 : i32
      %parallel_loop3A_276 = arith.index_cast %parallel_loop3A_275 : i32 to index
      %parallel_loop3A_277 = arith.index_cast %parallel_loop3A_274 : i32 to index
      %parallel_loop3A_278 = tpu.vector_load %arg7[%parallel_loop3A_276, %parallel_loop3A_277] {strides = array<i32>} : memref<16x1024xf32, #tpu.memory_space<vmem>>, vector<1x16xf32>,
      %parallel_loop3A_279 = vector.shape_cast %parallel_loop3A_278 : vector<1x16xf32> to vector<16xf32>
      %parallel_loop3A_280 = arith.constant 0 : i32
      %parallel_loop3A_281 = arith.index_cast %parallel_loop3A_280 : i32 to index
      %parallel_loop3A_282 = arith.index_cast %parallel_loop3A_274 : i32 to index
      %parallel_loop3A_283 = tpu.vector_load %arg5[%parallel_loop3A_281, %parallel_loop3A_282] {strides = array<i32>} : memref<16x1024xf32, #tpu.memory_space<vmem>>, vector<1x16xf32>,
      %parallel_loop3A_284 = vector.shape_cast %parallel_loop3A_283 : vector<1x16xf32> to vector<16xf32>
      %parallel_loop3A_285 = arith.addf %parallel_loop3A_279, %parallel_loop3A_284 : vector<16xf32>
      %parallel_loop3A_286 = arith.constant 0 : i32
      %parallel_loop3A_287 = arith.index_cast %parallel_loop3A_286 : i32 to index
      %parallel_loop3A_288 = arith.index_cast %parallel_loop3A_274 : i32 to index
      %parallel_loop3A_289 = tpu.vector_load %arg7[%parallel_loop3A_287, %parallel_loop3A_288] {strides = array<i32>} : memref<16x1024xf32, #tpu.memory_space<vmem>>, vector<1x16xf32>,
      %parallel_loop3A_290 = vector.shape_cast %parallel_loop3A_289 : vector<1x16xf32> to vector<16xf32>
      %parallel_loop3A_291 = vector.shape_cast %parallel_loop3A_285 : vector<16xf32> to vector<1x16xf32>
      tpu.vector_store %arg7[%parallel_loop3A_287, %parallel_loop3A_288], %parallel_loop3A_291 {strides = array<i32>} : memref<16x1024xf32, #tpu.memory_space<vmem>>, vector<1x16xf32>,
    } {sc.loop_unroll_factor = 8 : i64, sc.parallel_access}
    %parallel_loop3A_89 = arith.constant 0 : i32
    %parallel_loop3A_90 = arith.constant 1024 : i32
    %parallel_loop3A_91 = arith.constant 16 : i32
    scf.for %parallel_loop3A_274 = %parallel_loop3A_89 to %parallel_loop3A_90 step %parallel_loop3A_91  : i32 {
      %parallel_loop3A_275 = arith.constant 1 : i32
      %parallel_loop3A_276 = arith.index_cast %parallel_loop3A_275 : i32 to index
      %parallel_loop3A_277 = arith.index_cast %parallel_loop3A_274 : i32 to index
      %parallel_loop3A_278 = tpu.vector_load %arg7[%parallel_loop3A_276, %parallel_loop3A_277] {strides = array<i32>} : memref<16x1024xf32, #tpu.memory_space<vmem>>, vector<1x16xf32>,
      %parallel_loop3A_279 = vector.shape_cast %parallel_loop3A_278 : vector<1x16xf32> to vector<16xf32>
      %parallel_loop3A_280 = arith.constant 1 : i32
      %parallel_loop3A_281 = arith.index_cast %parallel_loop3A_280 : i32 to index
      %parallel_loop3A_282 = arith.index_cast %parallel_loop3A_274 : i32 to index
      %parallel_loop3A_283 = tpu.vector_load %arg5[%parallel_loop3A_281, %parallel_loop3A_282] {strides = array<i32>} : memref<16x1024xf32, #tpu.memory_space<vmem>>, vector<1x16xf32>,
      %parallel_loop3A_284 = vector.shape_cast %parallel_loop3A_283 : vector<1x16xf32> to vector<16xf32>
      %parallel_loop3A_285 = arith.addf %parallel_loop3A_279, %parallel_loop3A_284 : vector<16xf32>
      %parallel_loop3A_286 = arith.constant 1 : i32
      %parallel_loop3A_287 = arith.index_cast %parallel_loop3A_286 : i32 to index
      %parallel_loop3A_288 = arith.index_cast %parallel_loop3A_274 : i32 to index
      %parallel_loop3A_289 = tpu.vector_load %arg7[%parallel_loop3A_287, %parallel_loop3A_288] {strides = array<i32>} : memref<16x1024xf32, #tpu.memory_space<vmem>>, vector<1x16xf32>,
      %parallel_loop3A_290 = vector.shape_cast %parallel_loop3A_289 : vector<1x16xf32> to vector<16xf32>
      %parallel_loop3A_291 = vector.shape_cast %parallel_loop3A_285 : vector<16xf32> to vector<1x16xf32>
      tpu.vector_store %arg7[%parallel_loop3A_287, %parallel_loop3A_288], %parallel_loop3A_291 {strides = array<i32>} : memref<16x1024xf32, #tpu.memory_space<vmem>>, vector<1x16xf32>,
    } {sc.loop_unroll_factor = 8 : i64, sc.parallel_access}
    %parallel_loop3A_92 = arith.constant 0 : i32
    %parallel_loop3A_93 = arith.constant 1024 : i32
    %parallel_loop3A_94 = arith.constant 16 : i32
    scf.for %parallel_loop3A_274 = %parallel_loop3A_92 to %parallel_loop3A_93 step %parallel_loop3A_94  : i32 {
      %parallel_loop3A_275 = arith.constant 2 : i32
      %parallel_loop3A_276 = arith.index_cast %parallel_loop3A_275 : i32 to index
      %parallel_loop3A_277 = arith.index_cast %parallel_loop3A_274 : i32 to index
      %parallel_loop3A_278 = tpu.vector_load %arg7[%parallel_loop3A_276, %parallel_loop3A_277] {strides = array<i32>} : memref<16x1024xf32, #tpu.memory_space<vmem>>, vector<1x16xf32>,
      %parallel_loop3A_279 = vector.shape_cast %parallel_loop3A_278 : vector<1x16xf32> to vector<16xf32>
      %parallel_loop3A_280 = arith.constant 2 : i32
      %parallel_loop3A_281 = arith.index_cast %parallel_loop3A_280 : i32 to index
      %parallel_loop3A_282 = arith.index_cast %parallel_loop3A_274 : i32 to index
      %parallel_loop3A_283 = tpu.vector_load %arg5[%parallel_loop3A_281, %parallel_loop3A_282] {strides = array<i32>} : memref<16x1024xf32, #tpu.memory_space<vmem>>, vector<1x16xf32>,
      %parallel_loop3A_284 = vector.shape_cast %parallel_loop3A_283 : vector<1x16xf32> to vector<16xf32>
      %parallel_loop3A_285 = arith.addf %parallel_loop3A_279, %parallel_loop3A_284 : vector<16xf32>
      %parallel_loop3A_286 = arith.constant 2 : i32
      %parallel_loop3A_287 = arith.index_cast %parallel_loop3A_286 : i32 to index
      %parallel_loop3A_288 = arith.index_cast %parallel_loop3A_274 : i32 to index
      %parallel_loop3A_289 = tpu.vector_load %arg7[%parallel_loop3A_287, %parallel_loop3A_288] {strides = array<i32>} : memref<16x1024xf32, #tpu.memory_space<vmem>>, vector<1x16xf32>,
      %parallel_loop3A_290 = vector.shape_cast %parallel_loop3A_289 : vector<1x16xf32> to vector<16xf32>
      %parallel_loop3A_291 = vector.shape_cast %parallel_loop3A_285 : vector<16xf32> to vector<1x16xf32>
      tpu.vector_store %arg7[%parallel_loop3A_287, %parallel_loop3A_288], %parallel_loop3A_291 {strides = array<i32>} : memref<16x1024xf32, #tpu.memory_space<vmem>>, vector<1x16xf32>,
    } {sc.loop_unroll_factor = 8 : i64, sc.parallel_access}
    %parallel_loop3A_95 = arith.constant 0 : i32
    %parallel_loop3A_96 = arith.constant 1024 : i32
    %parallel_loop3A_97 = arith.constant 16 : i32
    scf.for %parallel_loop3A_274 = %parallel_loop3A_95 to %parallel_loop3A_96 step %parallel_loop3A_97  : i32 {
      %parallel_loop3A_275 = arith.constant 3 : i32
      %parallel_loop3A_276 = arith.index_cast %parallel_loop3A_275 : i32 to index
      %parallel_loop3A_277 = arith.index_cast %parallel_loop3A_274 : i32 to index
      %parallel_loop3A_278 = tpu.vector_load %arg7[%parallel_loop3A_276, %parallel_loop3A_277] {strides = array<i32>} : memref<16x1024xf32, #tpu.memory_space<vmem>>, vector<1x16xf32>,
      %parallel_loop3A_279 = vector.shape_cast %parallel_loop3A_278 : vector<1x16xf32> to vector<16xf32>
      %parallel_loop3A_280 = arith.constant 3 : i32
      %parallel_loop3A_281 = arith.index_cast %parallel_loop3A_280 : i32 to index
      %parallel_loop3A_282 = arith.index_cast %parallel_loop3A_274 : i32 to index
      %parallel_loop3A_283 = tpu.vector_load %arg5[%parallel_loop3A_281, %parallel_loop3A_282] {strides = array<i32>} : memref<16x1024xf32, #tpu.memory_space<vmem>>, vector<1x16xf32>,
      %parallel_loop3A_284 = vector.shape_cast %parallel_loop3A_283 : vector<1x16xf32> to vector<16xf32>
      %parallel_loop3A_285 = arith.addf %parallel_loop3A_279, %parallel_loop3A_284 : vector<16xf32>
      %parallel_loop3A_286 = arith.constant 3 : i32
      %parallel_loop3A_287 = arith.index_cast %parallel_loop3A_286 : i32 to index
      %parallel_loop3A_288 = arith.index_cast %parallel_loop3A_274 : i32 to index
      %parallel_loop3A_289 = tpu.vector_load %arg7[%parallel_loop3A_287, %parallel_loop3A_288] {strides = array<i32>} : memref<16x1024xf32, #tpu.memory_space<vmem>>, vector<1x16xf32>,
      %parallel_loop3A_290 = vector.shape_cast %parallel_loop3A_289 : vector<1x16xf32> to vector<16xf32>
      %parallel_loop3A_291 = vector.shape_cast %parallel_loop3A_285 : vector<16xf32> to vector<1x16xf32>
      tpu.vector_store %arg7[%parallel_loop3A_287, %parallel_loop3A_288], %parallel_loop3A_291 {strides = array<i32>} : memref<16x1024xf32, #tpu.memory_space<vmem>>, vector<1x16xf32>,
    } {sc.loop_unroll_factor = 8 : i64, sc.parallel_access}
    %parallel_loop3A_98 = arith.constant 0 : i32
    %parallel_loop3A_99 = arith.constant 1024 : i32
    %parallel_loop3A_100 = arith.constant 16 : i32
    scf.for %parallel_loop3A_274 = %parallel_loop3A_98 to %parallel_loop3A_99 step %parallel_loop3A_100  : i32 {
      %parallel_loop3A_275 = arith.constant 4 : i32
      %parallel_loop3A_276 = arith.index_cast %parallel_loop3A_275 : i32 to index
      %parallel_loop3A_277 = arith.index_cast %parallel_loop3A_274 : i32 to index
      %parallel_loop3A_278 = tpu.vector_load %arg7[%parallel_loop3A_276, %parallel_loop3A_277] {strides = array<i32>} : memref<16x1024xf32, #tpu.memory_space<vmem>>, vector<1x16xf32>,
      %parallel_loop3A_279 = vector.shape_cast %parallel_loop3A_278 : vector<1x16xf32> to vector<16xf32>
      %parallel_loop3A_280 = arith.constant 4 : i32
      %parallel_loop3A_281 = arith.index_cast %parallel_loop3A_280 : i32 to index
      %parallel_loop3A_282 = arith.index_cast %parallel_loop3A_274 : i32 to index
      %parallel_loop3A_283 = tpu.vector_load %arg5[%parallel_loop3A_281, %parallel_loop3A_282] {strides = array<i32>} : memref<16x1024xf32, #tpu.memory_space<vmem>>, vector<1x16xf32>,
      %parallel_loop3A_284 = vector.shape_cast %parallel_loop3A_283 : vector<1x16xf32> to vector<16xf32>
      %parallel_loop3A_285 = arith.addf %parallel_loop3A_279, %parallel_loop3A_284 : vector<16xf32>
      %parallel_loop3A_286 = arith.constant 4 : i32
      %parallel_loop3A_287 = arith.index_cast %parallel_loop3A_286 : i32 to index
      %parallel_loop3A_288 = arith.index_cast %parallel_loop3A_274 : i32 to index
      %parallel_loop3A_289 = tpu.vector_load %arg7[%parallel_loop3A_287, %parallel_loop3A_288] {strides = array<i32>} : memref<16x1024xf32, #tpu.memory_space<vmem>>, vector<1x16xf32>,
      %parallel_loop3A_290 = vector.shape_cast %parallel_loop3A_289 : vector<1x16xf32> to vector<16xf32>
      %parallel_loop3A_291 = vector.shape_cast %parallel_loop3A_285 : vector<16xf32> to vector<1x16xf32>
      tpu.vector_store %arg7[%parallel_loop3A_287, %parallel_loop3A_288], %parallel_loop3A_291 {strides = array<i32>} : memref<16x1024xf32, #tpu.memory_space<vmem>>, vector<1x16xf32>,
    } {sc.loop_unroll_factor = 8 : i64, sc.parallel_access}
    %parallel_loop3A_101 = arith.constant 0 : i32
    %parallel_loop3A_102 = arith.constant 1024 : i32
    %parallel_loop3A_103 = arith.constant 16 : i32
    scf.for %parallel_loop3A_274 = %parallel_loop3A_101 to %parallel_loop3A_102 step %parallel_loop3A_103  : i32 {
      %parallel_loop3A_275 = arith.constant 5 : i32
      %parallel_loop3A_276 = arith.index_cast %parallel_loop3A_275 : i32 to index
      %parallel_loop3A_277 = arith.index_cast %parallel_loop3A_274 : i32 to index
      %parallel_loop3A_278 = tpu.vector_load %arg7[%parallel_loop3A_276, %parallel_loop3A_277] {strides = array<i32>} : memref<16x1024xf32, #tpu.memory_space<vmem>>, vector<1x16xf32>,
      %parallel_loop3A_279 = vector.shape_cast %parallel_loop3A_278 : vector<1x16xf32> to vector<16xf32>
      %parallel_loop3A_280 = arith.constant 5 : i32
      %parallel_loop3A_281 = arith.index_cast %parallel_loop3A_280 : i32 to index
      %parallel_loop3A_282 = arith.index_cast %parallel_loop3A_274 : i32 to index
      %parallel_loop3A_283 = tpu.vector_load %arg5[%parallel_loop3A_281, %parallel_loop3A_282] {strides = array<i32>} : memref<16x1024xf32, #tpu.memory_space<vmem>>, vector<1x16xf32>,
      %parallel_loop3A_284 = vector.shape_cast %parallel_loop3A_283 : vector<1x16xf32> to vector<16xf32>
      %parallel_loop3A_285 = arith.addf %parallel_loop3A_279, %parallel_loop3A_284 : vector<16xf32>
      %parallel_loop3A_286 = arith.constant 5 : i32
      %parallel_loop3A_287 = arith.index_cast %parallel_loop3A_286 : i32 to index
      %parallel_loop3A_288 = arith.index_cast %parallel_loop3A_274 : i32 to index
      %parallel_loop3A_289 = tpu.vector_load %arg7[%parallel_loop3A_287, %parallel_loop3A_288] {strides = array<i32>} : memref<16x1024xf32, #tpu.memory_space<vmem>>, vector<1x16xf32>,
      %parallel_loop3A_290 = vector.shape_cast %parallel_loop3A_289 : vector<1x16xf32> to vector<16xf32>
      %parallel_loop3A_291 = vector.shape_cast %parallel_loop3A_285 : vector<16xf32> to vector<1x16xf32>
      tpu.vector_store %arg7[%parallel_loop3A_287, %parallel_loop3A_288], %parallel_loop3A_291 {strides = array<i32>} : memref<16x1024xf32, #tpu.memory_space<vmem>>, vector<1x16xf32>,
    } {sc.loop_unroll_factor = 8 : i64, sc.parallel_access}
    %parallel_loop3A_104 = arith.constant 0 : i32
    %parallel_loop3A_105 = arith.constant 1024 : i32
    %parallel_loop3A_106 = arith.constant 16 : i32
    scf.for %parallel_loop3A_274 = %parallel_loop3A_104 to %parallel_loop3A_105 step %parallel_loop3A_106  : i32 {
      %parallel_loop3A_275 = arith.constant 6 : i32
      %parallel_loop3A_276 = arith.index_cast %parallel_loop3A_275 : i32 to index
      %parallel_loop3A_277 = arith.index_cast %parallel_loop3A_274 : i32 to index
      %parallel_loop3A_278 = tpu.vector_load %arg7[%parallel_loop3A_276, %parallel_loop3A_277] {strides = array<i32>} : memref<16x1024xf32, #tpu.memory_space<vmem>>, vector<1x16xf32>,
      %parallel_loop3A_279 = vector.shape_cast %parallel_loop3A_278 : vector<1x16xf32> to vector<16xf32>
      %parallel_loop3A_280 = arith.constant 6 : i32
      %parallel_loop3A_281 = arith.index_cast %parallel_loop3A_280 : i32 to index
      %parallel_loop3A_282 = arith.index_cast %parallel_loop3A_274 : i32 to index
      %parallel_loop3A_283 = tpu.vector_load %arg5[%parallel_loop3A_281, %parallel_loop3A_282] {strides = array<i32>} : memref<16x1024xf32, #tpu.memory_space<vmem>>, vector<1x16xf32>,
      %parallel_loop3A_284 = vector.shape_cast %parallel_loop3A_283 : vector<1x16xf32> to vector<16xf32>
      %parallel_loop3A_285 = arith.addf %parallel_loop3A_279, %parallel_loop3A_284 : vector<16xf32>
      %parallel_loop3A_286 = arith.constant 6 : i32
      %parallel_loop3A_287 = arith.index_cast %parallel_loop3A_286 : i32 to index
      %parallel_loop3A_288 = arith.index_cast %parallel_loop3A_274 : i32 to index
      %parallel_loop3A_289 = tpu.vector_load %arg7[%parallel_loop3A_287, %parallel_loop3A_288] {strides = array<i32>} : memref<16x1024xf32, #tpu.memory_space<vmem>>, vector<1x16xf32>,
      %parallel_loop3A_290 = vector.shape_cast %parallel_loop3A_289 : vector<1x16xf32> to vector<16xf32>
      %parallel_loop3A_291 = vector.shape_cast %parallel_loop3A_285 : vector<16xf32> to vector<1x16xf32>
      tpu.vector_store %arg7[%parallel_loop3A_287, %parallel_loop3A_288], %parallel_loop3A_291 {strides = array<i32>} : memref<16x1024xf32, #tpu.memory_space<vmem>>, vector<1x16xf32>,
    } {sc.loop_unroll_factor = 8 : i64, sc.parallel_access}
    %parallel_loop3A_107 = arith.constant 0 : i32
    %parallel_loop3A_108 = arith.constant 1024 : i32
    %parallel_loop3A_109 = arith.constant 16 : i32
    scf.for %parallel_loop3A_274 = %parallel_loop3A_107 to %parallel_loop3A_108 step %parallel_loop3A_109  : i32 {
      %parallel_loop3A_275 = arith.constant 7 : i32
      %parallel_loop3A_276 = arith.index_cast %parallel_loop3A_275 : i32 to index
      %parallel_loop3A_277 = arith.index_cast %parallel_loop3A_274 : i32 to index
      %parallel_loop3A_278 = tpu.vector_load %arg7[%parallel_loop3A_276, %parallel_loop3A_277] {strides = array<i32>} : memref<16x1024xf32, #tpu.memory_space<vmem>>, vector<1x16xf32>,
      %parallel_loop3A_279 = vector.shape_cast %parallel_loop3A_278 : vector<1x16xf32> to vector<16xf32>
      %parallel_loop3A_280 = arith.constant 7 : i32
      %parallel_loop3A_281 = arith.index_cast %parallel_loop3A_280 : i32 to index
      %parallel_loop3A_282 = arith.index_cast %parallel_loop3A_274 : i32 to index
      %parallel_loop3A_283 = tpu.vector_load %arg5[%parallel_loop3A_281, %parallel_loop3A_282] {strides = array<i32>} : memref<16x1024xf32, #tpu.memory_space<vmem>>, vector<1x16xf32>,
      %parallel_loop3A_284 = vector.shape_cast %parallel_loop3A_283 : vector<1x16xf32> to vector<16xf32>
      %parallel_loop3A_285 = arith.addf %parallel_loop3A_279, %parallel_loop3A_284 : vector<16xf32>
      %parallel_loop3A_286 = arith.constant 7 : i32
      %parallel_loop3A_287 = arith.index_cast %parallel_loop3A_286 : i32 to index
      %parallel_loop3A_288 = arith.index_cast %parallel_loop3A_274 : i32 to index
      %parallel_loop3A_289 = tpu.vector_load %arg7[%parallel_loop3A_287, %parallel_loop3A_288] {strides = array<i32>} : memref<16x1024xf32, #tpu.memory_space<vmem>>, vector<1x16xf32>,
      %parallel_loop3A_290 = vector.shape_cast %parallel_loop3A_289 : vector<1x16xf32> to vector<16xf32>
      %parallel_loop3A_291 = vector.shape_cast %parallel_loop3A_285 : vector<16xf32> to vector<1x16xf32>
      tpu.vector_store %arg7[%parallel_loop3A_287, %parallel_loop3A_288], %parallel_loop3A_291 {strides = array<i32>} : memref<16x1024xf32, #tpu.memory_space<vmem>>, vector<1x16xf32>,
    } {sc.loop_unroll_factor = 8 : i64, sc.parallel_access}
    %parallel_loop3A_110 = arith.constant 0 : i32
    %parallel_loop3A_111 = arith.constant 1024 : i32
    %parallel_loop3A_112 = arith.constant 16 : i32
    scf.for %parallel_loop3A_274 = %parallel_loop3A_110 to %parallel_loop3A_111 step %parallel_loop3A_112  : i32 {
      %parallel_loop3A_275 = arith.constant 8 : i32
      %parallel_loop3A_276 = arith.index_cast %parallel_loop3A_275 : i32 to index
      %parallel_loop3A_277 = arith.index_cast %parallel_loop3A_274 : i32 to index
      %parallel_loop3A_278 = tpu.vector_load %arg7[%parallel_loop3A_276, %parallel_loop3A_277] {strides = array<i32>} : memref<16x1024xf32, #tpu.memory_space<vmem>>, vector<1x16xf32>,
      %parallel_loop3A_279 = vector.shape_cast %parallel_loop3A_278 : vector<1x16xf32> to vector<16xf32>
      %parallel_loop3A_280 = arith.constant 8 : i32
      %parallel_loop3A_281 = arith.index_cast %parallel_loop3A_280 : i32 to index
      %parallel_loop3A_282 = arith.index_cast %parallel_loop3A_274 : i32 to index
      %parallel_loop3A_283 = tpu.vector_load %arg5[%parallel_loop3A_281, %parallel_loop3A_282] {strides = array<i32>} : memref<16x1024xf32, #tpu.memory_space<vmem>>, vector<1x16xf32>,
      %parallel_loop3A_284 = vector.shape_cast %parallel_loop3A_283 : vector<1x16xf32> to vector<16xf32>
      %parallel_loop3A_285 = arith.addf %parallel_loop3A_279, %parallel_loop3A_284 : vector<16xf32>
      %parallel_loop3A_286 = arith.constant 8 : i32
      %parallel_loop3A_287 = arith.index_cast %parallel_loop3A_286 : i32 to index
      %parallel_loop3A_288 = arith.index_cast %parallel_loop3A_274 : i32 to index
      %parallel_loop3A_289 = tpu.vector_load %arg7[%parallel_loop3A_287, %parallel_loop3A_288] {strides = array<i32>} : memref<16x1024xf32, #tpu.memory_space<vmem>>, vector<1x16xf32>,
      %parallel_loop3A_290 = vector.shape_cast %parallel_loop3A_289 : vector<1x16xf32> to vector<16xf32>
      %parallel_loop3A_291 = vector.shape_cast %parallel_loop3A_285 : vector<16xf32> to vector<1x16xf32>
      tpu.vector_store %arg7[%parallel_loop3A_287, %parallel_loop3A_288], %parallel_loop3A_291 {strides = array<i32>} : memref<16x1024xf32, #tpu.memory_space<vmem>>, vector<1x16xf32>,
    } {sc.loop_unroll_factor = 8 : i64, sc.parallel_access}
    %parallel_loop3A_113 = arith.constant 0 : i32
    %parallel_loop3A_114 = arith.constant 1024 : i32
    %parallel_loop3A_115 = arith.constant 16 : i32
    scf.for %parallel_loop3A_274 = %parallel_loop3A_113 to %parallel_loop3A_114 step %parallel_loop3A_115  : i32 {
      %parallel_loop3A_275 = arith.constant 9 : i32
      %parallel_loop3A_276 = arith.index_cast %parallel_loop3A_275 : i32 to index
      %parallel_loop3A_277 = arith.index_cast %parallel_loop3A_274 : i32 to index
      %parallel_loop3A_278 = tpu.vector_load %arg7[%parallel_loop3A_276, %parallel_loop3A_277] {strides = array<i32>} : memref<16x1024xf32, #tpu.memory_space<vmem>>, vector<1x16xf32>,
      %parallel_loop3A_279 = vector.shape_cast %parallel_loop3A_278 : vector<1x16xf32> to vector<16xf32>
      %parallel_loop3A_280 = arith.constant 9 : i32
      %parallel_loop3A_281 = arith.index_cast %parallel_loop3A_280 : i32 to index
      %parallel_loop3A_282 = arith.index_cast %parallel_loop3A_274 : i32 to index
      %parallel_loop3A_283 = tpu.vector_load %arg5[%parallel_loop3A_281, %parallel_loop3A_282] {strides = array<i32>} : memref<16x1024xf32, #tpu.memory_space<vmem>>, vector<1x16xf32>,
      %parallel_loop3A_284 = vector.shape_cast %parallel_loop3A_283 : vector<1x16xf32> to vector<16xf32>
      %parallel_loop3A_285 = arith.addf %parallel_loop3A_279, %parallel_loop3A_284 : vector<16xf32>
      %parallel_loop3A_286 = arith.constant 9 : i32
      %parallel_loop3A_287 = arith.index_cast %parallel_loop3A_286 : i32 to index
      %parallel_loop3A_288 = arith.index_cast %parallel_loop3A_274 : i32 to index
      %parallel_loop3A_289 = tpu.vector_load %arg7[%parallel_loop3A_287, %parallel_loop3A_288] {strides = array<i32>} : memref<16x1024xf32, #tpu.memory_space<vmem>>, vector<1x16xf32>,
      %parallel_loop3A_290 = vector.shape_cast %parallel_loop3A_289 : vector<1x16xf32> to vector<16xf32>
      %parallel_loop3A_291 = vector.shape_cast %parallel_loop3A_285 : vector<16xf32> to vector<1x16xf32>
      tpu.vector_store %arg7[%parallel_loop3A_287, %parallel_loop3A_288], %parallel_loop3A_291 {strides = array<i32>} : memref<16x1024xf32, #tpu.memory_space<vmem>>, vector<1x16xf32>,
    } {sc.loop_unroll_factor = 8 : i64, sc.parallel_access}
    %parallel_loop3A_116 = arith.constant 0 : i32
    %parallel_loop3A_117 = arith.constant 1024 : i32
    %parallel_loop3A_118 = arith.constant 16 : i32
    scf.for %parallel_loop3A_274 = %parallel_loop3A_116 to %parallel_loop3A_117 step %parallel_loop3A_118  : i32 {
      %parallel_loop3A_275 = arith.constant 10 : i32
      %parallel_loop3A_276 = arith.index_cast %parallel_loop3A_275 : i32 to index
      %parallel_loop3A_277 = arith.index_cast %parallel_loop3A_274 : i32 to index
      %parallel_loop3A_278 = tpu.vector_load %arg7[%parallel_loop3A_276, %parallel_loop3A_277] {strides = array<i32>} : memref<16x1024xf32, #tpu.memory_space<vmem>>, vector<1x16xf32>,
      %parallel_loop3A_279 = vector.shape_cast %parallel_loop3A_278 : vector<1x16xf32> to vector<16xf32>
      %parallel_loop3A_280 = arith.constant 10 : i32
      %parallel_loop3A_281 = arith.index_cast %parallel_loop3A_280 : i32 to index
      %parallel_loop3A_282 = arith.index_cast %parallel_loop3A_274 : i32 to index
      %parallel_loop3A_283 = tpu.vector_load %arg5[%parallel_loop3A_281, %parallel_loop3A_282] {strides = array<i32>} : memref<16x1024xf32, #tpu.memory_space<vmem>>, vector<1x16xf32>,
      %parallel_loop3A_284 = vector.shape_cast %parallel_loop3A_283 : vector<1x16xf32> to vector<16xf32>
      %parallel_loop3A_285 = arith.addf %parallel_loop3A_279, %parallel_loop3A_284 : vector<16xf32>
      %parallel_loop3A_286 = arith.constant 10 : i32
      %parallel_loop3A_287 = arith.index_cast %parallel_loop3A_286 : i32 to index
      %parallel_loop3A_288 = arith.index_cast %parallel_loop3A_274 : i32 to index
      %parallel_loop3A_289 = tpu.vector_load %arg7[%parallel_loop3A_287, %parallel_loop3A_288] {strides = array<i32>} : memref<16x1024xf32, #tpu.memory_space<vmem>>, vector<1x16xf32>,
      %parallel_loop3A_290 = vector.shape_cast %parallel_loop3A_289 : vector<1x16xf32> to vector<16xf32>
      %parallel_loop3A_291 = vector.shape_cast %parallel_loop3A_285 : vector<16xf32> to vector<1x16xf32>
      tpu.vector_store %arg7[%parallel_loop3A_287, %parallel_loop3A_288], %parallel_loop3A_291 {strides = array<i32>} : memref<16x1024xf32, #tpu.memory_space<vmem>>, vector<1x16xf32>,
    } {sc.loop_unroll_factor = 8 : i64, sc.parallel_access}
    %parallel_loop3A_119 = arith.constant 0 : i32
    %parallel_loop3A_120 = arith.constant 1024 : i32
    %parallel_loop3A_121 = arith.constant 16 : i32
    scf.for %parallel_loop3A_274 = %parallel_loop3A_119 to %parallel_loop3A_120 step %parallel_loop3A_121  : i32 {
      %parallel_loop3A_275 = arith.constant 11 : i32
      %parallel_loop3A_276 = arith.index_cast %parallel_loop3A_275 : i32 to index
      %parallel_loop3A_277 = arith.index_cast %parallel_loop3A_274 : i32 to index
      %parallel_loop3A_278 = tpu.vector_load %arg7[%parallel_loop3A_276, %parallel_loop3A_277] {strides = array<i32>} : memref<16x1024xf32, #tpu.memory_space<vmem>>, vector<1x16xf32>,
      %parallel_loop3A_279 = vector.shape_cast %parallel_loop3A_278 : vector<1x16xf32> to vector<16xf32>
      %parallel_loop3A_280 = arith.constant 11 : i32
      %parallel_loop3A_281 = arith.index_cast %parallel_loop3A_280 : i32 to index
      %parallel_loop3A_282 = arith.index_cast %parallel_loop3A_274 : i32 to index
      %parallel_loop3A_283 = tpu.vector_load %arg5[%parallel_loop3A_281, %parallel_loop3A_282] {strides = array<i32>} : memref<16x1024xf32, #tpu.memory_space<vmem>>, vector<1x16xf32>,
      %parallel_loop3A_284 = vector.shape_cast %parallel_loop3A_283 : vector<1x16xf32> to vector<16xf32>
      %parallel_loop3A_285 = arith.addf %parallel_loop3A_279, %parallel_loop3A_284 : vector<16xf32>
      %parallel_loop3A_286 = arith.constant 11 : i32
      %parallel_loop3A_287 = arith.index_cast %parallel_loop3A_286 : i32 to index
      %parallel_loop3A_288 = arith.index_cast %parallel_loop3A_274 : i32 to index
      %parallel_loop3A_289 = tpu.vector_load %arg7[%parallel_loop3A_287, %parallel_loop3A_288] {strides = array<i32>} : memref<16x1024xf32, #tpu.memory_space<vmem>>, vector<1x16xf32>,
      %parallel_loop3A_290 = vector.shape_cast %parallel_loop3A_289 : vector<1x16xf32> to vector<16xf32>
      %parallel_loop3A_291 = vector.shape_cast %parallel_loop3A_285 : vector<16xf32> to vector<1x16xf32>
      tpu.vector_store %arg7[%parallel_loop3A_287, %parallel_loop3A_288], %parallel_loop3A_291 {strides = array<i32>} : memref<16x1024xf32, #tpu.memory_space<vmem>>, vector<1x16xf32>,
    } {sc.loop_unroll_factor = 8 : i64, sc.parallel_access}
    %parallel_loop3A_122 = arith.constant 0 : i32
    %parallel_loop3A_123 = arith.constant 1024 : i32
    %parallel_loop3A_124 = arith.constant 16 : i32
    scf.for %parallel_loop3A_274 = %parallel_loop3A_122 to %parallel_loop3A_123 step %parallel_loop3A_124  : i32 {
      %parallel_loop3A_275 = arith.constant 12 : i32
      %parallel_loop3A_276 = arith.index_cast %parallel_loop3A_275 : i32 to index
      %parallel_loop3A_277 = arith.index_cast %parallel_loop3A_274 : i32 to index
      %parallel_loop3A_278 = tpu.vector_load %arg7[%parallel_loop3A_276, %parallel_loop3A_277] {strides = array<i32>} : memref<16x1024xf32, #tpu.memory_space<vmem>>, vector<1x16xf32>,
      %parallel_loop3A_279 = vector.shape_cast %parallel_loop3A_278 : vector<1x16xf32> to vector<16xf32>
      %parallel_loop3A_280 = arith.constant 12 : i32
      %parallel_loop3A_281 = arith.index_cast %parallel_loop3A_280 : i32 to index
      %parallel_loop3A_282 = arith.index_cast %parallel_loop3A_274 : i32 to index
      %parallel_loop3A_283 = tpu.vector_load %arg5[%parallel_loop3A_281, %parallel_loop3A_282] {strides = array<i32>} : memref<16x1024xf32, #tpu.memory_space<vmem>>, vector<1x16xf32>,
      %parallel_loop3A_284 = vector.shape_cast %parallel_loop3A_283 : vector<1x16xf32> to vector<16xf32>
      %parallel_loop3A_285 = arith.addf %parallel_loop3A_279, %parallel_loop3A_284 : vector<16xf32>
      %parallel_loop3A_286 = arith.constant 12 : i32
      %parallel_loop3A_287 = arith.index_cast %parallel_loop3A_286 : i32 to index
      %parallel_loop3A_288 = arith.index_cast %parallel_loop3A_274 : i32 to index
      %parallel_loop3A_289 = tpu.vector_load %arg7[%parallel_loop3A_287, %parallel_loop3A_288] {strides = array<i32>} : memref<16x1024xf32, #tpu.memory_space<vmem>>, vector<1x16xf32>,
      %parallel_loop3A_290 = vector.shape_cast %parallel_loop3A_289 : vector<1x16xf32> to vector<16xf32>
      %parallel_loop3A_291 = vector.shape_cast %parallel_loop3A_285 : vector<16xf32> to vector<1x16xf32>
      tpu.vector_store %arg7[%parallel_loop3A_287, %parallel_loop3A_288], %parallel_loop3A_291 {strides = array<i32>} : memref<16x1024xf32, #tpu.memory_space<vmem>>, vector<1x16xf32>,
    } {sc.loop_unroll_factor = 8 : i64, sc.parallel_access}
    %parallel_loop3A_125 = arith.constant 0 : i32
    %parallel_loop3A_126 = arith.constant 1024 : i32
    %parallel_loop3A_127 = arith.constant 16 : i32
    scf.for %parallel_loop3A_274 = %parallel_loop3A_125 to %parallel_loop3A_126 step %parallel_loop3A_127  : i32 {
      %parallel_loop3A_275 = arith.constant 13 : i32
      %parallel_loop3A_276 = arith.index_cast %parallel_loop3A_275 : i32 to index
      %parallel_loop3A_277 = arith.index_cast %parallel_loop3A_274 : i32 to index
      %parallel_loop3A_278 = tpu.vector_load %arg7[%parallel_loop3A_276, %parallel_loop3A_277] {strides = array<i32>} : memref<16x1024xf32, #tpu.memory_space<vmem>>, vector<1x16xf32>,
      %parallel_loop3A_279 = vector.shape_cast %parallel_loop3A_278 : vector<1x16xf32> to vector<16xf32>
      %parallel_loop3A_280 = arith.constant 13 : i32
      %parallel_loop3A_281 = arith.index_cast %parallel_loop3A_280 : i32 to index
      %parallel_loop3A_282 = arith.index_cast %parallel_loop3A_274 : i32 to index
      %parallel_loop3A_283 = tpu.vector_load %arg5[%parallel_loop3A_281, %parallel_loop3A_282] {strides = array<i32>} : memref<16x1024xf32, #tpu.memory_space<vmem>>, vector<1x16xf32>,
      %parallel_loop3A_284 = vector.shape_cast %parallel_loop3A_283 : vector<1x16xf32> to vector<16xf32>
      %parallel_loop3A_285 = arith.addf %parallel_loop3A_279, %parallel_loop3A_284 : vector<16xf32>
      %parallel_loop3A_286 = arith.constant 13 : i32
      %parallel_loop3A_287 = arith.index_cast %parallel_loop3A_286 : i32 to index
      %parallel_loop3A_288 = arith.index_cast %parallel_loop3A_274 : i32 to index
      %parallel_loop3A_289 = tpu.vector_load %arg7[%parallel_loop3A_287, %parallel_loop3A_288] {strides = array<i32>} : memref<16x1024xf32, #tpu.memory_space<vmem>>, vector<1x16xf32>,
      %parallel_loop3A_290 = vector.shape_cast %parallel_loop3A_289 : vector<1x16xf32> to vector<16xf32>
      %parallel_loop3A_291 = vector.shape_cast %parallel_loop3A_285 : vector<16xf32> to vector<1x16xf32>
      tpu.vector_store %arg7[%parallel_loop3A_287, %parallel_loop3A_288], %parallel_loop3A_291 {strides = array<i32>} : memref<16x1024xf32, #tpu.memory_space<vmem>>, vector<1x16xf32>,
    } {sc.loop_unroll_factor = 8 : i64, sc.parallel_access}
    %parallel_loop3A_128 = arith.constant 0 : i32
    %parallel_loop3A_129 = arith.constant 1024 : i32
    %parallel_loop3A_130 = arith.constant 16 : i32
    scf.for %parallel_loop3A_274 = %parallel_loop3A_128 to %parallel_loop3A_129 step %parallel_loop3A_130  : i32 {
      %parallel_loop3A_275 = arith.constant 14 : i32
      %parallel_loop3A_276 = arith.index_cast %parallel_loop3A_275 : i32 to index
      %parallel_loop3A_277 = arith.index_cast %parallel_loop3A_274 : i32 to index
      %parallel_loop3A_278 = tpu.vector_load %arg7[%parallel_loop3A_276, %parallel_loop3A_277] {strides = array<i32>} : memref<16x1024xf32, #tpu.memory_space<vmem>>, vector<1x16xf32>,
      %parallel_loop3A_279 = vector.shape_cast %parallel_loop3A_278 : vector<1x16xf32> to vector<16xf32>
      %parallel_loop3A_280 = arith.constant 14 : i32
      %parallel_loop3A_281 = arith.index_cast %parallel_loop3A_280 : i32 to index
      %parallel_loop3A_282 = arith.index_cast %parallel_loop3A_274 : i32 to index
      %parallel_loop3A_283 = tpu.vector_load %arg5[%parallel_loop3A_281, %parallel_loop3A_282] {strides = array<i32>} : memref<16x1024xf32, #tpu.memory_space<vmem>>, vector<1x16xf32>,
      %parallel_loop3A_284 = vector.shape_cast %parallel_loop3A_283 : vector<1x16xf32> to vector<16xf32>
      %parallel_loop3A_285 = arith.addf %parallel_loop3A_279, %parallel_loop3A_284 : vector<16xf32>
      %parallel_loop3A_286 = arith.constant 14 : i32
      %parallel_loop3A_287 = arith.index_cast %parallel_loop3A_286 : i32 to index
      %parallel_loop3A_288 = arith.index_cast %parallel_loop3A_274 : i32 to index
      %parallel_loop3A_289 = tpu.vector_load %arg7[%parallel_loop3A_287, %parallel_loop3A_288] {strides = array<i32>} : memref<16x1024xf32, #tpu.memory_space<vmem>>, vector<1x16xf32>,
      %parallel_loop3A_290 = vector.shape_cast %parallel_loop3A_289 : vector<1x16xf32> to vector<16xf32>
      %parallel_loop3A_291 = vector.shape_cast %parallel_loop3A_285 : vector<16xf32> to vector<1x16xf32>
      tpu.vector_store %arg7[%parallel_loop3A_287, %parallel_loop3A_288], %parallel_loop3A_291 {strides = array<i32>} : memref<16x1024xf32, #tpu.memory_space<vmem>>, vector<1x16xf32>,
    } {sc.loop_unroll_factor = 8 : i64, sc.parallel_access}
    %parallel_loop3A_131 = arith.constant 0 : i32
    %parallel_loop3A_132 = arith.constant 1024 : i32
    %parallel_loop3A_133 = arith.constant 16 : i32
    scf.for %parallel_loop3A_274 = %parallel_loop3A_131 to %parallel_loop3A_132 step %parallel_loop3A_133  : i32 {
      %parallel_loop3A_275 = arith.constant 15 : i32
      %parallel_loop3A_276 = arith.index_cast %parallel_loop3A_275 : i32 to index
      %parallel_loop3A_277 = arith.index_cast %parallel_loop3A_274 : i32 to index
      %parallel_loop3A_278 = tpu.vector_load %arg7[%parallel_loop3A_276, %parallel_loop3A_277] {strides = array<i32>} : memref<16x1024xf32, #tpu.memory_space<vmem>>, vector<1x16xf32>,
      %parallel_loop3A_279 = vector.shape_cast %parallel_loop3A_278 : vector<1x16xf32> to vector<16xf32>
      %parallel_loop3A_280 = arith.constant 15 : i32
      %parallel_loop3A_281 = arith.index_cast %parallel_loop3A_280 : i32 to index
      %parallel_loop3A_282 = arith.index_cast %parallel_loop3A_274 : i32 to index
      %parallel_loop3A_283 = tpu.vector_load %arg5[%parallel_loop3A_281, %parallel_loop3A_282] {strides = array<i32>} : memref<16x1024xf32, #tpu.memory_space<vmem>>, vector<1x16xf32>,
      %parallel_loop3A_284 = vector.shape_cast %parallel_loop3A_283 : vector<1x16xf32> to vector<16xf32>
      %parallel_loop3A_285 = arith.addf %parallel_loop3A_279, %parallel_loop3A_284 : vector<16xf32>
      %parallel_loop3A_286 = arith.constant 15 : i32
      %parallel_loop3A_287 = arith.index_cast %parallel_loop3A_286 : i32 to index
      %parallel_loop3A_288 = arith.index_cast %parallel_loop3A_274 : i32 to index
      %parallel_loop3A_289 = tpu.vector_load %arg7[%parallel_loop3A_287, %parallel_loop3A_288] {strides = array<i32>} : memref<16x1024xf32, #tpu.memory_space<vmem>>, vector<1x16xf32>,
      %parallel_loop3A_290 = vector.shape_cast %parallel_loop3A_289 : vector<1x16xf32> to vector<16xf32>
      %parallel_loop3A_291 = vector.shape_cast %parallel_loop3A_285 : vector<16xf32> to vector<1x16xf32>
      tpu.vector_store %arg7[%parallel_loop3A_287, %parallel_loop3A_288], %parallel_loop3A_291 {strides = array<i32>} : memref<16x1024xf32, #tpu.memory_space<vmem>>, vector<1x16xf32>,
    } {sc.loop_unroll_factor = 8 : i64, sc.parallel_access}
    %add3A_134 = arith.constant 4096 : i32
    %add3A_135 = arith.addi %add3A_134, %add3A_4 : i32
    %dma_start3A_136 = arith.constant 0 : i32
    %dma_start3A_137 = tpu.memref_slice %arg4[%add3A_135, %dma_start3A_136] : memref<16384x1024xf32, #tpu.memory_space<hbm>> -> memref<16x1024xf32, #tpu.memory_space<hbm>>
    %dma_start3A_138 = arith.constant 0 : i32
    %dma_start3A_139 = tpu.memref_slice %arg4[%add3A_135, %dma_start3A_138] : memref<16384x1024xf32, #tpu.memory_space<hbm>> -> memref<16x1024xf32, #tpu.memory_space<hbm>>
    tpu.enqueue_dma source(%arg7 : memref<16x1024xf32, #tpu.memory_space<vmem>>) target(%dma_start3A_139 : memref<16x1024xf32, #tpu.memory_space<hbm>>) target_semaphore(%arg11 : memref<!tpu.dma_semaphore, #tpu.memory_space<semaphore_mem>>)
    %dma_wait3A_140 = arith.constant 0 : i32
    %dma_wait3A_141 = tpu.memref_slice %arg4[%add3A_135, %dma_wait3A_140] : memref<16384x1024xf32, #tpu.memory_space<hbm>> -> memref<16x1024xf32, #tpu.memory_space<hbm>>
    %dma_wait3A_142 = arith.constant 0 : i32
    %dma_wait3A_143 = tpu.memref_slice %arg4[%add3A_135, %dma_wait3A_142] : memref<16384x1024xf32, #tpu.memory_space<hbm>> -> memref<16x1024xf32, #tpu.memory_space<hbm>>
    tpu.wait_dma2 semaphore(%arg11 : memref<!tpu.dma_semaphore, #tpu.memory_space<semaphore_mem>>) src(%arg7 : memref<16x1024xf32, #tpu.memory_space<vmem>>) dst(%dma_wait3A_143 : memref<16x1024xf32, #tpu.memory_space<hbm>>)
    %add3A_144 = arith.constant 12288 : i32
    %add3A_145 = arith.addi %add3A_144, %add3A_4 : i32
    %dma_start3A_146 = arith.constant 0 : i32
    %dma_start3A_147 = tpu.memref_slice %arg2[%add3A_145, %dma_start3A_146] : memref<16384x1024xf32, #tpu.memory_space<hbm>> -> memref<16x1024xf32, #tpu.memory_space<hbm>>
    %dma_start3A_148 = arith.constant 0 : i32
    %dma_start3A_149 = tpu.memref_slice %arg2[%add3A_145, %dma_start3A_148] : memref<16384x1024xf32, #tpu.memory_space<hbm>> -> memref<16x1024xf32, #tpu.memory_space<hbm>>
    tpu.enqueue_dma source(%dma_start3A_149 : memref<16x1024xf32, #tpu.memory_space<hbm>>) target(%arg7 : memref<16x1024xf32, #tpu.memory_space<vmem>>) target_semaphore(%arg9 : memref<!tpu.dma_semaphore, #tpu.memory_space<semaphore_mem>>)
    %dma_wait3A_150 = arith.constant 0 : i32
    %dma_wait3A_151 = tpu.memref_slice %arg2[%add3A_77, %dma_wait3A_150] : memref<16384x1024xf32, #tpu.memory_space<hbm>> -> memref<16x1024xf32, #tpu.memory_space<hbm>>
    %dma_wait3A_152 = arith.constant 0 : i32
    %dma_wait3A_153 = tpu.memref_slice %arg2[%add3A_77, %dma_wait3A_152] : memref<16384x1024xf32, #tpu.memory_space<hbm>> -> memref<16x1024xf32, #tpu.memory_space<hbm>>
    tpu.wait_dma2 semaphore(%arg8 : memref<!tpu.dma_semaphore, #tpu.memory_space<semaphore_mem>>) src(%dma_wait3A_153 : memref<16x1024xf32, #tpu.memory_space<hbm>>) dst(%arg6 : memref<16x1024xf32, #tpu.memory_space<vmem>>)
    %parallel_loop3A_154 = arith.constant 0 : i32
    %parallel_loop3A_155 = arith.constant 1024 : i32
    %parallel_loop3A_156 = arith.constant 16 : i32
    scf.for %parallel_loop3A_274 = %parallel_loop3A_154 to %parallel_loop3A_155 step %parallel_loop3A_156  : i32 {
      %parallel_loop3A_275 = arith.constant 0 : i32
      %parallel_loop3A_276 = arith.index_cast %parallel_loop3A_275 : i32 to index
      %parallel_loop3A_277 = arith.index_cast %parallel_loop3A_274 : i32 to index
      %parallel_loop3A_278 = tpu.vector_load %arg6[%parallel_loop3A_276, %parallel_loop3A_277] {strides = array<i32>} : memref<16x1024xf32, #tpu.memory_space<vmem>>, vector<1x16xf32>,
      %parallel_loop3A_279 = vector.shape_cast %parallel_loop3A_278 : vector<1x16xf32> to vector<16xf32>
      %parallel_loop3A_280 = arith.constant 0 : i32
      %parallel_loop3A_281 = arith.index_cast %parallel_loop3A_280 : i32 to index
      %parallel_loop3A_282 = arith.index_cast %parallel_loop3A_274 : i32 to index
      %parallel_loop3A_283 = tpu.vector_load %arg5[%parallel_loop3A_281, %parallel_loop3A_282] {strides = array<i32>} : memref<16x1024xf32, #tpu.memory_space<vmem>>, vector<1x16xf32>,
      %parallel_loop3A_284 = vector.shape_cast %parallel_loop3A_283 : vector<1x16xf32> to vector<16xf32>
      %parallel_loop3A_285 = arith.addf %parallel_loop3A_279, %parallel_loop3A_284 : vector<16xf32>
      %parallel_loop3A_286 = arith.constant 0 : i32
      %parallel_loop3A_287 = arith.index_cast %parallel_loop3A_286 : i32 to index
      %parallel_loop3A_288 = arith.index_cast %parallel_loop3A_274 : i32 to index
      %parallel_loop3A_289 = tpu.vector_load %arg6[%parallel_loop3A_287, %parallel_loop3A_288] {strides = array<i32>} : memref<16x1024xf32, #tpu.memory_space<vmem>>, vector<1x16xf32>,
      %parallel_loop3A_290 = vector.shape_cast %parallel_loop3A_289 : vector<1x16xf32> to vector<16xf32>
      %parallel_loop3A_291 = vector.shape_cast %parallel_loop3A_285 : vector<16xf32> to vector<1x16xf32>
      tpu.vector_store %arg6[%parallel_loop3A_287, %parallel_loop3A_288], %parallel_loop3A_291 {strides = array<i32>} : memref<16x1024xf32, #tpu.memory_space<vmem>>, vector<1x16xf32>,
    } {sc.loop_unroll_factor = 8 : i64, sc.parallel_access}
    %parallel_loop3A_157 = arith.constant 0 : i32
    %parallel_loop3A_158 = arith.constant 1024 : i32
    %parallel_loop3A_159 = arith.constant 16 : i32
    scf.for %parallel_loop3A_274 = %parallel_loop3A_157 to %parallel_loop3A_158 step %parallel_loop3A_159  : i32 {
      %parallel_loop3A_275 = arith.constant 1 : i32
      %parallel_loop3A_276 = arith.index_cast %parallel_loop3A_275 : i32 to index
      %parallel_loop3A_277 = arith.index_cast %parallel_loop3A_274 : i32 to index
      %parallel_loop3A_278 = tpu.vector_load %arg6[%parallel_loop3A_276, %parallel_loop3A_277] {strides = array<i32>} : memref<16x1024xf32, #tpu.memory_space<vmem>>, vector<1x16xf32>,
      %parallel_loop3A_279 = vector.shape_cast %parallel_loop3A_278 : vector<1x16xf32> to vector<16xf32>
      %parallel_loop3A_280 = arith.constant 1 : i32
      %parallel_loop3A_281 = arith.index_cast %parallel_loop3A_280 : i32 to index
      %parallel_loop3A_282 = arith.index_cast %parallel_loop3A_274 : i32 to index
      %parallel_loop3A_283 = tpu.vector_load %arg5[%parallel_loop3A_281, %parallel_loop3A_282] {strides = array<i32>} : memref<16x1024xf32, #tpu.memory_space<vmem>>, vector<1x16xf32>,
      %parallel_loop3A_284 = vector.shape_cast %parallel_loop3A_283 : vector<1x16xf32> to vector<16xf32>
      %parallel_loop3A_285 = arith.addf %parallel_loop3A_279, %parallel_loop3A_284 : vector<16xf32>
      %parallel_loop3A_286 = arith.constant 1 : i32
      %parallel_loop3A_287 = arith.index_cast %parallel_loop3A_286 : i32 to index
      %parallel_loop3A_288 = arith.index_cast %parallel_loop3A_274 : i32 to index
      %parallel_loop3A_289 = tpu.vector_load %arg6[%parallel_loop3A_287, %parallel_loop3A_288] {strides = array<i32>} : memref<16x1024xf32, #tpu.memory_space<vmem>>, vector<1x16xf32>,
      %parallel_loop3A_290 = vector.shape_cast %parallel_loop3A_289 : vector<1x16xf32> to vector<16xf32>
      %parallel_loop3A_291 = vector.shape_cast %parallel_loop3A_285 : vector<16xf32> to vector<1x16xf32>
      tpu.vector_store %arg6[%parallel_loop3A_287, %parallel_loop3A_288], %parallel_loop3A_291 {strides = array<i32>} : memref<16x1024xf32, #tpu.memory_space<vmem>>, vector<1x16xf32>,
    } {sc.loop_unroll_factor = 8 : i64, sc.parallel_access}
    %parallel_loop3A_160 = arith.constant 0 : i32
    %parallel_loop3A_161 = arith.constant 1024 : i32
    %parallel_loop3A_162 = arith.constant 16 : i32
    scf.for %parallel_loop3A_274 = %parallel_loop3A_160 to %parallel_loop3A_161 step %parallel_loop3A_162  : i32 {
      %parallel_loop3A_275 = arith.constant 2 : i32
      %parallel_loop3A_276 = arith.index_cast %parallel_loop3A_275 : i32 to index
      %parallel_loop3A_277 = arith.index_cast %parallel_loop3A_274 : i32 to index
      %parallel_loop3A_278 = tpu.vector_load %arg6[%parallel_loop3A_276, %parallel_loop3A_277] {strides = array<i32>} : memref<16x1024xf32, #tpu.memory_space<vmem>>, vector<1x16xf32>,
      %parallel_loop3A_279 = vector.shape_cast %parallel_loop3A_278 : vector<1x16xf32> to vector<16xf32>
      %parallel_loop3A_280 = arith.constant 2 : i32
      %parallel_loop3A_281 = arith.index_cast %parallel_loop3A_280 : i32 to index
      %parallel_loop3A_282 = arith.index_cast %parallel_loop3A_274 : i32 to index
      %parallel_loop3A_283 = tpu.vector_load %arg5[%parallel_loop3A_281, %parallel_loop3A_282] {strides = array<i32>} : memref<16x1024xf32, #tpu.memory_space<vmem>>, vector<1x16xf32>,
      %parallel_loop3A_284 = vector.shape_cast %parallel_loop3A_283 : vector<1x16xf32> to vector<16xf32>
      %parallel_loop3A_285 = arith.addf %parallel_loop3A_279, %parallel_loop3A_284 : vector<16xf32>
      %parallel_loop3A_286 = arith.constant 2 : i32
      %parallel_loop3A_287 = arith.index_cast %parallel_loop3A_286 : i32 to index
      %parallel_loop3A_288 = arith.index_cast %parallel_loop3A_274 : i32 to index
      %parallel_loop3A_289 = tpu.vector_load %arg6[%parallel_loop3A_287, %parallel_loop3A_288] {strides = array<i32>} : memref<16x1024xf32, #tpu.memory_space<vmem>>, vector<1x16xf32>,
      %parallel_loop3A_290 = vector.shape_cast %parallel_loop3A_289 : vector<1x16xf32> to vector<16xf32>
      %parallel_loop3A_291 = vector.shape_cast %parallel_loop3A_285 : vector<16xf32> to vector<1x16xf32>
      tpu.vector_store %arg6[%parallel_loop3A_287, %parallel_loop3A_288], %parallel_loop3A_291 {strides = array<i32>} : memref<16x1024xf32, #tpu.memory_space<vmem>>, vector<1x16xf32>,
    } {sc.loop_unroll_factor = 8 : i64, sc.parallel_access}
    %parallel_loop3A_163 = arith.constant 0 : i32
    %parallel_loop3A_164 = arith.constant 1024 : i32
    %parallel_loop3A_165 = arith.constant 16 : i32
    scf.for %parallel_loop3A_274 = %parallel_loop3A_163 to %parallel_loop3A_164 step %parallel_loop3A_165  : i32 {
      %parallel_loop3A_275 = arith.constant 3 : i32
      %parallel_loop3A_276 = arith.index_cast %parallel_loop3A_275 : i32 to index
      %parallel_loop3A_277 = arith.index_cast %parallel_loop3A_274 : i32 to index
      %parallel_loop3A_278 = tpu.vector_load %arg6[%parallel_loop3A_276, %parallel_loop3A_277] {strides = array<i32>} : memref<16x1024xf32, #tpu.memory_space<vmem>>, vector<1x16xf32>,
      %parallel_loop3A_279 = vector.shape_cast %parallel_loop3A_278 : vector<1x16xf32> to vector<16xf32>
      %parallel_loop3A_280 = arith.constant 3 : i32
      %parallel_loop3A_281 = arith.index_cast %parallel_loop3A_280 : i32 to index
      %parallel_loop3A_282 = arith.index_cast %parallel_loop3A_274 : i32 to index
      %parallel_loop3A_283 = tpu.vector_load %arg5[%parallel_loop3A_281, %parallel_loop3A_282] {strides = array<i32>} : memref<16x1024xf32, #tpu.memory_space<vmem>>, vector<1x16xf32>,
      %parallel_loop3A_284 = vector.shape_cast %parallel_loop3A_283 : vector<1x16xf32> to vector<16xf32>
      %parallel_loop3A_285 = arith.addf %parallel_loop3A_279, %parallel_loop3A_284 : vector<16xf32>
      %parallel_loop3A_286 = arith.constant 3 : i32
      %parallel_loop3A_287 = arith.index_cast %parallel_loop3A_286 : i32 to index
      %parallel_loop3A_288 = arith.index_cast %parallel_loop3A_274 : i32 to index
      %parallel_loop3A_289 = tpu.vector_load %arg6[%parallel_loop3A_287, %parallel_loop3A_288] {strides = array<i32>} : memref<16x1024xf32, #tpu.memory_space<vmem>>, vector<1x16xf32>,
      %parallel_loop3A_290 = vector.shape_cast %parallel_loop3A_289 : vector<1x16xf32> to vector<16xf32>
      %parallel_loop3A_291 = vector.shape_cast %parallel_loop3A_285 : vector<16xf32> to vector<1x16xf32>
      tpu.vector_store %arg6[%parallel_loop3A_287, %parallel_loop3A_288], %parallel_loop3A_291 {strides = array<i32>} : memref<16x1024xf32, #tpu.memory_space<vmem>>, vector<1x16xf32>,
    } {sc.loop_unroll_factor = 8 : i64, sc.parallel_access}
    %parallel_loop3A_166 = arith.constant 0 : i32
    %parallel_loop3A_167 = arith.constant 1024 : i32
    %parallel_loop3A_168 = arith.constant 16 : i32
    scf.for %parallel_loop3A_274 = %parallel_loop3A_166 to %parallel_loop3A_167 step %parallel_loop3A_168  : i32 {
      %parallel_loop3A_275 = arith.constant 4 : i32
      %parallel_loop3A_276 = arith.index_cast %parallel_loop3A_275 : i32 to index
      %parallel_loop3A_277 = arith.index_cast %parallel_loop3A_274 : i32 to index
      %parallel_loop3A_278 = tpu.vector_load %arg6[%parallel_loop3A_276, %parallel_loop3A_277] {strides = array<i32>} : memref<16x1024xf32, #tpu.memory_space<vmem>>, vector<1x16xf32>,
      %parallel_loop3A_279 = vector.shape_cast %parallel_loop3A_278 : vector<1x16xf32> to vector<16xf32>
      %parallel_loop3A_280 = arith.constant 4 : i32
      %parallel_loop3A_281 = arith.index_cast %parallel_loop3A_280 : i32 to index
      %parallel_loop3A_282 = arith.index_cast %parallel_loop3A_274 : i32 to index
      %parallel_loop3A_283 = tpu.vector_load %arg5[%parallel_loop3A_281, %parallel_loop3A_282] {strides = array<i32>} : memref<16x1024xf32, #tpu.memory_space<vmem>>, vector<1x16xf32>,
      %parallel_loop3A_284 = vector.shape_cast %parallel_loop3A_283 : vector<1x16xf32> to vector<16xf32>
      %parallel_loop3A_285 = arith.addf %parallel_loop3A_279, %parallel_loop3A_284 : vector<16xf32>
      %parallel_loop3A_286 = arith.constant 4 : i32
      %parallel_loop3A_287 = arith.index_cast %parallel_loop3A_286 : i32 to index
      %parallel_loop3A_288 = arith.index_cast %parallel_loop3A_274 : i32 to index
      %parallel_loop3A_289 = tpu.vector_load %arg6[%parallel_loop3A_287, %parallel_loop3A_288] {strides = array<i32>} : memref<16x1024xf32, #tpu.memory_space<vmem>>, vector<1x16xf32>,
      %parallel_loop3A_290 = vector.shape_cast %parallel_loop3A_289 : vector<1x16xf32> to vector<16xf32>
      %parallel_loop3A_291 = vector.shape_cast %parallel_loop3A_285 : vector<16xf32> to vector<1x16xf32>
      tpu.vector_store %arg6[%parallel_loop3A_287, %parallel_loop3A_288], %parallel_loop3A_291 {strides = array<i32>} : memref<16x1024xf32, #tpu.memory_space<vmem>>, vector<1x16xf32>,
    } {sc.loop_unroll_factor = 8 : i64, sc.parallel_access}
    %parallel_loop3A_169 = arith.constant 0 : i32
    %parallel_loop3A_170 = arith.constant 1024 : i32
    %parallel_loop3A_171 = arith.constant 16 : i32
    scf.for %parallel_loop3A_274 = %parallel_loop3A_169 to %parallel_loop3A_170 step %parallel_loop3A_171  : i32 {
      %parallel_loop3A_275 = arith.constant 5 : i32
      %parallel_loop3A_276 = arith.index_cast %parallel_loop3A_275 : i32 to index
      %parallel_loop3A_277 = arith.index_cast %parallel_loop3A_274 : i32 to index
      %parallel_loop3A_278 = tpu.vector_load %arg6[%parallel_loop3A_276, %parallel_loop3A_277] {strides = array<i32>} : memref<16x1024xf32, #tpu.memory_space<vmem>>, vector<1x16xf32>,
      %parallel_loop3A_279 = vector.shape_cast %parallel_loop3A_278 : vector<1x16xf32> to vector<16xf32>
      %parallel_loop3A_280 = arith.constant 5 : i32
      %parallel_loop3A_281 = arith.index_cast %parallel_loop3A_280 : i32 to index
      %parallel_loop3A_282 = arith.index_cast %parallel_loop3A_274 : i32 to index
      %parallel_loop3A_283 = tpu.vector_load %arg5[%parallel_loop3A_281, %parallel_loop3A_282] {strides = array<i32>} : memref<16x1024xf32, #tpu.memory_space<vmem>>, vector<1x16xf32>,
      %parallel_loop3A_284 = vector.shape_cast %parallel_loop3A_283 : vector<1x16xf32> to vector<16xf32>
      %parallel_loop3A_285 = arith.addf %parallel_loop3A_279, %parallel_loop3A_284 : vector<16xf32>
      %parallel_loop3A_286 = arith.constant 5 : i32
      %parallel_loop3A_287 = arith.index_cast %parallel_loop3A_286 : i32 to index
      %parallel_loop3A_288 = arith.index_cast %parallel_loop3A_274 : i32 to index
      %parallel_loop3A_289 = tpu.vector_load %arg6[%parallel_loop3A_287, %parallel_loop3A_288] {strides = array<i32>} : memref<16x1024xf32, #tpu.memory_space<vmem>>, vector<1x16xf32>,
      %parallel_loop3A_290 = vector.shape_cast %parallel_loop3A_289 : vector<1x16xf32> to vector<16xf32>
      %parallel_loop3A_291 = vector.shape_cast %parallel_loop3A_285 : vector<16xf32> to vector<1x16xf32>
      tpu.vector_store %arg6[%parallel_loop3A_287, %parallel_loop3A_288], %parallel_loop3A_291 {strides = array<i32>} : memref<16x1024xf32, #tpu.memory_space<vmem>>, vector<1x16xf32>,
    } {sc.loop_unroll_factor = 8 : i64, sc.parallel_access}
    %parallel_loop3A_172 = arith.constant 0 : i32
    %parallel_loop3A_173 = arith.constant 1024 : i32
    %parallel_loop3A_174 = arith.constant 16 : i32
    scf.for %parallel_loop3A_274 = %parallel_loop3A_172 to %parallel_loop3A_173 step %parallel_loop3A_174  : i32 {
      %parallel_loop3A_275 = arith.constant 6 : i32
      %parallel_loop3A_276 = arith.index_cast %parallel_loop3A_275 : i32 to index
      %parallel_loop3A_277 = arith.index_cast %parallel_loop3A_274 : i32 to index
      %parallel_loop3A_278 = tpu.vector_load %arg6[%parallel_loop3A_276, %parallel_loop3A_277] {strides = array<i32>} : memref<16x1024xf32, #tpu.memory_space<vmem>>, vector<1x16xf32>,
      %parallel_loop3A_279 = vector.shape_cast %parallel_loop3A_278 : vector<1x16xf32> to vector<16xf32>
      %parallel_loop3A_280 = arith.constant 6 : i32
      %parallel_loop3A_281 = arith.index_cast %parallel_loop3A_280 : i32 to index
      %parallel_loop3A_282 = arith.index_cast %parallel_loop3A_274 : i32 to index
      %parallel_loop3A_283 = tpu.vector_load %arg5[%parallel_loop3A_281, %parallel_loop3A_282] {strides = array<i32>} : memref<16x1024xf32, #tpu.memory_space<vmem>>, vector<1x16xf32>,
      %parallel_loop3A_284 = vector.shape_cast %parallel_loop3A_283 : vector<1x16xf32> to vector<16xf32>
      %parallel_loop3A_285 = arith.addf %parallel_loop3A_279, %parallel_loop3A_284 : vector<16xf32>
      %parallel_loop3A_286 = arith.constant 6 : i32
      %parallel_loop3A_287 = arith.index_cast %parallel_loop3A_286 : i32 to index
      %parallel_loop3A_288 = arith.index_cast %parallel_loop3A_274 : i32 to index
      %parallel_loop3A_289 = tpu.vector_load %arg6[%parallel_loop3A_287, %parallel_loop3A_288] {strides = array<i32>} : memref<16x1024xf32, #tpu.memory_space<vmem>>, vector<1x16xf32>,
      %parallel_loop3A_290 = vector.shape_cast %parallel_loop3A_289 : vector<1x16xf32> to vector<16xf32>
      %parallel_loop3A_291 = vector.shape_cast %parallel_loop3A_285 : vector<16xf32> to vector<1x16xf32>
      tpu.vector_store %arg6[%parallel_loop3A_287, %parallel_loop3A_288], %parallel_loop3A_291 {strides = array<i32>} : memref<16x1024xf32, #tpu.memory_space<vmem>>, vector<1x16xf32>,
    } {sc.loop_unroll_factor = 8 : i64, sc.parallel_access}
    %parallel_loop3A_175 = arith.constant 0 : i32
    %parallel_loop3A_176 = arith.constant 1024 : i32
    %parallel_loop3A_177 = arith.constant 16 : i32
    scf.for %parallel_loop3A_274 = %parallel_loop3A_175 to %parallel_loop3A_176 step %parallel_loop3A_177  : i32 {
      %parallel_loop3A_275 = arith.constant 7 : i32
      %parallel_loop3A_276 = arith.index_cast %parallel_loop3A_275 : i32 to index
      %parallel_loop3A_277 = arith.index_cast %parallel_loop3A_274 : i32 to index
      %parallel_loop3A_278 = tpu.vector_load %arg6[%parallel_loop3A_276, %parallel_loop3A_277] {strides = array<i32>} : memref<16x1024xf32, #tpu.memory_space<vmem>>, vector<1x16xf32>,
      %parallel_loop3A_279 = vector.shape_cast %parallel_loop3A_278 : vector<1x16xf32> to vector<16xf32>
      %parallel_loop3A_280 = arith.constant 7 : i32
      %parallel_loop3A_281 = arith.index_cast %parallel_loop3A_280 : i32 to index
      %parallel_loop3A_282 = arith.index_cast %parallel_loop3A_274 : i32 to index
      %parallel_loop3A_283 = tpu.vector_load %arg5[%parallel_loop3A_281, %parallel_loop3A_282] {strides = array<i32>} : memref<16x1024xf32, #tpu.memory_space<vmem>>, vector<1x16xf32>,
      %parallel_loop3A_284 = vector.shape_cast %parallel_loop3A_283 : vector<1x16xf32> to vector<16xf32>
      %parallel_loop3A_285 = arith.addf %parallel_loop3A_279, %parallel_loop3A_284 : vector<16xf32>
      %parallel_loop3A_286 = arith.constant 7 : i32
      %parallel_loop3A_287 = arith.index_cast %parallel_loop3A_286 : i32 to index
      %parallel_loop3A_288 = arith.index_cast %parallel_loop3A_274 : i32 to index
      %parallel_loop3A_289 = tpu.vector_load %arg6[%parallel_loop3A_287, %parallel_loop3A_288] {strides = array<i32>} : memref<16x1024xf32, #tpu.memory_space<vmem>>, vector<1x16xf32>,
      %parallel_loop3A_290 = vector.shape_cast %parallel_loop3A_289 : vector<1x16xf32> to vector<16xf32>
      %parallel_loop3A_291 = vector.shape_cast %parallel_loop3A_285 : vector<16xf32> to vector<1x16xf32>
      tpu.vector_store %arg6[%parallel_loop3A_287, %parallel_loop3A_288], %parallel_loop3A_291 {strides = array<i32>} : memref<16x1024xf32, #tpu.memory_space<vmem>>, vector<1x16xf32>,
    } {sc.loop_unroll_factor = 8 : i64, sc.parallel_access}
    %parallel_loop3A_178 = arith.constant 0 : i32
    %parallel_loop3A_179 = arith.constant 1024 : i32
    %parallel_loop3A_180 = arith.constant 16 : i32
    scf.for %parallel_loop3A_274 = %parallel_loop3A_178 to %parallel_loop3A_179 step %parallel_loop3A_180  : i32 {
      %parallel_loop3A_275 = arith.constant 8 : i32
      %parallel_loop3A_276 = arith.index_cast %parallel_loop3A_275 : i32 to index
      %parallel_loop3A_277 = arith.index_cast %parallel_loop3A_274 : i32 to index
      %parallel_loop3A_278 = tpu.vector_load %arg6[%parallel_loop3A_276, %parallel_loop3A_277] {strides = array<i32>} : memref<16x1024xf32, #tpu.memory_space<vmem>>, vector<1x16xf32>,
      %parallel_loop3A_279 = vector.shape_cast %parallel_loop3A_278 : vector<1x16xf32> to vector<16xf32>
      %parallel_loop3A_280 = arith.constant 8 : i32
      %parallel_loop3A_281 = arith.index_cast %parallel_loop3A_280 : i32 to index
      %parallel_loop3A_282 = arith.index_cast %parallel_loop3A_274 : i32 to index
      %parallel_loop3A_283 = tpu.vector_load %arg5[%parallel_loop3A_281, %parallel_loop3A_282] {strides = array<i32>} : memref<16x1024xf32, #tpu.memory_space<vmem>>, vector<1x16xf32>,
      %parallel_loop3A_284 = vector.shape_cast %parallel_loop3A_283 : vector<1x16xf32> to vector<16xf32>
      %parallel_loop3A_285 = arith.addf %parallel_loop3A_279, %parallel_loop3A_284 : vector<16xf32>
      %parallel_loop3A_286 = arith.constant 8 : i32
      %parallel_loop3A_287 = arith.index_cast %parallel_loop3A_286 : i32 to index
      %parallel_loop3A_288 = arith.index_cast %parallel_loop3A_274 : i32 to index
      %parallel_loop3A_289 = tpu.vector_load %arg6[%parallel_loop3A_287, %parallel_loop3A_288] {strides = array<i32>} : memref<16x1024xf32, #tpu.memory_space<vmem>>, vector<1x16xf32>,
      %parallel_loop3A_290 = vector.shape_cast %parallel_loop3A_289 : vector<1x16xf32> to vector<16xf32>
      %parallel_loop3A_291 = vector.shape_cast %parallel_loop3A_285 : vector<16xf32> to vector<1x16xf32>
      tpu.vector_store %arg6[%parallel_loop3A_287, %parallel_loop3A_288], %parallel_loop3A_291 {strides = array<i32>} : memref<16x1024xf32, #tpu.memory_space<vmem>>, vector<1x16xf32>,
    } {sc.loop_unroll_factor = 8 : i64, sc.parallel_access}
    %parallel_loop3A_181 = arith.constant 0 : i32
    %parallel_loop3A_182 = arith.constant 1024 : i32
    %parallel_loop3A_183 = arith.constant 16 : i32
    scf.for %parallel_loop3A_274 = %parallel_loop3A_181 to %parallel_loop3A_182 step %parallel_loop3A_183  : i32 {
      %parallel_loop3A_275 = arith.constant 9 : i32
      %parallel_loop3A_276 = arith.index_cast %parallel_loop3A_275 : i32 to index
      %parallel_loop3A_277 = arith.index_cast %parallel_loop3A_274 : i32 to index
      %parallel_loop3A_278 = tpu.vector_load %arg6[%parallel_loop3A_276, %parallel_loop3A_277] {strides = array<i32>} : memref<16x1024xf32, #tpu.memory_space<vmem>>, vector<1x16xf32>,
      %parallel_loop3A_279 = vector.shape_cast %parallel_loop3A_278 : vector<1x16xf32> to vector<16xf32>
      %parallel_loop3A_280 = arith.constant 9 : i32
      %parallel_loop3A_281 = arith.index_cast %parallel_loop3A_280 : i32 to index
      %parallel_loop3A_282 = arith.index_cast %parallel_loop3A_274 : i32 to index
      %parallel_loop3A_283 = tpu.vector_load %arg5[%parallel_loop3A_281, %parallel_loop3A_282] {strides = array<i32>} : memref<16x1024xf32, #tpu.memory_space<vmem>>, vector<1x16xf32>,
      %parallel_loop3A_284 = vector.shape_cast %parallel_loop3A_283 : vector<1x16xf32> to vector<16xf32>
      %parallel_loop3A_285 = arith.addf %parallel_loop3A_279, %parallel_loop3A_284 : vector<16xf32>
      %parallel_loop3A_286 = arith.constant 9 : i32
      %parallel_loop3A_287 = arith.index_cast %parallel_loop3A_286 : i32 to index
      %parallel_loop3A_288 = arith.index_cast %parallel_loop3A_274 : i32 to index
      %parallel_loop3A_289 = tpu.vector_load %arg6[%parallel_loop3A_287, %parallel_loop3A_288] {strides = array<i32>} : memref<16x1024xf32, #tpu.memory_space<vmem>>, vector<1x16xf32>,
      %parallel_loop3A_290 = vector.shape_cast %parallel_loop3A_289 : vector<1x16xf32> to vector<16xf32>
      %parallel_loop3A_291 = vector.shape_cast %parallel_loop3A_285 : vector<16xf32> to vector<1x16xf32>
      tpu.vector_store %arg6[%parallel_loop3A_287, %parallel_loop3A_288], %parallel_loop3A_291 {strides = array<i32>} : memref<16x1024xf32, #tpu.memory_space<vmem>>, vector<1x16xf32>,
    } {sc.loop_unroll_factor = 8 : i64, sc.parallel_access}
    %parallel_loop3A_184 = arith.constant 0 : i32
    %parallel_loop3A_185 = arith.constant 1024 : i32
    %parallel_loop3A_186 = arith.constant 16 : i32
    scf.for %parallel_loop3A_274 = %parallel_loop3A_184 to %parallel_loop3A_185 step %parallel_loop3A_186  : i32 {
      %parallel_loop3A_275 = arith.constant 10 : i32
      %parallel_loop3A_276 = arith.index_cast %parallel_loop3A_275 : i32 to index
      %parallel_loop3A_277 = arith.index_cast %parallel_loop3A_274 : i32 to index
      %parallel_loop3A_278 = tpu.vector_load %arg6[%parallel_loop3A_276, %parallel_loop3A_277] {strides = array<i32>} : memref<16x1024xf32, #tpu.memory_space<vmem>>, vector<1x16xf32>,
      %parallel_loop3A_279 = vector.shape_cast %parallel_loop3A_278 : vector<1x16xf32> to vector<16xf32>
      %parallel_loop3A_280 = arith.constant 10 : i32
      %parallel_loop3A_281 = arith.index_cast %parallel_loop3A_280 : i32 to index
      %parallel_loop3A_282 = arith.index_cast %parallel_loop3A_274 : i32 to index
      %parallel_loop3A_283 = tpu.vector_load %arg5[%parallel_loop3A_281, %parallel_loop3A_282] {strides = array<i32>} : memref<16x1024xf32, #tpu.memory_space<vmem>>, vector<1x16xf32>,
      %parallel_loop3A_284 = vector.shape_cast %parallel_loop3A_283 : vector<1x16xf32> to vector<16xf32>
      %parallel_loop3A_285 = arith.addf %parallel_loop3A_279, %parallel_loop3A_284 : vector<16xf32>
      %parallel_loop3A_286 = arith.constant 10 : i32
      %parallel_loop3A_287 = arith.index_cast %parallel_loop3A_286 : i32 to index
      %parallel_loop3A_288 = arith.index_cast %parallel_loop3A_274 : i32 to index
      %parallel_loop3A_289 = tpu.vector_load %arg6[%parallel_loop3A_287, %parallel_loop3A_288] {strides = array<i32>} : memref<16x1024xf32, #tpu.memory_space<vmem>>, vector<1x16xf32>,
      %parallel_loop3A_290 = vector.shape_cast %parallel_loop3A_289 : vector<1x16xf32> to vector<16xf32>
      %parallel_loop3A_291 = vector.shape_cast %parallel_loop3A_285 : vector<16xf32> to vector<1x16xf32>
      tpu.vector_store %arg6[%parallel_loop3A_287, %parallel_loop3A_288], %parallel_loop3A_291 {strides = array<i32>} : memref<16x1024xf32, #tpu.memory_space<vmem>>, vector<1x16xf32>,
    } {sc.loop_unroll_factor = 8 : i64, sc.parallel_access}
    %parallel_loop3A_187 = arith.constant 0 : i32
    %parallel_loop3A_188 = arith.constant 1024 : i32
    %parallel_loop3A_189 = arith.constant 16 : i32
    scf.for %parallel_loop3A_274 = %parallel_loop3A_187 to %parallel_loop3A_188 step %parallel_loop3A_189  : i32 {
      %parallel_loop3A_275 = arith.constant 11 : i32
      %parallel_loop3A_276 = arith.index_cast %parallel_loop3A_275 : i32 to index
      %parallel_loop3A_277 = arith.index_cast %parallel_loop3A_274 : i32 to index
      %parallel_loop3A_278 = tpu.vector_load %arg6[%parallel_loop3A_276, %parallel_loop3A_277] {strides = array<i32>} : memref<16x1024xf32, #tpu.memory_space<vmem>>, vector<1x16xf32>,
      %parallel_loop3A_279 = vector.shape_cast %parallel_loop3A_278 : vector<1x16xf32> to vector<16xf32>
      %parallel_loop3A_280 = arith.constant 11 : i32
      %parallel_loop3A_281 = arith.index_cast %parallel_loop3A_280 : i32 to index
      %parallel_loop3A_282 = arith.index_cast %parallel_loop3A_274 : i32 to index
      %parallel_loop3A_283 = tpu.vector_load %arg5[%parallel_loop3A_281, %parallel_loop3A_282] {strides = array<i32>} : memref<16x1024xf32, #tpu.memory_space<vmem>>, vector<1x16xf32>,
      %parallel_loop3A_284 = vector.shape_cast %parallel_loop3A_283 : vector<1x16xf32> to vector<16xf32>
      %parallel_loop3A_285 = arith.addf %parallel_loop3A_279, %parallel_loop3A_284 : vector<16xf32>
      %parallel_loop3A_286 = arith.constant 11 : i32
      %parallel_loop3A_287 = arith.index_cast %parallel_loop3A_286 : i32 to index
      %parallel_loop3A_288 = arith.index_cast %parallel_loop3A_274 : i32 to index
      %parallel_loop3A_289 = tpu.vector_load %arg6[%parallel_loop3A_287, %parallel_loop3A_288] {strides = array<i32>} : memref<16x1024xf32, #tpu.memory_space<vmem>>, vector<1x16xf32>,
      %parallel_loop3A_290 = vector.shape_cast %parallel_loop3A_289 : vector<1x16xf32> to vector<16xf32>
      %parallel_loop3A_291 = vector.shape_cast %parallel_loop3A_285 : vector<16xf32> to vector<1x16xf32>
      tpu.vector_store %arg6[%parallel_loop3A_287, %parallel_loop3A_288], %parallel_loop3A_291 {strides = array<i32>} : memref<16x1024xf32, #tpu.memory_space<vmem>>, vector<1x16xf32>,
    } {sc.loop_unroll_factor = 8 : i64, sc.parallel_access}
    %parallel_loop3A_190 = arith.constant 0 : i32
    %parallel_loop3A_191 = arith.constant 1024 : i32
    %parallel_loop3A_192 = arith.constant 16 : i32
    scf.for %parallel_loop3A_274 = %parallel_loop3A_190 to %parallel_loop3A_191 step %parallel_loop3A_192  : i32 {
      %parallel_loop3A_275 = arith.constant 12 : i32
      %parallel_loop3A_276 = arith.index_cast %parallel_loop3A_275 : i32 to index
      %parallel_loop3A_277 = arith.index_cast %parallel_loop3A_274 : i32 to index
      %parallel_loop3A_278 = tpu.vector_load %arg6[%parallel_loop3A_276, %parallel_loop3A_277] {strides = array<i32>} : memref<16x1024xf32, #tpu.memory_space<vmem>>, vector<1x16xf32>,
      %parallel_loop3A_279 = vector.shape_cast %parallel_loop3A_278 : vector<1x16xf32> to vector<16xf32>
      %parallel_loop3A_280 = arith.constant 12 : i32
      %parallel_loop3A_281 = arith.index_cast %parallel_loop3A_280 : i32 to index
      %parallel_loop3A_282 = arith.index_cast %parallel_loop3A_274 : i32 to index
      %parallel_loop3A_283 = tpu.vector_load %arg5[%parallel_loop3A_281, %parallel_loop3A_282] {strides = array<i32>} : memref<16x1024xf32, #tpu.memory_space<vmem>>, vector<1x16xf32>,
      %parallel_loop3A_284 = vector.shape_cast %parallel_loop3A_283 : vector<1x16xf32> to vector<16xf32>
      %parallel_loop3A_285 = arith.addf %parallel_loop3A_279, %parallel_loop3A_284 : vector<16xf32>
      %parallel_loop3A_286 = arith.constant 12 : i32
      %parallel_loop3A_287 = arith.index_cast %parallel_loop3A_286 : i32 to index
      %parallel_loop3A_288 = arith.index_cast %parallel_loop3A_274 : i32 to index
      %parallel_loop3A_289 = tpu.vector_load %arg6[%parallel_loop3A_287, %parallel_loop3A_288] {strides = array<i32>} : memref<16x1024xf32, #tpu.memory_space<vmem>>, vector<1x16xf32>,
      %parallel_loop3A_290 = vector.shape_cast %parallel_loop3A_289 : vector<1x16xf32> to vector<16xf32>
      %parallel_loop3A_291 = vector.shape_cast %parallel_loop3A_285 : vector<16xf32> to vector<1x16xf32>
      tpu.vector_store %arg6[%parallel_loop3A_287, %parallel_loop3A_288], %parallel_loop3A_291 {strides = array<i32>} : memref<16x1024xf32, #tpu.memory_space<vmem>>, vector<1x16xf32>,
    } {sc.loop_unroll_factor = 8 : i64, sc.parallel_access}
    %parallel_loop3A_193 = arith.constant 0 : i32
    %parallel_loop3A_194 = arith.constant 1024 : i32
    %parallel_loop3A_195 = arith.constant 16 : i32
    scf.for %parallel_loop3A_274 = %parallel_loop3A_193 to %parallel_loop3A_194 step %parallel_loop3A_195  : i32 {
      %parallel_loop3A_275 = arith.constant 13 : i32
      %parallel_loop3A_276 = arith.index_cast %parallel_loop3A_275 : i32 to index
      %parallel_loop3A_277 = arith.index_cast %parallel_loop3A_274 : i32 to index
      %parallel_loop3A_278 = tpu.vector_load %arg6[%parallel_loop3A_276, %parallel_loop3A_277] {strides = array<i32>} : memref<16x1024xf32, #tpu.memory_space<vmem>>, vector<1x16xf32>,
      %parallel_loop3A_279 = vector.shape_cast %parallel_loop3A_278 : vector<1x16xf32> to vector<16xf32>
      %parallel_loop3A_280 = arith.constant 13 : i32
      %parallel_loop3A_281 = arith.index_cast %parallel_loop3A_280 : i32 to index
      %parallel_loop3A_282 = arith.index_cast %parallel_loop3A_274 : i32 to index
      %parallel_loop3A_283 = tpu.vector_load %arg5[%parallel_loop3A_281, %parallel_loop3A_282] {strides = array<i32>} : memref<16x1024xf32, #tpu.memory_space<vmem>>, vector<1x16xf32>,
      %parallel_loop3A_284 = vector.shape_cast %parallel_loop3A_283 : vector<1x16xf32> to vector<16xf32>
      %parallel_loop3A_285 = arith.addf %parallel_loop3A_279, %parallel_loop3A_284 : vector<16xf32>
      %parallel_loop3A_286 = arith.constant 13 : i32
      %parallel_loop3A_287 = arith.index_cast %parallel_loop3A_286 : i32 to index
      %parallel_loop3A_288 = arith.index_cast %parallel_loop3A_274 : i32 to index
      %parallel_loop3A_289 = tpu.vector_load %arg6[%parallel_loop3A_287, %parallel_loop3A_288] {strides = array<i32>} : memref<16x1024xf32, #tpu.memory_space<vmem>>, vector<1x16xf32>,
      %parallel_loop3A_290 = vector.shape_cast %parallel_loop3A_289 : vector<1x16xf32> to vector<16xf32>
      %parallel_loop3A_291 = vector.shape_cast %parallel_loop3A_285 : vector<16xf32> to vector<1x16xf32>
      tpu.vector_store %arg6[%parallel_loop3A_287, %parallel_loop3A_288], %parallel_loop3A_291 {strides = array<i32>} : memref<16x1024xf32, #tpu.memory_space<vmem>>, vector<1x16xf32>,
    } {sc.loop_unroll_factor = 8 : i64, sc.parallel_access}
    %parallel_loop3A_196 = arith.constant 0 : i32
    %parallel_loop3A_197 = arith.constant 1024 : i32
    %parallel_loop3A_198 = arith.constant 16 : i32
    scf.for %parallel_loop3A_274 = %parallel_loop3A_196 to %parallel_loop3A_197 step %parallel_loop3A_198  : i32 {
      %parallel_loop3A_275 = arith.constant 14 : i32
      %parallel_loop3A_276 = arith.index_cast %parallel_loop3A_275 : i32 to index
      %parallel_loop3A_277 = arith.index_cast %parallel_loop3A_274 : i32 to index
      %parallel_loop3A_278 = tpu.vector_load %arg6[%parallel_loop3A_276, %parallel_loop3A_277] {strides = array<i32>} : memref<16x1024xf32, #tpu.memory_space<vmem>>, vector<1x16xf32>,
      %parallel_loop3A_279 = vector.shape_cast %parallel_loop3A_278 : vector<1x16xf32> to vector<16xf32>
      %parallel_loop3A_280 = arith.constant 14 : i32
      %parallel_loop3A_281 = arith.index_cast %parallel_loop3A_280 : i32 to index
      %parallel_loop3A_282 = arith.index_cast %parallel_loop3A_274 : i32 to index
      %parallel_loop3A_283 = tpu.vector_load %arg5[%parallel_loop3A_281, %parallel_loop3A_282] {strides = array<i32>} : memref<16x1024xf32, #tpu.memory_space<vmem>>, vector<1x16xf32>,
      %parallel_loop3A_284 = vector.shape_cast %parallel_loop3A_283 : vector<1x16xf32> to vector<16xf32>
      %parallel_loop3A_285 = arith.addf %parallel_loop3A_279, %parallel_loop3A_284 : vector<16xf32>
      %parallel_loop3A_286 = arith.constant 14 : i32
      %parallel_loop3A_287 = arith.index_cast %parallel_loop3A_286 : i32 to index
      %parallel_loop3A_288 = arith.index_cast %parallel_loop3A_274 : i32 to index
      %parallel_loop3A_289 = tpu.vector_load %arg6[%parallel_loop3A_287, %parallel_loop3A_288] {strides = array<i32>} : memref<16x1024xf32, #tpu.memory_space<vmem>>, vector<1x16xf32>,
      %parallel_loop3A_290 = vector.shape_cast %parallel_loop3A_289 : vector<1x16xf32> to vector<16xf32>
      %parallel_loop3A_291 = vector.shape_cast %parallel_loop3A_285 : vector<16xf32> to vector<1x16xf32>
      tpu.vector_store %arg6[%parallel_loop3A_287, %parallel_loop3A_288], %parallel_loop3A_291 {strides = array<i32>} : memref<16x1024xf32, #tpu.memory_space<vmem>>, vector<1x16xf32>,
    } {sc.loop_unroll_factor = 8 : i64, sc.parallel_access}
    %parallel_loop3A_199 = arith.constant 0 : i32
    %parallel_loop3A_200 = arith.constant 1024 : i32
    %parallel_loop3A_201 = arith.constant 16 : i32
    scf.for %parallel_loop3A_274 = %parallel_loop3A_199 to %parallel_loop3A_200 step %parallel_loop3A_201  : i32 {
      %parallel_loop3A_275 = arith.constant 15 : i32
      %parallel_loop3A_276 = arith.index_cast %parallel_loop3A_275 : i32 to index
      %parallel_loop3A_277 = arith.index_cast %parallel_loop3A_274 : i32 to index
      %parallel_loop3A_278 = tpu.vector_load %arg6[%parallel_loop3A_276, %parallel_loop3A_277] {strides = array<i32>} : memref<16x1024xf32, #tpu.memory_space<vmem>>, vector<1x16xf32>,
      %parallel_loop3A_279 = vector.shape_cast %parallel_loop3A_278 : vector<1x16xf32> to vector<16xf32>
      %parallel_loop3A_280 = arith.constant 15 : i32
      %parallel_loop3A_281 = arith.index_cast %parallel_loop3A_280 : i32 to index
      %parallel_loop3A_282 = arith.index_cast %parallel_loop3A_274 : i32 to index
      %parallel_loop3A_283 = tpu.vector_load %arg5[%parallel_loop3A_281, %parallel_loop3A_282] {strides = array<i32>} : memref<16x1024xf32, #tpu.memory_space<vmem>>, vector<1x16xf32>,
      %parallel_loop3A_284 = vector.shape_cast %parallel_loop3A_283 : vector<1x16xf32> to vector<16xf32>
      %parallel_loop3A_285 = arith.addf %parallel_loop3A_279, %parallel_loop3A_284 : vector<16xf32>
      %parallel_loop3A_286 = arith.constant 15 : i32
      %parallel_loop3A_287 = arith.index_cast %parallel_loop3A_286 : i32 to index
      %parallel_loop3A_288 = arith.index_cast %parallel_loop3A_274 : i32 to index
      %parallel_loop3A_289 = tpu.vector_load %arg6[%parallel_loop3A_287, %parallel_loop3A_288] {strides = array<i32>} : memref<16x1024xf32, #tpu.memory_space<vmem>>, vector<1x16xf32>,
      %parallel_loop3A_290 = vector.shape_cast %parallel_loop3A_289 : vector<1x16xf32> to vector<16xf32>
      %parallel_loop3A_291 = vector.shape_cast %parallel_loop3A_285 : vector<16xf32> to vector<1x16xf32>
      tpu.vector_store %arg6[%parallel_loop3A_287, %parallel_loop3A_288], %parallel_loop3A_291 {strides = array<i32>} : memref<16x1024xf32, #tpu.memory_space<vmem>>, vector<1x16xf32>,
    } {sc.loop_unroll_factor = 8 : i64, sc.parallel_access}
    %add3A_202 = arith.constant 8192 : i32
    %add3A_203 = arith.addi %add3A_202, %add3A_4 : i32
    %dma_start3A_204 = arith.constant 0 : i32
    %dma_start3A_205 = tpu.memref_slice %arg4[%add3A_203, %dma_start3A_204] : memref<16384x1024xf32, #tpu.memory_space<hbm>> -> memref<16x1024xf32, #tpu.memory_space<hbm>>
    %dma_start3A_206 = arith.constant 0 : i32
    %dma_start3A_207 = tpu.memref_slice %arg4[%add3A_203, %dma_start3A_206] : memref<16384x1024xf32, #tpu.memory_space<hbm>> -> memref<16x1024xf32, #tpu.memory_space<hbm>>
    tpu.enqueue_dma source(%arg6 : memref<16x1024xf32, #tpu.memory_space<vmem>>) target(%dma_start3A_207 : memref<16x1024xf32, #tpu.memory_space<hbm>>) target_semaphore(%arg10 : memref<!tpu.dma_semaphore, #tpu.memory_space<semaphore_mem>>)
    %dma_wait3A_208 = arith.constant 0 : i32
    %dma_wait3A_209 = tpu.memref_slice %arg2[%add3A_145, %dma_wait3A_208] : memref<16384x1024xf32, #tpu.memory_space<hbm>> -> memref<16x1024xf32, #tpu.memory_space<hbm>>
    %dma_wait3A_210 = arith.constant 0 : i32
    %dma_wait3A_211 = tpu.memref_slice %arg2[%add3A_145, %dma_wait3A_210] : memref<16384x1024xf32, #tpu.memory_space<hbm>> -> memref<16x1024xf32, #tpu.memory_space<hbm>>
    tpu.wait_dma2 semaphore(%arg9 : memref<!tpu.dma_semaphore, #tpu.memory_space<semaphore_mem>>) src(%dma_wait3A_211 : memref<16x1024xf32, #tpu.memory_space<hbm>>) dst(%arg7 : memref<16x1024xf32, #tpu.memory_space<vmem>>)
    %parallel_loop3A_212 = arith.constant 0 : i32
    %parallel_loop3A_213 = arith.constant 1024 : i32
    %parallel_loop3A_214 = arith.constant 16 : i32
    scf.for %parallel_loop3A_274 = %parallel_loop3A_212 to %parallel_loop3A_213 step %parallel_loop3A_214  : i32 {
      %parallel_loop3A_275 = arith.constant 0 : i32
      %parallel_loop3A_276 = arith.index_cast %parallel_loop3A_275 : i32 to index
      %parallel_loop3A_277 = arith.index_cast %parallel_loop3A_274 : i32 to index
      %parallel_loop3A_278 = tpu.vector_load %arg7[%parallel_loop3A_276, %parallel_loop3A_277] {strides = array<i32>} : memref<16x1024xf32, #tpu.memory_space<vmem>>, vector<1x16xf32>,
      %parallel_loop3A_279 = vector.shape_cast %parallel_loop3A_278 : vector<1x16xf32> to vector<16xf32>
      %parallel_loop3A_280 = arith.constant 0 : i32
      %parallel_loop3A_281 = arith.index_cast %parallel_loop3A_280 : i32 to index
      %parallel_loop3A_282 = arith.index_cast %parallel_loop3A_274 : i32 to index
      %parallel_loop3A_283 = tpu.vector_load %arg5[%parallel_loop3A_281, %parallel_loop3A_282] {strides = array<i32>} : memref<16x1024xf32, #tpu.memory_space<vmem>>, vector<1x16xf32>,
      %parallel_loop3A_284 = vector.shape_cast %parallel_loop3A_283 : vector<1x16xf32> to vector<16xf32>
      %parallel_loop3A_285 = arith.addf %parallel_loop3A_279, %parallel_loop3A_284 : vector<16xf32>
      %parallel_loop3A_286 = arith.constant 0 : i32
      %parallel_loop3A_287 = arith.index_cast %parallel_loop3A_286 : i32 to index
      %parallel_loop3A_288 = arith.index_cast %parallel_loop3A_274 : i32 to index
      %parallel_loop3A_289 = tpu.vector_load %arg7[%parallel_loop3A_287, %parallel_loop3A_288] {strides = array<i32>} : memref<16x1024xf32, #tpu.memory_space<vmem>>, vector<1x16xf32>,
      %parallel_loop3A_290 = vector.shape_cast %parallel_loop3A_289 : vector<1x16xf32> to vector<16xf32>
      %parallel_loop3A_291 = vector.shape_cast %parallel_loop3A_285 : vector<16xf32> to vector<1x16xf32>
      tpu.vector_store %arg7[%parallel_loop3A_287, %parallel_loop3A_288], %parallel_loop3A_291 {strides = array<i32>} : memref<16x1024xf32, #tpu.memory_space<vmem>>, vector<1x16xf32>,
    } {sc.loop_unroll_factor = 8 : i64, sc.parallel_access}
    %parallel_loop3A_215 = arith.constant 0 : i32
    %parallel_loop3A_216 = arith.constant 1024 : i32
    %parallel_loop3A_217 = arith.constant 16 : i32
    scf.for %parallel_loop3A_274 = %parallel_loop3A_215 to %parallel_loop3A_216 step %parallel_loop3A_217  : i32 {
      %parallel_loop3A_275 = arith.constant 1 : i32
      %parallel_loop3A_276 = arith.index_cast %parallel_loop3A_275 : i32 to index
      %parallel_loop3A_277 = arith.index_cast %parallel_loop3A_274 : i32 to index
      %parallel_loop3A_278 = tpu.vector_load %arg7[%parallel_loop3A_276, %parallel_loop3A_277] {strides = array<i32>} : memref<16x1024xf32, #tpu.memory_space<vmem>>, vector<1x16xf32>,
      %parallel_loop3A_279 = vector.shape_cast %parallel_loop3A_278 : vector<1x16xf32> to vector<16xf32>
      %parallel_loop3A_280 = arith.constant 1 : i32
      %parallel_loop3A_281 = arith.index_cast %parallel_loop3A_280 : i32 to index
      %parallel_loop3A_282 = arith.index_cast %parallel_loop3A_274 : i32 to index
      %parallel_loop3A_283 = tpu.vector_load %arg5[%parallel_loop3A_281, %parallel_loop3A_282] {strides = array<i32>} : memref<16x1024xf32, #tpu.memory_space<vmem>>, vector<1x16xf32>,
      %parallel_loop3A_284 = vector.shape_cast %parallel_loop3A_283 : vector<1x16xf32> to vector<16xf32>
      %parallel_loop3A_285 = arith.addf %parallel_loop3A_279, %parallel_loop3A_284 : vector<16xf32>
      %parallel_loop3A_286 = arith.constant 1 : i32
      %parallel_loop3A_287 = arith.index_cast %parallel_loop3A_286 : i32 to index
      %parallel_loop3A_288 = arith.index_cast %parallel_loop3A_274 : i32 to index
      %parallel_loop3A_289 = tpu.vector_load %arg7[%parallel_loop3A_287, %parallel_loop3A_288] {strides = array<i32>} : memref<16x1024xf32, #tpu.memory_space<vmem>>, vector<1x16xf32>,
      %parallel_loop3A_290 = vector.shape_cast %parallel_loop3A_289 : vector<1x16xf32> to vector<16xf32>
      %parallel_loop3A_291 = vector.shape_cast %parallel_loop3A_285 : vector<16xf32> to vector<1x16xf32>
      tpu.vector_store %arg7[%parallel_loop3A_287, %parallel_loop3A_288], %parallel_loop3A_291 {strides = array<i32>} : memref<16x1024xf32, #tpu.memory_space<vmem>>, vector<1x16xf32>,
    } {sc.loop_unroll_factor = 8 : i64, sc.parallel_access}
    %parallel_loop3A_218 = arith.constant 0 : i32
    %parallel_loop3A_219 = arith.constant 1024 : i32
    %parallel_loop3A_220 = arith.constant 16 : i32
    scf.for %parallel_loop3A_274 = %parallel_loop3A_218 to %parallel_loop3A_219 step %parallel_loop3A_220  : i32 {
      %parallel_loop3A_275 = arith.constant 2 : i32
      %parallel_loop3A_276 = arith.index_cast %parallel_loop3A_275 : i32 to index
      %parallel_loop3A_277 = arith.index_cast %parallel_loop3A_274 : i32 to index
      %parallel_loop3A_278 = tpu.vector_load %arg7[%parallel_loop3A_276, %parallel_loop3A_277] {strides = array<i32>} : memref<16x1024xf32, #tpu.memory_space<vmem>>, vector<1x16xf32>,
      %parallel_loop3A_279 = vector.shape_cast %parallel_loop3A_278 : vector<1x16xf32> to vector<16xf32>
      %parallel_loop3A_280 = arith.constant 2 : i32
      %parallel_loop3A_281 = arith.index_cast %parallel_loop3A_280 : i32 to index
      %parallel_loop3A_282 = arith.index_cast %parallel_loop3A_274 : i32 to index
      %parallel_loop3A_283 = tpu.vector_load %arg5[%parallel_loop3A_281, %parallel_loop3A_282] {strides = array<i32>} : memref<16x1024xf32, #tpu.memory_space<vmem>>, vector<1x16xf32>,
      %parallel_loop3A_284 = vector.shape_cast %parallel_loop3A_283 : vector<1x16xf32> to vector<16xf32>
      %parallel_loop3A_285 = arith.addf %parallel_loop3A_279, %parallel_loop3A_284 : vector<16xf32>
      %parallel_loop3A_286 = arith.constant 2 : i32
      %parallel_loop3A_287 = arith.index_cast %parallel_loop3A_286 : i32 to index
      %parallel_loop3A_288 = arith.index_cast %parallel_loop3A_274 : i32 to index
      %parallel_loop3A_289 = tpu.vector_load %arg7[%parallel_loop3A_287, %parallel_loop3A_288] {strides = array<i32>} : memref<16x1024xf32, #tpu.memory_space<vmem>>, vector<1x16xf32>,
      %parallel_loop3A_290 = vector.shape_cast %parallel_loop3A_289 : vector<1x16xf32> to vector<16xf32>
      %parallel_loop3A_291 = vector.shape_cast %parallel_loop3A_285 : vector<16xf32> to vector<1x16xf32>
      tpu.vector_store %arg7[%parallel_loop3A_287, %parallel_loop3A_288], %parallel_loop3A_291 {strides = array<i32>} : memref<16x1024xf32, #tpu.memory_space<vmem>>, vector<1x16xf32>,
    } {sc.loop_unroll_factor = 8 : i64, sc.parallel_access}
    %parallel_loop3A_221 = arith.constant 0 : i32
    %parallel_loop3A_222 = arith.constant 1024 : i32
    %parallel_loop3A_223 = arith.constant 16 : i32
    scf.for %parallel_loop3A_274 = %parallel_loop3A_221 to %parallel_loop3A_222 step %parallel_loop3A_223  : i32 {
      %parallel_loop3A_275 = arith.constant 3 : i32
      %parallel_loop3A_276 = arith.index_cast %parallel_loop3A_275 : i32 to index
      %parallel_loop3A_277 = arith.index_cast %parallel_loop3A_274 : i32 to index
      %parallel_loop3A_278 = tpu.vector_load %arg7[%parallel_loop3A_276, %parallel_loop3A_277] {strides = array<i32>} : memref<16x1024xf32, #tpu.memory_space<vmem>>, vector<1x16xf32>,
      %parallel_loop3A_279 = vector.shape_cast %parallel_loop3A_278 : vector<1x16xf32> to vector<16xf32>
      %parallel_loop3A_280 = arith.constant 3 : i32
      %parallel_loop3A_281 = arith.index_cast %parallel_loop3A_280 : i32 to index
      %parallel_loop3A_282 = arith.index_cast %parallel_loop3A_274 : i32 to index
      %parallel_loop3A_283 = tpu.vector_load %arg5[%parallel_loop3A_281, %parallel_loop3A_282] {strides = array<i32>} : memref<16x1024xf32, #tpu.memory_space<vmem>>, vector<1x16xf32>,
      %parallel_loop3A_284 = vector.shape_cast %parallel_loop3A_283 : vector<1x16xf32> to vector<16xf32>
      %parallel_loop3A_285 = arith.addf %parallel_loop3A_279, %parallel_loop3A_284 : vector<16xf32>
      %parallel_loop3A_286 = arith.constant 3 : i32
      %parallel_loop3A_287 = arith.index_cast %parallel_loop3A_286 : i32 to index
      %parallel_loop3A_288 = arith.index_cast %parallel_loop3A_274 : i32 to index
      %parallel_loop3A_289 = tpu.vector_load %arg7[%parallel_loop3A_287, %parallel_loop3A_288] {strides = array<i32>} : memref<16x1024xf32, #tpu.memory_space<vmem>>, vector<1x16xf32>,
      %parallel_loop3A_290 = vector.shape_cast %parallel_loop3A_289 : vector<1x16xf32> to vector<16xf32>
      %parallel_loop3A_291 = vector.shape_cast %parallel_loop3A_285 : vector<16xf32> to vector<1x16xf32>
      tpu.vector_store %arg7[%parallel_loop3A_287, %parallel_loop3A_288], %parallel_loop3A_291 {strides = array<i32>} : memref<16x1024xf32, #tpu.memory_space<vmem>>, vector<1x16xf32>,
    } {sc.loop_unroll_factor = 8 : i64, sc.parallel_access}
    %parallel_loop3A_224 = arith.constant 0 : i32
    %parallel_loop3A_225 = arith.constant 1024 : i32
    %parallel_loop3A_226 = arith.constant 16 : i32
    scf.for %parallel_loop3A_274 = %parallel_loop3A_224 to %parallel_loop3A_225 step %parallel_loop3A_226  : i32 {
      %parallel_loop3A_275 = arith.constant 4 : i32
      %parallel_loop3A_276 = arith.index_cast %parallel_loop3A_275 : i32 to index
      %parallel_loop3A_277 = arith.index_cast %parallel_loop3A_274 : i32 to index
      %parallel_loop3A_278 = tpu.vector_load %arg7[%parallel_loop3A_276, %parallel_loop3A_277] {strides = array<i32>} : memref<16x1024xf32, #tpu.memory_space<vmem>>, vector<1x16xf32>,
      %parallel_loop3A_279 = vector.shape_cast %parallel_loop3A_278 : vector<1x16xf32> to vector<16xf32>
      %parallel_loop3A_280 = arith.constant 4 : i32
      %parallel_loop3A_281 = arith.index_cast %parallel_loop3A_280 : i32 to index
      %parallel_loop3A_282 = arith.index_cast %parallel_loop3A_274 : i32 to index
      %parallel_loop3A_283 = tpu.vector_load %arg5[%parallel_loop3A_281, %parallel_loop3A_282] {strides = array<i32>} : memref<16x1024xf32, #tpu.memory_space<vmem>>, vector<1x16xf32>,
      %parallel_loop3A_284 = vector.shape_cast %parallel_loop3A_283 : vector<1x16xf32> to vector<16xf32>
      %parallel_loop3A_285 = arith.addf %parallel_loop3A_279, %parallel_loop3A_284 : vector<16xf32>
      %parallel_loop3A_286 = arith.constant 4 : i32
      %parallel_loop3A_287 = arith.index_cast %parallel_loop3A_286 : i32 to index
      %parallel_loop3A_288 = arith.index_cast %parallel_loop3A_274 : i32 to index
      %parallel_loop3A_289 = tpu.vector_load %arg7[%parallel_loop3A_287, %parallel_loop3A_288] {strides = array<i32>} : memref<16x1024xf32, #tpu.memory_space<vmem>>, vector<1x16xf32>,
      %parallel_loop3A_290 = vector.shape_cast %parallel_loop3A_289 : vector<1x16xf32> to vector<16xf32>
      %parallel_loop3A_291 = vector.shape_cast %parallel_loop3A_285 : vector<16xf32> to vector<1x16xf32>
      tpu.vector_store %arg7[%parallel_loop3A_287, %parallel_loop3A_288], %parallel_loop3A_291 {strides = array<i32>} : memref<16x1024xf32, #tpu.memory_space<vmem>>, vector<1x16xf32>,
    } {sc.loop_unroll_factor = 8 : i64, sc.parallel_access}
    %parallel_loop3A_227 = arith.constant 0 : i32
    %parallel_loop3A_228 = arith.constant 1024 : i32
    %parallel_loop3A_229 = arith.constant 16 : i32
    scf.for %parallel_loop3A_274 = %parallel_loop3A_227 to %parallel_loop3A_228 step %parallel_loop3A_229  : i32 {
      %parallel_loop3A_275 = arith.constant 5 : i32
      %parallel_loop3A_276 = arith.index_cast %parallel_loop3A_275 : i32 to index
      %parallel_loop3A_277 = arith.index_cast %parallel_loop3A_274 : i32 to index
      %parallel_loop3A_278 = tpu.vector_load %arg7[%parallel_loop3A_276, %parallel_loop3A_277] {strides = array<i32>} : memref<16x1024xf32, #tpu.memory_space<vmem>>, vector<1x16xf32>,
      %parallel_loop3A_279 = vector.shape_cast %parallel_loop3A_278 : vector<1x16xf32> to vector<16xf32>
      %parallel_loop3A_280 = arith.constant 5 : i32
      %parallel_loop3A_281 = arith.index_cast %parallel_loop3A_280 : i32 to index
      %parallel_loop3A_282 = arith.index_cast %parallel_loop3A_274 : i32 to index
      %parallel_loop3A_283 = tpu.vector_load %arg5[%parallel_loop3A_281, %parallel_loop3A_282] {strides = array<i32>} : memref<16x1024xf32, #tpu.memory_space<vmem>>, vector<1x16xf32>,
      %parallel_loop3A_284 = vector.shape_cast %parallel_loop3A_283 : vector<1x16xf32> to vector<16xf32>
      %parallel_loop3A_285 = arith.addf %parallel_loop3A_279, %parallel_loop3A_284 : vector<16xf32>
      %parallel_loop3A_286 = arith.constant 5 : i32
      %parallel_loop3A_287 = arith.index_cast %parallel_loop3A_286 : i32 to index
      %parallel_loop3A_288 = arith.index_cast %parallel_loop3A_274 : i32 to index
      %parallel_loop3A_289 = tpu.vector_load %arg7[%parallel_loop3A_287, %parallel_loop3A_288] {strides = array<i32>} : memref<16x1024xf32, #tpu.memory_space<vmem>>, vector<1x16xf32>,
      %parallel_loop3A_290 = vector.shape_cast %parallel_loop3A_289 : vector<1x16xf32> to vector<16xf32>
      %parallel_loop3A_291 = vector.shape_cast %parallel_loop3A_285 : vector<16xf32> to vector<1x16xf32>
      tpu.vector_store %arg7[%parallel_loop3A_287, %parallel_loop3A_288], %parallel_loop3A_291 {strides = array<i32>} : memref<16x1024xf32, #tpu.memory_space<vmem>>, vector<1x16xf32>,
    } {sc.loop_unroll_factor = 8 : i64, sc.parallel_access}
    %parallel_loop3A_230 = arith.constant 0 : i32
    %parallel_loop3A_231 = arith.constant 1024 : i32
    %parallel_loop3A_232 = arith.constant 16 : i32
    scf.for %parallel_loop3A_274 = %parallel_loop3A_230 to %parallel_loop3A_231 step %parallel_loop3A_232  : i32 {
      %parallel_loop3A_275 = arith.constant 6 : i32
      %parallel_loop3A_276 = arith.index_cast %parallel_loop3A_275 : i32 to index
      %parallel_loop3A_277 = arith.index_cast %parallel_loop3A_274 : i32 to index
      %parallel_loop3A_278 = tpu.vector_load %arg7[%parallel_loop3A_276, %parallel_loop3A_277] {strides = array<i32>} : memref<16x1024xf32, #tpu.memory_space<vmem>>, vector<1x16xf32>,
      %parallel_loop3A_279 = vector.shape_cast %parallel_loop3A_278 : vector<1x16xf32> to vector<16xf32>
      %parallel_loop3A_280 = arith.constant 6 : i32
      %parallel_loop3A_281 = arith.index_cast %parallel_loop3A_280 : i32 to index
      %parallel_loop3A_282 = arith.index_cast %parallel_loop3A_274 : i32 to index
      %parallel_loop3A_283 = tpu.vector_load %arg5[%parallel_loop3A_281, %parallel_loop3A_282] {strides = array<i32>} : memref<16x1024xf32, #tpu.memory_space<vmem>>, vector<1x16xf32>,
      %parallel_loop3A_284 = vector.shape_cast %parallel_loop3A_283 : vector<1x16xf32> to vector<16xf32>
      %parallel_loop3A_285 = arith.addf %parallel_loop3A_279, %parallel_loop3A_284 : vector<16xf32>
      %parallel_loop3A_286 = arith.constant 6 : i32
      %parallel_loop3A_287 = arith.index_cast %parallel_loop3A_286 : i32 to index
      %parallel_loop3A_288 = arith.index_cast %parallel_loop3A_274 : i32 to index
      %parallel_loop3A_289 = tpu.vector_load %arg7[%parallel_loop3A_287, %parallel_loop3A_288] {strides = array<i32>} : memref<16x1024xf32, #tpu.memory_space<vmem>>, vector<1x16xf32>,
      %parallel_loop3A_290 = vector.shape_cast %parallel_loop3A_289 : vector<1x16xf32> to vector<16xf32>
      %parallel_loop3A_291 = vector.shape_cast %parallel_loop3A_285 : vector<16xf32> to vector<1x16xf32>
      tpu.vector_store %arg7[%parallel_loop3A_287, %parallel_loop3A_288], %parallel_loop3A_291 {strides = array<i32>} : memref<16x1024xf32, #tpu.memory_space<vmem>>, vector<1x16xf32>,
    } {sc.loop_unroll_factor = 8 : i64, sc.parallel_access}
    %parallel_loop3A_233 = arith.constant 0 : i32
    %parallel_loop3A_234 = arith.constant 1024 : i32
    %parallel_loop3A_235 = arith.constant 16 : i32
    scf.for %parallel_loop3A_274 = %parallel_loop3A_233 to %parallel_loop3A_234 step %parallel_loop3A_235  : i32 {
      %parallel_loop3A_275 = arith.constant 7 : i32
      %parallel_loop3A_276 = arith.index_cast %parallel_loop3A_275 : i32 to index
      %parallel_loop3A_277 = arith.index_cast %parallel_loop3A_274 : i32 to index
      %parallel_loop3A_278 = tpu.vector_load %arg7[%parallel_loop3A_276, %parallel_loop3A_277] {strides = array<i32>} : memref<16x1024xf32, #tpu.memory_space<vmem>>, vector<1x16xf32>,
      %parallel_loop3A_279 = vector.shape_cast %parallel_loop3A_278 : vector<1x16xf32> to vector<16xf32>
      %parallel_loop3A_280 = arith.constant 7 : i32
      %parallel_loop3A_281 = arith.index_cast %parallel_loop3A_280 : i32 to index
      %parallel_loop3A_282 = arith.index_cast %parallel_loop3A_274 : i32 to index
      %parallel_loop3A_283 = tpu.vector_load %arg5[%parallel_loop3A_281, %parallel_loop3A_282] {strides = array<i32>} : memref<16x1024xf32, #tpu.memory_space<vmem>>, vector<1x16xf32>,
      %parallel_loop3A_284 = vector.shape_cast %parallel_loop3A_283 : vector<1x16xf32> to vector<16xf32>
      %parallel_loop3A_285 = arith.addf %parallel_loop3A_279, %parallel_loop3A_284 : vector<16xf32>
      %parallel_loop3A_286 = arith.constant 7 : i32
      %parallel_loop3A_287 = arith.index_cast %parallel_loop3A_286 : i32 to index
      %parallel_loop3A_288 = arith.index_cast %parallel_loop3A_274 : i32 to index
      %parallel_loop3A_289 = tpu.vector_load %arg7[%parallel_loop3A_287, %parallel_loop3A_288] {strides = array<i32>} : memref<16x1024xf32, #tpu.memory_space<vmem>>, vector<1x16xf32>,
      %parallel_loop3A_290 = vector.shape_cast %parallel_loop3A_289 : vector<1x16xf32> to vector<16xf32>
      %parallel_loop3A_291 = vector.shape_cast %parallel_loop3A_285 : vector<16xf32> to vector<1x16xf32>
      tpu.vector_store %arg7[%parallel_loop3A_287, %parallel_loop3A_288], %parallel_loop3A_291 {strides = array<i32>} : memref<16x1024xf32, #tpu.memory_space<vmem>>, vector<1x16xf32>,
    } {sc.loop_unroll_factor = 8 : i64, sc.parallel_access}
    %parallel_loop3A_236 = arith.constant 0 : i32
    %parallel_loop3A_237 = arith.constant 1024 : i32
    %parallel_loop3A_238 = arith.constant 16 : i32
    scf.for %parallel_loop3A_274 = %parallel_loop3A_236 to %parallel_loop3A_237 step %parallel_loop3A_238  : i32 {
      %parallel_loop3A_275 = arith.constant 8 : i32
      %parallel_loop3A_276 = arith.index_cast %parallel_loop3A_275 : i32 to index
      %parallel_loop3A_277 = arith.index_cast %parallel_loop3A_274 : i32 to index
      %parallel_loop3A_278 = tpu.vector_load %arg7[%parallel_loop3A_276, %parallel_loop3A_277] {strides = array<i32>} : memref<16x1024xf32, #tpu.memory_space<vmem>>, vector<1x16xf32>,
      %parallel_loop3A_279 = vector.shape_cast %parallel_loop3A_278 : vector<1x16xf32> to vector<16xf32>
      %parallel_loop3A_280 = arith.constant 8 : i32
      %parallel_loop3A_281 = arith.index_cast %parallel_loop3A_280 : i32 to index
      %parallel_loop3A_282 = arith.index_cast %parallel_loop3A_274 : i32 to index
      %parallel_loop3A_283 = tpu.vector_load %arg5[%parallel_loop3A_281, %parallel_loop3A_282] {strides = array<i32>} : memref<16x1024xf32, #tpu.memory_space<vmem>>, vector<1x16xf32>,
      %parallel_loop3A_284 = vector.shape_cast %parallel_loop3A_283 : vector<1x16xf32> to vector<16xf32>
      %parallel_loop3A_285 = arith.addf %parallel_loop3A_279, %parallel_loop3A_284 : vector<16xf32>
      %parallel_loop3A_286 = arith.constant 8 : i32
      %parallel_loop3A_287 = arith.index_cast %parallel_loop3A_286 : i32 to index
      %parallel_loop3A_288 = arith.index_cast %parallel_loop3A_274 : i32 to index
      %parallel_loop3A_289 = tpu.vector_load %arg7[%parallel_loop3A_287, %parallel_loop3A_288] {strides = array<i32>} : memref<16x1024xf32, #tpu.memory_space<vmem>>, vector<1x16xf32>,
      %parallel_loop3A_290 = vector.shape_cast %parallel_loop3A_289 : vector<1x16xf32> to vector<16xf32>
      %parallel_loop3A_291 = vector.shape_cast %parallel_loop3A_285 : vector<16xf32> to vector<1x16xf32>
      tpu.vector_store %arg7[%parallel_loop3A_287, %parallel_loop3A_288], %parallel_loop3A_291 {strides = array<i32>} : memref<16x1024xf32, #tpu.memory_space<vmem>>, vector<1x16xf32>,
    } {sc.loop_unroll_factor = 8 : i64, sc.parallel_access}
    %parallel_loop3A_239 = arith.constant 0 : i32
    %parallel_loop3A_240 = arith.constant 1024 : i32
    %parallel_loop3A_241 = arith.constant 16 : i32
    scf.for %parallel_loop3A_274 = %parallel_loop3A_239 to %parallel_loop3A_240 step %parallel_loop3A_241  : i32 {
      %parallel_loop3A_275 = arith.constant 9 : i32
      %parallel_loop3A_276 = arith.index_cast %parallel_loop3A_275 : i32 to index
      %parallel_loop3A_277 = arith.index_cast %parallel_loop3A_274 : i32 to index
      %parallel_loop3A_278 = tpu.vector_load %arg7[%parallel_loop3A_276, %parallel_loop3A_277] {strides = array<i32>} : memref<16x1024xf32, #tpu.memory_space<vmem>>, vector<1x16xf32>,
      %parallel_loop3A_279 = vector.shape_cast %parallel_loop3A_278 : vector<1x16xf32> to vector<16xf32>
      %parallel_loop3A_280 = arith.constant 9 : i32
      %parallel_loop3A_281 = arith.index_cast %parallel_loop3A_280 : i32 to index
      %parallel_loop3A_282 = arith.index_cast %parallel_loop3A_274 : i32 to index
      %parallel_loop3A_283 = tpu.vector_load %arg5[%parallel_loop3A_281, %parallel_loop3A_282] {strides = array<i32>} : memref<16x1024xf32, #tpu.memory_space<vmem>>, vector<1x16xf32>,
      %parallel_loop3A_284 = vector.shape_cast %parallel_loop3A_283 : vector<1x16xf32> to vector<16xf32>
      %parallel_loop3A_285 = arith.addf %parallel_loop3A_279, %parallel_loop3A_284 : vector<16xf32>
      %parallel_loop3A_286 = arith.constant 9 : i32
      %parallel_loop3A_287 = arith.index_cast %parallel_loop3A_286 : i32 to index
      %parallel_loop3A_288 = arith.index_cast %parallel_loop3A_274 : i32 to index
      %parallel_loop3A_289 = tpu.vector_load %arg7[%parallel_loop3A_287, %parallel_loop3A_288] {strides = array<i32>} : memref<16x1024xf32, #tpu.memory_space<vmem>>, vector<1x16xf32>,
      %parallel_loop3A_290 = vector.shape_cast %parallel_loop3A_289 : vector<1x16xf32> to vector<16xf32>
      %parallel_loop3A_291 = vector.shape_cast %parallel_loop3A_285 : vector<16xf32> to vector<1x16xf32>
      tpu.vector_store %arg7[%parallel_loop3A_287, %parallel_loop3A_288], %parallel_loop3A_291 {strides = array<i32>} : memref<16x1024xf32, #tpu.memory_space<vmem>>, vector<1x16xf32>,
    } {sc.loop_unroll_factor = 8 : i64, sc.parallel_access}
    %parallel_loop3A_242 = arith.constant 0 : i32
    %parallel_loop3A_243 = arith.constant 1024 : i32
    %parallel_loop3A_244 = arith.constant 16 : i32
    scf.for %parallel_loop3A_274 = %parallel_loop3A_242 to %parallel_loop3A_243 step %parallel_loop3A_244  : i32 {
      %parallel_loop3A_275 = arith.constant 10 : i32
      %parallel_loop3A_276 = arith.index_cast %parallel_loop3A_275 : i32 to index
      %parallel_loop3A_277 = arith.index_cast %parallel_loop3A_274 : i32 to index
      %parallel_loop3A_278 = tpu.vector_load %arg7[%parallel_loop3A_276, %parallel_loop3A_277] {strides = array<i32>} : memref<16x1024xf32, #tpu.memory_space<vmem>>, vector<1x16xf32>,
      %parallel_loop3A_279 = vector.shape_cast %parallel_loop3A_278 : vector<1x16xf32> to vector<16xf32>
      %parallel_loop3A_280 = arith.constant 10 : i32
      %parallel_loop3A_281 = arith.index_cast %parallel_loop3A_280 : i32 to index
      %parallel_loop3A_282 = arith.index_cast %parallel_loop3A_274 : i32 to index
      %parallel_loop3A_283 = tpu.vector_load %arg5[%parallel_loop3A_281, %parallel_loop3A_282] {strides = array<i32>} : memref<16x1024xf32, #tpu.memory_space<vmem>>, vector<1x16xf32>,
      %parallel_loop3A_284 = vector.shape_cast %parallel_loop3A_283 : vector<1x16xf32> to vector<16xf32>
      %parallel_loop3A_285 = arith.addf %parallel_loop3A_279, %parallel_loop3A_284 : vector<16xf32>
      %parallel_loop3A_286 = arith.constant 10 : i32
      %parallel_loop3A_287 = arith.index_cast %parallel_loop3A_286 : i32 to index
      %parallel_loop3A_288 = arith.index_cast %parallel_loop3A_274 : i32 to index
      %parallel_loop3A_289 = tpu.vector_load %arg7[%parallel_loop3A_287, %parallel_loop3A_288] {strides = array<i32>} : memref<16x1024xf32, #tpu.memory_space<vmem>>, vector<1x16xf32>,
      %parallel_loop3A_290 = vector.shape_cast %parallel_loop3A_289 : vector<1x16xf32> to vector<16xf32>
      %parallel_loop3A_291 = vector.shape_cast %parallel_loop3A_285 : vector<16xf32> to vector<1x16xf32>
      tpu.vector_store %arg7[%parallel_loop3A_287, %parallel_loop3A_288], %parallel_loop3A_291 {strides = array<i32>} : memref<16x1024xf32, #tpu.memory_space<vmem>>, vector<1x16xf32>,
    } {sc.loop_unroll_factor = 8 : i64, sc.parallel_access}
    %parallel_loop3A_245 = arith.constant 0 : i32
    %parallel_loop3A_246 = arith.constant 1024 : i32
    %parallel_loop3A_247 = arith.constant 16 : i32
    scf.for %parallel_loop3A_274 = %parallel_loop3A_245 to %parallel_loop3A_246 step %parallel_loop3A_247  : i32 {
      %parallel_loop3A_275 = arith.constant 11 : i32
      %parallel_loop3A_276 = arith.index_cast %parallel_loop3A_275 : i32 to index
      %parallel_loop3A_277 = arith.index_cast %parallel_loop3A_274 : i32 to index
      %parallel_loop3A_278 = tpu.vector_load %arg7[%parallel_loop3A_276, %parallel_loop3A_277] {strides = array<i32>} : memref<16x1024xf32, #tpu.memory_space<vmem>>, vector<1x16xf32>,
      %parallel_loop3A_279 = vector.shape_cast %parallel_loop3A_278 : vector<1x16xf32> to vector<16xf32>
      %parallel_loop3A_280 = arith.constant 11 : i32
      %parallel_loop3A_281 = arith.index_cast %parallel_loop3A_280 : i32 to index
      %parallel_loop3A_282 = arith.index_cast %parallel_loop3A_274 : i32 to index
      %parallel_loop3A_283 = tpu.vector_load %arg5[%parallel_loop3A_281, %parallel_loop3A_282] {strides = array<i32>} : memref<16x1024xf32, #tpu.memory_space<vmem>>, vector<1x16xf32>,
      %parallel_loop3A_284 = vector.shape_cast %parallel_loop3A_283 : vector<1x16xf32> to vector<16xf32>
      %parallel_loop3A_285 = arith.addf %parallel_loop3A_279, %parallel_loop3A_284 : vector<16xf32>
      %parallel_loop3A_286 = arith.constant 11 : i32
      %parallel_loop3A_287 = arith.index_cast %parallel_loop3A_286 : i32 to index
      %parallel_loop3A_288 = arith.index_cast %parallel_loop3A_274 : i32 to index
      %parallel_loop3A_289 = tpu.vector_load %arg7[%parallel_loop3A_287, %parallel_loop3A_288] {strides = array<i32>} : memref<16x1024xf32, #tpu.memory_space<vmem>>, vector<1x16xf32>,
      %parallel_loop3A_290 = vector.shape_cast %parallel_loop3A_289 : vector<1x16xf32> to vector<16xf32>
      %parallel_loop3A_291 = vector.shape_cast %parallel_loop3A_285 : vector<16xf32> to vector<1x16xf32>
      tpu.vector_store %arg7[%parallel_loop3A_287, %parallel_loop3A_288], %parallel_loop3A_291 {strides = array<i32>} : memref<16x1024xf32, #tpu.memory_space<vmem>>, vector<1x16xf32>,
    } {sc.loop_unroll_factor = 8 : i64, sc.parallel_access}
    %parallel_loop3A_248 = arith.constant 0 : i32
    %parallel_loop3A_249 = arith.constant 1024 : i32
    %parallel_loop3A_250 = arith.constant 16 : i32
    scf.for %parallel_loop3A_274 = %parallel_loop3A_248 to %parallel_loop3A_249 step %parallel_loop3A_250  : i32 {
      %parallel_loop3A_275 = arith.constant 12 : i32
      %parallel_loop3A_276 = arith.index_cast %parallel_loop3A_275 : i32 to index
      %parallel_loop3A_277 = arith.index_cast %parallel_loop3A_274 : i32 to index
      %parallel_loop3A_278 = tpu.vector_load %arg7[%parallel_loop3A_276, %parallel_loop3A_277] {strides = array<i32>} : memref<16x1024xf32, #tpu.memory_space<vmem>>, vector<1x16xf32>,
      %parallel_loop3A_279 = vector.shape_cast %parallel_loop3A_278 : vector<1x16xf32> to vector<16xf32>
      %parallel_loop3A_280 = arith.constant 12 : i32
      %parallel_loop3A_281 = arith.index_cast %parallel_loop3A_280 : i32 to index
      %parallel_loop3A_282 = arith.index_cast %parallel_loop3A_274 : i32 to index
      %parallel_loop3A_283 = tpu.vector_load %arg5[%parallel_loop3A_281, %parallel_loop3A_282] {strides = array<i32>} : memref<16x1024xf32, #tpu.memory_space<vmem>>, vector<1x16xf32>,
      %parallel_loop3A_284 = vector.shape_cast %parallel_loop3A_283 : vector<1x16xf32> to vector<16xf32>
      %parallel_loop3A_285 = arith.addf %parallel_loop3A_279, %parallel_loop3A_284 : vector<16xf32>
      %parallel_loop3A_286 = arith.constant 12 : i32
      %parallel_loop3A_287 = arith.index_cast %parallel_loop3A_286 : i32 to index
      %parallel_loop3A_288 = arith.index_cast %parallel_loop3A_274 : i32 to index
      %parallel_loop3A_289 = tpu.vector_load %arg7[%parallel_loop3A_287, %parallel_loop3A_288] {strides = array<i32>} : memref<16x1024xf32, #tpu.memory_space<vmem>>, vector<1x16xf32>,
      %parallel_loop3A_290 = vector.shape_cast %parallel_loop3A_289 : vector<1x16xf32> to vector<16xf32>
      %parallel_loop3A_291 = vector.shape_cast %parallel_loop3A_285 : vector<16xf32> to vector<1x16xf32>
      tpu.vector_store %arg7[%parallel_loop3A_287, %parallel_loop3A_288], %parallel_loop3A_291 {strides = array<i32>} : memref<16x1024xf32, #tpu.memory_space<vmem>>, vector<1x16xf32>,
    } {sc.loop_unroll_factor = 8 : i64, sc.parallel_access}
    %parallel_loop3A_251 = arith.constant 0 : i32
    %parallel_loop3A_252 = arith.constant 1024 : i32
    %parallel_loop3A_253 = arith.constant 16 : i32
    scf.for %parallel_loop3A_274 = %parallel_loop3A_251 to %parallel_loop3A_252 step %parallel_loop3A_253  : i32 {
      %parallel_loop3A_275 = arith.constant 13 : i32
      %parallel_loop3A_276 = arith.index_cast %parallel_loop3A_275 : i32 to index
      %parallel_loop3A_277 = arith.index_cast %parallel_loop3A_274 : i32 to index
      %parallel_loop3A_278 = tpu.vector_load %arg7[%parallel_loop3A_276, %parallel_loop3A_277] {strides = array<i32>} : memref<16x1024xf32, #tpu.memory_space<vmem>>, vector<1x16xf32>,
      %parallel_loop3A_279 = vector.shape_cast %parallel_loop3A_278 : vector<1x16xf32> to vector<16xf32>
      %parallel_loop3A_280 = arith.constant 13 : i32
      %parallel_loop3A_281 = arith.index_cast %parallel_loop3A_280 : i32 to index
      %parallel_loop3A_282 = arith.index_cast %parallel_loop3A_274 : i32 to index
      %parallel_loop3A_283 = tpu.vector_load %arg5[%parallel_loop3A_281, %parallel_loop3A_282] {strides = array<i32>} : memref<16x1024xf32, #tpu.memory_space<vmem>>, vector<1x16xf32>,
      %parallel_loop3A_284 = vector.shape_cast %parallel_loop3A_283 : vector<1x16xf32> to vector<16xf32>
      %parallel_loop3A_285 = arith.addf %parallel_loop3A_279, %parallel_loop3A_284 : vector<16xf32>
      %parallel_loop3A_286 = arith.constant 13 : i32
      %parallel_loop3A_287 = arith.index_cast %parallel_loop3A_286 : i32 to index
      %parallel_loop3A_288 = arith.index_cast %parallel_loop3A_274 : i32 to index
      %parallel_loop3A_289 = tpu.vector_load %arg7[%parallel_loop3A_287, %parallel_loop3A_288] {strides = array<i32>} : memref<16x1024xf32, #tpu.memory_space<vmem>>, vector<1x16xf32>,
      %parallel_loop3A_290 = vector.shape_cast %parallel_loop3A_289 : vector<1x16xf32> to vector<16xf32>
      %parallel_loop3A_291 = vector.shape_cast %parallel_loop3A_285 : vector<16xf32> to vector<1x16xf32>
      tpu.vector_store %arg7[%parallel_loop3A_287, %parallel_loop3A_288], %parallel_loop3A_291 {strides = array<i32>} : memref<16x1024xf32, #tpu.memory_space<vmem>>, vector<1x16xf32>,
    } {sc.loop_unroll_factor = 8 : i64, sc.parallel_access}
    %parallel_loop3A_254 = arith.constant 0 : i32
    %parallel_loop3A_255 = arith.constant 1024 : i32
    %parallel_loop3A_256 = arith.constant 16 : i32
    scf.for %parallel_loop3A_274 = %parallel_loop3A_254 to %parallel_loop3A_255 step %parallel_loop3A_256  : i32 {
      %parallel_loop3A_275 = arith.constant 14 : i32
      %parallel_loop3A_276 = arith.index_cast %parallel_loop3A_275 : i32 to index
      %parallel_loop3A_277 = arith.index_cast %parallel_loop3A_274 : i32 to index
      %parallel_loop3A_278 = tpu.vector_load %arg7[%parallel_loop3A_276, %parallel_loop3A_277] {strides = array<i32>} : memref<16x1024xf32, #tpu.memory_space<vmem>>, vector<1x16xf32>,
      %parallel_loop3A_279 = vector.shape_cast %parallel_loop3A_278 : vector<1x16xf32> to vector<16xf32>
      %parallel_loop3A_280 = arith.constant 14 : i32
      %parallel_loop3A_281 = arith.index_cast %parallel_loop3A_280 : i32 to index
      %parallel_loop3A_282 = arith.index_cast %parallel_loop3A_274 : i32 to index
      %parallel_loop3A_283 = tpu.vector_load %arg5[%parallel_loop3A_281, %parallel_loop3A_282] {strides = array<i32>} : memref<16x1024xf32, #tpu.memory_space<vmem>>, vector<1x16xf32>,
      %parallel_loop3A_284 = vector.shape_cast %parallel_loop3A_283 : vector<1x16xf32> to vector<16xf32>
      %parallel_loop3A_285 = arith.addf %parallel_loop3A_279, %parallel_loop3A_284 : vector<16xf32>
      %parallel_loop3A_286 = arith.constant 14 : i32
      %parallel_loop3A_287 = arith.index_cast %parallel_loop3A_286 : i32 to index
      %parallel_loop3A_288 = arith.index_cast %parallel_loop3A_274 : i32 to index
      %parallel_loop3A_289 = tpu.vector_load %arg7[%parallel_loop3A_287, %parallel_loop3A_288] {strides = array<i32>} : memref<16x1024xf32, #tpu.memory_space<vmem>>, vector<1x16xf32>,
      %parallel_loop3A_290 = vector.shape_cast %parallel_loop3A_289 : vector<1x16xf32> to vector<16xf32>
      %parallel_loop3A_291 = vector.shape_cast %parallel_loop3A_285 : vector<16xf32> to vector<1x16xf32>
      tpu.vector_store %arg7[%parallel_loop3A_287, %parallel_loop3A_288], %parallel_loop3A_291 {strides = array<i32>} : memref<16x1024xf32, #tpu.memory_space<vmem>>, vector<1x16xf32>,
    } {sc.loop_unroll_factor = 8 : i64, sc.parallel_access}
    %parallel_loop3A_257 = arith.constant 0 : i32
    %parallel_loop3A_258 = arith.constant 1024 : i32
    %parallel_loop3A_259 = arith.constant 16 : i32
    scf.for %parallel_loop3A_274 = %parallel_loop3A_257 to %parallel_loop3A_258 step %parallel_loop3A_259  : i32 {
      %parallel_loop3A_275 = arith.constant 15 : i32
      %parallel_loop3A_276 = arith.index_cast %parallel_loop3A_275 : i32 to index
      %parallel_loop3A_277 = arith.index_cast %parallel_loop3A_274 : i32 to index
      %parallel_loop3A_278 = tpu.vector_load %arg7[%parallel_loop3A_276, %parallel_loop3A_277] {strides = array<i32>} : memref<16x1024xf32, #tpu.memory_space<vmem>>, vector<1x16xf32>,
      %parallel_loop3A_279 = vector.shape_cast %parallel_loop3A_278 : vector<1x16xf32> to vector<16xf32>
      %parallel_loop3A_280 = arith.constant 15 : i32
      %parallel_loop3A_281 = arith.index_cast %parallel_loop3A_280 : i32 to index
      %parallel_loop3A_282 = arith.index_cast %parallel_loop3A_274 : i32 to index
      %parallel_loop3A_283 = tpu.vector_load %arg5[%parallel_loop3A_281, %parallel_loop3A_282] {strides = array<i32>} : memref<16x1024xf32, #tpu.memory_space<vmem>>, vector<1x16xf32>,
      %parallel_loop3A_284 = vector.shape_cast %parallel_loop3A_283 : vector<1x16xf32> to vector<16xf32>
      %parallel_loop3A_285 = arith.addf %parallel_loop3A_279, %parallel_loop3A_284 : vector<16xf32>
      %parallel_loop3A_286 = arith.constant 15 : i32
      %parallel_loop3A_287 = arith.index_cast %parallel_loop3A_286 : i32 to index
      %parallel_loop3A_288 = arith.index_cast %parallel_loop3A_274 : i32 to index
      %parallel_loop3A_289 = tpu.vector_load %arg7[%parallel_loop3A_287, %parallel_loop3A_288] {strides = array<i32>} : memref<16x1024xf32, #tpu.memory_space<vmem>>, vector<1x16xf32>,
      %parallel_loop3A_290 = vector.shape_cast %parallel_loop3A_289 : vector<1x16xf32> to vector<16xf32>
      %parallel_loop3A_291 = vector.shape_cast %parallel_loop3A_285 : vector<16xf32> to vector<1x16xf32>
      tpu.vector_store %arg7[%parallel_loop3A_287, %parallel_loop3A_288], %parallel_loop3A_291 {strides = array<i32>} : memref<16x1024xf32, #tpu.memory_space<vmem>>, vector<1x16xf32>,
    } {sc.loop_unroll_factor = 8 : i64, sc.parallel_access}
    %add3A_260 = arith.constant 12288 : i32
    %add3A_261 = arith.addi %add3A_260, %add3A_4 : i32
    %dma_start3A_262 = arith.constant 0 : i32
    %dma_start3A_263 = tpu.memref_slice %arg4[%add3A_261, %dma_start3A_262] : memref<16384x1024xf32, #tpu.memory_space<hbm>> -> memref<16x1024xf32, #tpu.memory_space<hbm>>
    %dma_start3A_264 = arith.constant 0 : i32
    %dma_start3A_265 = tpu.memref_slice %arg4[%add3A_261, %dma_start3A_264] : memref<16384x1024xf32, #tpu.memory_space<hbm>> -> memref<16x1024xf32, #tpu.memory_space<hbm>>
    tpu.enqueue_dma source(%arg7 : memref<16x1024xf32, #tpu.memory_space<vmem>>) target(%dma_start3A_265 : memref<16x1024xf32, #tpu.memory_space<hbm>>) target_semaphore(%arg11 : memref<!tpu.dma_semaphore, #tpu.memory_space<semaphore_mem>>)
    %dma_wait3A_266 = arith.constant 0 : i32
    %dma_wait3A_267 = tpu.memref_slice %arg4[%add3A_203, %dma_wait3A_266] : memref<16384x1024xf32, #tpu.memory_space<hbm>> -> memref<16x1024xf32, #tpu.memory_space<hbm>>
    %dma_wait3A_268 = arith.constant 0 : i32
    %dma_wait3A_269 = tpu.memref_slice %arg4[%add3A_203, %dma_wait3A_268] : memref<16384x1024xf32, #tpu.memory_space<hbm>> -> memref<16x1024xf32, #tpu.memory_space<hbm>>
    tpu.wait_dma2 semaphore(%arg10 : memref<!tpu.dma_semaphore, #tpu.memory_space<semaphore_mem>>) src(%arg6 : memref<16x1024xf32, #tpu.memory_space<vmem>>) dst(%dma_wait3A_269 : memref<16x1024xf32, #tpu.memory_space<hbm>>)
    %dma_wait3A_270 = arith.constant 0 : i32
    %dma_wait3A_271 = tpu.memref_slice %arg4[%add3A_261, %dma_wait3A_270] : memref<16384x1024xf32, #tpu.memory_space<hbm>> -> memref<16x1024xf32, #tpu.memory_space<hbm>>
    %dma_wait3A_272 = arith.constant 0 : i32
    %dma_wait3A_273 = tpu.memref_slice %arg4[%add3A_261, %dma_wait3A_272] : memref<16384x1024xf32, #tpu.memory_space<hbm>> -> memref<16x1024xf32, #tpu.memory_space<hbm>>
    tpu.wait_dma2 semaphore(%arg11 : memref<!tpu.dma_semaphore, #tpu.memory_space<semaphore_mem>>) src(%arg7 : memref<16x1024xf32, #tpu.memory_space<vmem>>) dst(%dma_wait3A_273 : memref<16x1024xf32, #tpu.memory_space<hbm>>)
    return
  }
}

module attributes {stable_mosaic.version = 14 : i64} {
  func.func @_tc_body(%arg0: i32, %arg1: i32, %arg2: memref<16384x1024xf32, #tpu.memory_space<any>>, %arg3: memref<512x1024xf32, #tpu.memory_space<vmem>>, %arg4: memref<512x1024xf32, #tpu.memory_space<vmem>>, %arg5: memref<512x1024xf32, #tpu.memory_space<vmem>>) attributes {dimension_semantics = [#tpu.dimension_semantics<arbitrary>, #tpu.dimension_semantics<arbitrary>], iteration_bounds = array<i64: 7, 4>, scalar_prefetch = 0 : i64, scratch_operands = 0 : i64, tpu.core_type = #tpu.core_type<tc>, window_params = [{}, {transform_indices = @transform_1, window_bounds = array<i64: 512, 1024>}, {transform_indices = @transform_2, window_bounds = array<i64: 512, 1024>}, {transform_indices = @transform_3, window_bounds = array<i64: 512, 1024>}]} {
    %get3A = arith.constant 0 : index
    %get3A_0 = arith.constant 0 : index
    %get3A_1 = vector.load %arg3[%get3A, %get3A_0] : memref<512x1024xf32, #tpu.memory_space<vmem>>, vector<512x1024xf32>
    %get3A_2 = arith.constant 0 : index
    %get3A_3 = arith.constant 0 : index
    %get3A_4 = vector.load %arg4[%get3A_2, %get3A_3] : memref<512x1024xf32, #tpu.memory_space<vmem>>, vector<512x1024xf32>
    %add3A = arith.addf %get3A_1, %get3A_4 : vector<512x1024xf32>
    %swap3A = arith.constant 0 : index
    %swap3A_5 = arith.constant 0 : index
    %swap3A_6 = vector.load %arg5[%swap3A, %swap3A_5] : memref<512x1024xf32, #tpu.memory_space<vmem>>, vector<512x1024xf32>
    tpu.vector_store %arg5[%swap3A, %swap3A_5], %add3A {strides = array<i32>} : memref<512x1024xf32, #tpu.memory_space<vmem>>, vector<512x1024xf32>,
    return
  }
  func.func @transform_1(%arg0: i32, %arg1: i32) -> (i32, i32) {
    %mul3A = arith.constant 8 : i32
    %mul3A_0 = arith.muli %arg1, %mul3A : i32
    %add3A = arith.addi %mul3A_0, %arg0 : i32
    %c0_i32 = arith.constant 0 : i32
    %c0_i32_1 = arith.constant 0 : i32
    return %add3A, %c0_i32 : i32, i32
  }
  func.func @transform_2(%arg0: i32, %arg1: i32) -> (i32, i32) {
    %c0_i32 = arith.constant 0 : i32
    %c0_i32_0 = arith.constant 0 : i32
    return %arg0, %c0_i32 : i32, i32
  }
  func.func @transform_3(%arg0: i32, %arg1: i32) -> (i32, i32) {
    %mul3A = arith.constant 8 : i32
    %mul3A_0 = arith.muli %arg1, %mul3A : i32
    %add3A = arith.addi %mul3A_0, %arg0 : i32
    %c0_i32 = arith.constant 0 : i32
    %c0_i32_1 = arith.constant 0 : i32
    return %add3A, %c0_i32 : i32, i32
  }
}

</mosaic_0001>

<sc_bundles>
// kernel: kernel.4.cloned.1.call-start
scs
__scs_entry_jumppad:
0x0: {  	(pc) =	sbr.rel $0x88, $3  }
0x1: {  	(tag) =	ssettag $0x0;
	lr =	simm.s32 $0x1  }
0x2: {  	[smem:$0x3F9F] =	sst lr;
	_ =	strace $0xD0000000  }
0x3: {  	_ = 	snop  }
0x4: {  	_ = 	snop  }
0x5: {  	_ = 	snop  }
0x6: {  	_ = 	snop  }
0x7: {  	_ = 	snop  }
__scs_overlays_trampoline_lowered:
0x8: {  	[smem:$0x3FAE] =	sst s0  }
0x9: {  	[smem:$0x3FAF] =	sst s1  }
0xa: {  	[smem:$0x3FB0] =	sst s2  }
0xb: {  	[smem:$0x3FB1] =	sst s3  }
0xc: {  	[smem:$0x3FB2] =	sst s4  }
0xd: {  	[smem:$0x3FB3] =	sst s5  }
0xe: {  	[smem:$0x3FB4] =	sst s6  }
0xf: {  	[smem:$0x3FB5] =	sst s7  }
0x10: {  	[smem:$0x3FB6] =	sst s8  }
0x11: {  	[smem:$0x3FB7] =	sst s9;
	s0 =	simm.s32 @!p0 $0x0  }
0x12: {  	s1 =	sld [smem:$0x3F9D];
	s0 =	simm.s32 @p0 $0x1  }
0x13: {  	[smem:$0x3FB8] =	sst s0;
	s0 =	simm.s32 @!p1 $0x0  }
0x14: {  	s2 =	sld [smem:$0x3F9C];
	s0 =	simm.s32 @p1 $0x1  }
0x15: {  	[smem:$0x3FB9] =	sst s0;
	s0 =	simm.s32 @!p2 $0x0  }
0x16: {  	s3 =	sld [smem:$0x3FDB];
	s0 =	simm.s32 @p2 $0x1  }
0x17: {  	s4 =	simm.s32 $0x1BF5;
	[smem:$0x3FBB] =	sst s0  }
0x18: {  	s0 =	sld [smem:$0x3F9E];
	_ =	swait.ge [sflag:s4], $0x0  }
0x19: {  	s7 =	sld [smem:$0x3F9F]  }
0x1a: {  	s8 =	sadd.s32 $0xFFFFE003, lr  }
0x1b: {  	s9 =	sadd.s32 $0xFFFFFEF7, lr;
	s5 =	simm.s32 $0xFFFFFFFF;
	p2 =	slt.u32 s8, $0xFFFFF086  }
0x1c: {  	p1 =	slt.u32 s9, $0xF7A;
	s5 =	simm.s32 @!p2 $0x0  }
0x1d: {  	s5 =	simm.s32 @p1 $0x1;
	p0 =	seq.s32 s7, s2  }
0x1e: {  	s7 =	smul.u32 @!p0 $0xF7A, s2;
	p2 =	seq.s32 @!p0 s5, $0x0  }
0x1f: {  	s9 =	smul.u32 $0xF7A, s1;
	s8 =	simm.s32 @!p0 $0x1BF5;
	p2 =	por !p2, p0  }
0x20: {  	[sflag:s8] =	ssyncset.s32 @!p0 $0xFFFFF086;
	s6 =	sadd.s32 @!p0 s3, s7;
	s7 =	simm.s32 @!p0 $0x108  }
0x21: {  	s3 =	sadd.s32 s3, s9;
	s6 =	sadd.s32 @!p0 $0x88, s6;
	s7 =	simm.s32 @p2 $0x1082  }
0x22: {  	[simem:s7], [sflag:s8] =	dma.local @!p0 [hbm:s6], $0xF7A  }
0x23: {  	s9 =	sor.u32 $0xD0000000, s2;
	s6 =	simm.s32 $0x108;
	_ =	swait.ge @!p0 [sflag:s8], $0x0  }
0x24: {  	s3 =	sadd.s32 $0x88, s3;
	s6 =	simm.s32 @!p1 $0x1082;
	[sflag:s4] =	ssyncset.s32 $0xFFFFF086  }
0x25: {  	[simem:s6], [sflag:s4] =	dma.local [hbm:s3], $0xF7A  }
0x26: {  	[smem:$0x3F9F] =	sst s1;
	(tag) =	ssettag s2;
	_ =	strace s9  }
0x27: {  	s1 =	sld [smem:$0x3FAF]  }
0x28: {  	s2 =	sld [smem:$0x3FB0]  }
0x29: {  	s4 =	sld [smem:$0x3FB2]  }
0x2a: {  	p0 =	seq.s32 s5, $0x0;
	s5 =	sld [smem:$0x3FB3]  }
0x2b: {  	s6 =	sld [smem:$0x3FB4]  }
0x2c: {  	s7 =	sld [smem:$0x3FB5]  }
0x2d: {  	s3 =	simm.s32 $0x108;
	s8 =	sld [smem:$0x3FB6]  }
0x2e: {  	s3 =	simm.s32 @!p0 $0x1082;
	s9 =	sld [smem:$0x3FB7]  }
0x2f: {  	lr =	sadd.s32 s0, s3;
	s0 =	sld [smem:$0x3FAE]  }
0x30: {  	s3 =	sld [smem:$0x3FB1]  }
0x31: {  	[smem:$0x3FBA] =	sst s10  }
0x32: {  	s10 =	sld [smem:$0x3FB8];
	_ =	sdelay $0x3  }
0x33: {  	p0 =	seq.s32 s10, $0x1;
	s10 =	sld [smem:$0x3FBA];
	_ =	sdelay $0x3  }
0x34: {  	[smem:$0x3FBA] =	sst s10  }
0x35: {  	s10 =	sld [smem:$0x3FB9];
	_ =	sdelay $0x3  }
0x36: {  	p1 =	seq.s32 s10, $0x1;
	s10 =	sld [smem:$0x3FBA];
	_ =	sdelay $0x3  }
0x37: {  	[smem:$0x3FBA] =	sst s10  }
0x38: {  	s10 =	sld [smem:$0x3FBB]  }
0x39: {  	_ = 	snop;
	(pc) =	sbr.ind lr, $3  }
0x3a: {  	_ = 	snop  }
0x3b: {  	_ = 	snop  }
0x3c: {  	p2 =	seq.s32 s10, $0x1;
	s10 =	sld [smem:$0x3FBA]  }
0x3d: {  	_ =	shalt  }
0x3e: {  	_ =	shalt  }
0x3f: {  	_ =	shalt  }
0x40: {  	_ =	shalt  }
0x41: {  	_ =	shalt  }
0x42: {  	_ =	shalt  }
0x43: {  	_ =	shalt  }
0x44: {  	_ =	shalt  }
0x45: {  	_ =	shalt  }
0x46: {  	_ =	shalt  }
0x47: {  	_ =	shalt  }
0x48: {  	_ =	shalt  }
0x49: {  	_ =	shalt  }
0x4a: {  	_ =	shalt  }
0x4b: {  	_ =	shalt  }
0x4c: {  	_ =	shalt  }
0x4d: {  	_ =	shalt  }
0x4e: {  	_ =	shalt  }
0x4f: {  	_ =	shalt  }
0x50: {  	_ =	shalt  }
0x51: {  	_ =	shalt  }
0x52: {  	_ =	shalt  }
0x53: {  	_ =	shalt  }
0x54: {  	_ =	shalt  }
0x55: {  	_ =	shalt  }
0x56: {  	_ =	shalt  }
0x57: {  	_ =	shalt  }
0x58: {  	_ =	shalt  }
0x59: {  	_ =	shalt  }
0x5a: {  	_ =	shalt  }
0x5b: {  	_ =	shalt  }
0x5c: {  	_ =	shalt  }
0x5d: {  	_ =	shalt  }
0x5e: {  	_ =	shalt  }
0x5f: {  	_ =	shalt  }
0x60: {  	_ =	shalt  }
0x61: {  	_ =	shalt  }
0x62: {  	_ =	shalt  }
0x63: {  	_ =	shalt  }
0x64: {  	_ =	shalt  }
0x65: {  	_ =	shalt  }
0x66: {  	_ =	shalt  }
0x67: {  	_ =	shalt  }
0x68: {  	_ =	shalt  }
0x69: {  	_ =	shalt  }
0x6a: {  	_ =	shalt  }
0x6b: {  	_ =	shalt  }
0x6c: {  	_ =	shalt  }
0x6d: {  	_ =	shalt  }
0x6e: {  	_ =	shalt  }
0x6f: {  	_ =	shalt  }
0x70: {  	_ =	shalt  }
0x71: {  	_ =	shalt  }
0x72: {  	_ =	shalt  }
0x73: {  	_ =	shalt  }
0x74: {  	_ =	shalt  }
0x75: {  	_ =	shalt  }
0x76: {  	_ =	shalt  }
0x77: {  	_ =	shalt  }
0x78: {  	_ =	shalt  }
0x79: {  	_ =	shalt  }
0x7a: {  	_ =	shalt  }
0x7b: {  	_ =	shalt  }
0x7c: {  	_ =	shalt  }
0x7d: {  	_ =	shalt  }
0x7e: {  	_ =	shalt  }
0x7f: {  	_ =	shalt  }
0x80: {  	_ =	shalt  }
0x81: {  	_ =	shalt  }
0x82: {  	_ =	shalt  }
0x83: {  	_ =	shalt  }
0x84: {  	_ =	shalt  }
0x85: {  	_ =	shalt  }
0x86: {  	_ =	shalt  }
0x87: {  	_ =	shalt  }
.Lfunc_end0:
.L_simem_size_0:
called_computation_lowered:
.L_overlay_start_0:
0x88: {  	s2 =	sld [smem:$0x3FD9]  }
0x89: {  	s3 =	sld [smem:$0x3FFE];
	_ =	sdelay $0x1  }
0x8a: {  	s1 =	srdreg.scid  }
0x8b: {  	s0 =	sand.u32 $0x1, s1  }
0x8c: {  	s18 =	sshll.u32 s0, $0xA;
	s2 =	sadd.s32 s3, s2  }
0x8d: {  	s2 =	sadd.s32 s2, s18  }
0x8e: {  	[smem:$0x3FC6] =	sst s2  }
0x8f: {  	_ = 	snop  }
0x90: {  	s2 =	sld [smem:$0x3FC9]  }
0x91: {  	s19 =	sld [smem:$0x3FC8]  }
0x92: {  	s4 =	sld [smem:$0x3FD0];
	(tm) =	ssettm $0x1  }
0x93: {  	s5 =	sld [smem:$0x3FFB];
	_ =	sdelay $0x3  }
0x94: {  	_ =	strace s5  }
0x95: {  	s5 =	sld [smem:$0x3FFC];
	_ =	sdelay $0x3  }
0x96: {  	_ =	strace s5  }
0x97: {  	s5 =	sld [smem:$0x3FFD];
	_ =	sdelay $0x3  }
0x98: {  	_ =	strace s5  }
0x99: {  	_ =	strace $0x8FFFFFFF  }
0x9a: {  	s20 =	sld [smem:$0x3FDB];
	_ =	sdelay $0x1  }
0x9b: {  	s6 =	simm.s32 $_scs_section_size  }
0x9c: {  	s7 =	simm.s32 $_size__tile_overlayer_lowered;
	s8 =	simm.s32 $_tile_overlayer_lowered  }
0x9d: {  	s23 =	simm.s32 $0x1BFF;
	s22 =	sshll.u32 s8, $0x1;
	s5 =	sadd.s32 s6, s20  }
0x9e: {  	s9 =	simm.s32 $0x0;
	s21 =	sshll.u32 s7, $0x1;
	s7 =	sadd.s32 s22, s5  }
0x9f: {  	[timem:s9], [sflag:s23] =	dma.local [hbm:s7], s21  }
0xa0: {  	_ =	swait.ge [sflag:s23], s21  }
0xa1: {  	s6 =	ssub.s32 $0x0, s21;
	[sflag:s23] =	ssyncset.done $0x0  }
0xa2: {  	[sflag:s23] =	ssyncadd.s32 s6;
	_ =	sdelay $0x1  }
0xa3: {  	s24 =	simm.s32 $0x1B8B  }
0xa4: {  	_ =	swait.ge [sflag:s24], $0x1  }
0xa5: {  	[sflag:s24] =	ssyncset.done $0x0  }
0xa6: {  	s25 =	simm.s32 $0x1B8E;
	[sflag:s24] =	ssyncadd.s32 $0xFFFFFFFF  }
0xa7: {  	s26 =	simm.s32 $execute0_lowered;
	[smem:$0x3FD2] =	sst s25  }
0xa8: {  	s6 =	sshll.u32 s26, $0x1;
	_ =	strace $0x80000046;
	[dreg:$0x1] =	wrdreg $0xFFFFFFFF  }
0xa9: {  	s28 =	simm.s32 $_size_execute0_lowered;
	s5 =	sadd.s32 s5, s6;
	[dreg:$0x0] =	wrdreg $0x0  }
0xaa: {  	s6 =	sshll.u32 s28, $0x1;
	[dreg:$0x2] =	wrdreg s5  }
0xab: {  	[dreg:$0x3] =	wrdreg s6  }
0xac: {  	[dreg:$0x4] =	wrdreg $0xC0  }
0xad: {  	_ =	task [dreg:s9], $0x5FFFF  }
0xae: {  	[dreg:$0x1] =	wrdreg $0xFFFFFFFF  }
0xaf: {  	[dreg:$0x0] =	wrdreg $0x60  }
0xb0: {  	[dreg:$0x2] =	wrdreg s2  }
0xb1: {  	[dreg:$0x3] =	wrdreg s19  }
0xb2: {  	[dreg:$0x4] =	wrdreg s4  }
0xb3: {  	[dreg:$0x5] =	wrdreg $0x9  }
0xb4: {  	_ =	task.clear_ibuf [dreg:s9], $0x6FFFF;
	_ =	strace $0x90000046  }
0xb5: {  	s29 =	simm.s32 $0x9;
	_ =	strace $0x80000048  }
0xb6: {  	_ =	swait.ge [sflag:s29], $0x1  }
0xb7: {  	[sflag:s29] =	ssyncadd.s32 $0xFFFFFFFF  }
0xb8: {  	_ =	strace $0x90000048  }
0xb9: {  	_ =	sfence  }
0xba: {  	s30 =	sld [smem:$0x0];
	_ =	sdelay $0x2  }
0xbb: {  	s31 =	sshll.u32 s1, $0xD;
	s1 =	sshrl.u32 s1, $0x2  }
0xbc: {  	s3 =	sand.u32 $0x4000, s31;
	s1 =	sadd.s32 s1, s30  }
0xbd: {  	s0 =	sor.u32 s3, s0;
	s1 =	sshll.u32 s1, $0x11  }
0xbe: {  	s0 =	sor.u32 s1, s0  }
0xbf: {  	s0 =	sadd.s32 $0x8F2B, s0  }
0xc0: {  	[sflag:s0] =	ssyncadd.remote.s32 $0x1  }
0xc1: {  	_ =	sfence.sel $0xFFFF  }
0xc2: {  	[dreg:$0x0] =	wrdreg $0xFFFFFFFF;
	(pc) =	sbr.abs _section_cstart, $3  }
0xc3: {  	[dreg:$0x1] =	wrdreg $0xFFFFFFFF  }
0xc4: {  	_ =	task.clear_ibuf [dreg:s9], $0x2FFFF;
	_ =	strace $0x9FFFFFFF  }
0xc5: {  	(tm) =	ssettm $0x7FFFFFFF  }
tec
execute0_lowered:
.L_overlay_start_1:
0x0: {  	(tag) =	ssettag $0x1  }
0x1: {  	s9 =	rddreg [dreg:$0x0]  }
0x2: {  	s5 =	rddreg [dreg:$0x1]  }
0x3: {  	s11 =	rddreg [dreg:$0x2]  }
0x4: {  	s0 =	rddreg [dreg:$0x3];
	s3 =	srdreg.scid  }
0x5: {  	s2 =	simm.s32 $0x0;
	s1 =	stileid.u32;
	s15 =	simm.s32 $0x5  }
0x6: {  	s16 =	simm.s32 $0x1;
	s17 =	simm.s32 $0x3;
	s18 =	simm.s32 $0x2  }
0x7: {  	s19 =	simm.s32 $0x4;
	s20 =	simm.s32 $0x0;
	s3 =	sand.u32 $0x1, s3  }
0x8: {  	[smem:$0x7FF] =	sst s2;
	s4 =	sshll.u32 s1, $0xC;
	s6 =	sshll.u32 s3, $0xB  }
0x9: {  	_ =	strace $0x80000047;
	s3 =	ssub.s32 $0x2, s3;
	s10 =	sor.u32 s6, s4  }
0xa: {  	s31 =	sshrl.u32 s3, $0x1;
	s6 =	sor.u32 $0x70000, s10;
	s8 =	sor.u32 $0xF0000, s10  }
0xb: {  	s12 =	ssub.s32 s3, s31;
	s13 =	sor.u32 $0x170000, s10;
	s14 =	sor.u32 $0x1F0000, s10  }
0xc: {  	s3 =	sadd.s32 s9, s6;
	s4 =	sadd.s32 s9, s8;
	s5 =	sadd.s32 s5, s6  }
0xd: {  	s6 =	sadd.s32 s11, s6;
	s7 =	sadd.s32 s9, s13;
	s8 =	sadd.s32 s11, s8  }
0xe: {  	s9 =	sadd.s32 s9, s14;
	s10 =	sadd.s32 s11, s13;
	s11 =	sadd.s32 s11, s14  }
0xf: {  	s12 =	smax.u32 s12, $0x1;
	s13 =	simm.s32 $0x4000;
	s14 =	simm.s32 $0x8000  }
.LBB2_1:
0x10: {  	[tilespmem:s13], [sflag:$0x1] =	stream.linear.gather [hbm4b:s3+s2], $0x4000, $0x38;
	[tilespmem:$0xC000] =	vst v63  }
0x11: {  	_ = 	snop  }
0x12: {  	[tilespmem:s14], [sflag:$0x2] =	stream.linear.gather [hbm4b:s4+s2], $0x4000, $0x38;
	[tilespmem:$0xC000] =	vst v63  }
0x13: {  	_ = 	snop  }
0x14: {  	[tilespmem:s2], [sflag:$0x5] =	stream.linear.gather [hbm4b:s5+s2], $0x4000, $0x38;
	[tilespmem:$0xC000] =	vst v63  }
0x15: {  	_ =	swait.ge [sflag:s15], $0x4000  }
0x16: {  	[sflag:s15] =	ssyncset.done $0x0  }
0x17: {  	[sflag:s15] =	ssyncadd.s32 $0xFFFFC000  }
0x18: {  	_ =	swait.ge [sflag:s16], $0x4000  }
0x19: {  	[sflag:s16] =	ssyncset.done $0x0  }
0x1a: {  	s22 =	simm.s32 $0x4040;
	[sflag:s16] =	ssyncadd.s32 $0xFFFFC000  }
0x1b: {  	s24 =	simm.s32 $0x40;
	v1 =	vld [tilespmem:s22+$0x30]  }
0x1c: {  	v2 =	vld [tilespmem:s24+$0x30]  }
0x1d: {  	v0 =	vld [tilespmem:s24+$0xFFFFFFC0]  }
0x1e: {  	v3 =	vld [tilespmem:s22+$0xFFFFFFD0]  }
0x1f: {  	v4 =	vld [tilespmem:s24+$0xFFFFFFD0]  }
0x20: {  	v5 =	vld [tilespmem:s22+$0xFFFFFFE0]  }
0x21: {  	v6 =	vld [tilespmem:s24+$0xFFFFFFE0]  }
0x22: {  	v7 =	vld [tilespmem:s22+$0xFFFFFFF0]  }
0x23: {  	v8 =	vld [tilespmem:s24+$0xFFFFFFF0]  }
0x24: {  	v9 =	vld [tilespmem:s22+$0x0]  }
0x25: {  	v10 =	vld [tilespmem:s24+$0x0];
	v2 =	vadd.f32 v2, v1  }
0x26: {  	v4 =	vadd.f32 v4, v3;
	v1 =	vld [tilespmem:s22+$0x10]  }
0x27: {  	v5 =	vadd.f32 v6, v5;
	v3 =	vld [tilespmem:s24+$0x10];
	[tilespmem:s22+$0x30] =	vst v2  }
0x28: {  	v6 =	vadd.f32 v8, v7;
	[tilespmem:s22+$0xFFFFFFD0] =	vst v4;
	v2 =	vld [tilespmem:s22+$0x20]  }
0x29: {  	s25 =	simm.s32 $0x0;
	[tilespmem:s22+$0xFFFFFFE0] =	vst v5;
	v4 =	vld [tilespmem:s24+$0x20]  }
0x2a: {  	s23 =	simm.s32 $0xF0;
	s21 =	simm.s32 $0x40F0;
	s26 =	simm.s32 $0x4440;
	v5 =	vld [tilespmem:s22+$0xFFFFFFC0];
	[tilespmem:s22+$0xFFFFFFF0] =	vst v6;
	v6 =	vadd.f32 v10, v9  }
.LBB2_2:
0x2b: {  	v7 =	vld [tilespmem:s26+$0x30];
	s24 =	sadd.s32 $0x400, s24  }
0x2c: {  	s25 =	sadd.s32 $0x80, s25;
	v8 =	vld [tilespmem:s24+$0x30];
	[tilespmem:s22+$0x0] =	vst v6;
	v1 =	vadd.f32 v3, v1  }
0x2d: {  	p0 =	slt.u32 s25, $0x380;
	v3 =	vld [tilespmem:s24+$0xFFFFFFC0]  }
0x2e: {  	v6 =	vld [tilespmem:s26+$0xFFFFFFD0];
	[tilespmem:s22+$0x10] =	vst v1;
	v1 =	vadd.f32 v4, v2  }
0x2f: {  	v2 =	vld [tilespmem:s24+$0xFFFFFFD0];
	v9 =	vadd.f32 v0, v5  }
0x30: {  	v4 =	vld [tilespmem:s26+$0xFFFFFFE0];
	[tilespmem:s22+$0x20] =	vst v1  }
0x31: {  	v1 =	vld [tilespmem:s24+$0xFFFFFFE0];
	v5 =	vadd.f32 v8, v7;
	[tilespmem:s22+$0xFFFFFFC0] =	vst v9;
	s22 =	smov.u32 s26  }
0x32: {  	v7 =	vld [tilespmem:s26+$0xFFFFFFF0];
	v0 =	vmov v3  }
0x33: {  	v8 =	vld [tilespmem:s24+$0xFFFFFFF0];
	[tilespmem:s26+$0x30] =	vst v5  }
0x34: {  	v2 =	vadd.f32 v2, v6;
	v6 =	vld [tilespmem:s26+$0x0]  }
0x35: {  	v9 =	vld [tilespmem:s24+$0x0]  }
.Ltmp0:
0x36: {  	[tilespmem:s26+$0xFFFFFFD0] =	vst v2;
	v2 =	vadd.f32 v1, v4;
	v1 =	vld [tilespmem:s26+$0x10];
	(pc) =	sbr.rel @p0 .LBB2_2-.Ltmp0, $4  }
0x37: {  	v3 =	vld [tilespmem:s24+$0x10]  }
0x38: {  	[tilespmem:s26+$0xFFFFFFE0] =	vst v2;
	v7 =	vadd.f32 v8, v7;
	v2 =	vld [tilespmem:s26+$0x20]  }
0x39: {  	v4 =	vld [tilespmem:s24+$0x20]  }
0x3a: {  	s26 =	sadd.s32 $0x400, s26;
	v5 =	vld [tilespmem:s22+$0xFFFFFFC0];
	[tilespmem:s22+$0xFFFFFFF0] =	vst v7;
	v6 =	vadd.f32 v9, v6  }
0x3b: {  	_ =	sdelay $0x1  }
0x3c: {  	v1 =	vadd.f32 v3, v1  }
0x3d: {  	[tilespmem:s22+$0x0] =	vst v6;
	v2 =	vadd.f32 v4, v2  }
0x3e: {  	[tilespmem:s22+$0x10] =	vst v1;
	v0 =	vadd.f32 v0, v5  }
0x3f: {  	[tilespmem:s22+$0x20] =	vst v2  }
0x40: {  	[tilespmem:s22+$0xFFFFFFC0] =	vst v0  }
0x41: {  	v1 =	vld [tilespmem:s21+$0x0]  }
0x42: {  	v2 =	vld [tilespmem:s23+$0x0]  }
0x43: {  	v0 =	vld [tilespmem:s23+$0xFFFFFF90]  }
0x44: {  	v3 =	vld [tilespmem:s21+$0xFFFFFFA0]  }
0x45: {  	v4 =	vld [tilespmem:s23+$0xFFFFFFA0]  }
0x46: {  	v5 =	vld [tilespmem:s21+$0xFFFFFFB0]  }
0x47: {  	v6 =	vld [tilespmem:s23+$0xFFFFFFB0]  }
0x48: {  	v7 =	vld [tilespmem:s21+$0xFFFFFFC0]  }
0x49: {  	v8 =	vld [tilespmem:s23+$0xFFFFFFC0]  }
0x4a: {  	v9 =	vld [tilespmem:s21+$0xFFFFFFD0]  }
0x4b: {  	v10 =	vld [tilespmem:s23+$0xFFFFFFD0];
	v2 =	vadd.f32 v2, v1  }
0x4c: {  	v4 =	vadd.f32 v4, v3;
	v1 =	vld [tilespmem:s21+$0xFFFFFFE0]  }
0x4d: {  	v5 =	vadd.f32 v6, v5;
	v3 =	vld [tilespmem:s23+$0xFFFFFFE0];
	[tilespmem:s21+$0x0] =	vst v2  }
0x4e: {  	v6 =	vadd.f32 v8, v7;
	[tilespmem:s21+$0xFFFFFFA0] =	vst v4;
	v2 =	vld [tilespmem:s21+$0xFFFFFFF0]  }
0x4f: {  	s25 =	simm.s32 $0x0;
	[tilespmem:s21+$0xFFFFFFB0] =	vst v5;
	v4 =	vld [tilespmem:s23+$0xFFFFFFF0]  }
0x50: {  	s24 =	simm.s32 $0x170;
	s26 =	simm.s32 $0x44F0;
	s22 =	simm.s32 $0x4170;
	v5 =	vld [tilespmem:s21+$0xFFFFFF90];
	[tilespmem:s21+$0xFFFFFFC0] =	vst v6;
	v6 =	vadd.f32 v10, v9  }
.LBB2_4:
0x51: {  	v7 =	vld [tilespmem:s26+$0x0];
	s23 =	sadd.s32 $0x400, s23  }
0x52: {  	s25 =	sadd.s32 $0x80, s25;
	v8 =	vld [tilespmem:s23+$0x0];
	[tilespmem:s21+$0xFFFFFFD0] =	vst v6;
	v1 =	vadd.f32 v3, v1  }
0x53: {  	p0 =	slt.u32 s25, $0x380;
	v3 =	vld [tilespmem:s23+$0xFFFFFF90]  }
0x54: {  	v6 =	vld [tilespmem:s26+$0xFFFFFFA0];
	[tilespmem:s21+$0xFFFFFFE0] =	vst v1;
	v1 =	vadd.f32 v4, v2  }
0x55: {  	v2 =	vld [tilespmem:s23+$0xFFFFFFA0];
	v9 =	vadd.f32 v0, v5  }
0x56: {  	v4 =	vld [tilespmem:s26+$0xFFFFFFB0];
	[tilespmem:s21+$0xFFFFFFF0] =	vst v1  }
0x57: {  	v1 =	vld [tilespmem:s23+$0xFFFFFFB0];
	v5 =	vadd.f32 v8, v7;
	[tilespmem:s21+$0xFFFFFF90] =	vst v9;
	s21 =	smov.u32 s26  }
0x58: {  	v7 =	vld [tilespmem:s26+$0xFFFFFFC0];
	v0 =	vmov v3  }
0x59: {  	v8 =	vld [tilespmem:s23+$0xFFFFFFC0];
	[tilespmem:s26+$0x0] =	vst v5  }
0x5a: {  	v2 =	vadd.f32 v2, v6;
	v6 =	vld [tilespmem:s26+$0xFFFFFFD0]  }
0x5b: {  	v9 =	vld [tilespmem:s23+$0xFFFFFFD0]  }
.Ltmp1:
0x5c: {  	[tilespmem:s26+$0xFFFFFFA0] =	vst v2;
	v2 =	vadd.f32 v1, v4;
	v1 =	vld [tilespmem:s26+$0xFFFFFFE0];
	(pc) =	sbr.rel @p0 .LBB2_4-.Ltmp1, $4  }
0x5d: {  	v3 =	vld [tilespmem:s23+$0xFFFFFFE0]  }
0x5e: {  	[tilespmem:s26+$0xFFFFFFB0] =	vst v2;
	v7 =	vadd.f32 v8, v7;
	v2 =	vld [tilespmem:s26+$0xFFFFFFF0]  }
0x5f: {  	v4 =	vld [tilespmem:s23+$0xFFFFFFF0]  }
0x60: {  	s26 =	sadd.s32 $0x400, s26;
	v5 =	vld [tilespmem:s21+$0xFFFFFF90];
	[tilespmem:s21+$0xFFFFFFC0] =	vst v7;
	v6 =	vadd.f32 v9, v6  }
0x61: {  	_ =	sdelay $0x1  }
0x62: {  	v1 =	vadd.f32 v3, v1  }
0x63: {  	[tilespmem:s21+$0xFFFFFFD0] =	vst v6;
	v2 =	vadd.f32 v4, v2  }
0x64: {  	[tilespmem:s21+$0xFFFFFFE0] =	vst v1;
	v0 =	vadd.f32 v0, v5  }
0x65: {  	[tilespmem:s21+$0xFFFFFFF0] =	vst v2  }
0x66: {  	[tilespmem:s21+$0xFFFFFF90] =	vst v0  }
0x67: {  	v1 =	vld [tilespmem:s22+$0x0]  }
0x68: {  	v2 =	vld [tilespmem:s24+$0x0]  }
0x69: {  	v0 =	vld [tilespmem:s24+$0xFFFFFF90]  }
0x6a: {  	v3 =	vld [tilespmem:s22+$0xFFFFFFA0]  }
0x6b: {  	v4 =	vld [tilespmem:s24+$0xFFFFFFA0]  }
0x6c: {  	v5 =	vld [tilespmem:s22+$0xFFFFFFB0]  }
0x6d: {  	v6 =	vld [tilespmem:s24+$0xFFFFFFB0]  }
0x6e: {  	v7 =	vld [tilespmem:s22+$0xFFFFFFC0]  }
0x6f: {  	v8 =	vld [tilespmem:s24+$0xFFFFFFC0]  }
0x70: {  	v9 =	vld [tilespmem:s22+$0xFFFFFFD0]  }
0x71: {  	v10 =	vld [tilespmem:s24+$0xFFFFFFD0];
	v2 =	vadd.f32 v2, v1  }
0x72: {  	v4 =	vadd.f32 v4, v3;
	v1 =	vld [tilespmem:s22+$0xFFFFFFE0]  }
0x73: {  	v5 =	vadd.f32 v6, v5;
	v3 =	vld [tilespmem:s24+$0xFFFFFFE0];
	[tilespmem:s22+$0x0] =	vst v2  }
0x74: {  	v6 =	vadd.f32 v8, v7;
	[tilespmem:s22+$0xFFFFFFA0] =	vst v4;
	v2 =	vld [tilespmem:s22+$0xFFFFFFF0]  }
0x75: {  	s25 =	simm.s32 $0x0;
	[tilespmem:s22+$0xFFFFFFB0] =	vst v5;
	v4 =	vld [tilespmem:s24+$0xFFFFFFF0]  }
0x76: {  	s23 =	simm.s32 $0x1F0;
	s26 =	simm.s32 $0x4570;
	s21 =	simm.s32 $0x41F0;
	v5 =	vld [tilespmem:s22+$0xFFFFFF90];
	[tilespmem:s22+$0xFFFFFFC0] =	vst v6;
	v6 =	vadd.f32 v10, v9  }
.LBB2_6:
0x77: {  	v7 =	vld [tilespmem:s26+$0x0];
	s24 =	sadd.s32 $0x400, s24  }
0x78: {  	s25 =	sadd.s32 $0x80, s25;
	v8 =	vld [tilespmem:s24+$0x0];
	[tilespmem:s22+$0xFFFFFFD0] =	vst v6;
	v1 =	vadd.f32 v3, v1  }
0x79: {  	p0 =	slt.u32 s25, $0x380;
	v3 =	vld [tilespmem:s24+$0xFFFFFF90]  }
0x7a: {  	v6 =	vld [tilespmem:s26+$0xFFFFFFA0];
	[tilespmem:s22+$0xFFFFFFE0] =	vst v1;
	v1 =	vadd.f32 v4, v2  }
0x7b: {  	v2 =	vld [tilespmem:s24+$0xFFFFFFA0];
	v9 =	vadd.f32 v0, v5  }
0x7c: {  	v4 =	vld [tilespmem:s26+$0xFFFFFFB0];
	[tilespmem:s22+$0xFFFFFFF0] =	vst v1  }
0x7d: {  	v1 =	vld [tilespmem:s24+$0xFFFFFFB0];
	v5 =	vadd.f32 v8, v7;
	[tilespmem:s22+$0xFFFFFF90] =	vst v9;
	s22 =	smov.u32 s26  }
0x7e: {  	v7 =	vld [tilespmem:s26+$0xFFFFFFC0];
	v0 =	vmov v3  }
0x7f: {  	v8 =	vld [tilespmem:s24+$0xFFFFFFC0];
	[tilespmem:s26+$0x0] =	vst v5  }
0x80: {  	v2 =	vadd.f32 v2, v6;
	v6 =	vld [tilespmem:s26+$0xFFFFFFD0]  }
0x81: {  	v9 =	vld [tilespmem:s24+$0xFFFFFFD0]  }
.Ltmp2:
0x82: {  	[tilespmem:s26+$0xFFFFFFA0] =	vst v2;
	v2 =	vadd.f32 v1, v4;
	v1 =	vld [tilespmem:s26+$0xFFFFFFE0];
	(pc) =	sbr.rel @p0 .LBB2_6-.Ltmp2, $4  }
0x83: {  	v3 =	vld [tilespmem:s24+$0xFFFFFFE0]  }
0x84: {  	[tilespmem:s26+$0xFFFFFFB0] =	vst v2;
	v7 =	vadd.f32 v8, v7;
	v2 =	vld [tilespmem:s26+$0xFFFFFFF0]  }
0x85: {  	v4 =	vld [tilespmem:s24+$0xFFFFFFF0]  }
0x86: {  	s26 =	sadd.s32 $0x400, s26;
	v5 =	vld [tilespmem:s22+$0xFFFFFF90];
	[tilespmem:s22+$0xFFFFFFC0] =	vst v7;
	v6 =	vadd.f32 v9, v6  }
0x87: {  	_ =	sdelay $0x1  }
0x88: {  	v1 =	vadd.f32 v3, v1  }
0x89: {  	[tilespmem:s22+$0xFFFFFFD0] =	vst v6;
	v2 =	vadd.f32 v4, v2  }
0x8a: {  	[tilespmem:s22+$0xFFFFFFE0] =	vst v1;
	v0 =	vadd.f32 v0, v5  }
0x8b: {  	[tilespmem:s22+$0xFFFFFFF0] =	vst v2  }
0x8c: {  	[tilespmem:s22+$0xFFFFFF90] =	vst v0  }
0x8d: {  	v1 =	vld [tilespmem:s21+$0x0]  }
0x8e: {  	v2 =	vld [tilespmem:s23+$0x0]  }
0x8f: {  	v0 =	vld [tilespmem:s23+$0xFFFFFF90]  }
0x90: {  	v3 =	vld [tilespmem:s21+$0xFFFFFFA0]  }
0x91: {  	v4 =	vld [tilespmem:s23+$0xFFFFFFA0]  }
0x92: {  	v5 =	vld [tilespmem:s21+$0xFFFFFFB0]  }
0x93: {  	v6 =	vld [tilespmem:s23+$0xFFFFFFB0]  }
0x94: {  	v7 =	vld [tilespmem:s21+$0xFFFFFFC0]  }
0x95: {  	v8 =	vld [tilespmem:s23+$0xFFFFFFC0]  }
0x96: {  	v9 =	vld [tilespmem:s21+$0xFFFFFFD0]  }
0x97: {  	v10 =	vld [tilespmem:s23+$0xFFFFFFD0];
	v2 =	vadd.f32 v2, v1  }
0x98: {  	v4 =	vadd.f32 v4, v3;
	v1 =	vld [tilespmem:s21+$0xFFFFFFE0]  }
0x99: {  	v5 =	vadd.f32 v6, v5;
	v3 =	vld [tilespmem:s23+$0xFFFFFFE0];
	[tilespmem:s21+$0x0] =	vst v2  }
0x9a: {  	v6 =	vadd.f32 v8, v7;
	[tilespmem:s21+$0xFFFFFFA0] =	vst v4;
	v2 =	vld [tilespmem:s21+$0xFFFFFFF0]  }
0x9b: {  	s25 =	simm.s32 $0x0;
	[tilespmem:s21+$0xFFFFFFB0] =	vst v5;
	v4 =	vld [tilespmem:s23+$0xFFFFFFF0]  }
0x9c: {  	s24 =	simm.s32 $0x270;
	s26 =	simm.s32 $0x45F0;
	s22 =	simm.s32 $0x4270;
	v5 =	vld [tilespmem:s21+$0xFFFFFF90];
	[tilespmem:s21+$0xFFFFFFC0] =	vst v6;
	v6 =	vadd.f32 v10, v9  }
.LBB2_8:
0x9d: {  	v7 =	vld [tilespmem:s26+$0x0];
	s23 =	sadd.s32 $0x400, s23  }
0x9e: {  	s25 =	sadd.s32 $0x80, s25;
	v8 =	vld [tilespmem:s23+$0x0];
	[tilespmem:s21+$0xFFFFFFD0] =	vst v6;
	v1 =	vadd.f32 v3, v1  }
0x9f: {  	p0 =	slt.u32 s25, $0x380;
	v3 =	vld [tilespmem:s23+$0xFFFFFF90]  }
0xa0: {  	v6 =	vld [tilespmem:s26+$0xFFFFFFA0];
	[tilespmem:s21+$0xFFFFFFE0] =	vst v1;
	v1 =	vadd.f32 v4, v2  }
0xa1: {  	v2 =	vld [tilespmem:s23+$0xFFFFFFA0];
	v9 =	vadd.f32 v0, v5  }
0xa2: {  	v4 =	vld [tilespmem:s26+$0xFFFFFFB0];
	[tilespmem:s21+$0xFFFFFFF0] =	vst v1  }
0xa3: {  	v1 =	vld [tilespmem:s23+$0xFFFFFFB0];
	v5 =	vadd.f32 v8, v7;
	[tilespmem:s21+$0xFFFFFF90] =	vst v9;
	s21 =	smov.u32 s26  }
0xa4: {  	v7 =	vld [tilespmem:s26+$0xFFFFFFC0];
	v0 =	vmov v3  }
0xa5: {  	v8 =	vld [tilespmem:s23+$0xFFFFFFC0];
	[tilespmem:s26+$0x0] =	vst v5  }
0xa6: {  	v2 =	vadd.f32 v2, v6;
	v6 =	vld [tilespmem:s26+$0xFFFFFFD0]  }
0xa7: {  	v9 =	vld [tilespmem:s23+$0xFFFFFFD0]  }
.Ltmp3:
0xa8: {  	[tilespmem:s26+$0xFFFFFFA0] =	vst v2;
	v2 =	vadd.f32 v1, v4;
	v1 =	vld [tilespmem:s26+$0xFFFFFFE0];
	(pc) =	sbr.rel @p0 .LBB2_8-.Ltmp3, $4  }
0xa9: {  	v3 =	vld [tilespmem:s23+$0xFFFFFFE0]  }
0xaa: {  	[tilespmem:s26+$0xFFFFFFB0] =	vst v2;
	v7 =	vadd.f32 v8, v7;
	v2 =	vld [tilespmem:s26+$0xFFFFFFF0]  }
0xab: {  	v4 =	vld [tilespmem:s23+$0xFFFFFFF0]  }
0xac: {  	s26 =	sadd.s32 $0x400, s26;
	v5 =	vld [tilespmem:s21+$0xFFFFFF90];
	[tilespmem:s21+$0xFFFFFFC0] =	vst v7;
	v6 =	vadd.f32 v9, v6  }
0xad: {  	_ =	sdelay $0x1  }
0xae: {  	v1 =	vadd.f32 v3, v1  }
0xaf: {  	[tilespmem:s21+$0xFFFFFFD0] =	vst v6;
	v2 =	vadd.f32 v4, v2  }
0xb0: {  	[tilespmem:s21+$0xFFFFFFE0] =	vst v1;
	v0 =	vadd.f32 v0, v5  }
0xb1: {  	[tilespmem:s21+$0xFFFFFFF0] =	vst v2  }
0xb2: {  	[tilespmem:s21+$0xFFFFFF90] =	vst v0  }
0xb3: {  	v1 =	vld [tilespmem:s22+$0x0]  }
0xb4: {  	v2 =	vld [tilespmem:s24+$0x0]  }
0xb5: {  	v0 =	vld [tilespmem:s24+$0xFFFFFF90]  }
0xb6: {  	v3 =	vld [tilespmem:s22+$0xFFFFFFA0]  }
0xb7: {  	v4 =	vld [tilespmem:s24+$0xFFFFFFA0]  }
0xb8: {  	v5 =	vld [tilespmem:s22+$0xFFFFFFB0]  }
0xb9: {  	v6 =	vld [tilespmem:s24+$0xFFFFFFB0]  }
0xba: {  	v7 =	vld [tilespmem:s22+$0xFFFFFFC0]  }
0xbb: {  	v8 =	vld [tilespmem:s24+$0xFFFFFFC0]  }
0xbc: {  	v9 =	vld [tilespmem:s22+$0xFFFFFFD0]  }
0xbd: {  	v10 =	vld [tilespmem:s24+$0xFFFFFFD0];
	v2 =	vadd.f32 v2, v1  }
0xbe: {  	v4 =	vadd.f32 v4, v3;
	v1 =	vld [tilespmem:s22+$0xFFFFFFE0]  }
0xbf: {  	v5 =	vadd.f32 v6, v5;
	v3 =	vld [tilespmem:s24+$0xFFFFFFE0];
	[tilespmem:s22+$0x0] =	vst v2  }
0xc0: {  	v6 =	vadd.f32 v8, v7;
	[tilespmem:s22+$0xFFFFFFA0] =	vst v4;
	v2 =	vld [tilespmem:s22+$0xFFFFFFF0]  }
0xc1: {  	s25 =	simm.s32 $0x0;
	[tilespmem:s22+$0xFFFFFFB0] =	vst v5;
	v4 =	vld [tilespmem:s24+$0xFFFFFFF0]  }
0xc2: {  	s23 =	simm.s32 $0x2F0;
	s26 =	simm.s32 $0x4670;
	s21 =	simm.s32 $0x42F0;
	v5 =	vld [tilespmem:s22+$0xFFFFFF90];
	[tilespmem:s22+$0xFFFFFFC0] =	vst v6;
	v6 =	vadd.f32 v10, v9  }
.LBB2_10:
0xc3: {  	v7 =	vld [tilespmem:s26+$0x0];
	s24 =	sadd.s32 $0x400, s24  }
0xc4: {  	s25 =	sadd.s32 $0x80, s25;
	v8 =	vld [tilespmem:s24+$0x0];
	[tilespmem:s22+$0xFFFFFFD0] =	vst v6;
	v1 =	vadd.f32 v3, v1  }
0xc5: {  	p0 =	slt.u32 s25, $0x380;
	v3 =	vld [tilespmem:s24+$0xFFFFFF90]  }
0xc6: {  	v6 =	vld [tilespmem:s26+$0xFFFFFFA0];
	[tilespmem:s22+$0xFFFFFFE0] =	vst v1;
	v1 =	vadd.f32 v4, v2  }
0xc7: {  	v2 =	vld [tilespmem:s24+$0xFFFFFFA0];
	v9 =	vadd.f32 v0, v5  }
0xc8: {  	v4 =	vld [tilespmem:s26+$0xFFFFFFB0];
	[tilespmem:s22+$0xFFFFFFF0] =	vst v1  }
0xc9: {  	v1 =	vld [tilespmem:s24+$0xFFFFFFB0];
	v5 =	vadd.f32 v8, v7;
	[tilespmem:s22+$0xFFFFFF90] =	vst v9;
	s22 =	smov.u32 s26  }
0xca: {  	v7 =	vld [tilespmem:s26+$0xFFFFFFC0];
	v0 =	vmov v3  }
0xcb: {  	v8 =	vld [tilespmem:s24+$0xFFFFFFC0];
	[tilespmem:s26+$0x0] =	vst v5  }
0xcc: {  	v2 =	vadd.f32 v2, v6;
	v6 =	vld [tilespmem:s26+$0xFFFFFFD0]  }
0xcd: {  	v9 =	vld [tilespmem:s24+$0xFFFFFFD0]  }
.Ltmp4:
0xce: {  	[tilespmem:s26+$0xFFFFFFA0] =	vst v2;
	v2 =	vadd.f32 v1, v4;
	v1 =	vld [tilespmem:s26+$0xFFFFFFE0];
	(pc) =	sbr.rel @p0 .LBB2_10-.Ltmp4, $4  }
0xcf: {  	v3 =	vld [tilespmem:s24+$0xFFFFFFE0]  }
0xd0: {  	[tilespmem:s26+$0xFFFFFFB0] =	vst v2;
	v7 =	vadd.f32 v8, v7;
	v2 =	vld [tilespmem:s26+$0xFFFFFFF0]  }
0xd1: {  	v4 =	vld [tilespmem:s24+$0xFFFFFFF0]  }
0xd2: {  	s26 =	sadd.s32 $0x400, s26;
	v5 =	vld [tilespmem:s22+$0xFFFFFF90];
	[tilespmem:s22+$0xFFFFFFC0] =	vst v7;
	v6 =	vadd.f32 v9, v6  }
0xd3: {  	_ =	sdelay $0x1  }
0xd4: {  	v1 =	vadd.f32 v3, v1  }
0xd5: {  	[tilespmem:s22+$0xFFFFFFD0] =	vst v6;
	v2 =	vadd.f32 v4, v2  }
0xd6: {  	[tilespmem:s22+$0xFFFFFFE0] =	vst v1;
	v0 =	vadd.f32 v0, v5  }
0xd7: {  	[tilespmem:s22+$0xFFFFFFF0] =	vst v2  }
0xd8: {  	[tilespmem:s22+$0xFFFFFF90] =	vst v0  }
0xd9: {  	v1 =	vld [tilespmem:s21+$0x0]  }
0xda: {  	v2 =	vld [tilespmem:s23+$0x0]  }
0xdb: {  	v0 =	vld [tilespmem:s23+$0xFFFFFF90]  }
0xdc: {  	v3 =	vld [tilespmem:s21+$0xFFFFFFA0]  }
0xdd: {  	v4 =	vld [tilespmem:s23+$0xFFFFFFA0]  }
0xde: {  	v5 =	vld [tilespmem:s21+$0xFFFFFFB0]  }
0xdf: {  	v6 =	vld [tilespmem:s23+$0xFFFFFFB0]  }
0xe0: {  	v7 =	vld [tilespmem:s21+$0xFFFFFFC0]  }
0xe1: {  	v8 =	vld [tilespmem:s23+$0xFFFFFFC0]  }
0xe2: {  	v9 =	vld [tilespmem:s21+$0xFFFFFFD0]  }
0xe3: {  	v10 =	vld [tilespmem:s23+$0xFFFFFFD0];
	v2 =	vadd.f32 v2, v1  }
0xe4: {  	v4 =	vadd.f32 v4, v3;
	v1 =	vld [tilespmem:s21+$0xFFFFFFE0]  }
0xe5: {  	v5 =	vadd.f32 v6, v5;
	v3 =	vld [tilespmem:s23+$0xFFFFFFE0];
	[tilespmem:s21+$0x0] =	vst v2  }
0xe6: {  	v6 =	vadd.f32 v8, v7;
	[tilespmem:s21+$0xFFFFFFA0] =	vst v4;
	v2 =	vld [tilespmem:s21+$0xFFFFFFF0]  }
0xe7: {  	s25 =	simm.s32 $0x0;
	[tilespmem:s21+$0xFFFFFFB0] =	vst v5;
	v4 =	vld [tilespmem:s23+$0xFFFFFFF0]  }
0xe8: {  	s24 =	simm.s32 $0x370;
	s26 =	simm.s32 $0x46F0;
	s22 =	simm.s32 $0x4370;
	v5 =	vld [tilespmem:s21+$0xFFFFFF90];
	[tilespmem:s21+$0xFFFFFFC0] =	vst v6;
	v6 =	vadd.f32 v10, v9  }
.LBB2_12:
0xe9: {  	v7 =	vld [tilespmem:s26+$0x0];
	s23 =	sadd.s32 $0x400, s23  }
0xea: {  	s25 =	sadd.s32 $0x80, s25;
	v8 =	vld [tilespmem:s23+$0x0];
	[tilespmem:s21+$0xFFFFFFD0] =	vst v6;
	v1 =	vadd.f32 v3, v1  }
0xeb: {  	p0 =	slt.u32 s25, $0x380;
	v3 =	vld [tilespmem:s23+$0xFFFFFF90]  }
0xec: {  	v6 =	vld [tilespmem:s26+$0xFFFFFFA0];
	[tilespmem:s21+$0xFFFFFFE0] =	vst v1;
	v1 =	vadd.f32 v4, v2  }
0xed: {  	v2 =	vld [tilespmem:s23+$0xFFFFFFA0];
	v9 =	vadd.f32 v0, v5  }
0xee: {  	v4 =	vld [tilespmem:s26+$0xFFFFFFB0];
	[tilespmem:s21+$0xFFFFFFF0] =	vst v1  }
0xef: {  	v1 =	vld [tilespmem:s23+$0xFFFFFFB0];
	v5 =	vadd.f32 v8, v7;
	[tilespmem:s21+$0xFFFFFF90] =	vst v9;
	s21 =	smov.u32 s26  }
0xf0: {  	v7 =	vld [tilespmem:s26+$0xFFFFFFC0];
	v0 =	vmov v3  }
0xf1: {  	v8 =	vld [tilespmem:s23+$0xFFFFFFC0];
	[tilespmem:s26+$0x0] =	vst v5  }
0xf2: {  	v2 =	vadd.f32 v2, v6;
	v6 =	vld [tilespmem:s26+$0xFFFFFFD0]  }
0xf3: {  	v9 =	vld [tilespmem:s23+$0xFFFFFFD0]  }
.Ltmp5:
0xf4: {  	[tilespmem:s26+$0xFFFFFFA0] =	vst v2;
	v2 =	vadd.f32 v1, v4;
	v1 =	vld [tilespmem:s26+$0xFFFFFFE0];
	(pc) =	sbr.rel @p0 .LBB2_12-.Ltmp5, $4  }
0xf5: {  	v3 =	vld [tilespmem:s23+$0xFFFFFFE0]  }
0xf6: {  	[tilespmem:s26+$0xFFFFFFB0] =	vst v2;
	v7 =	vadd.f32 v8, v7;
	v2 =	vld [tilespmem:s26+$0xFFFFFFF0]  }
0xf7: {  	v4 =	vld [tilespmem:s23+$0xFFFFFFF0]  }
0xf8: {  	s26 =	sadd.s32 $0x400, s26;
	v5 =	vld [tilespmem:s21+$0xFFFFFF90];
	[tilespmem:s21+$0xFFFFFFC0] =	vst v7;
	v6 =	vadd.f32 v9, v6  }
0xf9: {  	_ =	sdelay $0x1  }
0xfa: {  	v1 =	vadd.f32 v3, v1  }
0xfb: {  	[tilespmem:s21+$0xFFFFFFD0] =	vst v6;
	v2 =	vadd.f32 v4, v2  }
0xfc: {  	[tilespmem:s21+$0xFFFFFFE0] =	vst v1;
	v0 =	vadd.f32 v0, v5  }
0xfd: {  	[tilespmem:s21+$0xFFFFFFF0] =	vst v2  }
0xfe: {  	[tilespmem:s21+$0xFFFFFF90] =	vst v0  }
0xff: {  	v1 =	vld [tilespmem:s22+$0x0]  }
0x100: {  	v2 =	vld [tilespmem:s24+$0x0]  }
0x101: {  	v0 =	vld [tilespmem:s24+$0xFFFFFF90]  }
0x102: {  	v3 =	vld [tilespmem:s22+$0xFFFFFFA0]  }
0x103: {  	v4 =	vld [tilespmem:s24+$0xFFFFFFA0]  }
0x104: {  	v5 =	vld [tilespmem:s22+$0xFFFFFFB0]  }
0x105: {  	v6 =	vld [tilespmem:s24+$0xFFFFFFB0]  }
0x106: {  	v7 =	vld [tilespmem:s22+$0xFFFFFFC0]  }
0x107: {  	v8 =	vld [tilespmem:s24+$0xFFFFFFC0]  }
0x108: {  	v9 =	vld [tilespmem:s22+$0xFFFFFFD0]  }
0x109: {  	v10 =	vld [tilespmem:s24+$0xFFFFFFD0];
	v2 =	vadd.f32 v2, v1  }
0x10a: {  	v4 =	vadd.f32 v4, v3;
	v1 =	vld [tilespmem:s22+$0xFFFFFFE0]  }
0x10b: {  	v5 =	vadd.f32 v6, v5;
	v3 =	vld [tilespmem:s24+$0xFFFFFFE0];
	[tilespmem:s22+$0x0] =	vst v2  }
0x10c: {  	v6 =	vadd.f32 v8, v7;
	[tilespmem:s22+$0xFFFFFFA0] =	vst v4;
	v2 =	vld [tilespmem:s22+$0xFFFFFFF0]  }
0x10d: {  	s25 =	simm.s32 $0x3F0;
	[tilespmem:s22+$0xFFFFFFB0] =	vst v5;
	v4 =	vld [tilespmem:s24+$0xFFFFFFF0]  }
0x10e: {  	s23 =	simm.s32 $0x43F0;
	s26 =	simm.s32 $0x4770;
	s21 =	simm.s32 $0x0;
	v5 =	vld [tilespmem:s22+$0xFFFFFF90];
	[tilespmem:s22+$0xFFFFFFC0] =	vst v6;
	v6 =	vadd.f32 v10, v9  }
.LBB2_14:
0x10f: {  	v7 =	vld [tilespmem:s26+$0x0];
	s24 =	sadd.s32 $0x400, s24  }
0x110: {  	s21 =	sadd.s32 $0x80, s21;
	v8 =	vld [tilespmem:s24+$0x0];
	[tilespmem:s22+$0xFFFFFFD0] =	vst v6;
	v1 =	vadd.f32 v3, v1  }
0x111: {  	p0 =	slt.u32 s21, $0x380;
	v3 =	vld [tilespmem:s24+$0xFFFFFF90]  }
0x112: {  	v6 =	vld [tilespmem:s26+$0xFFFFFFA0];
	[tilespmem:s22+$0xFFFFFFE0] =	vst v1;
	v1 =	vadd.f32 v4, v2  }
0x113: {  	v2 =	vld [tilespmem:s24+$0xFFFFFFA0];
	v9 =	vadd.f32 v0, v5  }
0x114: {  	v4 =	vld [tilespmem:s26+$0xFFFFFFB0];
	[tilespmem:s22+$0xFFFFFFF0] =	vst v1  }
0x115: {  	v1 =	vld [tilespmem:s24+$0xFFFFFFB0];
	v5 =	vadd.f32 v8, v7;
	[tilespmem:s22+$0xFFFFFF90] =	vst v9;
	s22 =	smov.u32 s26  }
0x116: {  	v7 =	vld [tilespmem:s26+$0xFFFFFFC0];
	v0 =	vmov v3  }
0x117: {  	v8 =	vld [tilespmem:s24+$0xFFFFFFC0];
	[tilespmem:s26+$0x0] =	vst v5  }
0x118: {  	v2 =	vadd.f32 v2, v6;
	v6 =	vld [tilespmem:s26+$0xFFFFFFD0]  }
0x119: {  	v9 =	vld [tilespmem:s24+$0xFFFFFFD0]  }
.Ltmp6:
0x11a: {  	[tilespmem:s26+$0xFFFFFFA0] =	vst v2;
	v2 =	vadd.f32 v1, v4;
	v1 =	vld [tilespmem:s26+$0xFFFFFFE0];
	(pc) =	sbr.rel @p0 .LBB2_14-.Ltmp6, $4  }
0x11b: {  	v3 =	vld [tilespmem:s24+$0xFFFFFFE0]  }
0x11c: {  	[tilespmem:s26+$0xFFFFFFB0] =	vst v2;
	v7 =	vadd.f32 v8, v7;
	v2 =	vld [tilespmem:s26+$0xFFFFFFF0]  }
0x11d: {  	v4 =	vld [tilespmem:s24+$0xFFFFFFF0]  }
0x11e: {  	s26 =	sadd.s32 $0x400, s26;
	v5 =	vld [tilespmem:s22+$0xFFFFFF90];
	[tilespmem:s22+$0xFFFFFFC0] =	vst v7;
	v6 =	vadd.f32 v9, v6  }
0x11f: {  	_ =	sdelay $0x1  }
0x120: {  	v1 =	vadd.f32 v3, v1  }
0x121: {  	[tilespmem:s22+$0xFFFFFFD0] =	vst v6;
	v2 =	vadd.f32 v4, v2  }
0x122: {  	[tilespmem:s22+$0xFFFFFFE0] =	vst v1;
	v0 =	vadd.f32 v0, v5  }
0x123: {  	[tilespmem:s22+$0xFFFFFFF0] =	vst v2  }
0x124: {  	[tilespmem:s22+$0xFFFFFF90] =	vst v0  }
0x125: {  	v1 =	vld [tilespmem:s23+$0x0]  }
0x126: {  	v2 =	vld [tilespmem:s25+$0x0]  }
0x127: {  	v0 =	vld [tilespmem:s25+$0xFFFFFF90]  }
0x128: {  	v3 =	vld [tilespmem:s23+$0xFFFFFFA0]  }
0x129: {  	v4 =	vld [tilespmem:s25+$0xFFFFFFA0]  }
0x12a: {  	v5 =	vld [tilespmem:s23+$0xFFFFFFB0]  }
0x12b: {  	v6 =	vld [tilespmem:s25+$0xFFFFFFB0]  }
0x12c: {  	v7 =	vld [tilespmem:s23+$0xFFFFFFC0]  }
0x12d: {  	v8 =	vld [tilespmem:s25+$0xFFFFFFC0]  }
0x12e: {  	v9 =	vld [tilespmem:s23+$0xFFFFFFD0]  }
0x12f: {  	v10 =	vld [tilespmem:s25+$0xFFFFFFD0];
	v2 =	vadd.f32 v2, v1  }
0x130: {  	v4 =	vadd.f32 v4, v3;
	v1 =	vld [tilespmem:s23+$0xFFFFFFE0]  }
0x131: {  	v5 =	vadd.f32 v6, v5;
	v3 =	vld [tilespmem:s25+$0xFFFFFFE0];
	[tilespmem:s23+$0x0] =	vst v2  }
0x132: {  	v6 =	vadd.f32 v8, v7;
	[tilespmem:s23+$0xFFFFFFA0] =	vst v4;
	v2 =	vld [tilespmem:s23+$0xFFFFFFF0]  }
0x133: {  	s21 =	simm.s32 $0x6070;
	[tilespmem:s23+$0xFFFFFFB0] =	vst v5;
	v4 =	vld [tilespmem:s25+$0xFFFFFFF0]  }
0x134: {  	s24 =	simm.s32 $0x2070;
	s26 =	simm.s32 $0x47F0;
	s22 =	simm.s32 $0x0;
	v5 =	vld [tilespmem:s23+$0xFFFFFF90];
	[tilespmem:s23+$0xFFFFFFC0] =	vst v6;
	v6 =	vadd.f32 v10, v9  }
.LBB2_16:
0x135: {  	v7 =	vld [tilespmem:s26+$0x0];
	s25 =	sadd.s32 $0x400, s25  }
0x136: {  	s22 =	sadd.s32 $0x80, s22;
	v8 =	vld [tilespmem:s25+$0x0];
	[tilespmem:s23+$0xFFFFFFD0] =	vst v6;
	v1 =	vadd.f32 v3, v1  }
0x137: {  	p0 =	slt.u32 s22, $0x380;
	v3 =	vld [tilespmem:s25+$0xFFFFFF90]  }
0x138: {  	v6 =	vld [tilespmem:s26+$0xFFFFFFA0];
	[tilespmem:s23+$0xFFFFFFE0] =	vst v1;
	v1 =	vadd.f32 v4, v2  }
0x139: {  	v2 =	vld [tilespmem:s25+$0xFFFFFFA0];
	v9 =	vadd.f32 v0, v5  }
0x13a: {  	v4 =	vld [tilespmem:s26+$0xFFFFFFB0];
	[tilespmem:s23+$0xFFFFFFF0] =	vst v1  }
0x13b: {  	v1 =	vld [tilespmem:s25+$0xFFFFFFB0];
	v5 =	vadd.f32 v8, v7;
	[tilespmem:s23+$0xFFFFFF90] =	vst v9;
	s23 =	smov.u32 s26  }
0x13c: {  	v7 =	vld [tilespmem:s26+$0xFFFFFFC0];
	v0 =	vmov v3  }
0x13d: {  	v8 =	vld [tilespmem:s25+$0xFFFFFFC0];
	[tilespmem:s26+$0x0] =	vst v5  }
0x13e: {  	v2 =	vadd.f32 v2, v6;
	v6 =	vld [tilespmem:s26+$0xFFFFFFD0]  }
0x13f: {  	v9 =	vld [tilespmem:s25+$0xFFFFFFD0]  }
.Ltmp7:
0x140: {  	[tilespmem:s26+$0xFFFFFFA0] =	vst v2;
	v2 =	vadd.f32 v1, v4;
	v1 =	vld [tilespmem:s26+$0xFFFFFFE0];
	(pc) =	sbr.rel @p0 .LBB2_16-.Ltmp7, $4  }
0x141: {  	v3 =	vld [tilespmem:s25+$0xFFFFFFE0]  }
0x142: {  	[tilespmem:s26+$0xFFFFFFB0] =	vst v2;
	v7 =	vadd.f32 v8, v7;
	v2 =	vld [tilespmem:s26+$0xFFFFFFF0]  }
0x143: {  	v4 =	vld [tilespmem:s25+$0xFFFFFFF0]  }
0x144: {  	s26 =	sadd.s32 $0x400, s26;
	v5 =	vld [tilespmem:s23+$0xFFFFFF90];
	[tilespmem:s23+$0xFFFFFFC0] =	vst v7;
	v6 =	vadd.f32 v9, v6  }
0x145: {  	_ =	sdelay $0x1  }
0x146: {  	v1 =	vadd.f32 v3, v1  }
0x147: {  	[tilespmem:s23+$0xFFFFFFD0] =	vst v6;
	v2 =	vadd.f32 v4, v2  }
0x148: {  	[tilespmem:s23+$0xFFFFFFE0] =	vst v1;
	v0 =	vadd.f32 v0, v5  }
0x149: {  	[tilespmem:s23+$0xFFFFFFF0] =	vst v2  }
0x14a: {  	[tilespmem:s23+$0xFFFFFF90] =	vst v0  }
0x14b: {  	v1 =	vld [tilespmem:s21+$0x0]  }
0x14c: {  	v2 =	vld [tilespmem:s24+$0x0]  }
0x14d: {  	v0 =	vld [tilespmem:s24+$0xFFFFFF90]  }
0x14e: {  	v3 =	vld [tilespmem:s21+$0xFFFFFFA0]  }
0x14f: {  	v4 =	vld [tilespmem:s24+$0xFFFFFFA0]  }
0x150: {  	v5 =	vld [tilespmem:s21+$0xFFFFFFB0]  }
0x151: {  	v6 =	vld [tilespmem:s24+$0xFFFFFFB0]  }
0x152: {  	v7 =	vld [tilespmem:s21+$0xFFFFFFC0]  }
0x153: {  	v8 =	vld [tilespmem:s24+$0xFFFFFFC0]  }
0x154: {  	v9 =	vld [tilespmem:s21+$0xFFFFFFD0]  }
0x155: {  	v10 =	vld [tilespmem:s24+$0xFFFFFFD0];
	v2 =	vadd.f32 v2, v1  }
0x156: {  	v4 =	vadd.f32 v4, v3;
	v1 =	vld [tilespmem:s21+$0xFFFFFFE0]  }
0x157: {  	v5 =	vadd.f32 v6, v5;
	v3 =	vld [tilespmem:s24+$0xFFFFFFE0];
	[tilespmem:s21+$0x0] =	vst v2  }
0x158: {  	v6 =	vadd.f32 v8, v7;
	[tilespmem:s21+$0xFFFFFFA0] =	vst v4;
	v2 =	vld [tilespmem:s21+$0xFFFFFFF0]  }
0x159: {  	s25 =	simm.s32 $0x0;
	[tilespmem:s21+$0xFFFFFFB0] =	vst v5;
	v4 =	vld [tilespmem:s24+$0xFFFFFFF0]  }
0x15a: {  	s22 =	simm.s32 $0x60F0;
	s26 =	simm.s32 $0x6470;
	s23 =	simm.s32 $0x20F0;
	v5 =	vld [tilespmem:s21+$0xFFFFFF90];
	[tilespmem:s21+$0xFFFFFFC0] =	vst v6;
	v6 =	vadd.f32 v10, v9  }
.LBB2_18:
0x15b: {  	v7 =	vld [tilespmem:s26+$0x0];
	s24 =	sadd.s32 $0x400, s24  }
0x15c: {  	s25 =	sadd.s32 $0x80, s25;
	v8 =	vld [tilespmem:s24+$0x0];
	[tilespmem:s21+$0xFFFFFFD0] =	vst v6;
	v1 =	vadd.f32 v3, v1  }
0x15d: {  	p0 =	slt.u32 s25, $0x380;
	v3 =	vld [tilespmem:s24+$0xFFFFFF90]  }
0x15e: {  	v6 =	vld [tilespmem:s26+$0xFFFFFFA0];
	[tilespmem:s21+$0xFFFFFFE0] =	vst v1;
	v1 =	vadd.f32 v4, v2  }
0x15f: {  	v2 =	vld [tilespmem:s24+$0xFFFFFFA0];
	v9 =	vadd.f32 v0, v5  }
0x160: {  	v4 =	vld [tilespmem:s26+$0xFFFFFFB0];
	[tilespmem:s21+$0xFFFFFFF0] =	vst v1  }
0x161: {  	v1 =	vld [tilespmem:s24+$0xFFFFFFB0];
	v5 =	vadd.f32 v8, v7;
	[tilespmem:s21+$0xFFFFFF90] =	vst v9;
	s21 =	smov.u32 s26  }
0x162: {  	v7 =	vld [tilespmem:s26+$0xFFFFFFC0];
	v0 =	vmov v3  }
0x163: {  	v8 =	vld [tilespmem:s24+$0xFFFFFFC0];
	[tilespmem:s26+$0x0] =	vst v5  }
0x164: {  	v2 =	vadd.f32 v2, v6;
	v6 =	vld [tilespmem:s26+$0xFFFFFFD0]  }
0x165: {  	v9 =	vld [tilespmem:s24+$0xFFFFFFD0]  }
.Ltmp8:
0x166: {  	[tilespmem:s26+$0xFFFFFFA0] =	vst v2;
	v2 =	vadd.f32 v1, v4;
	v1 =	vld [tilespmem:s26+$0xFFFFFFE0];
	(pc) =	sbr.rel @p0 .LBB2_18-.Ltmp8, $4  }
0x167: {  	v3 =	vld [tilespmem:s24+$0xFFFFFFE0]  }
0x168: {  	[tilespmem:s26+$0xFFFFFFB0] =	vst v2;
	v7 =	vadd.f32 v8, v7;
	v2 =	vld [tilespmem:s26+$0xFFFFFFF0]  }
0x169: {  	v4 =	vld [tilespmem:s24+$0xFFFFFFF0]  }
0x16a: {  	s26 =	sadd.s32 $0x400, s26;
	v5 =	vld [tilespmem:s21+$0xFFFFFF90];
	[tilespmem:s21+$0xFFFFFFC0] =	vst v7;
	v6 =	vadd.f32 v9, v6  }
0x16b: {  	_ =	sdelay $0x1  }
0x16c: {  	v1 =	vadd.f32 v3, v1  }
0x16d: {  	[tilespmem:s21+$0xFFFFFFD0] =	vst v6;
	v2 =	vadd.f32 v4, v2  }
0x16e: {  	[tilespmem:s21+$0xFFFFFFE0] =	vst v1;
	v0 =	vadd.f32 v0, v5  }
0x16f: {  	[tilespmem:s21+$0xFFFFFFF0] =	vst v2  }
0x170: {  	[tilespmem:s21+$0xFFFFFF90] =	vst v0  }
0x171: {  	v1 =	vld [tilespmem:s22+$0x0]  }
0x172: {  	v2 =	vld [tilespmem:s23+$0x0]  }
0x173: {  	v0 =	vld [tilespmem:s23+$0xFFFFFF90]  }
0x174: {  	v3 =	vld [tilespmem:s22+$0xFFFFFFA0]  }
0x175: {  	v4 =	vld [tilespmem:s23+$0xFFFFFFA0]  }
0x176: {  	v5 =	vld [tilespmem:s22+$0xFFFFFFB0]  }
0x177: {  	v6 =	vld [tilespmem:s23+$0xFFFFFFB0]  }
0x178: {  	v7 =	vld [tilespmem:s22+$0xFFFFFFC0]  }
0x179: {  	v8 =	vld [tilespmem:s23+$0xFFFFFFC0]  }
0x17a: {  	v9 =	vld [tilespmem:s22+$0xFFFFFFD0]  }
0x17b: {  	v10 =	vld [tilespmem:s23+$0xFFFFFFD0];
	v2 =	vadd.f32 v2, v1  }
0x17c: {  	v4 =	vadd.f32 v4, v3;
	v1 =	vld [tilespmem:s22+$0xFFFFFFE0]  }
0x17d: {  	v5 =	vadd.f32 v6, v5;
	v3 =	vld [tilespmem:s23+$0xFFFFFFE0];
	[tilespmem:s22+$0x0] =	vst v2  }
0x17e: {  	v6 =	vadd.f32 v8, v7;
	[tilespmem:s22+$0xFFFFFFA0] =	vst v4;
	v2 =	vld [tilespmem:s22+$0xFFFFFFF0]  }
0x17f: {  	s25 =	simm.s32 $0x0;
	[tilespmem:s22+$0xFFFFFFB0] =	vst v5;
	v4 =	vld [tilespmem:s23+$0xFFFFFFF0]  }
0x180: {  	s24 =	simm.s32 $0x2170;
	s26 =	simm.s32 $0x64F0;
	s21 =	simm.s32 $0x6170;
	v5 =	vld [tilespmem:s22+$0xFFFFFF90];
	[tilespmem:s22+$0xFFFFFFC0] =	vst v6;
	v6 =	vadd.f32 v10, v9  }
.LBB2_20:
0x181: {  	v7 =	vld [tilespmem:s26+$0x0];
	s23 =	sadd.s32 $0x400, s23  }
0x182: {  	s25 =	sadd.s32 $0x80, s25;
	v8 =	vld [tilespmem:s23+$0x0];
	[tilespmem:s22+$0xFFFFFFD0] =	vst v6;
	v1 =	vadd.f32 v3, v1  }
0x183: {  	p0 =	slt.u32 s25, $0x380;
	v3 =	vld [tilespmem:s23+$0xFFFFFF90]  }
0x184: {  	v6 =	vld [tilespmem:s26+$0xFFFFFFA0];
	[tilespmem:s22+$0xFFFFFFE0] =	vst v1;
	v1 =	vadd.f32 v4, v2  }
0x185: {  	v2 =	vld [tilespmem:s23+$0xFFFFFFA0];
	v9 =	vadd.f32 v0, v5  }
0x186: {  	v4 =	vld [tilespmem:s26+$0xFFFFFFB0];
	[tilespmem:s22+$0xFFFFFFF0] =	vst v1  }
0x187: {  	v1 =	vld [tilespmem:s23+$0xFFFFFFB0];
	v5 =	vadd.f32 v8, v7;
	[tilespmem:s22+$0xFFFFFF90] =	vst v9;
	s22 =	smov.u32 s26  }
0x188: {  	v7 =	vld [tilespmem:s26+$0xFFFFFFC0];
	v0 =	vmov v3  }
0x189: {  	v8 =	vld [tilespmem:s23+$0xFFFFFFC0];
	[tilespmem:s26+$0x0] =	vst v5  }
0x18a: {  	v2 =	vadd.f32 v2, v6;
	v6 =	vld [tilespmem:s26+$0xFFFFFFD0]  }
0x18b: {  	v9 =	vld [tilespmem:s23+$0xFFFFFFD0]  }
.Ltmp9:
0x18c: {  	[tilespmem:s26+$0xFFFFFFA0] =	vst v2;
	v2 =	vadd.f32 v1, v4;
	v1 =	vld [tilespmem:s26+$0xFFFFFFE0];
	(pc) =	sbr.rel @p0 .LBB2_20-.Ltmp9, $4  }
0x18d: {  	v3 =	vld [tilespmem:s23+$0xFFFFFFE0]  }
0x18e: {  	[tilespmem:s26+$0xFFFFFFB0] =	vst v2;
	v7 =	vadd.f32 v8, v7;
	v2 =	vld [tilespmem:s26+$0xFFFFFFF0]  }
0x18f: {  	v4 =	vld [tilespmem:s23+$0xFFFFFFF0]  }
0x190: {  	s26 =	sadd.s32 $0x400, s26;
	v5 =	vld [tilespmem:s22+$0xFFFFFF90];
	[tilespmem:s22+$0xFFFFFFC0] =	vst v7;
	v6 =	vadd.f32 v9, v6  }
0x191: {  	_ =	sdelay $0x1  }
0x192: {  	v1 =	vadd.f32 v3, v1  }
0x193: {  	[tilespmem:s22+$0xFFFFFFD0] =	vst v6;
	v2 =	vadd.f32 v4, v2  }
0x194: {  	[tilespmem:s22+$0xFFFFFFE0] =	vst v1;
	v0 =	vadd.f32 v0, v5  }
0x195: {  	[tilespmem:s22+$0xFFFFFFF0] =	vst v2  }
0x196: {  	[tilespmem:s22+$0xFFFFFF90] =	vst v0  }
0x197: {  	v1 =	vld [tilespmem:s21+$0x0]  }
0x198: {  	v2 =	vld [tilespmem:s24+$0x0]  }
0x199: {  	v0 =	vld [tilespmem:s24+$0xFFFFFF90]  }
0x19a: {  	v3 =	vld [tilespmem:s21+$0xFFFFFFA0]  }
0x19b: {  	v4 =	vld [tilespmem:s24+$0xFFFFFFA0]  }
0x19c: {  	v5 =	vld [tilespmem:s21+$0xFFFFFFB0]  }
0x19d: {  	v6 =	vld [tilespmem:s24+$0xFFFFFFB0]  }
0x19e: {  	v7 =	vld [tilespmem:s21+$0xFFFFFFC0]  }
0x19f: {  	v8 =	vld [tilespmem:s24+$0xFFFFFFC0]  }
0x1a0: {  	v9 =	vld [tilespmem:s21+$0xFFFFFFD0]  }
0x1a1: {  	v10 =	vld [tilespmem:s24+$0xFFFFFFD0];
	v2 =	vadd.f32 v2, v1  }
0x1a2: {  	v4 =	vadd.f32 v4, v3;
	v1 =	vld [tilespmem:s21+$0xFFFFFFE0]  }
0x1a3: {  	v5 =	vadd.f32 v6, v5;
	v3 =	vld [tilespmem:s24+$0xFFFFFFE0];
	[tilespmem:s21+$0x0] =	vst v2  }
0x1a4: {  	v6 =	vadd.f32 v8, v7;
	[tilespmem:s21+$0xFFFFFFA0] =	vst v4;
	v2 =	vld [tilespmem:s21+$0xFFFFFFF0]  }
0x1a5: {  	s25 =	simm.s32 $0x0;
	[tilespmem:s21+$0xFFFFFFB0] =	vst v5;
	v4 =	vld [tilespmem:s24+$0xFFFFFFF0]  }
0x1a6: {  	s23 =	simm.s32 $0x21F0;
	s26 =	simm.s32 $0x6570;
	s22 =	simm.s32 $0x61F0;
	v5 =	vld [tilespmem:s21+$0xFFFFFF90];
	[tilespmem:s21+$0xFFFFFFC0] =	vst v6;
	v6 =	vadd.f32 v10, v9  }
.LBB2_22:
0x1a7: {  	v7 =	vld [tilespmem:s26+$0x0];
	s24 =	sadd.s32 $0x400, s24  }
0x1a8: {  	s25 =	sadd.s32 $0x80, s25;
	v8 =	vld [tilespmem:s24+$0x0];
	[tilespmem:s21+$0xFFFFFFD0] =	vst v6;
	v1 =	vadd.f32 v3, v1  }
0x1a9: {  	p0 =	slt.u32 s25, $0x380;
	v3 =	vld [tilespmem:s24+$0xFFFFFF90]  }
0x1aa: {  	v6 =	vld [tilespmem:s26+$0xFFFFFFA0];
	[tilespmem:s21+$0xFFFFFFE0] =	vst v1;
	v1 =	vadd.f32 v4, v2  }
0x1ab: {  	v2 =	vld [tilespmem:s24+$0xFFFFFFA0];
	v9 =	vadd.f32 v0, v5  }
0x1ac: {  	v4 =	vld [tilespmem:s26+$0xFFFFFFB0];
	[tilespmem:s21+$0xFFFFFFF0] =	vst v1  }
0x1ad: {  	v1 =	vld [tilespmem:s24+$0xFFFFFFB0];
	v5 =	vadd.f32 v8, v7;
	[tilespmem:s21+$0xFFFFFF90] =	vst v9;
	s21 =	smov.u32 s26  }
0x1ae: {  	v7 =	vld [tilespmem:s26+$0xFFFFFFC0];
	v0 =	vmov v3  }
0x1af: {  	v8 =	vld [tilespmem:s24+$0xFFFFFFC0];
	[tilespmem:s26+$0x0] =	vst v5  }
0x1b0: {  	v2 =	vadd.f32 v2, v6;
	v6 =	vld [tilespmem:s26+$0xFFFFFFD0]  }
0x1b1: {  	v9 =	vld [tilespmem:s24+$0xFFFFFFD0]  }
.Ltmp10:
0x1b2: {  	[tilespmem:s26+$0xFFFFFFA0] =	vst v2;
	v2 =	vadd.f32 v1, v4;
	v1 =	vld [tilespmem:s26+$0xFFFFFFE0];
	(pc) =	sbr.rel @p0 .LBB2_22-.Ltmp10, $4  }
0x1b3: {  	v3 =	vld [tilespmem:s24+$0xFFFFFFE0]  }
0x1b4: {  	[tilespmem:s26+$0xFFFFFFB0] =	vst v2;
	v7 =	vadd.f32 v8, v7;
	v2 =	vld [tilespmem:s26+$0xFFFFFFF0]  }
0x1b5: {  	v4 =	vld [tilespmem:s24+$0xFFFFFFF0]  }
0x1b6: {  	s26 =	sadd.s32 $0x400, s26;
	v5 =	vld [tilespmem:s21+$0xFFFFFF90];
	[tilespmem:s21+$0xFFFFFFC0] =	vst v7;
	v6 =	vadd.f32 v9, v6  }
0x1b7: {  	_ =	sdelay $0x1  }
0x1b8: {  	v1 =	vadd.f32 v3, v1  }
0x1b9: {  	[tilespmem:s21+$0xFFFFFFD0] =	vst v6;
	v2 =	vadd.f32 v4, v2  }
0x1ba: {  	[tilespmem:s21+$0xFFFFFFE0] =	vst v1;
	v0 =	vadd.f32 v0, v5  }
0x1bb: {  	[tilespmem:s21+$0xFFFFFFF0] =	vst v2  }
0x1bc: {  	[tilespmem:s21+$0xFFFFFF90] =	vst v0  }
0x1bd: {  	v1 =	vld [tilespmem:s22+$0x0]  }
0x1be: {  	v2 =	vld [tilespmem:s23+$0x0]  }
0x1bf: {  	v0 =	vld [tilespmem:s23+$0xFFFFFF90]  }
0x1c0: {  	v3 =	vld [tilespmem:s22+$0xFFFFFFA0]  }
0x1c1: {  	v4 =	vld [tilespmem:s23+$0xFFFFFFA0]  }
0x1c2: {  	v5 =	vld [tilespmem:s22+$0xFFFFFFB0]  }
0x1c3: {  	v6 =	vld [tilespmem:s23+$0xFFFFFFB0]  }
0x1c4: {  	v7 =	vld [tilespmem:s22+$0xFFFFFFC0]  }
0x1c5: {  	v8 =	vld [tilespmem:s23+$0xFFFFFFC0]  }
0x1c6: {  	v9 =	vld [tilespmem:s22+$0xFFFFFFD0]  }
0x1c7: {  	v10 =	vld [tilespmem:s23+$0xFFFFFFD0];
	v2 =	vadd.f32 v2, v1  }
0x1c8: {  	v4 =	vadd.f32 v4, v3;
	v1 =	vld [tilespmem:s22+$0xFFFFFFE0]  }
0x1c9: {  	v5 =	vadd.f32 v6, v5;
	v3 =	vld [tilespmem:s23+$0xFFFFFFE0];
	[tilespmem:s22+$0x0] =	vst v2  }
0x1ca: {  	v6 =	vadd.f32 v8, v7;
	[tilespmem:s22+$0xFFFFFFA0] =	vst v4;
	v2 =	vld [tilespmem:s22+$0xFFFFFFF0]  }
0x1cb: {  	s25 =	simm.s32 $0x0;
	[tilespmem:s22+$0xFFFFFFB0] =	vst v5;
	v4 =	vld [tilespmem:s23+$0xFFFFFFF0]  }
0x1cc: {  	s24 =	simm.s32 $0x2270;
	s26 =	simm.s32 $0x65F0;
	s21 =	simm.s32 $0x6270;
	v5 =	vld [tilespmem:s22+$0xFFFFFF90];
	[tilespmem:s22+$0xFFFFFFC0] =	vst v6;
	v6 =	vadd.f32 v10, v9  }
.LBB2_24:
0x1cd: {  	v7 =	vld [tilespmem:s26+$0x0];
	s23 =	sadd.s32 $0x400, s23  }
0x1ce: {  	s25 =	sadd.s32 $0x80, s25;
	v8 =	vld [tilespmem:s23+$0x0];
	[tilespmem:s22+$0xFFFFFFD0] =	vst v6;
	v1 =	vadd.f32 v3, v1  }
0x1cf: {  	p0 =	slt.u32 s25, $0x380;
	v3 =	vld [tilespmem:s23+$0xFFFFFF90]  }
0x1d0: {  	v6 =	vld [tilespmem:s26+$0xFFFFFFA0];
	[tilespmem:s22+$0xFFFFFFE0] =	vst v1;
	v1 =	vadd.f32 v4, v2  }
0x1d1: {  	v2 =	vld [tilespmem:s23+$0xFFFFFFA0];
	v9 =	vadd.f32 v0, v5  }
0x1d2: {  	v4 =	vld [tilespmem:s26+$0xFFFFFFB0];
	[tilespmem:s22+$0xFFFFFFF0] =	vst v1  }
0x1d3: {  	v1 =	vld [tilespmem:s23+$0xFFFFFFB0];
	v5 =	vadd.f32 v8, v7;
	[tilespmem:s22+$0xFFFFFF90] =	vst v9;
	s22 =	smov.u32 s26  }
0x1d4: {  	v7 =	vld [tilespmem:s26+$0xFFFFFFC0];
	v0 =	vmov v3  }
0x1d5: {  	v8 =	vld [tilespmem:s23+$0xFFFFFFC0];
	[tilespmem:s26+$0x0] =	vst v5  }
0x1d6: {  	v2 =	vadd.f32 v2, v6;
	v6 =	vld [tilespmem:s26+$0xFFFFFFD0]  }
0x1d7: {  	v9 =	vld [tilespmem:s23+$0xFFFFFFD0]  }
.Ltmp11:
0x1d8: {  	[tilespmem:s26+$0xFFFFFFA0] =	vst v2;
	v2 =	vadd.f32 v1, v4;
	v1 =	vld [tilespmem:s26+$0xFFFFFFE0];
	(pc) =	sbr.rel @p0 .LBB2_24-.Ltmp11, $4  }
0x1d9: {  	v3 =	vld [tilespmem:s23+$0xFFFFFFE0]  }
0x1da: {  	[tilespmem:s26+$0xFFFFFFB0] =	vst v2;
	v7 =	vadd.f32 v8, v7;
	v2 =	vld [tilespmem:s26+$0xFFFFFFF0]  }
0x1db: {  	v4 =	vld [tilespmem:s23+$0xFFFFFFF0]  }
0x1dc: {  	s26 =	sadd.s32 $0x400, s26;
	v5 =	vld [tilespmem:s22+$0xFFFFFF90];
	[tilespmem:s22+$0xFFFFFFC0] =	vst v7;
	v6 =	vadd.f32 v9, v6  }
0x1dd: {  	_ =	sdelay $0x1  }
0x1de: {  	v1 =	vadd.f32 v3, v1  }
0x1df: {  	[tilespmem:s22+$0xFFFFFFD0] =	vst v6;
	v2 =	vadd.f32 v4, v2  }
0x1e0: {  	[tilespmem:s22+$0xFFFFFFE0] =	vst v1;
	v0 =	vadd.f32 v0, v5  }
0x1e1: {  	[tilespmem:s22+$0xFFFFFFF0] =	vst v2  }
0x1e2: {  	[tilespmem:s22+$0xFFFFFF90] =	vst v0  }
0x1e3: {  	v1 =	vld [tilespmem:s21+$0x0]  }
0x1e4: {  	v2 =	vld [tilespmem:s24+$0x0]  }
0x1e5: {  	v0 =	vld [tilespmem:s24+$0xFFFFFF90]  }
0x1e6: {  	v3 =	vld [tilespmem:s21+$0xFFFFFFA0]  }
0x1e7: {  	v4 =	vld [tilespmem:s24+$0xFFFFFFA0]  }
0x1e8: {  	v5 =	vld [tilespmem:s21+$0xFFFFFFB0]  }
0x1e9: {  	v6 =	vld [tilespmem:s24+$0xFFFFFFB0]  }
0x1ea: {  	v7 =	vld [tilespmem:s21+$0xFFFFFFC0]  }
0x1eb: {  	v8 =	vld [tilespmem:s24+$0xFFFFFFC0]  }
0x1ec: {  	v9 =	vld [tilespmem:s21+$0xFFFFFFD0]  }
0x1ed: {  	v10 =	vld [tilespmem:s24+$0xFFFFFFD0];
	v2 =	vadd.f32 v2, v1  }
0x1ee: {  	v4 =	vadd.f32 v4, v3;
	v1 =	vld [tilespmem:s21+$0xFFFFFFE0]  }
0x1ef: {  	v5 =	vadd.f32 v6, v5;
	v3 =	vld [tilespmem:s24+$0xFFFFFFE0];
	[tilespmem:s21+$0x0] =	vst v2  }
0x1f0: {  	v6 =	vadd.f32 v8, v7;
	[tilespmem:s21+$0xFFFFFFA0] =	vst v4;
	v2 =	vld [tilespmem:s21+$0xFFFFFFF0]  }
0x1f1: {  	s25 =	simm.s32 $0x0;
	[tilespmem:s21+$0xFFFFFFB0] =	vst v5;
	v4 =	vld [tilespmem:s24+$0xFFFFFFF0]  }
0x1f2: {  	s23 =	simm.s32 $0x22F0;
	s26 =	simm.s32 $0x6670;
	s22 =	simm.s32 $0x62F0;
	v5 =	vld [tilespmem:s21+$0xFFFFFF90];
	[tilespmem:s21+$0xFFFFFFC0] =	vst v6;
	v6 =	vadd.f32 v10, v9  }
.LBB2_26:
0x1f3: {  	v7 =	vld [tilespmem:s26+$0x0];
	s24 =	sadd.s32 $0x400, s24  }
0x1f4: {  	s25 =	sadd.s32 $0x80, s25;
	v8 =	vld [tilespmem:s24+$0x0];
	[tilespmem:s21+$0xFFFFFFD0] =	vst v6;
	v1 =	vadd.f32 v3, v1  }
0x1f5: {  	p0 =	slt.u32 s25, $0x380;
	v3 =	vld [tilespmem:s24+$0xFFFFFF90]  }
0x1f6: {  	v6 =	vld [tilespmem:s26+$0xFFFFFFA0];
	[tilespmem:s21+$0xFFFFFFE0] =	vst v1;
	v1 =	vadd.f32 v4, v2  }
0x1f7: {  	v2 =	vld [tilespmem:s24+$0xFFFFFFA0];
	v9 =	vadd.f32 v0, v5  }
0x1f8: {  	v4 =	vld [tilespmem:s26+$0xFFFFFFB0];
	[tilespmem:s21+$0xFFFFFFF0] =	vst v1  }
0x1f9: {  	v1 =	vld [tilespmem:s24+$0xFFFFFFB0];
	v5 =	vadd.f32 v8, v7;
	[tilespmem:s21+$0xFFFFFF90] =	vst v9;
	s21 =	smov.u32 s26  }
0x1fa: {  	v7 =	vld [tilespmem:s26+$0xFFFFFFC0];
	v0 =	vmov v3  }
0x1fb: {  	v8 =	vld [tilespmem:s24+$0xFFFFFFC0];
	[tilespmem:s26+$0x0] =	vst v5  }
0x1fc: {  	v2 =	vadd.f32 v2, v6;
	v6 =	vld [tilespmem:s26+$0xFFFFFFD0]  }
0x1fd: {  	v9 =	vld [tilespmem:s24+$0xFFFFFFD0]  }
.Ltmp12:
0x1fe: {  	[tilespmem:s26+$0xFFFFFFA0] =	vst v2;
	v2 =	vadd.f32 v1, v4;
	v1 =	vld [tilespmem:s26+$0xFFFFFFE0];
	(pc) =	sbr.rel @p0 .LBB2_26-.Ltmp12, $4  }
0x1ff: {  	v3 =	vld [tilespmem:s24+$0xFFFFFFE0]  }
0x200: {  	[tilespmem:s26+$0xFFFFFFB0] =	vst v2;
	v7 =	vadd.f32 v8, v7;
	v2 =	vld [tilespmem:s26+$0xFFFFFFF0]  }
0x201: {  	v4 =	vld [tilespmem:s24+$0xFFFFFFF0]  }
0x202: {  	s26 =	sadd.s32 $0x400, s26;
	v5 =	vld [tilespmem:s21+$0xFFFFFF90];
	[tilespmem:s21+$0xFFFFFFC0] =	vst v7;
	v6 =	vadd.f32 v9, v6  }
0x203: {  	_ =	sdelay $0x1  }
0x204: {  	v1 =	vadd.f32 v3, v1  }
0x205: {  	[tilespmem:s21+$0xFFFFFFD0] =	vst v6;
	v2 =	vadd.f32 v4, v2  }
0x206: {  	[tilespmem:s21+$0xFFFFFFE0] =	vst v1;
	v0 =	vadd.f32 v0, v5  }
0x207: {  	[tilespmem:s21+$0xFFFFFFF0] =	vst v2  }
0x208: {  	[tilespmem:s21+$0xFFFFFF90] =	vst v0  }
0x209: {  	v1 =	vld [tilespmem:s22+$0x0]  }
0x20a: {  	v2 =	vld [tilespmem:s23+$0x0]  }
0x20b: {  	v0 =	vld [tilespmem:s23+$0xFFFFFF90]  }
0x20c: {  	v3 =	vld [tilespmem:s22+$0xFFFFFFA0]  }
0x20d: {  	v4 =	vld [tilespmem:s23+$0xFFFFFFA0]  }
0x20e: {  	v5 =	vld [tilespmem:s22+$0xFFFFFFB0]  }
0x20f: {  	v6 =	vld [tilespmem:s23+$0xFFFFFFB0]  }
0x210: {  	v7 =	vld [tilespmem:s22+$0xFFFFFFC0]  }
0x211: {  	v8 =	vld [tilespmem:s23+$0xFFFFFFC0]  }
0x212: {  	v9 =	vld [tilespmem:s22+$0xFFFFFFD0]  }
0x213: {  	v10 =	vld [tilespmem:s23+$0xFFFFFFD0];
	v2 =	vadd.f32 v2, v1  }
0x214: {  	v4 =	vadd.f32 v4, v3;
	v1 =	vld [tilespmem:s22+$0xFFFFFFE0]  }
0x215: {  	v5 =	vadd.f32 v6, v5;
	v3 =	vld [tilespmem:s23+$0xFFFFFFE0];
	[tilespmem:s22+$0x0] =	vst v2  }
0x216: {  	v6 =	vadd.f32 v8, v7;
	[tilespmem:s22+$0xFFFFFFA0] =	vst v4;
	v2 =	vld [tilespmem:s22+$0xFFFFFFF0]  }
0x217: {  	s25 =	simm.s32 $0x0;
	[tilespmem:s22+$0xFFFFFFB0] =	vst v5;
	v4 =	vld [tilespmem:s23+$0xFFFFFFF0]  }
0x218: {  	s24 =	simm.s32 $0x2370;
	s26 =	simm.s32 $0x66F0;
	s21 =	simm.s32 $0x6370;
	v5 =	vld [tilespmem:s22+$0xFFFFFF90];
	[tilespmem:s22+$0xFFFFFFC0] =	vst v6;
	v6 =	vadd.f32 v10, v9  }
.LBB2_28:
0x219: {  	v7 =	vld [tilespmem:s26+$0x0];
	s23 =	sadd.s32 $0x400, s23  }
0x21a: {  	s25 =	sadd.s32 $0x80, s25;
	v8 =	vld [tilespmem:s23+$0x0];
	[tilespmem:s22+$0xFFFFFFD0] =	vst v6;
	v1 =	vadd.f32 v3, v1  }
0x21b: {  	p0 =	slt.u32 s25, $0x380;
	v3 =	vld [tilespmem:s23+$0xFFFFFF90]  }
0x21c: {  	v6 =	vld [tilespmem:s26+$0xFFFFFFA0];
	[tilespmem:s22+$0xFFFFFFE0] =	vst v1;
	v1 =	vadd.f32 v4, v2  }
0x21d: {  	v2 =	vld [tilespmem:s23+$0xFFFFFFA0];
	v9 =	vadd.f32 v0, v5  }
0x21e: {  	v4 =	vld [tilespmem:s26+$0xFFFFFFB0];
	[tilespmem:s22+$0xFFFFFFF0] =	vst v1  }
0x21f: {  	v1 =	vld [tilespmem:s23+$0xFFFFFFB0];
	v5 =	vadd.f32 v8, v7;
	[tilespmem:s22+$0xFFFFFF90] =	vst v9;
	s22 =	smov.u32 s26  }
0x220: {  	v7 =	vld [tilespmem:s26+$0xFFFFFFC0];
	v0 =	vmov v3  }
0x221: {  	v8 =	vld [tilespmem:s23+$0xFFFFFFC0];
	[tilespmem:s26+$0x0] =	vst v5  }
0x222: {  	v2 =	vadd.f32 v2, v6;
	v6 =	vld [tilespmem:s26+$0xFFFFFFD0]  }
0x223: {  	v9 =	vld [tilespmem:s23+$0xFFFFFFD0]  }
.Ltmp13:
0x224: {  	[tilespmem:s26+$0xFFFFFFA0] =	vst v2;
	v2 =	vadd.f32 v1, v4;
	v1 =	vld [tilespmem:s26+$0xFFFFFFE0];
	(pc) =	sbr.rel @p0 .LBB2_28-.Ltmp13, $4  }
0x225: {  	v3 =	vld [tilespmem:s23+$0xFFFFFFE0]  }
0x226: {  	[tilespmem:s26+$0xFFFFFFB0] =	vst v2;
	v7 =	vadd.f32 v8, v7;
	v2 =	vld [tilespmem:s26+$0xFFFFFFF0]  }
0x227: {  	v4 =	vld [tilespmem:s23+$0xFFFFFFF0]  }
0x228: {  	s26 =	sadd.s32 $0x400, s26;
	v5 =	vld [tilespmem:s22+$0xFFFFFF90];
	[tilespmem:s22+$0xFFFFFFC0] =	vst v7;
	v6 =	vadd.f32 v9, v6  }
0x229: {  	_ =	sdelay $0x1  }
0x22a: {  	v1 =	vadd.f32 v3, v1  }
0x22b: {  	[tilespmem:s22+$0xFFFFFFD0] =	vst v6;
	v2 =	vadd.f32 v4, v2  }
0x22c: {  	[tilespmem:s22+$0xFFFFFFE0] =	vst v1;
	v0 =	vadd.f32 v0, v5  }
0x22d: {  	[tilespmem:s22+$0xFFFFFFF0] =	vst v2  }
0x22e: {  	[tilespmem:s22+$0xFFFFFF90] =	vst v0  }
0x22f: {  	v1 =	vld [tilespmem:s21+$0x0]  }
0x230: {  	v2 =	vld [tilespmem:s24+$0x0]  }
0x231: {  	v0 =	vld [tilespmem:s24+$0xFFFFFF90]  }
0x232: {  	v3 =	vld [tilespmem:s21+$0xFFFFFFA0]  }
0x233: {  	v4 =	vld [tilespmem:s24+$0xFFFFFFA0]  }
0x234: {  	v5 =	vld [tilespmem:s21+$0xFFFFFFB0]  }
0x235: {  	v6 =	vld [tilespmem:s24+$0xFFFFFFB0]  }
0x236: {  	v7 =	vld [tilespmem:s21+$0xFFFFFFC0]  }
0x237: {  	v8 =	vld [tilespmem:s24+$0xFFFFFFC0]  }
0x238: {  	v9 =	vld [tilespmem:s21+$0xFFFFFFD0]  }
0x239: {  	v10 =	vld [tilespmem:s24+$0xFFFFFFD0];
	v2 =	vadd.f32 v2, v1  }
0x23a: {  	v4 =	vadd.f32 v4, v3;
	v1 =	vld [tilespmem:s21+$0xFFFFFFE0]  }
0x23b: {  	v5 =	vadd.f32 v6, v5;
	v3 =	vld [tilespmem:s24+$0xFFFFFFE0];
	[tilespmem:s21+$0x0] =	vst v2  }
0x23c: {  	v6 =	vadd.f32 v8, v7;
	[tilespmem:s21+$0xFFFFFFA0] =	vst v4;
	v2 =	vld [tilespmem:s21+$0xFFFFFFF0]  }
0x23d: {  	s25 =	simm.s32 $0x0;
	[tilespmem:s21+$0xFFFFFFB0] =	vst v5;
	v4 =	vld [tilespmem:s24+$0xFFFFFFF0]  }
0x23e: {  	s23 =	simm.s32 $0x23F0;
	s26 =	simm.s32 $0x6770;
	s22 =	simm.s32 $0x63F0;
	v5 =	vld [tilespmem:s21+$0xFFFFFF90];
	[tilespmem:s21+$0xFFFFFFC0] =	vst v6;
	v6 =	vadd.f32 v10, v9  }
.LBB2_30:
0x23f: {  	v7 =	vld [tilespmem:s26+$0x0];
	s24 =	sadd.s32 $0x400, s24  }
0x240: {  	s25 =	sadd.s32 $0x80, s25;
	v8 =	vld [tilespmem:s24+$0x0];
	[tilespmem:s21+$0xFFFFFFD0] =	vst v6;
	v1 =	vadd.f32 v3, v1  }
0x241: {  	p0 =	slt.u32 s25, $0x380;
	v3 =	vld [tilespmem:s24+$0xFFFFFF90]  }
0x242: {  	v6 =	vld [tilespmem:s26+$0xFFFFFFA0];
	[tilespmem:s21+$0xFFFFFFE0] =	vst v1;
	v1 =	vadd.f32 v4, v2  }
0x243: {  	v2 =	vld [tilespmem:s24+$0xFFFFFFA0];
	v9 =	vadd.f32 v0, v5  }
0x244: {  	v4 =	vld [tilespmem:s26+$0xFFFFFFB0];
	[tilespmem:s21+$0xFFFFFFF0] =	vst v1  }
0x245: {  	v1 =	vld [tilespmem:s24+$0xFFFFFFB0];
	v5 =	vadd.f32 v8, v7;
	[tilespmem:s21+$0xFFFFFF90] =	vst v9;
	s21 =	smov.u32 s26  }
0x246: {  	v7 =	vld [tilespmem:s26+$0xFFFFFFC0];
	v0 =	vmov v3  }
0x247: {  	v8 =	vld [tilespmem:s24+$0xFFFFFFC0];
	[tilespmem:s26+$0x0] =	vst v5  }
0x248: {  	v2 =	vadd.f32 v2, v6;
	v6 =	vld [tilespmem:s26+$0xFFFFFFD0]  }
0x249: {  	v9 =	vld [tilespmem:s24+$0xFFFFFFD0]  }
.Ltmp14:
0x24a: {  	[tilespmem:s26+$0xFFFFFFA0] =	vst v2;
	v2 =	vadd.f32 v1, v4;
	v1 =	vld [tilespmem:s26+$0xFFFFFFE0];
	(pc) =	sbr.rel @p0 .LBB2_30-.Ltmp14, $4  }
0x24b: {  	v3 =	vld [tilespmem:s24+$0xFFFFFFE0]  }
0x24c: {  	[tilespmem:s26+$0xFFFFFFB0] =	vst v2;
	v7 =	vadd.f32 v8, v7;
	v2 =	vld [tilespmem:s26+$0xFFFFFFF0]  }
0x24d: {  	v4 =	vld [tilespmem:s24+$0xFFFFFFF0]  }
0x24e: {  	s26 =	sadd.s32 $0x400, s26;
	v5 =	vld [tilespmem:s21+$0xFFFFFF90];
	[tilespmem:s21+$0xFFFFFFC0] =	vst v7;
	v6 =	vadd.f32 v9, v6  }
0x24f: {  	_ =	sdelay $0x1  }
0x250: {  	v1 =	vadd.f32 v3, v1  }
0x251: {  	[tilespmem:s21+$0xFFFFFFD0] =	vst v6;
	v2 =	vadd.f32 v4, v2  }
0x252: {  	[tilespmem:s21+$0xFFFFFFE0] =	vst v1;
	v0 =	vadd.f32 v0, v5  }
0x253: {  	[tilespmem:s21+$0xFFFFFFF0] =	vst v2  }
0x254: {  	[tilespmem:s21+$0xFFFFFF90] =	vst v0  }
0x255: {  	v1 =	vld [tilespmem:s22+$0x0]  }
0x256: {  	v2 =	vld [tilespmem:s23+$0x0]  }
0x257: {  	v0 =	vld [tilespmem:s23+$0xFFFFFF90]  }
0x258: {  	v3 =	vld [tilespmem:s22+$0xFFFFFFA0]  }
0x259: {  	v4 =	vld [tilespmem:s23+$0xFFFFFFA0]  }
0x25a: {  	v5 =	vld [tilespmem:s22+$0xFFFFFFB0]  }
0x25b: {  	v6 =	vld [tilespmem:s23+$0xFFFFFFB0]  }
0x25c: {  	v7 =	vld [tilespmem:s22+$0xFFFFFFC0]  }
0x25d: {  	v8 =	vld [tilespmem:s23+$0xFFFFFFC0]  }
0x25e: {  	v9 =	vld [tilespmem:s22+$0xFFFFFFD0]  }
0x25f: {  	v10 =	vld [tilespmem:s23+$0xFFFFFFD0];
	v2 =	vadd.f32 v2, v1  }
0x260: {  	v4 =	vadd.f32 v4, v3;
	v1 =	vld [tilespmem:s22+$0xFFFFFFE0]  }
0x261: {  	v5 =	vadd.f32 v6, v5;
	v3 =	vld [tilespmem:s23+$0xFFFFFFE0];
	[tilespmem:s22+$0x0] =	vst v2  }
0x262: {  	v6 =	vadd.f32 v8, v7;
	[tilespmem:s22+$0xFFFFFFA0] =	vst v4;
	v2 =	vld [tilespmem:s22+$0xFFFFFFF0]  }
0x263: {  	[tilespmem:s22+$0xFFFFFFB0] =	vst v5;
	v5 =	vld [tilespmem:s23+$0xFFFFFFF0]  }
0x264: {  	s24 =	simm.s32 $0x67F0;
	s21 =	simm.s32 $0x0;
	v4 =	vld [tilespmem:s22+$0xFFFFFF90];
	[tilespmem:s22+$0xFFFFFFC0] =	vst v6;
	v6 =	vadd.f32 v10, v9  }
.LBB2_32:
0x265: {  	v7 =	vld [tilespmem:s24+$0x0];
	s23 =	sadd.s32 $0x400, s23  }
0x266: {  	s21 =	sadd.s32 $0x80, s21;
	v8 =	vld [tilespmem:s23+$0x0];
	[tilespmem:s22+$0xFFFFFFD0] =	vst v6;
	v1 =	vadd.f32 v3, v1  }
0x267: {  	p0 =	slt.u32 s21, $0x380;
	v3 =	vld [tilespmem:s23+$0xFFFFFF90]  }
0x268: {  	v6 =	vld [tilespmem:s24+$0xFFFFFFA0];
	[tilespmem:s22+$0xFFFFFFE0] =	vst v1;
	v1 =	vadd.f32 v5, v2  }
0x269: {  	v2 =	vld [tilespmem:s23+$0xFFFFFFA0];
	v9 =	vadd.f32 v0, v4  }
0x26a: {  	v4 =	vld [tilespmem:s24+$0xFFFFFFB0];
	[tilespmem:s22+$0xFFFFFFF0] =	vst v1  }
0x26b: {  	v1 =	vld [tilespmem:s23+$0xFFFFFFB0];
	v5 =	vadd.f32 v8, v7;
	[tilespmem:s22+$0xFFFFFF90] =	vst v9;
	s22 =	smov.u32 s24  }
0x26c: {  	v7 =	vld [tilespmem:s24+$0xFFFFFFC0];
	v0 =	vmov v3  }
0x26d: {  	v8 =	vld [tilespmem:s23+$0xFFFFFFC0];
	[tilespmem:s24+$0x0] =	vst v5  }
0x26e: {  	v2 =	vadd.f32 v2, v6;
	v6 =	vld [tilespmem:s24+$0xFFFFFFD0]  }
0x26f: {  	v9 =	vld [tilespmem:s23+$0xFFFFFFD0]  }
.Ltmp15:
0x270: {  	[tilespmem:s24+$0xFFFFFFA0] =	vst v2;
	v2 =	vadd.f32 v1, v4;
	v1 =	vld [tilespmem:s24+$0xFFFFFFE0];
	(pc) =	sbr.rel @p0 .LBB2_32-.Ltmp15, $4  }
0x271: {  	v3 =	vld [tilespmem:s23+$0xFFFFFFE0]  }
0x272: {  	[tilespmem:s24+$0xFFFFFFB0] =	vst v2;
	v7 =	vadd.f32 v8, v7;
	v2 =	vld [tilespmem:s24+$0xFFFFFFF0]  }
0x273: {  	v5 =	vld [tilespmem:s23+$0xFFFFFFF0]  }
0x274: {  	s24 =	sadd.s32 $0x400, s24;
	v4 =	vld [tilespmem:s22+$0xFFFFFF90];
	[tilespmem:s22+$0xFFFFFFC0] =	vst v7;
	v6 =	vadd.f32 v9, v6  }
0x275: {  	_ =	sdelay $0x1  }
0x276: {  	v1 =	vadd.f32 v3, v1  }
0x277: {  	[tilespmem:s22+$0xFFFFFFD0] =	vst v6;
	v2 =	vadd.f32 v5, v2  }
0x278: {  	[tilespmem:s22+$0xFFFFFFE0] =	vst v1;
	v0 =	vadd.f32 v0, v4  }
0x279: {  	[tilespmem:s22+$0xFFFFFFF0] =	vst v2  }
0x27a: {  	[tilespmem:s22+$0xFFFFFF90] =	vst v0  }
0x27b: {  	[hbm4b:s6+s2] =	stream.linear.scatter [tilespmem:s13], [sflag:$0x3], $0x4000, $0x38;
	[tilespmem:$0xC000] =	vst v63  }
0x27c: {  	_ =	swait.ge [sflag:s17], $0x4000  }
0x27d: {  	[sflag:s17] =	ssyncset.done $0x0  }
0x27e: {  	[sflag:s17] =	ssyncadd.s32 $0xFFFFC000  }
0x27f: {  	[tilespmem:s13], [sflag:$0x1] =	stream.linear.gather [hbm4b:s7+s2], $0x4000, $0x38;
	[tilespmem:$0xC000] =	vst v63  }
0x280: {  	_ =	swait.ge [sflag:s18], $0x4000  }
0x281: {  	[sflag:s18] =	ssyncset.done $0x0  }
0x282: {  	s22 =	simm.s32 $0x8040;
	[sflag:s18] =	ssyncadd.s32 $0xFFFFC000  }
0x283: {  	s24 =	simm.s32 $0x40;
	v1 =	vld [tilespmem:s22+$0x30]  }
0x284: {  	v2 =	vld [tilespmem:s24+$0x30]  }
0x285: {  	v0 =	vld [tilespmem:s24+$0xFFFFFFC0]  }
0x286: {  	v3 =	vld [tilespmem:s22+$0xFFFFFFD0]  }
0x287: {  	v4 =	vld [tilespmem:s24+$0xFFFFFFD0]  }
0x288: {  	v5 =	vld [tilespmem:s22+$0xFFFFFFE0]  }
0x289: {  	v6 =	vld [tilespmem:s24+$0xFFFFFFE0]  }
0x28a: {  	v7 =	vld [tilespmem:s22+$0xFFFFFFF0]  }
0x28b: {  	v8 =	vld [tilespmem:s24+$0xFFFFFFF0]  }
0x28c: {  	v9 =	vld [tilespmem:s22+$0x0]  }
0x28d: {  	v10 =	vld [tilespmem:s24+$0x0];
	v2 =	vadd.f32 v2, v1  }
0x28e: {  	v4 =	vadd.f32 v4, v3;
	v1 =	vld [tilespmem:s22+$0x10]  }
0x28f: {  	v5 =	vadd.f32 v6, v5;
	v3 =	vld [tilespmem:s24+$0x10];
	[tilespmem:s22+$0x30] =	vst v2  }
0x290: {  	v6 =	vadd.f32 v8, v7;
	[tilespmem:s22+$0xFFFFFFD0] =	vst v4;
	v2 =	vld [tilespmem:s22+$0x20]  }
0x291: {  	[tilespmem:s22+$0xFFFFFFE0] =	vst v5;
	v4 =	vld [tilespmem:s24+$0x20]  }
0x292: {  	s25 =	simm.s32 $0x0;
	s21 =	simm.s32 $0x80F0;
	s26 =	simm.s32 $0x8440;
	v5 =	vld [tilespmem:s22+$0xFFFFFFC0];
	[tilespmem:s22+$0xFFFFFFF0] =	vst v6;
	v6 =	vadd.f32 v10, v9  }
.LBB2_34:
0x293: {  	v7 =	vld [tilespmem:s26+$0x30];
	s24 =	sadd.s32 $0x400, s24  }
0x294: {  	s25 =	sadd.s32 $0x80, s25;
	v8 =	vld [tilespmem:s24+$0x30];
	[tilespmem:s22+$0x0] =	vst v6;
	v1 =	vadd.f32 v3, v1  }
0x295: {  	p0 =	slt.u32 s25, $0x380;
	v3 =	vld [tilespmem:s24+$0xFFFFFFC0]  }
0x296: {  	v6 =	vld [tilespmem:s26+$0xFFFFFFD0];
	[tilespmem:s22+$0x10] =	vst v1;
	v1 =	vadd.f32 v4, v2  }
0x297: {  	v2 =	vld [tilespmem:s24+$0xFFFFFFD0];
	v9 =	vadd.f32 v0, v5  }
0x298: {  	v4 =	vld [tilespmem:s26+$0xFFFFFFE0];
	[tilespmem:s22+$0x20] =	vst v1  }
0x299: {  	v1 =	vld [tilespmem:s24+$0xFFFFFFE0];
	v5 =	vadd.f32 v8, v7;
	[tilespmem:s22+$0xFFFFFFC0] =	vst v9;
	s22 =	smov.u32 s26  }
0x29a: {  	v7 =	vld [tilespmem:s26+$0xFFFFFFF0];
	v0 =	vmov v3  }
0x29b: {  	s23 =	simm.s32 $0xF0;
	v8 =	vld [tilespmem:s24+$0xFFFFFFF0];
	[tilespmem:s26+$0x30] =	vst v5  }
0x29c: {  	v2 =	vadd.f32 v2, v6;
	v6 =	vld [tilespmem:s26+$0x0]  }
0x29d: {  	v9 =	vld [tilespmem:s24+$0x0]  }
.Ltmp16:
0x29e: {  	[tilespmem:s26+$0xFFFFFFD0] =	vst v2;
	v2 =	vadd.f32 v1, v4;
	v1 =	vld [tilespmem:s26+$0x10];
	(pc) =	sbr.rel @p0 .LBB2_34-.Ltmp16, $4  }
0x29f: {  	v3 =	vld [tilespmem:s24+$0x10]  }
0x2a0: {  	[tilespmem:s26+$0xFFFFFFE0] =	vst v2;
	v7 =	vadd.f32 v8, v7;
	v2 =	vld [tilespmem:s26+$0x20]  }
0x2a1: {  	v4 =	vld [tilespmem:s24+$0x20]  }
0x2a2: {  	s26 =	sadd.s32 $0x400, s26;
	v5 =	vld [tilespmem:s22+$0xFFFFFFC0];
	[tilespmem:s22+$0xFFFFFFF0] =	vst v7;
	v6 =	vadd.f32 v9, v6  }
0x2a3: {  	_ =	sdelay $0x1  }
0x2a4: {  	v1 =	vadd.f32 v3, v1  }
0x2a5: {  	[tilespmem:s22+$0x0] =	vst v6;
	v2 =	vadd.f32 v4, v2  }
0x2a6: {  	[tilespmem:s22+$0x10] =	vst v1;
	v0 =	vadd.f32 v0, v5  }
0x2a7: {  	[tilespmem:s22+$0x20] =	vst v2  }
0x2a8: {  	[tilespmem:s22+$0xFFFFFFC0] =	vst v0  }
0x2a9: {  	v1 =	vld [tilespmem:s21+$0x0]  }
0x2aa: {  	v2 =	vld [tilespmem:s23+$0x0]  }
0x2ab: {  	v0 =	vld [tilespmem:s23+$0xFFFFFF90]  }
0x2ac: {  	v3 =	vld [tilespmem:s21+$0xFFFFFFA0]  }
0x2ad: {  	v4 =	vld [tilespmem:s23+$0xFFFFFFA0]  }
0x2ae: {  	v5 =	vld [tilespmem:s21+$0xFFFFFFB0]  }
0x2af: {  	v6 =	vld [tilespmem:s23+$0xFFFFFFB0]  }
0x2b0: {  	v7 =	vld [tilespmem:s21+$0xFFFFFFC0]  }
0x2b1: {  	v8 =	vld [tilespmem:s23+$0xFFFFFFC0]  }
0x2b2: {  	v9 =	vld [tilespmem:s21+$0xFFFFFFD0]  }
0x2b3: {  	v10 =	vld [tilespmem:s23+$0xFFFFFFD0];
	v2 =	vadd.f32 v2, v1  }
0x2b4: {  	v4 =	vadd.f32 v4, v3;
	v1 =	vld [tilespmem:s21+$0xFFFFFFE0]  }
0x2b5: {  	v5 =	vadd.f32 v6, v5;
	v3 =	vld [tilespmem:s23+$0xFFFFFFE0];
	[tilespmem:s21+$0x0] =	vst v2  }
0x2b6: {  	v6 =	vadd.f32 v8, v7;
	[tilespmem:s21+$0xFFFFFFA0] =	vst v4;
	v2 =	vld [tilespmem:s21+$0xFFFFFFF0]  }
0x2b7: {  	[tilespmem:s21+$0xFFFFFFB0] =	vst v5;
	v4 =	vld [tilespmem:s23+$0xFFFFFFF0]  }
0x2b8: {  	s25 =	simm.s32 $0x0;
	s26 =	simm.s32 $0x84F0;
	s22 =	simm.s32 $0x8170;
	v5 =	vld [tilespmem:s21+$0xFFFFFF90];
	[tilespmem:s21+$0xFFFFFFC0] =	vst v6;
	v6 =	vadd.f32 v10, v9  }
.LBB2_36:
0x2b9: {  	v7 =	vld [tilespmem:s26+$0x0];
	s23 =	sadd.s32 $0x400, s23  }
0x2ba: {  	s25 =	sadd.s32 $0x80, s25;
	v8 =	vld [tilespmem:s23+$0x0];
	[tilespmem:s21+$0xFFFFFFD0] =	vst v6;
	v1 =	vadd.f32 v3, v1  }
0x2bb: {  	p0 =	slt.u32 s25, $0x380;
	v3 =	vld [tilespmem:s23+$0xFFFFFF90]  }
0x2bc: {  	v6 =	vld [tilespmem:s26+$0xFFFFFFA0];
	[tilespmem:s21+$0xFFFFFFE0] =	vst v1;
	v1 =	vadd.f32 v4, v2  }
0x2bd: {  	v2 =	vld [tilespmem:s23+$0xFFFFFFA0];
	v9 =	vadd.f32 v0, v5  }
0x2be: {  	v4 =	vld [tilespmem:s26+$0xFFFFFFB0];
	[tilespmem:s21+$0xFFFFFFF0] =	vst v1  }
0x2bf: {  	v1 =	vld [tilespmem:s23+$0xFFFFFFB0];
	v5 =	vadd.f32 v8, v7;
	[tilespmem:s21+$0xFFFFFF90] =	vst v9;
	s21 =	smov.u32 s26  }
0x2c0: {  	v7 =	vld [tilespmem:s26+$0xFFFFFFC0];
	v0 =	vmov v3  }
0x2c1: {  	s24 =	simm.s32 $0x170;
	v8 =	vld [tilespmem:s23+$0xFFFFFFC0];
	[tilespmem:s26+$0x0] =	vst v5  }
0x2c2: {  	v2 =	vadd.f32 v2, v6;
	v6 =	vld [tilespmem:s26+$0xFFFFFFD0]  }
0x2c3: {  	v9 =	vld [tilespmem:s23+$0xFFFFFFD0]  }
.Ltmp17:
0x2c4: {  	[tilespmem:s26+$0xFFFFFFA0] =	vst v2;
	v2 =	vadd.f32 v1, v4;
	v1 =	vld [tilespmem:s26+$0xFFFFFFE0];
	(pc) =	sbr.rel @p0 .LBB2_36-.Ltmp17, $4  }
0x2c5: {  	v3 =	vld [tilespmem:s23+$0xFFFFFFE0]  }
0x2c6: {  	[tilespmem:s26+$0xFFFFFFB0] =	vst v2;
	v7 =	vadd.f32 v8, v7;
	v2 =	vld [tilespmem:s26+$0xFFFFFFF0]  }
0x2c7: {  	v4 =	vld [tilespmem:s23+$0xFFFFFFF0]  }
0x2c8: {  	s26 =	sadd.s32 $0x400, s26;
	v5 =	vld [tilespmem:s21+$0xFFFFFF90];
	[tilespmem:s21+$0xFFFFFFC0] =	vst v7;
	v6 =	vadd.f32 v9, v6  }
0x2c9: {  	_ =	sdelay $0x1  }
0x2ca: {  	v1 =	vadd.f32 v3, v1  }
0x2cb: {  	[tilespmem:s21+$0xFFFFFFD0] =	vst v6;
	v2 =	vadd.f32 v4, v2  }
0x2cc: {  	[tilespmem:s21+$0xFFFFFFE0] =	vst v1;
	v0 =	vadd.f32 v0, v5  }
0x2cd: {  	[tilespmem:s21+$0xFFFFFFF0] =	vst v2  }
0x2ce: {  	[tilespmem:s21+$0xFFFFFF90] =	vst v0  }
0x2cf: {  	v1 =	vld [tilespmem:s22+$0x0]  }
0x2d0: {  	v2 =	vld [tilespmem:s24+$0x0]  }
0x2d1: {  	v0 =	vld [tilespmem:s24+$0xFFFFFF90]  }
0x2d2: {  	v3 =	vld [tilespmem:s22+$0xFFFFFFA0]  }
0x2d3: {  	v4 =	vld [tilespmem:s24+$0xFFFFFFA0]  }
0x2d4: {  	v5 =	vld [tilespmem:s22+$0xFFFFFFB0]  }
0x2d5: {  	v6 =	vld [tilespmem:s24+$0xFFFFFFB0]  }
0x2d6: {  	v7 =	vld [tilespmem:s22+$0xFFFFFFC0]  }
0x2d7: {  	v8 =	vld [tilespmem:s24+$0xFFFFFFC0]  }
0x2d8: {  	v9 =	vld [tilespmem:s22+$0xFFFFFFD0]  }
0x2d9: {  	v10 =	vld [tilespmem:s24+$0xFFFFFFD0];
	v2 =	vadd.f32 v2, v1  }
0x2da: {  	v4 =	vadd.f32 v4, v3;
	v1 =	vld [tilespmem:s22+$0xFFFFFFE0]  }
0x2db: {  	v5 =	vadd.f32 v6, v5;
	v3 =	vld [tilespmem:s24+$0xFFFFFFE0];
	[tilespmem:s22+$0x0] =	vst v2  }
0x2dc: {  	v6 =	vadd.f32 v8, v7;
	[tilespmem:s22+$0xFFFFFFA0] =	vst v4;
	v2 =	vld [tilespmem:s22+$0xFFFFFFF0]  }
0x2dd: {  	[tilespmem:s22+$0xFFFFFFB0] =	vst v5;
	v4 =	vld [tilespmem:s24+$0xFFFFFFF0]  }
0x2de: {  	s25 =	simm.s32 $0x0;
	s26 =	simm.s32 $0x8570;
	s21 =	simm.s32 $0x81F0;
	v5 =	vld [tilespmem:s22+$0xFFFFFF90];
	[tilespmem:s22+$0xFFFFFFC0] =	vst v6;
	v6 =	vadd.f32 v10, v9  }
.LBB2_38:
0x2df: {  	v7 =	vld [tilespmem:s26+$0x0];
	s24 =	sadd.s32 $0x400, s24  }
0x2e0: {  	s25 =	sadd.s32 $0x80, s25;
	v8 =	vld [tilespmem:s24+$0x0];
	[tilespmem:s22+$0xFFFFFFD0] =	vst v6;
	v1 =	vadd.f32 v3, v1  }
0x2e1: {  	p0 =	slt.u32 s25, $0x380;
	v3 =	vld [tilespmem:s24+$0xFFFFFF90]  }
0x2e2: {  	v6 =	vld [tilespmem:s26+$0xFFFFFFA0];
	[tilespmem:s22+$0xFFFFFFE0] =	vst v1;
	v1 =	vadd.f32 v4, v2  }
0x2e3: {  	v2 =	vld [tilespmem:s24+$0xFFFFFFA0];
	v9 =	vadd.f32 v0, v5  }
0x2e4: {  	v4 =	vld [tilespmem:s26+$0xFFFFFFB0];
	[tilespmem:s22+$0xFFFFFFF0] =	vst v1  }
0x2e5: {  	v1 =	vld [tilespmem:s24+$0xFFFFFFB0];
	v5 =	vadd.f32 v8, v7;
	[tilespmem:s22+$0xFFFFFF90] =	vst v9;
	s22 =	smov.u32 s26  }
0x2e6: {  	v7 =	vld [tilespmem:s26+$0xFFFFFFC0];
	v0 =	vmov v3  }
0x2e7: {  	s23 =	simm.s32 $0x1F0;
	v8 =	vld [tilespmem:s24+$0xFFFFFFC0];
	[tilespmem:s26+$0x0] =	vst v5  }
0x2e8: {  	v2 =	vadd.f32 v2, v6;
	v6 =	vld [tilespmem:s26+$0xFFFFFFD0]  }
0x2e9: {  	v9 =	vld [tilespmem:s24+$0xFFFFFFD0]  }
.Ltmp18:
0x2ea: {  	[tilespmem:s26+$0xFFFFFFA0] =	vst v2;
	v2 =	vadd.f32 v1, v4;
	v1 =	vld [tilespmem:s26+$0xFFFFFFE0];
	(pc) =	sbr.rel @p0 .LBB2_38-.Ltmp18, $4  }
0x2eb: {  	v3 =	vld [tilespmem:s24+$0xFFFFFFE0]  }
0x2ec: {  	[tilespmem:s26+$0xFFFFFFB0] =	vst v2;
	v7 =	vadd.f32 v8, v7;
	v2 =	vld [tilespmem:s26+$0xFFFFFFF0]  }
0x2ed: {  	v4 =	vld [tilespmem:s24+$0xFFFFFFF0]  }
0x2ee: {  	s26 =	sadd.s32 $0x400, s26;
	v5 =	vld [tilespmem:s22+$0xFFFFFF90];
	[tilespmem:s22+$0xFFFFFFC0] =	vst v7;
	v6 =	vadd.f32 v9, v6  }
0x2ef: {  	_ =	sdelay $0x1  }
0x2f0: {  	v1 =	vadd.f32 v3, v1  }
0x2f1: {  	[tilespmem:s22+$0xFFFFFFD0] =	vst v6;
	v2 =	vadd.f32 v4, v2  }
0x2f2: {  	[tilespmem:s22+$0xFFFFFFE0] =	vst v1;
	v0 =	vadd.f32 v0, v5  }
0x2f3: {  	[tilespmem:s22+$0xFFFFFFF0] =	vst v2  }
0x2f4: {  	[tilespmem:s22+$0xFFFFFF90] =	vst v0  }
0x2f5: {  	v1 =	vld [tilespmem:s21+$0x0]  }
0x2f6: {  	v2 =	vld [tilespmem:s23+$0x0]  }
0x2f7: {  	v0 =	vld [tilespmem:s23+$0xFFFFFF90]  }
0x2f8: {  	v3 =	vld [tilespmem:s21+$0xFFFFFFA0]  }
0x2f9: {  	v4 =	vld [tilespmem:s23+$0xFFFFFFA0]  }
0x2fa: {  	v5 =	vld [tilespmem:s21+$0xFFFFFFB0]  }
0x2fb: {  	v6 =	vld [tilespmem:s23+$0xFFFFFFB0]  }
0x2fc: {  	v7 =	vld [tilespmem:s21+$0xFFFFFFC0]  }
0x2fd: {  	v8 =	vld [tilespmem:s23+$0xFFFFFFC0]  }
0x2fe: {  	v9 =	vld [tilespmem:s21+$0xFFFFFFD0]  }
0x2ff: {  	v10 =	vld [tilespmem:s23+$0xFFFFFFD0];
	v2 =	vadd.f32 v2, v1  }
0x300: {  	v4 =	vadd.f32 v4, v3;
	v1 =	vld [tilespmem:s21+$0xFFFFFFE0]  }
0x301: {  	v5 =	vadd.f32 v6, v5;
	v3 =	vld [tilespmem:s23+$0xFFFFFFE0];
	[tilespmem:s21+$0x0] =	vst v2  }
0x302: {  	v6 =	vadd.f32 v8, v7;
	[tilespmem:s21+$0xFFFFFFA0] =	vst v4;
	v2 =	vld [tilespmem:s21+$0xFFFFFFF0]  }
0x303: {  	[tilespmem:s21+$0xFFFFFFB0] =	vst v5;
	v4 =	vld [tilespmem:s23+$0xFFFFFFF0]  }
0x304: {  	s25 =	simm.s32 $0x0;
	s26 =	simm.s32 $0x85F0;
	s22 =	simm.s32 $0x8270;
	v5 =	vld [tilespmem:s21+$0xFFFFFF90];
	[tilespmem:s21+$0xFFFFFFC0] =	vst v6;
	v6 =	vadd.f32 v10, v9  }
.LBB2_40:
0x305: {  	v7 =	vld [tilespmem:s26+$0x0];
	s23 =	sadd.s32 $0x400, s23  }
0x306: {  	s25 =	sadd.s32 $0x80, s25;
	v8 =	vld [tilespmem:s23+$0x0];
	[tilespmem:s21+$0xFFFFFFD0] =	vst v6;
	v1 =	vadd.f32 v3, v1  }
0x307: {  	p0 =	slt.u32 s25, $0x380;
	v3 =	vld [tilespmem:s23+$0xFFFFFF90]  }
0x308: {  	v6 =	vld [tilespmem:s26+$0xFFFFFFA0];
	[tilespmem:s21+$0xFFFFFFE0] =	vst v1;
	v1 =	vadd.f32 v4, v2  }
0x309: {  	v2 =	vld [tilespmem:s23+$0xFFFFFFA0];
	v9 =	vadd.f32 v0, v5  }
0x30a: {  	v4 =	vld [tilespmem:s26+$0xFFFFFFB0];
	[tilespmem:s21+$0xFFFFFFF0] =	vst v1  }
0x30b: {  	v1 =	vld [tilespmem:s23+$0xFFFFFFB0];
	v5 =	vadd.f32 v8, v7;
	[tilespmem:s21+$0xFFFFFF90] =	vst v9;
	s21 =	smov.u32 s26  }
0x30c: {  	v7 =	vld [tilespmem:s26+$0xFFFFFFC0];
	v0 =	vmov v3  }
0x30d: {  	s24 =	simm.s32 $0x270;
	v8 =	vld [tilespmem:s23+$0xFFFFFFC0];
	[tilespmem:s26+$0x0] =	vst v5  }
0x30e: {  	v2 =	vadd.f32 v2, v6;
	v6 =	vld [tilespmem:s26+$0xFFFFFFD0]  }
0x30f: {  	v9 =	vld [tilespmem:s23+$0xFFFFFFD0]  }
.Ltmp19:
0x310: {  	[tilespmem:s26+$0xFFFFFFA0] =	vst v2;
	v2 =	vadd.f32 v1, v4;
	v1 =	vld [tilespmem:s26+$0xFFFFFFE0];
	(pc) =	sbr.rel @p0 .LBB2_40-.Ltmp19, $4  }
0x311: {  	v3 =	vld [tilespmem:s23+$0xFFFFFFE0]  }
0x312: {  	[tilespmem:s26+$0xFFFFFFB0] =	vst v2;
	v7 =	vadd.f32 v8, v7;
	v2 =	vld [tilespmem:s26+$0xFFFFFFF0]  }
0x313: {  	v4 =	vld [tilespmem:s23+$0xFFFFFFF0]  }
0x314: {  	s26 =	sadd.s32 $0x400, s26;
	v5 =	vld [tilespmem:s21+$0xFFFFFF90];
	[tilespmem:s21+$0xFFFFFFC0] =	vst v7;
	v6 =	vadd.f32 v9, v6  }
0x315: {  	_ =	sdelay $0x1  }
0x316: {  	v1 =	vadd.f32 v3, v1  }
0x317: {  	[tilespmem:s21+$0xFFFFFFD0] =	vst v6;
	v2 =	vadd.f32 v4, v2  }
0x318: {  	[tilespmem:s21+$0xFFFFFFE0] =	vst v1;
	v0 =	vadd.f32 v0, v5  }
0x319: {  	[tilespmem:s21+$0xFFFFFFF0] =	vst v2  }
0x31a: {  	[tilespmem:s21+$0xFFFFFF90] =	vst v0  }
0x31b: {  	v1 =	vld [tilespmem:s22+$0x0]  }
0x31c: {  	v2 =	vld [tilespmem:s24+$0x0]  }
0x31d: {  	v0 =	vld [tilespmem:s24+$0xFFFFFF90]  }
0x31e: {  	v3 =	vld [tilespmem:s22+$0xFFFFFFA0]  }
0x31f: {  	v4 =	vld [tilespmem:s24+$0xFFFFFFA0]  }
0x320: {  	v5 =	vld [tilespmem:s22+$0xFFFFFFB0]  }
0x321: {  	v6 =	vld [tilespmem:s24+$0xFFFFFFB0]  }
0x322: {  	v7 =	vld [tilespmem:s22+$0xFFFFFFC0]  }
0x323: {  	v8 =	vld [tilespmem:s24+$0xFFFFFFC0]  }
0x324: {  	v9 =	vld [tilespmem:s22+$0xFFFFFFD0]  }
0x325: {  	v10 =	vld [tilespmem:s24+$0xFFFFFFD0];
	v2 =	vadd.f32 v2, v1  }
0x326: {  	v4 =	vadd.f32 v4, v3;
	v1 =	vld [tilespmem:s22+$0xFFFFFFE0]  }
0x327: {  	v5 =	vadd.f32 v6, v5;
	v3 =	vld [tilespmem:s24+$0xFFFFFFE0];
	[tilespmem:s22+$0x0] =	vst v2  }
0x328: {  	v6 =	vadd.f32 v8, v7;
	[tilespmem:s22+$0xFFFFFFA0] =	vst v4;
	v2 =	vld [tilespmem:s22+$0xFFFFFFF0]  }
0x329: {  	[tilespmem:s22+$0xFFFFFFB0] =	vst v5;
	v4 =	vld [tilespmem:s24+$0xFFFFFFF0]  }
0x32a: {  	s25 =	simm.s32 $0x0;
	s26 =	simm.s32 $0x8670;
	s21 =	simm.s32 $0x82F0;
	v5 =	vld [tilespmem:s22+$0xFFFFFF90];
	[tilespmem:s22+$0xFFFFFFC0] =	vst v6;
	v6 =	vadd.f32 v10, v9  }
.LBB2_42:
0x32b: {  	v7 =	vld [tilespmem:s26+$0x0];
	s24 =	sadd.s32 $0x400, s24  }
0x32c: {  	s25 =	sadd.s32 $0x80, s25;
	v8 =	vld [tilespmem:s24+$0x0];
	[tilespmem:s22+$0xFFFFFFD0] =	vst v6;
	v1 =	vadd.f32 v3, v1  }
0x32d: {  	p0 =	slt.u32 s25, $0x380;
	v3 =	vld [tilespmem:s24+$0xFFFFFF90]  }
0x32e: {  	v6 =	vld [tilespmem:s26+$0xFFFFFFA0];
	[tilespmem:s22+$0xFFFFFFE0] =	vst v1;
	v1 =	vadd.f32 v4, v2  }
0x32f: {  	v2 =	vld [tilespmem:s24+$0xFFFFFFA0];
	v9 =	vadd.f32 v0, v5  }
0x330: {  	v4 =	vld [tilespmem:s26+$0xFFFFFFB0];
	[tilespmem:s22+$0xFFFFFFF0] =	vst v1  }
0x331: {  	v1 =	vld [tilespmem:s24+$0xFFFFFFB0];
	v5 =	vadd.f32 v8, v7;
	[tilespmem:s22+$0xFFFFFF90] =	vst v9;
	s22 =	smov.u32 s26  }
0x332: {  	v7 =	vld [tilespmem:s26+$0xFFFFFFC0];
	v0 =	vmov v3  }
0x333: {  	s23 =	simm.s32 $0x2F0;
	v8 =	vld [tilespmem:s24+$0xFFFFFFC0];
	[tilespmem:s26+$0x0] =	vst v5  }
0x334: {  	v2 =	vadd.f32 v2, v6;
	v6 =	vld [tilespmem:s26+$0xFFFFFFD0]  }
0x335: {  	v9 =	vld [tilespmem:s24+$0xFFFFFFD0]  }
.Ltmp20:
0x336: {  	[tilespmem:s26+$0xFFFFFFA0] =	vst v2;
	v2 =	vadd.f32 v1, v4;
	v1 =	vld [tilespmem:s26+$0xFFFFFFE0];
	(pc) =	sbr.rel @p0 .LBB2_42-.Ltmp20, $4  }
0x337: {  	v3 =	vld [tilespmem:s24+$0xFFFFFFE0]  }
0x338: {  	[tilespmem:s26+$0xFFFFFFB0] =	vst v2;
	v7 =	vadd.f32 v8, v7;
	v2 =	vld [tilespmem:s26+$0xFFFFFFF0]  }
0x339: {  	v4 =	vld [tilespmem:s24+$0xFFFFFFF0]  }
0x33a: {  	s26 =	sadd.s32 $0x400, s26;
	v5 =	vld [tilespmem:s22+$0xFFFFFF90];
	[tilespmem:s22+$0xFFFFFFC0] =	vst v7;
	v6 =	vadd.f32 v9, v6  }
0x33b: {  	_ =	sdelay $0x1  }
0x33c: {  	v1 =	vadd.f32 v3, v1  }
0x33d: {  	[tilespmem:s22+$0xFFFFFFD0] =	vst v6;
	v2 =	vadd.f32 v4, v2  }
0x33e: {  	[tilespmem:s22+$0xFFFFFFE0] =	vst v1;
	v0 =	vadd.f32 v0, v5  }
0x33f: {  	[tilespmem:s22+$0xFFFFFFF0] =	vst v2  }
0x340: {  	[tilespmem:s22+$0xFFFFFF90] =	vst v0  }
0x341: {  	v1 =	vld [tilespmem:s21+$0x0]  }
0x342: {  	v2 =	vld [tilespmem:s23+$0x0]  }
0x343: {  	v0 =	vld [tilespmem:s23+$0xFFFFFF90]  }
0x344: {  	v3 =	vld [tilespmem:s21+$0xFFFFFFA0]  }
0x345: {  	v4 =	vld [tilespmem:s23+$0xFFFFFFA0]  }
0x346: {  	v5 =	vld [tilespmem:s21+$0xFFFFFFB0]  }
0x347: {  	v6 =	vld [tilespmem:s23+$0xFFFFFFB0]  }
0x348: {  	v7 =	vld [tilespmem:s21+$0xFFFFFFC0]  }
0x349: {  	v8 =	vld [tilespmem:s23+$0xFFFFFFC0]  }
0x34a: {  	v9 =	vld [tilespmem:s21+$0xFFFFFFD0]  }
0x34b: {  	v10 =	vld [tilespmem:s23+$0xFFFFFFD0];
	v2 =	vadd.f32 v2, v1  }
0x34c: {  	v4 =	vadd.f32 v4, v3;
	v1 =	vld [tilespmem:s21+$0xFFFFFFE0]  }
0x34d: {  	v5 =	vadd.f32 v6, v5;
	v3 =	vld [tilespmem:s23+$0xFFFFFFE0];
	[tilespmem:s21+$0x0] =	vst v2  }
0x34e: {  	v6 =	vadd.f32 v8, v7;
	[tilespmem:s21+$0xFFFFFFA0] =	vst v4;
	v2 =	vld [tilespmem:s21+$0xFFFFFFF0]  }
0x34f: {  	[tilespmem:s21+$0xFFFFFFB0] =	vst v5;
	v4 =	vld [tilespmem:s23+$0xFFFFFFF0]  }
0x350: {  	s25 =	simm.s32 $0x0;
	s26 =	simm.s32 $0x86F0;
	s22 =	simm.s32 $0x8370;
	v5 =	vld [tilespmem:s21+$0xFFFFFF90];
	[tilespmem:s21+$0xFFFFFFC0] =	vst v6;
	v6 =	vadd.f32 v10, v9  }
.LBB2_44:
0x351: {  	v7 =	vld [tilespmem:s26+$0x0];
	s23 =	sadd.s32 $0x400, s23  }
0x352: {  	s25 =	sadd.s32 $0x80, s25;
	v8 =	vld [tilespmem:s23+$0x0];
	[tilespmem:s21+$0xFFFFFFD0] =	vst v6;
	v1 =	vadd.f32 v3, v1  }
0x353: {  	p0 =	slt.u32 s25, $0x380;
	v3 =	vld [tilespmem:s23+$0xFFFFFF90]  }
0x354: {  	v6 =	vld [tilespmem:s26+$0xFFFFFFA0];
	[tilespmem:s21+$0xFFFFFFE0] =	vst v1;
	v1 =	vadd.f32 v4, v2  }
0x355: {  	v2 =	vld [tilespmem:s23+$0xFFFFFFA0];
	v9 =	vadd.f32 v0, v5  }
0x356: {  	v4 =	vld [tilespmem:s26+$0xFFFFFFB0];
	[tilespmem:s21+$0xFFFFFFF0] =	vst v1  }
0x357: {  	v1 =	vld [tilespmem:s23+$0xFFFFFFB0];
	v5 =	vadd.f32 v8, v7;
	[tilespmem:s21+$0xFFFFFF90] =	vst v9;
	s21 =	smov.u32 s26  }
0x358: {  	v7 =	vld [tilespmem:s26+$0xFFFFFFC0];
	v0 =	vmov v3  }
0x359: {  	s24 =	simm.s32 $0x370;
	v8 =	vld [tilespmem:s23+$0xFFFFFFC0];
	[tilespmem:s26+$0x0] =	vst v5  }
0x35a: {  	v2 =	vadd.f32 v2, v6;
	v6 =	vld [tilespmem:s26+$0xFFFFFFD0]  }
0x35b: {  	v9 =	vld [tilespmem:s23+$0xFFFFFFD0]  }
.Ltmp21:
0x35c: {  	[tilespmem:s26+$0xFFFFFFA0] =	vst v2;
	v2 =	vadd.f32 v1, v4;
	v1 =	vld [tilespmem:s26+$0xFFFFFFE0];
	(pc) =	sbr.rel @p0 .LBB2_44-.Ltmp21, $4  }
0x35d: {  	v3 =	vld [tilespmem:s23+$0xFFFFFFE0]  }
0x35e: {  	[tilespmem:s26+$0xFFFFFFB0] =	vst v2;
	v7 =	vadd.f32 v8, v7;
	v2 =	vld [tilespmem:s26+$0xFFFFFFF0]  }
0x35f: {  	v4 =	vld [tilespmem:s23+$0xFFFFFFF0]  }
0x360: {  	s26 =	sadd.s32 $0x400, s26;
	v5 =	vld [tilespmem:s21+$0xFFFFFF90];
	[tilespmem:s21+$0xFFFFFFC0] =	vst v7;
	v6 =	vadd.f32 v9, v6  }
0x361: {  	_ =	sdelay $0x1  }
0x362: {  	v1 =	vadd.f32 v3, v1  }
0x363: {  	[tilespmem:s21+$0xFFFFFFD0] =	vst v6;
	v2 =	vadd.f32 v4, v2  }
0x364: {  	[tilespmem:s21+$0xFFFFFFE0] =	vst v1;
	v0 =	vadd.f32 v0, v5  }
0x365: {  	[tilespmem:s21+$0xFFFFFFF0] =	vst v2  }
0x366: {  	[tilespmem:s21+$0xFFFFFF90] =	vst v0  }
0x367: {  	v1 =	vld [tilespmem:s22+$0x0]  }
0x368: {  	v2 =	vld [tilespmem:s24+$0x0]  }
0x369: {  	v0 =	vld [tilespmem:s24+$0xFFFFFF90]  }
0x36a: {  	v3 =	vld [tilespmem:s22+$0xFFFFFFA0]  }
0x36b: {  	v4 =	vld [tilespmem:s24+$0xFFFFFFA0]  }
0x36c: {  	v5 =	vld [tilespmem:s22+$0xFFFFFFB0]  }
0x36d: {  	v6 =	vld [tilespmem:s24+$0xFFFFFFB0]  }
0x36e: {  	v7 =	vld [tilespmem:s22+$0xFFFFFFC0]  }
0x36f: {  	v8 =	vld [tilespmem:s24+$0xFFFFFFC0]  }
0x370: {  	v9 =	vld [tilespmem:s22+$0xFFFFFFD0]  }
0x371: {  	v10 =	vld [tilespmem:s24+$0xFFFFFFD0];
	v2 =	vadd.f32 v2, v1  }
0x372: {  	v4 =	vadd.f32 v4, v3;
	v1 =	vld [tilespmem:s22+$0xFFFFFFE0]  }
0x373: {  	v5 =	vadd.f32 v6, v5;
	v3 =	vld [tilespmem:s24+$0xFFFFFFE0];
	[tilespmem:s22+$0x0] =	vst v2  }
0x374: {  	v6 =	vadd.f32 v8, v7;
	[tilespmem:s22+$0xFFFFFFA0] =	vst v4;
	v2 =	vld [tilespmem:s22+$0xFFFFFFF0]  }
0x375: {  	[tilespmem:s22+$0xFFFFFFB0] =	vst v5;
	v4 =	vld [tilespmem:s24+$0xFFFFFFF0]  }
0x376: {  	s25 =	simm.s32 $0x0;
	s26 =	simm.s32 $0x8770;
	s21 =	simm.s32 $0x83F0;
	v5 =	vld [tilespmem:s22+$0xFFFFFF90];
	[tilespmem:s22+$0xFFFFFFC0] =	vst v6;
	v6 =	vadd.f32 v10, v9  }
.LBB2_46:
0x377: {  	v7 =	vld [tilespmem:s26+$0x0];
	s24 =	sadd.s32 $0x400, s24  }
0x378: {  	s25 =	sadd.s32 $0x80, s25;
	v8 =	vld [tilespmem:s24+$0x0];
	[tilespmem:s22+$0xFFFFFFD0] =	vst v6;
	v1 =	vadd.f32 v3, v1  }
0x379: {  	p0 =	slt.u32 s25, $0x380;
	v3 =	vld [tilespmem:s24+$0xFFFFFF90]  }
0x37a: {  	v6 =	vld [tilespmem:s26+$0xFFFFFFA0];
	[tilespmem:s22+$0xFFFFFFE0] =	vst v1;
	v1 =	vadd.f32 v4, v2  }
0x37b: {  	v2 =	vld [tilespmem:s24+$0xFFFFFFA0];
	v9 =	vadd.f32 v0, v5  }
0x37c: {  	v4 =	vld [tilespmem:s26+$0xFFFFFFB0];
	[tilespmem:s22+$0xFFFFFFF0] =	vst v1  }
0x37d: {  	v1 =	vld [tilespmem:s24+$0xFFFFFFB0];
	v5 =	vadd.f32 v8, v7;
	[tilespmem:s22+$0xFFFFFF90] =	vst v9;
	s22 =	smov.u32 s26  }
0x37e: {  	v7 =	vld [tilespmem:s26+$0xFFFFFFC0];
	v0 =	vmov v3  }
0x37f: {  	s23 =	simm.s32 $0x3F0;
	v8 =	vld [tilespmem:s24+$0xFFFFFFC0];
	[tilespmem:s26+$0x0] =	vst v5  }
0x380: {  	v2 =	vadd.f32 v2, v6;
	v6 =	vld [tilespmem:s26+$0xFFFFFFD0]  }
0x381: {  	v9 =	vld [tilespmem:s24+$0xFFFFFFD0]  }
.Ltmp22:
0x382: {  	[tilespmem:s26+$0xFFFFFFA0] =	vst v2;
	v2 =	vadd.f32 v1, v4;
	v1 =	vld [tilespmem:s26+$0xFFFFFFE0];
	(pc) =	sbr.rel @p0 .LBB2_46-.Ltmp22, $4  }
0x383: {  	v3 =	vld [tilespmem:s24+$0xFFFFFFE0]  }
0x384: {  	[tilespmem:s26+$0xFFFFFFB0] =	vst v2;
	v7 =	vadd.f32 v8, v7;
	v2 =	vld [tilespmem:s26+$0xFFFFFFF0]  }
0x385: {  	v4 =	vld [tilespmem:s24+$0xFFFFFFF0]  }
0x386: {  	s26 =	sadd.s32 $0x400, s26;
	v5 =	vld [tilespmem:s22+$0xFFFFFF90];
	[tilespmem:s22+$0xFFFFFFC0] =	vst v7;
	v6 =	vadd.f32 v9, v6  }
0x387: {  	_ =	sdelay $0x1  }
0x388: {  	v1 =	vadd.f32 v3, v1  }
0x389: {  	[tilespmem:s22+$0xFFFFFFD0] =	vst v6;
	v2 =	vadd.f32 v4, v2  }
0x38a: {  	[tilespmem:s22+$0xFFFFFFE0] =	vst v1;
	v0 =	vadd.f32 v0, v5  }
0x38b: {  	[tilespmem:s22+$0xFFFFFFF0] =	vst v2  }
0x38c: {  	[tilespmem:s22+$0xFFFFFF90] =	vst v0  }
0x38d: {  	v1 =	vld [tilespmem:s21+$0x0]  }
0x38e: {  	v2 =	vld [tilespmem:s23+$0x0]  }
0x38f: {  	v0 =	vld [tilespmem:s23+$0xFFFFFF90]  }
0x390: {  	v3 =	vld [tilespmem:s21+$0xFFFFFFA0]  }
0x391: {  	v4 =	vld [tilespmem:s23+$0xFFFFFFA0]  }
0x392: {  	v5 =	vld [tilespmem:s21+$0xFFFFFFB0]  }
0x393: {  	v6 =	vld [tilespmem:s23+$0xFFFFFFB0]  }
0x394: {  	v7 =	vld [tilespmem:s21+$0xFFFFFFC0]  }
0x395: {  	v8 =	vld [tilespmem:s23+$0xFFFFFFC0]  }
0x396: {  	v9 =	vld [tilespmem:s21+$0xFFFFFFD0]  }
0x397: {  	v10 =	vld [tilespmem:s23+$0xFFFFFFD0];
	v2 =	vadd.f32 v2, v1  }
0x398: {  	v4 =	vadd.f32 v4, v3;
	v1 =	vld [tilespmem:s21+$0xFFFFFFE0]  }
0x399: {  	v5 =	vadd.f32 v6, v5;
	v3 =	vld [tilespmem:s23+$0xFFFFFFE0];
	[tilespmem:s21+$0x0] =	vst v2  }
0x39a: {  	v6 =	vadd.f32 v8, v7;
	[tilespmem:s21+$0xFFFFFFA0] =	vst v4;
	v2 =	vld [tilespmem:s21+$0xFFFFFFF0]  }
0x39b: {  	[tilespmem:s21+$0xFFFFFFB0] =	vst v5;
	v4 =	vld [tilespmem:s23+$0xFFFFFFF0]  }
0x39c: {  	s25 =	simm.s32 $0x0;
	s26 =	simm.s32 $0x87F0;
	s22 =	simm.s32 $0xA070;
	v5 =	vld [tilespmem:s21+$0xFFFFFF90];
	[tilespmem:s21+$0xFFFFFFC0] =	vst v6;
	v6 =	vadd.f32 v10, v9  }
.LBB2_48:
0x39d: {  	v7 =	vld [tilespmem:s26+$0x0];
	s23 =	sadd.s32 $0x400, s23  }
0x39e: {  	s25 =	sadd.s32 $0x80, s25;
	v8 =	vld [tilespmem:s23+$0x0];
	[tilespmem:s21+$0xFFFFFFD0] =	vst v6;
	v1 =	vadd.f32 v3, v1  }
0x39f: {  	p0 =	slt.u32 s25, $0x380;
	v3 =	vld [tilespmem:s23+$0xFFFFFF90]  }
0x3a0: {  	v6 =	vld [tilespmem:s26+$0xFFFFFFA0];
	[tilespmem:s21+$0xFFFFFFE0] =	vst v1;
	v1 =	vadd.f32 v4, v2  }
0x3a1: {  	v2 =	vld [tilespmem:s23+$0xFFFFFFA0];
	v9 =	vadd.f32 v0, v5  }
0x3a2: {  	v4 =	vld [tilespmem:s26+$0xFFFFFFB0];
	[tilespmem:s21+$0xFFFFFFF0] =	vst v1  }
0x3a3: {  	v1 =	vld [tilespmem:s23+$0xFFFFFFB0];
	v5 =	vadd.f32 v8, v7;
	[tilespmem:s21+$0xFFFFFF90] =	vst v9;
	s21 =	smov.u32 s26  }
0x3a4: {  	v7 =	vld [tilespmem:s26+$0xFFFFFFC0];
	v0 =	vmov v3  }
0x3a5: {  	s24 =	simm.s32 $0x2070;
	v8 =	vld [tilespmem:s23+$0xFFFFFFC0];
	[tilespmem:s26+$0x0] =	vst v5  }
0x3a6: {  	v2 =	vadd.f32 v2, v6;
	v6 =	vld [tilespmem:s26+$0xFFFFFFD0]  }
0x3a7: {  	v9 =	vld [tilespmem:s23+$0xFFFFFFD0]  }
.Ltmp23:
0x3a8: {  	[tilespmem:s26+$0xFFFFFFA0] =	vst v2;
	v2 =	vadd.f32 v1, v4;
	v1 =	vld [tilespmem:s26+$0xFFFFFFE0];
	(pc) =	sbr.rel @p0 .LBB2_48-.Ltmp23, $4  }
0x3a9: {  	v3 =	vld [tilespmem:s23+$0xFFFFFFE0]  }
0x3aa: {  	[tilespmem:s26+$0xFFFFFFB0] =	vst v2;
	v7 =	vadd.f32 v8, v7;
	v2 =	vld [tilespmem:s26+$0xFFFFFFF0]  }
0x3ab: {  	v4 =	vld [tilespmem:s23+$0xFFFFFFF0]  }
0x3ac: {  	s26 =	sadd.s32 $0x400, s26;
	v5 =	vld [tilespmem:s21+$0xFFFFFF90];
	[tilespmem:s21+$0xFFFFFFC0] =	vst v7;
	v6 =	vadd.f32 v9, v6  }
0x3ad: {  	_ =	sdelay $0x1  }
0x3ae: {  	v1 =	vadd.f32 v3, v1  }
0x3af: {  	[tilespmem:s21+$0xFFFFFFD0] =	vst v6;
	v2 =	vadd.f32 v4, v2  }
0x3b0: {  	[tilespmem:s21+$0xFFFFFFE0] =	vst v1;
	v0 =	vadd.f32 v0, v5  }
0x3b1: {  	[tilespmem:s21+$0xFFFFFFF0] =	vst v2  }
0x3b2: {  	[tilespmem:s21+$0xFFFFFF90] =	vst v0  }
0x3b3: {  	v1 =	vld [tilespmem:s22+$0x0]  }
0x3b4: {  	v2 =	vld [tilespmem:s24+$0x0]  }
0x3b5: {  	v0 =	vld [tilespmem:s24+$0xFFFFFF90]  }
0x3b6: {  	v3 =	vld [tilespmem:s22+$0xFFFFFFA0]  }
0x3b7: {  	v4 =	vld [tilespmem:s24+$0xFFFFFFA0]  }
0x3b8: {  	v5 =	vld [tilespmem:s22+$0xFFFFFFB0]  }
0x3b9: {  	v6 =	vld [tilespmem:s24+$0xFFFFFFB0]  }
0x3ba: {  	v7 =	vld [tilespmem:s22+$0xFFFFFFC0]  }
0x3bb: {  	v8 =	vld [tilespmem:s24+$0xFFFFFFC0]  }
0x3bc: {  	v9 =	vld [tilespmem:s22+$0xFFFFFFD0]  }
0x3bd: {  	v10 =	vld [tilespmem:s24+$0xFFFFFFD0];
	v2 =	vadd.f32 v2, v1  }
0x3be: {  	v4 =	vadd.f32 v4, v3;
	v1 =	vld [tilespmem:s22+$0xFFFFFFE0]  }
0x3bf: {  	v5 =	vadd.f32 v6, v5;
	v3 =	vld [tilespmem:s24+$0xFFFFFFE0];
	[tilespmem:s22+$0x0] =	vst v2  }
0x3c0: {  	v6 =	vadd.f32 v8, v7;
	[tilespmem:s22+$0xFFFFFFA0] =	vst v4;
	v2 =	vld [tilespmem:s22+$0xFFFFFFF0]  }
0x3c1: {  	[tilespmem:s22+$0xFFFFFFB0] =	vst v5;
	v4 =	vld [tilespmem:s24+$0xFFFFFFF0]  }
0x3c2: {  	s25 =	simm.s32 $0x0;
	s26 =	simm.s32 $0xA470;
	s21 =	simm.s32 $0xA0F0;
	v5 =	vld [tilespmem:s22+$0xFFFFFF90];
	[tilespmem:s22+$0xFFFFFFC0] =	vst v6;
	v6 =	vadd.f32 v10, v9  }
.LBB2_50:
0x3c3: {  	v7 =	vld [tilespmem:s26+$0x0];
	s24 =	sadd.s32 $0x400, s24  }
0x3c4: {  	s25 =	sadd.s32 $0x80, s25;
	v8 =	vld [tilespmem:s24+$0x0];
	[tilespmem:s22+$0xFFFFFFD0] =	vst v6;
	v1 =	vadd.f32 v3, v1  }
0x3c5: {  	p0 =	slt.u32 s25, $0x380;
	v3 =	vld [tilespmem:s24+$0xFFFFFF90]  }
0x3c6: {  	v6 =	vld [tilespmem:s26+$0xFFFFFFA0];
	[tilespmem:s22+$0xFFFFFFE0] =	vst v1;
	v1 =	vadd.f32 v4, v2  }
0x3c7: {  	v2 =	vld [tilespmem:s24+$0xFFFFFFA0];
	v9 =	vadd.f32 v0, v5  }
0x3c8: {  	v4 =	vld [tilespmem:s26+$0xFFFFFFB0];
	[tilespmem:s22+$0xFFFFFFF0] =	vst v1  }
0x3c9: {  	v1 =	vld [tilespmem:s24+$0xFFFFFFB0];
	v5 =	vadd.f32 v8, v7;
	[tilespmem:s22+$0xFFFFFF90] =	vst v9;
	s22 =	smov.u32 s26  }
0x3ca: {  	v7 =	vld [tilespmem:s26+$0xFFFFFFC0];
	v0 =	vmov v3  }
0x3cb: {  	s23 =	simm.s32 $0x20F0;
	v8 =	vld [tilespmem:s24+$0xFFFFFFC0];
	[tilespmem:s26+$0x0] =	vst v5  }
0x3cc: {  	v2 =	vadd.f32 v2, v6;
	v6 =	vld [tilespmem:s26+$0xFFFFFFD0]  }
0x3cd: {  	v9 =	vld [tilespmem:s24+$0xFFFFFFD0]  }
.Ltmp24:
0x3ce: {  	[tilespmem:s26+$0xFFFFFFA0] =	vst v2;
	v2 =	vadd.f32 v1, v4;
	v1 =	vld [tilespmem:s26+$0xFFFFFFE0];
	(pc) =	sbr.rel @p0 .LBB2_50-.Ltmp24, $4  }
0x3cf: {  	v3 =	vld [tilespmem:s24+$0xFFFFFFE0]  }
0x3d0: {  	[tilespmem:s26+$0xFFFFFFB0] =	vst v2;
	v7 =	vadd.f32 v8, v7;
	v2 =	vld [tilespmem:s26+$0xFFFFFFF0]  }
0x3d1: {  	v4 =	vld [tilespmem:s24+$0xFFFFFFF0]  }
0x3d2: {  	s26 =	sadd.s32 $0x400, s26;
	v5 =	vld [tilespmem:s22+$0xFFFFFF90];
	[tilespmem:s22+$0xFFFFFFC0] =	vst v7;
	v6 =	vadd.f32 v9, v6  }
0x3d3: {  	_ =	sdelay $0x1  }
0x3d4: {  	v1 =	vadd.f32 v3, v1  }
0x3d5: {  	[tilespmem:s22+$0xFFFFFFD0] =	vst v6;
	v2 =	vadd.f32 v4, v2  }
0x3d6: {  	[tilespmem:s22+$0xFFFFFFE0] =	vst v1;
	v0 =	vadd.f32 v0, v5  }
0x3d7: {  	[tilespmem:s22+$0xFFFFFFF0] =	vst v2  }
0x3d8: {  	[tilespmem:s22+$0xFFFFFF90] =	vst v0  }
0x3d9: {  	v1 =	vld [tilespmem:s21+$0x0]  }
0x3da: {  	v2 =	vld [tilespmem:s23+$0x0]  }
0x3db: {  	v0 =	vld [tilespmem:s23+$0xFFFFFF90]  }
0x3dc: {  	v3 =	vld [tilespmem:s21+$0xFFFFFFA0]  }
0x3dd: {  	v4 =	vld [tilespmem:s23+$0xFFFFFFA0]  }
0x3de: {  	v5 =	vld [tilespmem:s21+$0xFFFFFFB0]  }
0x3df: {  	v6 =	vld [tilespmem:s23+$0xFFFFFFB0]  }
0x3e0: {  	v7 =	vld [tilespmem:s21+$0xFFFFFFC0]  }
0x3e1: {  	v8 =	vld [tilespmem:s23+$0xFFFFFFC0]  }
0x3e2: {  	v9 =	vld [tilespmem:s21+$0xFFFFFFD0]  }
0x3e3: {  	v10 =	vld [tilespmem:s23+$0xFFFFFFD0];
	v2 =	vadd.f32 v2, v1  }
0x3e4: {  	v4 =	vadd.f32 v4, v3;
	v1 =	vld [tilespmem:s21+$0xFFFFFFE0]  }
0x3e5: {  	v5 =	vadd.f32 v6, v5;
	v3 =	vld [tilespmem:s23+$0xFFFFFFE0];
	[tilespmem:s21+$0x0] =	vst v2  }
0x3e6: {  	v6 =	vadd.f32 v8, v7;
	[tilespmem:s21+$0xFFFFFFA0] =	vst v4;
	v2 =	vld [tilespmem:s21+$0xFFFFFFF0]  }
0x3e7: {  	[tilespmem:s21+$0xFFFFFFB0] =	vst v5;
	v4 =	vld [tilespmem:s23+$0xFFFFFFF0]  }
0x3e8: {  	s25 =	simm.s32 $0x0;
	s26 =	simm.s32 $0xA4F0;
	s22 =	simm.s32 $0xA170;
	v5 =	vld [tilespmem:s21+$0xFFFFFF90];
	[tilespmem:s21+$0xFFFFFFC0] =	vst v6;
	v6 =	vadd.f32 v10, v9  }
.LBB2_52:
0x3e9: {  	v7 =	vld [tilespmem:s26+$0x0];
	s23 =	sadd.s32 $0x400, s23  }
0x3ea: {  	s25 =	sadd.s32 $0x80, s25;
	v8 =	vld [tilespmem:s23+$0x0];
	[tilespmem:s21+$0xFFFFFFD0] =	vst v6;
	v1 =	vadd.f32 v3, v1  }
0x3eb: {  	p0 =	slt.u32 s25, $0x380;
	v3 =	vld [tilespmem:s23+$0xFFFFFF90]  }
0x3ec: {  	v6 =	vld [tilespmem:s26+$0xFFFFFFA0];
	[tilespmem:s21+$0xFFFFFFE0] =	vst v1;
	v1 =	vadd.f32 v4, v2  }
0x3ed: {  	v2 =	vld [tilespmem:s23+$0xFFFFFFA0];
	v9 =	vadd.f32 v0, v5  }
0x3ee: {  	v4 =	vld [tilespmem:s26+$0xFFFFFFB0];
	[tilespmem:s21+$0xFFFFFFF0] =	vst v1  }
0x3ef: {  	v1 =	vld [tilespmem:s23+$0xFFFFFFB0];
	v5 =	vadd.f32 v8, v7;
	[tilespmem:s21+$0xFFFFFF90] =	vst v9;
	s21 =	smov.u32 s26  }
0x3f0: {  	v7 =	vld [tilespmem:s26+$0xFFFFFFC0];
	v0 =	vmov v3  }
0x3f1: {  	s24 =	simm.s32 $0x2170;
	v8 =	vld [tilespmem:s23+$0xFFFFFFC0];
	[tilespmem:s26+$0x0] =	vst v5  }
0x3f2: {  	v2 =	vadd.f32 v2, v6;
	v6 =	vld [tilespmem:s26+$0xFFFFFFD0]  }
0x3f3: {  	v9 =	vld [tilespmem:s23+$0xFFFFFFD0]  }
.Ltmp25:
0x3f4: {  	[tilespmem:s26+$0xFFFFFFA0] =	vst v2;
	v2 =	vadd.f32 v1, v4;
	v1 =	vld [tilespmem:s26+$0xFFFFFFE0];
	(pc) =	sbr.rel @p0 .LBB2_52-.Ltmp25, $4  }
0x3f5: {  	v3 =	vld [tilespmem:s23+$0xFFFFFFE0]  }
0x3f6: {  	[tilespmem:s26+$0xFFFFFFB0] =	vst v2;
	v7 =	vadd.f32 v8, v7;
	v2 =	vld [tilespmem:s26+$0xFFFFFFF0]  }
0x3f7: {  	v4 =	vld [tilespmem:s23+$0xFFFFFFF0]  }
0x3f8: {  	s26 =	sadd.s32 $0x400, s26;
	v5 =	vld [tilespmem:s21+$0xFFFFFF90];
	[tilespmem:s21+$0xFFFFFFC0] =	vst v7;
	v6 =	vadd.f32 v9, v6  }
0x3f9: {  	_ =	sdelay $0x1  }
0x3fa: {  	v1 =	vadd.f32 v3, v1  }
0x3fb: {  	[tilespmem:s21+$0xFFFFFFD0] =	vst v6;
	v2 =	vadd.f32 v4, v2  }
0x3fc: {  	[tilespmem:s21+$0xFFFFFFE0] =	vst v1;
	v0 =	vadd.f32 v0, v5  }
0x3fd: {  	[tilespmem:s21+$0xFFFFFFF0] =	vst v2  }
0x3fe: {  	[tilespmem:s21+$0xFFFFFF90] =	vst v0  }
0x3ff: {  	v1 =	vld [tilespmem:s22+$0x0]  }
0x400: {  	v2 =	vld [tilespmem:s24+$0x0]  }
0x401: {  	v0 =	vld [tilespmem:s24+$0xFFFFFF90]  }
0x402: {  	v3 =	vld [tilespmem:s22+$0xFFFFFFA0]  }
0x403: {  	v4 =	vld [tilespmem:s24+$0xFFFFFFA0]  }
0x404: {  	v5 =	vld [tilespmem:s22+$0xFFFFFFB0]  }
0x405: {  	v6 =	vld [tilespmem:s24+$0xFFFFFFB0]  }
0x406: {  	v7 =	vld [tilespmem:s22+$0xFFFFFFC0]  }
0x407: {  	v8 =	vld [tilespmem:s24+$0xFFFFFFC0]  }
0x408: {  	v9 =	vld [tilespmem:s22+$0xFFFFFFD0]  }
0x409: {  	v10 =	vld [tilespmem:s24+$0xFFFFFFD0];
	v2 =	vadd.f32 v2, v1  }
0x40a: {  	v4 =	vadd.f32 v4, v3;
	v1 =	vld [tilespmem:s22+$0xFFFFFFE0]  }
0x40b: {  	v5 =	vadd.f32 v6, v5;
	v3 =	vld [tilespmem:s24+$0xFFFFFFE0];
	[tilespmem:s22+$0x0] =	vst v2  }
0x40c: {  	v6 =	vadd.f32 v8, v7;
	[tilespmem:s22+$0xFFFFFFA0] =	vst v4;
	v2 =	vld [tilespmem:s22+$0xFFFFFFF0]  }
0x40d: {  	[tilespmem:s22+$0xFFFFFFB0] =	vst v5;
	v4 =	vld [tilespmem:s24+$0xFFFFFFF0]  }
0x40e: {  	s25 =	simm.s32 $0x0;
	s26 =	simm.s32 $0xA570;
	s21 =	simm.s32 $0xA1F0;
	v5 =	vld [tilespmem:s22+$0xFFFFFF90];
	[tilespmem:s22+$0xFFFFFFC0] =	vst v6;
	v6 =	vadd.f32 v10, v9  }
.LBB2_54:
0x40f: {  	v7 =	vld [tilespmem:s26+$0x0];
	s24 =	sadd.s32 $0x400, s24  }
0x410: {  	s25 =	sadd.s32 $0x80, s25;
	v8 =	vld [tilespmem:s24+$0x0];
	[tilespmem:s22+$0xFFFFFFD0] =	vst v6;
	v1 =	vadd.f32 v3, v1  }
0x411: {  	p0 =	slt.u32 s25, $0x380;
	v3 =	vld [tilespmem:s24+$0xFFFFFF90]  }
0x412: {  	v6 =	vld [tilespmem:s26+$0xFFFFFFA0];
	[tilespmem:s22+$0xFFFFFFE0] =	vst v1;
	v1 =	vadd.f32 v4, v2  }
0x413: {  	v2 =	vld [tilespmem:s24+$0xFFFFFFA0];
	v9 =	vadd.f32 v0, v5  }
0x414: {  	v4 =	vld [tilespmem:s26+$0xFFFFFFB0];
	[tilespmem:s22+$0xFFFFFFF0] =	vst v1  }
0x415: {  	v1 =	vld [tilespmem:s24+$0xFFFFFFB0];
	v5 =	vadd.f32 v8, v7;
	[tilespmem:s22+$0xFFFFFF90] =	vst v9;
	s22 =	smov.u32 s26  }
0x416: {  	v7 =	vld [tilespmem:s26+$0xFFFFFFC0];
	v0 =	vmov v3  }
0x417: {  	s23 =	simm.s32 $0x21F0;
	v8 =	vld [tilespmem:s24+$0xFFFFFFC0];
	[tilespmem:s26+$0x0] =	vst v5  }
0x418: {  	v2 =	vadd.f32 v2, v6;
	v6 =	vld [tilespmem:s26+$0xFFFFFFD0]  }
0x419: {  	v9 =	vld [tilespmem:s24+$0xFFFFFFD0]  }
.Ltmp26:
0x41a: {  	[tilespmem:s26+$0xFFFFFFA0] =	vst v2;
	v2 =	vadd.f32 v1, v4;
	v1 =	vld [tilespmem:s26+$0xFFFFFFE0];
	(pc) =	sbr.rel @p0 .LBB2_54-.Ltmp26, $4  }
0x41b: {  	v3 =	vld [tilespmem:s24+$0xFFFFFFE0]  }
0x41c: {  	[tilespmem:s26+$0xFFFFFFB0] =	vst v2;
	v7 =	vadd.f32 v8, v7;
	v2 =	vld [tilespmem:s26+$0xFFFFFFF0]  }
0x41d: {  	v4 =	vld [tilespmem:s24+$0xFFFFFFF0]  }
0x41e: {  	s26 =	sadd.s32 $0x400, s26;
	v5 =	vld [tilespmem:s22+$0xFFFFFF90];
	[tilespmem:s22+$0xFFFFFFC0] =	vst v7;
	v6 =	vadd.f32 v9, v6  }
0x41f: {  	_ =	sdelay $0x1  }
0x420: {  	v1 =	vadd.f32 v3, v1  }
0x421: {  	[tilespmem:s22+$0xFFFFFFD0] =	vst v6;
	v2 =	vadd.f32 v4, v2  }
0x422: {  	[tilespmem:s22+$0xFFFFFFE0] =	vst v1;
	v0 =	vadd.f32 v0, v5  }
0x423: {  	[tilespmem:s22+$0xFFFFFFF0] =	vst v2  }
0x424: {  	[tilespmem:s22+$0xFFFFFF90] =	vst v0  }
0x425: {  	v1 =	vld [tilespmem:s21+$0x0]  }
0x426: {  	v2 =	vld [tilespmem:s23+$0x0]  }
0x427: {  	v0 =	vld [tilespmem:s23+$0xFFFFFF90]  }
0x428: {  	v3 =	vld [tilespmem:s21+$0xFFFFFFA0]  }
0x429: {  	v4 =	vld [tilespmem:s23+$0xFFFFFFA0]  }
0x42a: {  	v5 =	vld [tilespmem:s21+$0xFFFFFFB0]  }
0x42b: {  	v6 =	vld [tilespmem:s23+$0xFFFFFFB0]  }
0x42c: {  	v7 =	vld [tilespmem:s21+$0xFFFFFFC0]  }
0x42d: {  	v8 =	vld [tilespmem:s23+$0xFFFFFFC0]  }
0x42e: {  	v9 =	vld [tilespmem:s21+$0xFFFFFFD0]  }
0x42f: {  	v10 =	vld [tilespmem:s23+$0xFFFFFFD0];
	v2 =	vadd.f32 v2, v1  }
0x430: {  	v4 =	vadd.f32 v4, v3;
	v1 =	vld [tilespmem:s21+$0xFFFFFFE0]  }
0x431: {  	v5 =	vadd.f32 v6, v5;
	v3 =	vld [tilespmem:s23+$0xFFFFFFE0];
	[tilespmem:s21+$0x0] =	vst v2  }
0x432: {  	v6 =	vadd.f32 v8, v7;
	[tilespmem:s21+$0xFFFFFFA0] =	vst v4;
	v2 =	vld [tilespmem:s21+$0xFFFFFFF0]  }
0x433: {  	[tilespmem:s21+$0xFFFFFFB0] =	vst v5;
	v4 =	vld [tilespmem:s23+$0xFFFFFFF0]  }
0x434: {  	s25 =	simm.s32 $0x0;
	s26 =	simm.s32 $0xA5F0;
	s22 =	simm.s32 $0xA270;
	v5 =	vld [tilespmem:s21+$0xFFFFFF90];
	[tilespmem:s21+$0xFFFFFFC0] =	vst v6;
	v6 =	vadd.f32 v10, v9  }
.LBB2_56:
0x435: {  	v7 =	vld [tilespmem:s26+$0x0];
	s23 =	sadd.s32 $0x400, s23  }
0x436: {  	s25 =	sadd.s32 $0x80, s25;
	v8 =	vld [tilespmem:s23+$0x0];
	[tilespmem:s21+$0xFFFFFFD0] =	vst v6;
	v1 =	vadd.f32 v3, v1  }
0x437: {  	p0 =	slt.u32 s25, $0x380;
	v3 =	vld [tilespmem:s23+$0xFFFFFF90]  }
0x438: {  	v6 =	vld [tilespmem:s26+$0xFFFFFFA0];
	[tilespmem:s21+$0xFFFFFFE0] =	vst v1;
	v1 =	vadd.f32 v4, v2  }
0x439: {  	v2 =	vld [tilespmem:s23+$0xFFFFFFA0];
	v9 =	vadd.f32 v0, v5  }
0x43a: {  	v4 =	vld [tilespmem:s26+$0xFFFFFFB0];
	[tilespmem:s21+$0xFFFFFFF0] =	vst v1  }
0x43b: {  	v1 =	vld [tilespmem:s23+$0xFFFFFFB0];
	v5 =	vadd.f32 v8, v7;
	[tilespmem:s21+$0xFFFFFF90] =	vst v9;
	s21 =	smov.u32 s26  }
0x43c: {  	v7 =	vld [tilespmem:s26+$0xFFFFFFC0];
	v0 =	vmov v3  }
0x43d: {  	s24 =	simm.s32 $0x2270;
	v8 =	vld [tilespmem:s23+$0xFFFFFFC0];
	[tilespmem:s26+$0x0] =	vst v5  }
0x43e: {  	v2 =	vadd.f32 v2, v6;
	v6 =	vld [tilespmem:s26+$0xFFFFFFD0]  }
0x43f: {  	v9 =	vld [tilespmem:s23+$0xFFFFFFD0]  }
.Ltmp27:
0x440: {  	[tilespmem:s26+$0xFFFFFFA0] =	vst v2;
	v2 =	vadd.f32 v1, v4;
	v1 =	vld [tilespmem:s26+$0xFFFFFFE0];
	(pc) =	sbr.rel @p0 .LBB2_56-.Ltmp27, $4  }
0x441: {  	v3 =	vld [tilespmem:s23+$0xFFFFFFE0]  }
0x442: {  	[tilespmem:s26+$0xFFFFFFB0] =	vst v2;
	v7 =	vadd.f32 v8, v7;
	v2 =	vld [tilespmem:s26+$0xFFFFFFF0]  }
0x443: {  	v4 =	vld [tilespmem:s23+$0xFFFFFFF0]  }
0x444: {  	s26 =	sadd.s32 $0x400, s26;
	v5 =	vld [tilespmem:s21+$0xFFFFFF90];
	[tilespmem:s21+$0xFFFFFFC0] =	vst v7;
	v6 =	vadd.f32 v9, v6  }
0x445: {  	_ =	sdelay $0x1  }
0x446: {  	v1 =	vadd.f32 v3, v1  }
0x447: {  	[tilespmem:s21+$0xFFFFFFD0] =	vst v6;
	v2 =	vadd.f32 v4, v2  }
0x448: {  	[tilespmem:s21+$0xFFFFFFE0] =	vst v1;
	v0 =	vadd.f32 v0, v5  }
0x449: {  	[tilespmem:s21+$0xFFFFFFF0] =	vst v2  }
0x44a: {  	[tilespmem:s21+$0xFFFFFF90] =	vst v0  }
0x44b: {  	v1 =	vld [tilespmem:s22+$0x0]  }
0x44c: {  	v2 =	vld [tilespmem:s24+$0x0]  }
0x44d: {  	v0 =	vld [tilespmem:s24+$0xFFFFFF90]  }
0x44e: {  	v3 =	vld [tilespmem:s22+$0xFFFFFFA0]  }
0x44f: {  	v4 =	vld [tilespmem:s24+$0xFFFFFFA0]  }
0x450: {  	v5 =	vld [tilespmem:s22+$0xFFFFFFB0]  }
0x451: {  	v6 =	vld [tilespmem:s24+$0xFFFFFFB0]  }
0x452: {  	v7 =	vld [tilespmem:s22+$0xFFFFFFC0]  }
0x453: {  	v8 =	vld [tilespmem:s24+$0xFFFFFFC0]  }
0x454: {  	v9 =	vld [tilespmem:s22+$0xFFFFFFD0]  }
0x455: {  	v10 =	vld [tilespmem:s24+$0xFFFFFFD0];
	v2 =	vadd.f32 v2, v1  }
0x456: {  	v4 =	vadd.f32 v4, v3;
	v1 =	vld [tilespmem:s22+$0xFFFFFFE0]  }
0x457: {  	v5 =	vadd.f32 v6, v5;
	v3 =	vld [tilespmem:s24+$0xFFFFFFE0];
	[tilespmem:s22+$0x0] =	vst v2  }
0x458: {  	v6 =	vadd.f32 v8, v7;
	[tilespmem:s22+$0xFFFFFFA0] =	vst v4;
	v2 =	vld [tilespmem:s22+$0xFFFFFFF0]  }
0x459: {  	[tilespmem:s22+$0xFFFFFFB0] =	vst v5;
	v4 =	vld [tilespmem:s24+$0xFFFFFFF0]  }
0x45a: {  	s25 =	simm.s32 $0x0;
	s26 =	simm.s32 $0xA670;
	s21 =	simm.s32 $0xA2F0;
	v5 =	vld [tilespmem:s22+$0xFFFFFF90];
	[tilespmem:s22+$0xFFFFFFC0] =	vst v6;
	v6 =	vadd.f32 v10, v9  }
.LBB2_58:
0x45b: {  	v7 =	vld [tilespmem:s26+$0x0];
	s24 =	sadd.s32 $0x400, s24  }
0x45c: {  	s25 =	sadd.s32 $0x80, s25;
	v8 =	vld [tilespmem:s24+$0x0];
	[tilespmem:s22+$0xFFFFFFD0] =	vst v6;
	v1 =	vadd.f32 v3, v1  }
0x45d: {  	p0 =	slt.u32 s25, $0x380;
	v3 =	vld [tilespmem:s24+$0xFFFFFF90]  }
0x45e: {  	v6 =	vld [tilespmem:s26+$0xFFFFFFA0];
	[tilespmem:s22+$0xFFFFFFE0] =	vst v1;
	v1 =	vadd.f32 v4, v2  }
0x45f: {  	v2 =	vld [tilespmem:s24+$0xFFFFFFA0];
	v9 =	vadd.f32 v0, v5  }
0x460: {  	v4 =	vld [tilespmem:s26+$0xFFFFFFB0];
	[tilespmem:s22+$0xFFFFFFF0] =	vst v1  }
0x461: {  	v1 =	vld [tilespmem:s24+$0xFFFFFFB0];
	v5 =	vadd.f32 v8, v7;
	[tilespmem:s22+$0xFFFFFF90] =	vst v9;
	s22 =	smov.u32 s26  }
0x462: {  	v7 =	vld [tilespmem:s26+$0xFFFFFFC0];
	v0 =	vmov v3  }
0x463: {  	s23 =	simm.s32 $0x22F0;
	v8 =	vld [tilespmem:s24+$0xFFFFFFC0];
	[tilespmem:s26+$0x0] =	vst v5  }
0x464: {  	v2 =	vadd.f32 v2, v6;
	v6 =	vld [tilespmem:s26+$0xFFFFFFD0]  }
0x465: {  	v9 =	vld [tilespmem:s24+$0xFFFFFFD0]  }
.Ltmp28:
0x466: {  	[tilespmem:s26+$0xFFFFFFA0] =	vst v2;
	v2 =	vadd.f32 v1, v4;
	v1 =	vld [tilespmem:s26+$0xFFFFFFE0];
	(pc) =	sbr.rel @p0 .LBB2_58-.Ltmp28, $4  }
0x467: {  	v3 =	vld [tilespmem:s24+$0xFFFFFFE0]  }
0x468: {  	[tilespmem:s26+$0xFFFFFFB0] =	vst v2;
	v7 =	vadd.f32 v8, v7;
	v2 =	vld [tilespmem:s26+$0xFFFFFFF0]  }
0x469: {  	v4 =	vld [tilespmem:s24+$0xFFFFFFF0]  }
0x46a: {  	s26 =	sadd.s32 $0x400, s26;
	v5 =	vld [tilespmem:s22+$0xFFFFFF90];
	[tilespmem:s22+$0xFFFFFFC0] =	vst v7;
	v6 =	vadd.f32 v9, v6  }
0x46b: {  	_ =	sdelay $0x1  }
0x46c: {  	v1 =	vadd.f32 v3, v1  }
0x46d: {  	[tilespmem:s22+$0xFFFFFFD0] =	vst v6;
	v2 =	vadd.f32 v4, v2  }
0x46e: {  	[tilespmem:s22+$0xFFFFFFE0] =	vst v1;
	v0 =	vadd.f32 v0, v5  }
0x46f: {  	[tilespmem:s22+$0xFFFFFFF0] =	vst v2  }
0x470: {  	[tilespmem:s22+$0xFFFFFF90] =	vst v0  }
0x471: {  	v1 =	vld [tilespmem:s21+$0x0]  }
0x472: {  	v2 =	vld [tilespmem:s23+$0x0]  }
0x473: {  	v0 =	vld [tilespmem:s23+$0xFFFFFF90]  }
0x474: {  	v3 =	vld [tilespmem:s21+$0xFFFFFFA0]  }
0x475: {  	v4 =	vld [tilespmem:s23+$0xFFFFFFA0]  }
0x476: {  	v5 =	vld [tilespmem:s21+$0xFFFFFFB0]  }
0x477: {  	v6 =	vld [tilespmem:s23+$0xFFFFFFB0]  }
0x478: {  	v7 =	vld [tilespmem:s21+$0xFFFFFFC0]  }
0x479: {  	v8 =	vld [tilespmem:s23+$0xFFFFFFC0]  }
0x47a: {  	v9 =	vld [tilespmem:s21+$0xFFFFFFD0]  }
0x47b: {  	v10 =	vld [tilespmem:s23+$0xFFFFFFD0];
	v2 =	vadd.f32 v2, v1  }
0x47c: {  	v4 =	vadd.f32 v4, v3;
	v1 =	vld [tilespmem:s21+$0xFFFFFFE0]  }
0x47d: {  	v5 =	vadd.f32 v6, v5;
	v3 =	vld [tilespmem:s23+$0xFFFFFFE0];
	[tilespmem:s21+$0x0] =	vst v2  }
0x47e: {  	v6 =	vadd.f32 v8, v7;
	[tilespmem:s21+$0xFFFFFFA0] =	vst v4;
	v2 =	vld [tilespmem:s21+$0xFFFFFFF0]  }
0x47f: {  	[tilespmem:s21+$0xFFFFFFB0] =	vst v5;
	v4 =	vld [tilespmem:s23+$0xFFFFFFF0]  }
0x480: {  	s25 =	simm.s32 $0x0;
	s26 =	simm.s32 $0xA6F0;
	s22 =	simm.s32 $0xA370;
	v5 =	vld [tilespmem:s21+$0xFFFFFF90];
	[tilespmem:s21+$0xFFFFFFC0] =	vst v6;
	v6 =	vadd.f32 v10, v9  }
.LBB2_60:
0x481: {  	v7 =	vld [tilespmem:s26+$0x0];
	s23 =	sadd.s32 $0x400, s23  }
0x482: {  	s25 =	sadd.s32 $0x80, s25;
	v8 =	vld [tilespmem:s23+$0x0];
	[tilespmem:s21+$0xFFFFFFD0] =	vst v6;
	v1 =	vadd.f32 v3, v1  }
0x483: {  	p0 =	slt.u32 s25, $0x380;
	v3 =	vld [tilespmem:s23+$0xFFFFFF90]  }
0x484: {  	v6 =	vld [tilespmem:s26+$0xFFFFFFA0];
	[tilespmem:s21+$0xFFFFFFE0] =	vst v1;
	v1 =	vadd.f32 v4, v2  }
0x485: {  	v2 =	vld [tilespmem:s23+$0xFFFFFFA0];
	v9 =	vadd.f32 v0, v5  }
0x486: {  	v4 =	vld [tilespmem:s26+$0xFFFFFFB0];
	[tilespmem:s21+$0xFFFFFFF0] =	vst v1  }
0x487: {  	v1 =	vld [tilespmem:s23+$0xFFFFFFB0];
	v5 =	vadd.f32 v8, v7;
	[tilespmem:s21+$0xFFFFFF90] =	vst v9;
	s21 =	smov.u32 s26  }
0x488: {  	v7 =	vld [tilespmem:s26+$0xFFFFFFC0];
	v0 =	vmov v3  }
0x489: {  	s24 =	simm.s32 $0x2370;
	v8 =	vld [tilespmem:s23+$0xFFFFFFC0];
	[tilespmem:s26+$0x0] =	vst v5  }
0x48a: {  	v2 =	vadd.f32 v2, v6;
	v6 =	vld [tilespmem:s26+$0xFFFFFFD0]  }
0x48b: {  	v9 =	vld [tilespmem:s23+$0xFFFFFFD0]  }
.Ltmp29:
0x48c: {  	[tilespmem:s26+$0xFFFFFFA0] =	vst v2;
	v2 =	vadd.f32 v1, v4;
	v1 =	vld [tilespmem:s26+$0xFFFFFFE0];
	(pc) =	sbr.rel @p0 .LBB2_60-.Ltmp29, $4  }
0x48d: {  	v3 =	vld [tilespmem:s23+$0xFFFFFFE0]  }
0x48e: {  	[tilespmem:s26+$0xFFFFFFB0] =	vst v2;
	v7 =	vadd.f32 v8, v7;
	v2 =	vld [tilespmem:s26+$0xFFFFFFF0]  }
0x48f: {  	v4 =	vld [tilespmem:s23+$0xFFFFFFF0]  }
0x490: {  	s26 =	sadd.s32 $0x400, s26;
	v5 =	vld [tilespmem:s21+$0xFFFFFF90];
	[tilespmem:s21+$0xFFFFFFC0] =	vst v7;
	v6 =	vadd.f32 v9, v6  }
0x491: {  	_ =	sdelay $0x1  }
0x492: {  	v1 =	vadd.f32 v3, v1  }
0x493: {  	[tilespmem:s21+$0xFFFFFFD0] =	vst v6;
	v2 =	vadd.f32 v4, v2  }
0x494: {  	[tilespmem:s21+$0xFFFFFFE0] =	vst v1;
	v0 =	vadd.f32 v0, v5  }
0x495: {  	[tilespmem:s21+$0xFFFFFFF0] =	vst v2  }
0x496: {  	[tilespmem:s21+$0xFFFFFF90] =	vst v0  }
0x497: {  	v1 =	vld [tilespmem:s22+$0x0]  }
0x498: {  	v2 =	vld [tilespmem:s24+$0x0]  }
0x499: {  	v0 =	vld [tilespmem:s24+$0xFFFFFF90]  }
0x49a: {  	v3 =	vld [tilespmem:s22+$0xFFFFFFA0]  }
0x49b: {  	v4 =	vld [tilespmem:s24+$0xFFFFFFA0]  }
0x49c: {  	v5 =	vld [tilespmem:s22+$0xFFFFFFB0]  }
0x49d: {  	v6 =	vld [tilespmem:s24+$0xFFFFFFB0]  }
0x49e: {  	v7 =	vld [tilespmem:s22+$0xFFFFFFC0]  }
0x49f: {  	v8 =	vld [tilespmem:s24+$0xFFFFFFC0]  }
0x4a0: {  	v9 =	vld [tilespmem:s22+$0xFFFFFFD0]  }
0x4a1: {  	v10 =	vld [tilespmem:s24+$0xFFFFFFD0];
	v2 =	vadd.f32 v2, v1  }
0x4a2: {  	v4 =	vadd.f32 v4, v3;
	v1 =	vld [tilespmem:s22+$0xFFFFFFE0]  }
0x4a3: {  	v5 =	vadd.f32 v6, v5;
	v3 =	vld [tilespmem:s24+$0xFFFFFFE0];
	[tilespmem:s22+$0x0] =	vst v2  }
0x4a4: {  	v6 =	vadd.f32 v8, v7;
	[tilespmem:s22+$0xFFFFFFA0] =	vst v4;
	v2 =	vld [tilespmem:s22+$0xFFFFFFF0]  }
0x4a5: {  	[tilespmem:s22+$0xFFFFFFB0] =	vst v5;
	v4 =	vld [tilespmem:s24+$0xFFFFFFF0]  }
0x4a6: {  	s25 =	simm.s32 $0x0;
	s26 =	simm.s32 $0xA770;
	s21 =	simm.s32 $0xA3F0;
	v5 =	vld [tilespmem:s22+$0xFFFFFF90];
	[tilespmem:s22+$0xFFFFFFC0] =	vst v6;
	v6 =	vadd.f32 v10, v9  }
.LBB2_62:
0x4a7: {  	v7 =	vld [tilespmem:s26+$0x0];
	s24 =	sadd.s32 $0x400, s24  }
0x4a8: {  	s25 =	sadd.s32 $0x80, s25;
	v8 =	vld [tilespmem:s24+$0x0];
	[tilespmem:s22+$0xFFFFFFD0] =	vst v6;
	v1 =	vadd.f32 v3, v1  }
0x4a9: {  	p0 =	slt.u32 s25, $0x380;
	v3 =	vld [tilespmem:s24+$0xFFFFFF90]  }
0x4aa: {  	v6 =	vld [tilespmem:s26+$0xFFFFFFA0];
	[tilespmem:s22+$0xFFFFFFE0] =	vst v1;
	v1 =	vadd.f32 v4, v2  }
0x4ab: {  	v2 =	vld [tilespmem:s24+$0xFFFFFFA0];
	v9 =	vadd.f32 v0, v5  }
0x4ac: {  	v4 =	vld [tilespmem:s26+$0xFFFFFFB0];
	[tilespmem:s22+$0xFFFFFFF0] =	vst v1  }
0x4ad: {  	v1 =	vld [tilespmem:s24+$0xFFFFFFB0];
	v5 =	vadd.f32 v8, v7;
	[tilespmem:s22+$0xFFFFFF90] =	vst v9;
	s22 =	smov.u32 s26  }
0x4ae: {  	v7 =	vld [tilespmem:s26+$0xFFFFFFC0];
	v0 =	vmov v3  }
0x4af: {  	s23 =	simm.s32 $0x23F0;
	v8 =	vld [tilespmem:s24+$0xFFFFFFC0];
	[tilespmem:s26+$0x0] =	vst v5  }
0x4b0: {  	v2 =	vadd.f32 v2, v6;
	v6 =	vld [tilespmem:s26+$0xFFFFFFD0]  }
0x4b1: {  	v9 =	vld [tilespmem:s24+$0xFFFFFFD0]  }
.Ltmp30:
0x4b2: {  	[tilespmem:s26+$0xFFFFFFA0] =	vst v2;
	v2 =	vadd.f32 v1, v4;
	v1 =	vld [tilespmem:s26+$0xFFFFFFE0];
	(pc) =	sbr.rel @p0 .LBB2_62-.Ltmp30, $4  }
0x4b3: {  	v3 =	vld [tilespmem:s24+$0xFFFFFFE0]  }
0x4b4: {  	[tilespmem:s26+$0xFFFFFFB0] =	vst v2;
	v7 =	vadd.f32 v8, v7;
	v2 =	vld [tilespmem:s26+$0xFFFFFFF0]  }
0x4b5: {  	v4 =	vld [tilespmem:s24+$0xFFFFFFF0]  }
0x4b6: {  	s26 =	sadd.s32 $0x400, s26;
	v5 =	vld [tilespmem:s22+$0xFFFFFF90];
	[tilespmem:s22+$0xFFFFFFC0] =	vst v7;
	v6 =	vadd.f32 v9, v6  }
0x4b7: {  	_ =	sdelay $0x1  }
0x4b8: {  	v1 =	vadd.f32 v3, v1  }
0x4b9: {  	[tilespmem:s22+$0xFFFFFFD0] =	vst v6;
	v2 =	vadd.f32 v4, v2  }
0x4ba: {  	[tilespmem:s22+$0xFFFFFFE0] =	vst v1;
	v0 =	vadd.f32 v0, v5  }
0x4bb: {  	[tilespmem:s22+$0xFFFFFFF0] =	vst v2  }
0x4bc: {  	[tilespmem:s22+$0xFFFFFF90] =	vst v0  }
0x4bd: {  	v1 =	vld [tilespmem:s21+$0x0]  }
0x4be: {  	v2 =	vld [tilespmem:s23+$0x0]  }
0x4bf: {  	v0 =	vld [tilespmem:s23+$0xFFFFFF90]  }
0x4c0: {  	v3 =	vld [tilespmem:s21+$0xFFFFFFA0]  }
0x4c1: {  	v4 =	vld [tilespmem:s23+$0xFFFFFFA0]  }
0x4c2: {  	v5 =	vld [tilespmem:s21+$0xFFFFFFB0]  }
0x4c3: {  	v6 =	vld [tilespmem:s23+$0xFFFFFFB0]  }
0x4c4: {  	v7 =	vld [tilespmem:s21+$0xFFFFFFC0]  }
0x4c5: {  	v8 =	vld [tilespmem:s23+$0xFFFFFFC0]  }
0x4c6: {  	v9 =	vld [tilespmem:s21+$0xFFFFFFD0]  }
0x4c7: {  	v10 =	vld [tilespmem:s23+$0xFFFFFFD0];
	v2 =	vadd.f32 v2, v1  }
0x4c8: {  	v4 =	vadd.f32 v4, v3;
	v1 =	vld [tilespmem:s21+$0xFFFFFFE0]  }
0x4c9: {  	v5 =	vadd.f32 v6, v5;
	v3 =	vld [tilespmem:s23+$0xFFFFFFE0];
	[tilespmem:s21+$0x0] =	vst v2  }
0x4ca: {  	v6 =	vadd.f32 v8, v7;
	[tilespmem:s21+$0xFFFFFFA0] =	vst v4;
	v2 =	vld [tilespmem:s21+$0xFFFFFFF0]  }
0x4cb: {  	[tilespmem:s21+$0xFFFFFFB0] =	vst v5;
	v5 =	vld [tilespmem:s23+$0xFFFFFFF0]  }
0x4cc: {  	s24 =	simm.s32 $0xA7F0;
	s22 =	simm.s32 $0x0;
	v4 =	vld [tilespmem:s21+$0xFFFFFF90];
	[tilespmem:s21+$0xFFFFFFC0] =	vst v6;
	v6 =	vadd.f32 v10, v9  }
.LBB2_64:
0x4cd: {  	v7 =	vld [tilespmem:s24+$0x0];
	s23 =	sadd.s32 $0x400, s23  }
0x4ce: {  	s22 =	sadd.s32 $0x80, s22;
	v8 =	vld [tilespmem:s23+$0x0];
	[tilespmem:s21+$0xFFFFFFD0] =	vst v6;
	v1 =	vadd.f32 v3, v1  }
0x4cf: {  	p0 =	slt.u32 s22, $0x380;
	v3 =	vld [tilespmem:s23+$0xFFFFFF90]  }
0x4d0: {  	v6 =	vld [tilespmem:s24+$0xFFFFFFA0];
	[tilespmem:s21+$0xFFFFFFE0] =	vst v1;
	v1 =	vadd.f32 v5, v2  }
0x4d1: {  	v2 =	vld [tilespmem:s23+$0xFFFFFFA0];
	v9 =	vadd.f32 v0, v4  }
0x4d2: {  	v4 =	vld [tilespmem:s24+$0xFFFFFFB0];
	[tilespmem:s21+$0xFFFFFFF0] =	vst v1  }
0x4d3: {  	v1 =	vld [tilespmem:s23+$0xFFFFFFB0];
	v5 =	vadd.f32 v8, v7;
	[tilespmem:s21+$0xFFFFFF90] =	vst v9;
	s21 =	smov.u32 s24  }
0x4d4: {  	v7 =	vld [tilespmem:s24+$0xFFFFFFC0];
	v0 =	vmov v3  }
0x4d5: {  	v8 =	vld [tilespmem:s23+$0xFFFFFFC0];
	[tilespmem:s24+$0x0] =	vst v5  }
0x4d6: {  	v2 =	vadd.f32 v2, v6;
	v6 =	vld [tilespmem:s24+$0xFFFFFFD0]  }
0x4d7: {  	v9 =	vld [tilespmem:s23+$0xFFFFFFD0]  }
.Ltmp31:
0x4d8: {  	[tilespmem:s24+$0xFFFFFFA0] =	vst v2;
	v2 =	vadd.f32 v1, v4;
	v1 =	vld [tilespmem:s24+$0xFFFFFFE0];
	(pc) =	sbr.rel @p0 .LBB2_64-.Ltmp31, $4  }
0x4d9: {  	v3 =	vld [tilespmem:s23+$0xFFFFFFE0]  }
0x4da: {  	[tilespmem:s24+$0xFFFFFFB0] =	vst v2;
	v7 =	vadd.f32 v8, v7;
	v2 =	vld [tilespmem:s24+$0xFFFFFFF0]  }
0x4db: {  	v5 =	vld [tilespmem:s23+$0xFFFFFFF0]  }
0x4dc: {  	s24 =	sadd.s32 $0x400, s24;
	v4 =	vld [tilespmem:s21+$0xFFFFFF90];
	[tilespmem:s21+$0xFFFFFFC0] =	vst v7;
	v6 =	vadd.f32 v9, v6  }
0x4dd: {  	_ =	sdelay $0x1  }
0x4de: {  	v1 =	vadd.f32 v3, v1  }
0x4df: {  	[tilespmem:s21+$0xFFFFFFD0] =	vst v6;
	v2 =	vadd.f32 v5, v2  }
0x4e0: {  	[tilespmem:s21+$0xFFFFFFE0] =	vst v1;
	v0 =	vadd.f32 v0, v4  }
0x4e1: {  	[tilespmem:s21+$0xFFFFFFF0] =	vst v2  }
0x4e2: {  	[tilespmem:s21+$0xFFFFFF90] =	vst v0  }
0x4e3: {  	[hbm4b:s8+s2] =	stream.linear.scatter [tilespmem:s14], [sflag:$0x4], $0x4000, $0x38;
	[tilespmem:$0xC000] =	vst v63  }
0x4e4: {  	_ =	swait.ge [sflag:s19], $0x4000  }
0x4e5: {  	[sflag:s19] =	ssyncset.done $0x0  }
0x4e6: {  	[sflag:s19] =	ssyncadd.s32 $0xFFFFC000  }
0x4e7: {  	[tilespmem:s14], [sflag:$0x2] =	stream.linear.gather [hbm4b:s9+s2], $0x4000, $0x38;
	[tilespmem:$0xC000] =	vst v63  }
0x4e8: {  	_ =	swait.ge [sflag:s16], $0x4000  }
0x4e9: {  	[sflag:s16] =	ssyncset.done $0x0  }
0x4ea: {  	s22 =	simm.s32 $0x4040;
	[sflag:s16] =	ssyncadd.s32 $0xFFFFC000  }
0x4eb: {  	s24 =	simm.s32 $0x40;
	v1 =	vld [tilespmem:s22+$0x30]  }
0x4ec: {  	v2 =	vld [tilespmem:s24+$0x30]  }
0x4ed: {  	v0 =	vld [tilespmem:s24+$0xFFFFFFC0]  }
0x4ee: {  	v3 =	vld [tilespmem:s22+$0xFFFFFFD0]  }
0x4ef: {  	v4 =	vld [tilespmem:s24+$0xFFFFFFD0]  }
0x4f0: {  	v5 =	vld [tilespmem:s22+$0xFFFFFFE0]  }
0x4f1: {  	v6 =	vld [tilespmem:s24+$0xFFFFFFE0]  }
0x4f2: {  	v7 =	vld [tilespmem:s22+$0xFFFFFFF0]  }
0x4f3: {  	v8 =	vld [tilespmem:s24+$0xFFFFFFF0]  }
0x4f4: {  	v9 =	vld [tilespmem:s22+$0x0]  }
0x4f5: {  	v10 =	vld [tilespmem:s24+$0x0];
	v2 =	vadd.f32 v2, v1  }
0x4f6: {  	v4 =	vadd.f32 v4, v3;
	v1 =	vld [tilespmem:s22+$0x10]  }
0x4f7: {  	v5 =	vadd.f32 v6, v5;
	v3 =	vld [tilespmem:s24+$0x10];
	[tilespmem:s22+$0x30] =	vst v2  }
0x4f8: {  	v6 =	vadd.f32 v8, v7;
	[tilespmem:s22+$0xFFFFFFD0] =	vst v4;
	v2 =	vld [tilespmem:s22+$0x20]  }
0x4f9: {  	[tilespmem:s22+$0xFFFFFFE0] =	vst v5;
	v5 =	vld [tilespmem:s24+$0x20]  }
0x4fa: {  	s25 =	simm.s32 $0x0;
	s26 =	simm.s32 $0x4440;
	v4 =	vld [tilespmem:s22+$0xFFFFFFC0];
	[tilespmem:s22+$0xFFFFFFF0] =	vst v6;
	v6 =	vadd.f32 v10, v9  }
.LBB2_66:
0x4fb: {  	v7 =	vld [tilespmem:s26+$0x30];
	s24 =	sadd.s32 $0x400, s24  }
0x4fc: {  	s25 =	sadd.s32 $0x80, s25;
	v8 =	vld [tilespmem:s24+$0x30];
	[tilespmem:s22+$0x0] =	vst v6;
	v1 =	vadd.f32 v3, v1  }
0x4fd: {  	p0 =	slt.u32 s25, $0x380;
	v3 =	vld [tilespmem:s24+$0xFFFFFFC0]  }
0x4fe: {  	v6 =	vld [tilespmem:s26+$0xFFFFFFD0];
	[tilespmem:s22+$0x10] =	vst v1;
	v1 =	vadd.f32 v5, v2  }
0x4ff: {  	v2 =	vld [tilespmem:s24+$0xFFFFFFD0];
	v9 =	vadd.f32 v0, v4  }
0x500: {  	v4 =	vld [tilespmem:s26+$0xFFFFFFE0];
	[tilespmem:s22+$0x20] =	vst v1  }
0x501: {  	v1 =	vld [tilespmem:s24+$0xFFFFFFE0];
	v5 =	vadd.f32 v8, v7;
	[tilespmem:s22+$0xFFFFFFC0] =	vst v9;
	s22 =	smov.u32 s26  }
0x502: {  	v7 =	vld [tilespmem:s26+$0xFFFFFFF0];
	v0 =	vmov v3  }
0x503: {  	s23 =	simm.s32 $0xF0;
	s21 =	simm.s32 $0x40F0;
	v8 =	vld [tilespmem:s24+$0xFFFFFFF0];
	[tilespmem:s26+$0x30] =	vst v5  }
0x504: {  	v2 =	vadd.f32 v2, v6;
	v6 =	vld [tilespmem:s26+$0x0]  }
0x505: {  	v9 =	vld [tilespmem:s24+$0x0]  }
.Ltmp32:
0x506: {  	[tilespmem:s26+$0xFFFFFFD0] =	vst v2;
	v2 =	vadd.f32 v1, v4;
	v1 =	vld [tilespmem:s26+$0x10];
	(pc) =	sbr.rel @p0 .LBB2_66-.Ltmp32, $4  }
0x507: {  	v3 =	vld [tilespmem:s24+$0x10]  }
0x508: {  	[tilespmem:s26+$0xFFFFFFE0] =	vst v2;
	v7 =	vadd.f32 v8, v7;
	v2 =	vld [tilespmem:s26+$0x20]  }
0x509: {  	v5 =	vld [tilespmem:s24+$0x20]  }
0x50a: {  	s26 =	sadd.s32 $0x400, s26;
	v4 =	vld [tilespmem:s22+$0xFFFFFFC0];
	[tilespmem:s22+$0xFFFFFFF0] =	vst v7;
	v6 =	vadd.f32 v9, v6  }
0x50b: {  	_ =	sdelay $0x1  }
0x50c: {  	v1 =	vadd.f32 v3, v1  }
0x50d: {  	[tilespmem:s22+$0x0] =	vst v6;
	v2 =	vadd.f32 v5, v2  }
0x50e: {  	[tilespmem:s22+$0x10] =	vst v1;
	v0 =	vadd.f32 v0, v4  }
0x50f: {  	[tilespmem:s22+$0x20] =	vst v2  }
0x510: {  	[tilespmem:s22+$0xFFFFFFC0] =	vst v0  }
0x511: {  	v1 =	vld [tilespmem:s21+$0x0]  }
0x512: {  	v2 =	vld [tilespmem:s23+$0x0]  }
0x513: {  	v0 =	vld [tilespmem:s23+$0xFFFFFF90]  }
0x514: {  	v3 =	vld [tilespmem:s21+$0xFFFFFFA0]  }
0x515: {  	v4 =	vld [tilespmem:s23+$0xFFFFFFA0]  }
0x516: {  	v5 =	vld [tilespmem:s21+$0xFFFFFFB0]  }
0x517: {  	v6 =	vld [tilespmem:s23+$0xFFFFFFB0]  }
0x518: {  	v7 =	vld [tilespmem:s21+$0xFFFFFFC0]  }
0x519: {  	v8 =	vld [tilespmem:s23+$0xFFFFFFC0]  }
0x51a: {  	v9 =	vld [tilespmem:s21+$0xFFFFFFD0]  }
0x51b: {  	v10 =	vld [tilespmem:s23+$0xFFFFFFD0];
	v2 =	vadd.f32 v2, v1  }
0x51c: {  	v4 =	vadd.f32 v4, v3;
	v1 =	vld [tilespmem:s21+$0xFFFFFFE0]  }
0x51d: {  	v5 =	vadd.f32 v6, v5;
	v3 =	vld [tilespmem:s23+$0xFFFFFFE0];
	[tilespmem:s21+$0x0] =	vst v2  }
0x51e: {  	v6 =	vadd.f32 v8, v7;
	[tilespmem:s21+$0xFFFFFFA0] =	vst v4;
	v2 =	vld [tilespmem:s21+$0xFFFFFFF0]  }
0x51f: {  	[tilespmem:s21+$0xFFFFFFB0] =	vst v5;
	v5 =	vld [tilespmem:s23+$0xFFFFFFF0]  }
0x520: {  	s25 =	simm.s32 $0x0;
	s26 =	simm.s32 $0x44F0;
	v4 =	vld [tilespmem:s21+$0xFFFFFF90];
	[tilespmem:s21+$0xFFFFFFC0] =	vst v6;
	v6 =	vadd.f32 v10, v9  }
.LBB2_68:
0x521: {  	v7 =	vld [tilespmem:s26+$0x0];
	s23 =	sadd.s32 $0x400, s23  }
0x522: {  	s25 =	sadd.s32 $0x80, s25;
	v8 =	vld [tilespmem:s23+$0x0];
	[tilespmem:s21+$0xFFFFFFD0] =	vst v6;
	v1 =	vadd.f32 v3, v1  }
0x523: {  	p0 =	slt.u32 s25, $0x380;
	v3 =	vld [tilespmem:s23+$0xFFFFFF90]  }
0x524: {  	v6 =	vld [tilespmem:s26+$0xFFFFFFA0];
	[tilespmem:s21+$0xFFFFFFE0] =	vst v1;
	v1 =	vadd.f32 v5, v2  }
0x525: {  	v2 =	vld [tilespmem:s23+$0xFFFFFFA0];
	v9 =	vadd.f32 v0, v4  }
0x526: {  	v4 =	vld [tilespmem:s26+$0xFFFFFFB0];
	[tilespmem:s21+$0xFFFFFFF0] =	vst v1  }
0x527: {  	v1 =	vld [tilespmem:s23+$0xFFFFFFB0];
	v5 =	vadd.f32 v8, v7;
	[tilespmem:s21+$0xFFFFFF90] =	vst v9;
	s21 =	smov.u32 s26  }
0x528: {  	v7 =	vld [tilespmem:s26+$0xFFFFFFC0];
	v0 =	vmov v3  }
0x529: {  	s24 =	simm.s32 $0x170;
	s22 =	simm.s32 $0x4170;
	v8 =	vld [tilespmem:s23+$0xFFFFFFC0];
	[tilespmem:s26+$0x0] =	vst v5  }
0x52a: {  	v2 =	vadd.f32 v2, v6;
	v6 =	vld [tilespmem:s26+$0xFFFFFFD0]  }
0x52b: {  	v9 =	vld [tilespmem:s23+$0xFFFFFFD0]  }
.Ltmp33:
0x52c: {  	[tilespmem:s26+$0xFFFFFFA0] =	vst v2;
	v2 =	vadd.f32 v1, v4;
	v1 =	vld [tilespmem:s26+$0xFFFFFFE0];
	(pc) =	sbr.rel @p0 .LBB2_68-.Ltmp33, $4  }
0x52d: {  	v3 =	vld [tilespmem:s23+$0xFFFFFFE0]  }
0x52e: {  	[tilespmem:s26+$0xFFFFFFB0] =	vst v2;
	v7 =	vadd.f32 v8, v7;
	v2 =	vld [tilespmem:s26+$0xFFFFFFF0]  }
0x52f: {  	v5 =	vld [tilespmem:s23+$0xFFFFFFF0]  }
0x530: {  	s26 =	sadd.s32 $0x400, s26;
	v4 =	vld [tilespmem:s21+$0xFFFFFF90];
	[tilespmem:s21+$0xFFFFFFC0] =	vst v7;
	v6 =	vadd.f32 v9, v6  }
0x531: {  	_ =	sdelay $0x1  }
0x532: {  	v1 =	vadd.f32 v3, v1  }
0x533: {  	[tilespmem:s21+$0xFFFFFFD0] =	vst v6;
	v2 =	vadd.f32 v5, v2  }
0x534: {  	[tilespmem:s21+$0xFFFFFFE0] =	vst v1;
	v0 =	vadd.f32 v0, v4  }
0x535: {  	[tilespmem:s21+$0xFFFFFFF0] =	vst v2  }
0x536: {  	[tilespmem:s21+$0xFFFFFF90] =	vst v0  }
0x537: {  	v1 =	vld [tilespmem:s22+$0x0]  }
0x538: {  	v2 =	vld [tilespmem:s24+$0x0]  }
0x539: {  	v0 =	vld [tilespmem:s24+$0xFFFFFF90]  }
0x53a: {  	v3 =	vld [tilespmem:s22+$0xFFFFFFA0]  }
0x53b: {  	v4 =	vld [tilespmem:s24+$0xFFFFFFA0]  }
0x53c: {  	v5 =	vld [tilespmem:s22+$0xFFFFFFB0]  }
0x53d: {  	v6 =	vld [tilespmem:s24+$0xFFFFFFB0]  }
0x53e: {  	v7 =	vld [tilespmem:s22+$0xFFFFFFC0]  }
0x53f: {  	v8 =	vld [tilespmem:s24+$0xFFFFFFC0]  }
0x540: {  	v9 =	vld [tilespmem:s22+$0xFFFFFFD0]  }
0x541: {  	v10 =	vld [tilespmem:s24+$0xFFFFFFD0];
	v2 =	vadd.f32 v2, v1  }
0x542: {  	v4 =	vadd.f32 v4, v3;
	v1 =	vld [tilespmem:s22+$0xFFFFFFE0]  }
0x543: {  	v5 =	vadd.f32 v6, v5;
	v3 =	vld [tilespmem:s24+$0xFFFFFFE0];
	[tilespmem:s22+$0x0] =	vst v2  }
0x544: {  	v6 =	vadd.f32 v8, v7;
	[tilespmem:s22+$0xFFFFFFA0] =	vst v4;
	v2 =	vld [tilespmem:s22+$0xFFFFFFF0]  }
0x545: {  	[tilespmem:s22+$0xFFFFFFB0] =	vst v5;
	v5 =	vld [tilespmem:s24+$0xFFFFFFF0]  }
0x546: {  	s25 =	simm.s32 $0x0;
	s26 =	simm.s32 $0x4570;
	v4 =	vld [tilespmem:s22+$0xFFFFFF90];
	[tilespmem:s22+$0xFFFFFFC0] =	vst v6;
	v6 =	vadd.f32 v10, v9  }
.LBB2_70:
0x547: {  	v7 =	vld [tilespmem:s26+$0x0];
	s24 =	sadd.s32 $0x400, s24  }
0x548: {  	s25 =	sadd.s32 $0x80, s25;
	v8 =	vld [tilespmem:s24+$0x0];
	[tilespmem:s22+$0xFFFFFFD0] =	vst v6;
	v1 =	vadd.f32 v3, v1  }
0x549: {  	p0 =	slt.u32 s25, $0x380;
	v3 =	vld [tilespmem:s24+$0xFFFFFF90]  }
0x54a: {  	v6 =	vld [tilespmem:s26+$0xFFFFFFA0];
	[tilespmem:s22+$0xFFFFFFE0] =	vst v1;
	v1 =	vadd.f32 v5, v2  }
0x54b: {  	v2 =	vld [tilespmem:s24+$0xFFFFFFA0];
	v9 =	vadd.f32 v0, v4  }
0x54c: {  	v4 =	vld [tilespmem:s26+$0xFFFFFFB0];
	[tilespmem:s22+$0xFFFFFFF0] =	vst v1  }
0x54d: {  	v1 =	vld [tilespmem:s24+$0xFFFFFFB0];
	v5 =	vadd.f32 v8, v7;
	[tilespmem:s22+$0xFFFFFF90] =	vst v9;
	s22 =	smov.u32 s26  }
0x54e: {  	v7 =	vld [tilespmem:s26+$0xFFFFFFC0];
	v0 =	vmov v3  }
0x54f: {  	s23 =	simm.s32 $0x1F0;
	s21 =	simm.s32 $0x41F0;
	v8 =	vld [tilespmem:s24+$0xFFFFFFC0];
	[tilespmem:s26+$0x0] =	vst v5  }
0x550: {  	v2 =	vadd.f32 v2, v6;
	v6 =	vld [tilespmem:s26+$0xFFFFFFD0]  }
0x551: {  	v9 =	vld [tilespmem:s24+$0xFFFFFFD0]  }
.Ltmp34:
0x552: {  	[tilespmem:s26+$0xFFFFFFA0] =	vst v2;
	v2 =	vadd.f32 v1, v4;
	v1 =	vld [tilespmem:s26+$0xFFFFFFE0];
	(pc) =	sbr.rel @p0 .LBB2_70-.Ltmp34, $4  }
0x553: {  	v3 =	vld [tilespmem:s24+$0xFFFFFFE0]  }
0x554: {  	[tilespmem:s26+$0xFFFFFFB0] =	vst v2;
	v7 =	vadd.f32 v8, v7;
	v2 =	vld [tilespmem:s26+$0xFFFFFFF0]  }
0x555: {  	v5 =	vld [tilespmem:s24+$0xFFFFFFF0]  }
0x556: {  	s26 =	sadd.s32 $0x400, s26;
	v4 =	vld [tilespmem:s22+$0xFFFFFF90];
	[tilespmem:s22+$0xFFFFFFC0] =	vst v7;
	v6 =	vadd.f32 v9, v6  }
0x557: {  	_ =	sdelay $0x1  }
0x558: {  	v1 =	vadd.f32 v3, v1  }
0x559: {  	[tilespmem:s22+$0xFFFFFFD0] =	vst v6;
	v2 =	vadd.f32 v5, v2  }
0x55a: {  	[tilespmem:s22+$0xFFFFFFE0] =	vst v1;
	v0 =	vadd.f32 v0, v4  }
0x55b: {  	[tilespmem:s22+$0xFFFFFFF0] =	vst v2  }
0x55c: {  	[tilespmem:s22+$0xFFFFFF90] =	vst v0  }
0x55d: {  	v1 =	vld [tilespmem:s21+$0x0]  }
0x55e: {  	v2 =	vld [tilespmem:s23+$0x0]  }
0x55f: {  	v0 =	vld [tilespmem:s23+$0xFFFFFF90]  }
0x560: {  	v3 =	vld [tilespmem:s21+$0xFFFFFFA0]  }
0x561: {  	v4 =	vld [tilespmem:s23+$0xFFFFFFA0]  }
0x562: {  	v5 =	vld [tilespmem:s21+$0xFFFFFFB0]  }
0x563: {  	v6 =	vld [tilespmem:s23+$0xFFFFFFB0]  }
0x564: {  	v7 =	vld [tilespmem:s21+$0xFFFFFFC0]  }
0x565: {  	v8 =	vld [tilespmem:s23+$0xFFFFFFC0]  }
0x566: {  	v9 =	vld [tilespmem:s21+$0xFFFFFFD0]  }
0x567: {  	v10 =	vld [tilespmem:s23+$0xFFFFFFD0];
	v2 =	vadd.f32 v2, v1  }
0x568: {  	v4 =	vadd.f32 v4, v3;
	v1 =	vld [tilespmem:s21+$0xFFFFFFE0]  }
0x569: {  	v5 =	vadd.f32 v6, v5;
	v3 =	vld [tilespmem:s23+$0xFFFFFFE0];
	[tilespmem:s21+$0x0] =	vst v2  }
0x56a: {  	v6 =	vadd.f32 v8, v7;
	[tilespmem:s21+$0xFFFFFFA0] =	vst v4;
	v2 =	vld [tilespmem:s21+$0xFFFFFFF0]  }
0x56b: {  	[tilespmem:s21+$0xFFFFFFB0] =	vst v5;
	v5 =	vld [tilespmem:s23+$0xFFFFFFF0]  }
0x56c: {  	s25 =	simm.s32 $0x0;
	s26 =	simm.s32 $0x45F0;
	v4 =	vld [tilespmem:s21+$0xFFFFFF90];
	[tilespmem:s21+$0xFFFFFFC0] =	vst v6;
	v6 =	vadd.f32 v10, v9  }
.LBB2_72:
0x56d: {  	v7 =	vld [tilespmem:s26+$0x0];
	s23 =	sadd.s32 $0x400, s23  }
0x56e: {  	s25 =	sadd.s32 $0x80, s25;
	v8 =	vld [tilespmem:s23+$0x0];
	[tilespmem:s21+$0xFFFFFFD0] =	vst v6;
	v1 =	vadd.f32 v3, v1  }
0x56f: {  	p0 =	slt.u32 s25, $0x380;
	v3 =	vld [tilespmem:s23+$0xFFFFFF90]  }
0x570: {  	v6 =	vld [tilespmem:s26+$0xFFFFFFA0];
	[tilespmem:s21+$0xFFFFFFE0] =	vst v1;
	v1 =	vadd.f32 v5, v2  }
0x571: {  	v2 =	vld [tilespmem:s23+$0xFFFFFFA0];
	v9 =	vadd.f32 v0, v4  }
0x572: {  	v4 =	vld [tilespmem:s26+$0xFFFFFFB0];
	[tilespmem:s21+$0xFFFFFFF0] =	vst v1  }
0x573: {  	v1 =	vld [tilespmem:s23+$0xFFFFFFB0];
	v5 =	vadd.f32 v8, v7;
	[tilespmem:s21+$0xFFFFFF90] =	vst v9;
	s21 =	smov.u32 s26  }
0x574: {  	v7 =	vld [tilespmem:s26+$0xFFFFFFC0];
	v0 =	vmov v3  }
0x575: {  	s24 =	simm.s32 $0x270;
	s22 =	simm.s32 $0x4270;
	v8 =	vld [tilespmem:s23+$0xFFFFFFC0];
	[tilespmem:s26+$0x0] =	vst v5  }
0x576: {  	v2 =	vadd.f32 v2, v6;
	v6 =	vld [tilespmem:s26+$0xFFFFFFD0]  }
0x577: {  	v9 =	vld [tilespmem:s23+$0xFFFFFFD0]  }
.Ltmp35:
0x578: {  	[tilespmem:s26+$0xFFFFFFA0] =	vst v2;
	v2 =	vadd.f32 v1, v4;
	v1 =	vld [tilespmem:s26+$0xFFFFFFE0];
	(pc) =	sbr.rel @p0 .LBB2_72-.Ltmp35, $4  }
0x579: {  	v3 =	vld [tilespmem:s23+$0xFFFFFFE0]  }
0x57a: {  	[tilespmem:s26+$0xFFFFFFB0] =	vst v2;
	v7 =	vadd.f32 v8, v7;
	v2 =	vld [tilespmem:s26+$0xFFFFFFF0]  }
0x57b: {  	v5 =	vld [tilespmem:s23+$0xFFFFFFF0]  }
0x57c: {  	s26 =	sadd.s32 $0x400, s26;
	v4 =	vld [tilespmem:s21+$0xFFFFFF90];
	[tilespmem:s21+$0xFFFFFFC0] =	vst v7;
	v6 =	vadd.f32 v9, v6  }
0x57d: {  	_ =	sdelay $0x1  }
0x57e: {  	v1 =	vadd.f32 v3, v1  }
0x57f: {  	[tilespmem:s21+$0xFFFFFFD0] =	vst v6;
	v2 =	vadd.f32 v5, v2  }
0x580: {  	[tilespmem:s21+$0xFFFFFFE0] =	vst v1;
	v0 =	vadd.f32 v0, v4  }
0x581: {  	[tilespmem:s21+$0xFFFFFFF0] =	vst v2  }
0x582: {  	[tilespmem:s21+$0xFFFFFF90] =	vst v0  }
0x583: {  	v1 =	vld [tilespmem:s22+$0x0]  }
0x584: {  	v2 =	vld [tilespmem:s24+$0x0]  }
0x585: {  	v0 =	vld [tilespmem:s24+$0xFFFFFF90]  }
0x586: {  	v3 =	vld [tilespmem:s22+$0xFFFFFFA0]  }
0x587: {  	v4 =	vld [tilespmem:s24+$0xFFFFFFA0]  }
0x588: {  	v5 =	vld [tilespmem:s22+$0xFFFFFFB0]  }
0x589: {  	v6 =	vld [tilespmem:s24+$0xFFFFFFB0]  }
0x58a: {  	v7 =	vld [tilespmem:s22+$0xFFFFFFC0]  }
0x58b: {  	v8 =	vld [tilespmem:s24+$0xFFFFFFC0]  }
0x58c: {  	v9 =	vld [tilespmem:s22+$0xFFFFFFD0]  }
0x58d: {  	v10 =	vld [tilespmem:s24+$0xFFFFFFD0];
	v2 =	vadd.f32 v2, v1  }
0x58e: {  	v4 =	vadd.f32 v4, v3;
	v1 =	vld [tilespmem:s22+$0xFFFFFFE0]  }
0x58f: {  	v5 =	vadd.f32 v6, v5;
	v3 =	vld [tilespmem:s24+$0xFFFFFFE0];
	[tilespmem:s22+$0x0] =	vst v2  }
0x590: {  	v6 =	vadd.f32 v8, v7;
	[tilespmem:s22+$0xFFFFFFA0] =	vst v4;
	v2 =	vld [tilespmem:s22+$0xFFFFFFF0]  }
0x591: {  	[tilespmem:s22+$0xFFFFFFB0] =	vst v5;
	v5 =	vld [tilespmem:s24+$0xFFFFFFF0]  }
0x592: {  	s25 =	simm.s32 $0x0;
	s26 =	simm.s32 $0x4670;
	v4 =	vld [tilespmem:s22+$0xFFFFFF90];
	[tilespmem:s22+$0xFFFFFFC0] =	vst v6;
	v6 =	vadd.f32 v10, v9  }
.LBB2_74:
0x593: {  	v7 =	vld [tilespmem:s26+$0x0];
	s24 =	sadd.s32 $0x400, s24  }
0x594: {  	s25 =	sadd.s32 $0x80, s25;
	v8 =	vld [tilespmem:s24+$0x0];
	[tilespmem:s22+$0xFFFFFFD0] =	vst v6;
	v1 =	vadd.f32 v3, v1  }
0x595: {  	p0 =	slt.u32 s25, $0x380;
	v3 =	vld [tilespmem:s24+$0xFFFFFF90]  }
0x596: {  	v6 =	vld [tilespmem:s26+$0xFFFFFFA0];
	[tilespmem:s22+$0xFFFFFFE0] =	vst v1;
	v1 =	vadd.f32 v5, v2  }
0x597: {  	v2 =	vld [tilespmem:s24+$0xFFFFFFA0];
	v9 =	vadd.f32 v0, v4  }
0x598: {  	v4 =	vld [tilespmem:s26+$0xFFFFFFB0];
	[tilespmem:s22+$0xFFFFFFF0] =	vst v1  }
0x599: {  	v1 =	vld [tilespmem:s24+$0xFFFFFFB0];
	v5 =	vadd.f32 v8, v7;
	[tilespmem:s22+$0xFFFFFF90] =	vst v9;
	s22 =	smov.u32 s26  }
0x59a: {  	v7 =	vld [tilespmem:s26+$0xFFFFFFC0];
	v0 =	vmov v3  }
0x59b: {  	s23 =	simm.s32 $0x2F0;
	s21 =	simm.s32 $0x42F0;
	v8 =	vld [tilespmem:s24+$0xFFFFFFC0];
	[tilespmem:s26+$0x0] =	vst v5  }
0x59c: {  	v2 =	vadd.f32 v2, v6;
	v6 =	vld [tilespmem:s26+$0xFFFFFFD0]  }
0x59d: {  	v9 =	vld [tilespmem:s24+$0xFFFFFFD0]  }
.Ltmp36:
0x59e: {  	[tilespmem:s26+$0xFFFFFFA0] =	vst v2;
	v2 =	vadd.f32 v1, v4;
	v1 =	vld [tilespmem:s26+$0xFFFFFFE0];
	(pc) =	sbr.rel @p0 .LBB2_74-.Ltmp36, $4  }
0x59f: {  	v3 =	vld [tilespmem:s24+$0xFFFFFFE0]  }
0x5a0: {  	[tilespmem:s26+$0xFFFFFFB0] =	vst v2;
	v7 =	vadd.f32 v8, v7;
	v2 =	vld [tilespmem:s26+$0xFFFFFFF0]  }
0x5a1: {  	v5 =	vld [tilespmem:s24+$0xFFFFFFF0]  }
0x5a2: {  	s26 =	sadd.s32 $0x400, s26;
	v4 =	vld [tilespmem:s22+$0xFFFFFF90];
	[tilespmem:s22+$0xFFFFFFC0] =	vst v7;
	v6 =	vadd.f32 v9, v6  }
0x5a3: {  	_ =	sdelay $0x1  }
0x5a4: {  	v1 =	vadd.f32 v3, v1  }
0x5a5: {  	[tilespmem:s22+$0xFFFFFFD0] =	vst v6;
	v2 =	vadd.f32 v5, v2  }
0x5a6: {  	[tilespmem:s22+$0xFFFFFFE0] =	vst v1;
	v0 =	vadd.f32 v0, v4  }
0x5a7: {  	[tilespmem:s22+$0xFFFFFFF0] =	vst v2  }
0x5a8: {  	[tilespmem:s22+$0xFFFFFF90] =	vst v0  }
0x5a9: {  	v1 =	vld [tilespmem:s21+$0x0]  }
0x5aa: {  	v2 =	vld [tilespmem:s23+$0x0]  }
0x5ab: {  	v0 =	vld [tilespmem:s23+$0xFFFFFF90]  }
0x5ac: {  	v3 =	vld [tilespmem:s21+$0xFFFFFFA0]  }
0x5ad: {  	v4 =	vld [tilespmem:s23+$0xFFFFFFA0]  }
0x5ae: {  	v5 =	vld [tilespmem:s21+$0xFFFFFFB0]  }
0x5af: {  	v6 =	vld [tilespmem:s23+$0xFFFFFFB0]  }
0x5b0: {  	v7 =	vld [tilespmem:s21+$0xFFFFFFC0]  }
0x5b1: {  	v8 =	vld [tilespmem:s23+$0xFFFFFFC0]  }
0x5b2: {  	v9 =	vld [tilespmem:s21+$0xFFFFFFD0]  }
0x5b3: {  	v10 =	vld [tilespmem:s23+$0xFFFFFFD0];
	v2 =	vadd.f32 v2, v1  }
0x5b4: {  	v4 =	vadd.f32 v4, v3;
	v1 =	vld [tilespmem:s21+$0xFFFFFFE0]  }
0x5b5: {  	v5 =	vadd.f32 v6, v5;
	v3 =	vld [tilespmem:s23+$0xFFFFFFE0];
	[tilespmem:s21+$0x0] =	vst v2  }
0x5b6: {  	v6 =	vadd.f32 v8, v7;
	[tilespmem:s21+$0xFFFFFFA0] =	vst v4;
	v2 =	vld [tilespmem:s21+$0xFFFFFFF0]  }
0x5b7: {  	[tilespmem:s21+$0xFFFFFFB0] =	vst v5;
	v5 =	vld [tilespmem:s23+$0xFFFFFFF0]  }
0x5b8: {  	s25 =	simm.s32 $0x0;
	s26 =	simm.s32 $0x46F0;
	v4 =	vld [tilespmem:s21+$0xFFFFFF90];
	[tilespmem:s21+$0xFFFFFFC0] =	vst v6;
	v6 =	vadd.f32 v10, v9  }
.LBB2_76:
0x5b9: {  	v7 =	vld [tilespmem:s26+$0x0];
	s23 =	sadd.s32 $0x400, s23  }
0x5ba: {  	s25 =	sadd.s32 $0x80, s25;
	v8 =	vld [tilespmem:s23+$0x0];
	[tilespmem:s21+$0xFFFFFFD0] =	vst v6;
	v1 =	vadd.f32 v3, v1  }
0x5bb: {  	p0 =	slt.u32 s25, $0x380;
	v3 =	vld [tilespmem:s23+$0xFFFFFF90]  }
0x5bc: {  	v6 =	vld [tilespmem:s26+$0xFFFFFFA0];
	[tilespmem:s21+$0xFFFFFFE0] =	vst v1;
	v1 =	vadd.f32 v5, v2  }
0x5bd: {  	v2 =	vld [tilespmem:s23+$0xFFFFFFA0];
	v9 =	vadd.f32 v0, v4  }
0x5be: {  	v4 =	vld [tilespmem:s26+$0xFFFFFFB0];
	[tilespmem:s21+$0xFFFFFFF0] =	vst v1  }
0x5bf: {  	v1 =	vld [tilespmem:s23+$0xFFFFFFB0];
	v5 =	vadd.f32 v8, v7;
	[tilespmem:s21+$0xFFFFFF90] =	vst v9;
	s21 =	smov.u32 s26  }
0x5c0: {  	v7 =	vld [tilespmem:s26+$0xFFFFFFC0];
	v0 =	vmov v3  }
0x5c1: {  	s24 =	simm.s32 $0x370;
	s22 =	simm.s32 $0x4370;
	v8 =	vld [tilespmem:s23+$0xFFFFFFC0];
	[tilespmem:s26+$0x0] =	vst v5  }
0x5c2: {  	v2 =	vadd.f32 v2, v6;
	v6 =	vld [tilespmem:s26+$0xFFFFFFD0]  }
0x5c3: {  	v9 =	vld [tilespmem:s23+$0xFFFFFFD0]  }
.Ltmp37:
0x5c4: {  	[tilespmem:s26+$0xFFFFFFA0] =	vst v2;
	v2 =	vadd.f32 v1, v4;
	v1 =	vld [tilespmem:s26+$0xFFFFFFE0];
	(pc) =	sbr.rel @p0 .LBB2_76-.Ltmp37, $4  }
0x5c5: {  	v3 =	vld [tilespmem:s23+$0xFFFFFFE0]  }
0x5c6: {  	[tilespmem:s26+$0xFFFFFFB0] =	vst v2;
	v7 =	vadd.f32 v8, v7;
	v2 =	vld [tilespmem:s26+$0xFFFFFFF0]  }
0x5c7: {  	v5 =	vld [tilespmem:s23+$0xFFFFFFF0]  }
0x5c8: {  	s26 =	sadd.s32 $0x400, s26;
	v4 =	vld [tilespmem:s21+$0xFFFFFF90];
	[tilespmem:s21+$0xFFFFFFC0] =	vst v7;
	v6 =	vadd.f32 v9, v6  }
0x5c9: {  	_ =	sdelay $0x1  }
0x5ca: {  	v1 =	vadd.f32 v3, v1  }
0x5cb: {  	[tilespmem:s21+$0xFFFFFFD0] =	vst v6;
	v2 =	vadd.f32 v5, v2  }
0x5cc: {  	[tilespmem:s21+$0xFFFFFFE0] =	vst v1;
	v0 =	vadd.f32 v0, v4  }
0x5cd: {  	[tilespmem:s21+$0xFFFFFFF0] =	vst v2  }
0x5ce: {  	[tilespmem:s21+$0xFFFFFF90] =	vst v0  }
0x5cf: {  	v1 =	vld [tilespmem:s22+$0x0]  }
0x5d0: {  	v2 =	vld [tilespmem:s24+$0x0]  }
0x5d1: {  	v0 =	vld [tilespmem:s24+$0xFFFFFF90]  }
0x5d2: {  	v3 =	vld [tilespmem:s22+$0xFFFFFFA0]  }
0x5d3: {  	v4 =	vld [tilespmem:s24+$0xFFFFFFA0]  }
0x5d4: {  	v5 =	vld [tilespmem:s22+$0xFFFFFFB0]  }
0x5d5: {  	v6 =	vld [tilespmem:s24+$0xFFFFFFB0]  }
0x5d6: {  	v7 =	vld [tilespmem:s22+$0xFFFFFFC0]  }
0x5d7: {  	v8 =	vld [tilespmem:s24+$0xFFFFFFC0]  }
0x5d8: {  	v9 =	vld [tilespmem:s22+$0xFFFFFFD0]  }
0x5d9: {  	v10 =	vld [tilespmem:s24+$0xFFFFFFD0];
	v2 =	vadd.f32 v2, v1  }
0x5da: {  	v4 =	vadd.f32 v4, v3;
	v1 =	vld [tilespmem:s22+$0xFFFFFFE0]  }
0x5db: {  	v5 =	vadd.f32 v6, v5;
	v3 =	vld [tilespmem:s24+$0xFFFFFFE0];
	[tilespmem:s22+$0x0] =	vst v2  }
0x5dc: {  	v6 =	vadd.f32 v8, v7;
	[tilespmem:s22+$0xFFFFFFA0] =	vst v4;
	v2 =	vld [tilespmem:s22+$0xFFFFFFF0]  }
0x5dd: {  	[tilespmem:s22+$0xFFFFFFB0] =	vst v5;
	v5 =	vld [tilespmem:s24+$0xFFFFFFF0]  }
0x5de: {  	s26 =	simm.s32 $0x4770;
	s21 =	simm.s32 $0x0;
	v4 =	vld [tilespmem:s22+$0xFFFFFF90];
	[tilespmem:s22+$0xFFFFFFC0] =	vst v6;
	v6 =	vadd.f32 v10, v9  }
.LBB2_78:
0x5df: {  	v7 =	vld [tilespmem:s26+$0x0];
	s24 =	sadd.s32 $0x400, s24  }
0x5e0: {  	s21 =	sadd.s32 $0x80, s21;
	v8 =	vld [tilespmem:s24+$0x0];
	[tilespmem:s22+$0xFFFFFFD0] =	vst v6;
	v1 =	vadd.f32 v3, v1  }
0x5e1: {  	p0 =	slt.u32 s21, $0x380;
	v3 =	vld [tilespmem:s24+$0xFFFFFF90]  }
0x5e2: {  	v6 =	vld [tilespmem:s26+$0xFFFFFFA0];
	[tilespmem:s22+$0xFFFFFFE0] =	vst v1;
	v1 =	vadd.f32 v5, v2  }
0x5e3: {  	v2 =	vld [tilespmem:s24+$0xFFFFFFA0];
	v9 =	vadd.f32 v0, v4  }
0x5e4: {  	v4 =	vld [tilespmem:s26+$0xFFFFFFB0];
	[tilespmem:s22+$0xFFFFFFF0] =	vst v1  }
0x5e5: {  	v1 =	vld [tilespmem:s24+$0xFFFFFFB0];
	v5 =	vadd.f32 v8, v7;
	[tilespmem:s22+$0xFFFFFF90] =	vst v9;
	s22 =	smov.u32 s26  }
0x5e6: {  	v7 =	vld [tilespmem:s26+$0xFFFFFFC0];
	v0 =	vmov v3  }
0x5e7: {  	s25 =	simm.s32 $0x3F0;
	s23 =	simm.s32 $0x43F0;
	v8 =	vld [tilespmem:s24+$0xFFFFFFC0];
	[tilespmem:s26+$0x0] =	vst v5  }
0x5e8: {  	v2 =	vadd.f32 v2, v6;
	v6 =	vld [tilespmem:s26+$0xFFFFFFD0]  }
0x5e9: {  	v9 =	vld [tilespmem:s24+$0xFFFFFFD0]  }
.Ltmp38:
0x5ea: {  	[tilespmem:s26+$0xFFFFFFA0] =	vst v2;
	v2 =	vadd.f32 v1, v4;
	v1 =	vld [tilespmem:s26+$0xFFFFFFE0];
	(pc) =	sbr.rel @p0 .LBB2_78-.Ltmp38, $4  }
0x5eb: {  	v3 =	vld [tilespmem:s24+$0xFFFFFFE0]  }
0x5ec: {  	[tilespmem:s26+$0xFFFFFFB0] =	vst v2;
	v7 =	vadd.f32 v8, v7;
	v2 =	vld [tilespmem:s26+$0xFFFFFFF0]  }
0x5ed: {  	v5 =	vld [tilespmem:s24+$0xFFFFFFF0]  }
0x5ee: {  	s26 =	sadd.s32 $0x400, s26;
	v4 =	vld [tilespmem:s22+$0xFFFFFF90];
	[tilespmem:s22+$0xFFFFFFC0] =	vst v7;
	v6 =	vadd.f32 v9, v6  }
0x5ef: {  	_ =	sdelay $0x1  }
0x5f0: {  	v1 =	vadd.f32 v3, v1  }
0x5f1: {  	[tilespmem:s22+$0xFFFFFFD0] =	vst v6;
	v2 =	vadd.f32 v5, v2  }
0x5f2: {  	[tilespmem:s22+$0xFFFFFFE0] =	vst v1;
	v0 =	vadd.f32 v0, v4  }
0x5f3: {  	[tilespmem:s22+$0xFFFFFFF0] =	vst v2  }
0x5f4: {  	[tilespmem:s22+$0xFFFFFF90] =	vst v0  }
0x5f5: {  	v1 =	vld [tilespmem:s23+$0x0]  }
0x5f6: {  	v2 =	vld [tilespmem:s25+$0x0]  }
0x5f7: {  	v0 =	vld [tilespmem:s25+$0xFFFFFF90]  }
0x5f8: {  	v3 =	vld [tilespmem:s23+$0xFFFFFFA0]  }
0x5f9: {  	v4 =	vld [tilespmem:s25+$0xFFFFFFA0]  }
0x5fa: {  	v5 =	vld [tilespmem:s23+$0xFFFFFFB0]  }
0x5fb: {  	v6 =	vld [tilespmem:s25+$0xFFFFFFB0]  }
0x5fc: {  	v7 =	vld [tilespmem:s23+$0xFFFFFFC0]  }
0x5fd: {  	v8 =	vld [tilespmem:s25+$0xFFFFFFC0]  }
0x5fe: {  	v9 =	vld [tilespmem:s23+$0xFFFFFFD0]  }
0x5ff: {  	v10 =	vld [tilespmem:s25+$0xFFFFFFD0];
	v2 =	vadd.f32 v2, v1  }
0x600: {  	v4 =	vadd.f32 v4, v3;
	v1 =	vld [tilespmem:s23+$0xFFFFFFE0]  }
0x601: {  	v5 =	vadd.f32 v6, v5;
	v3 =	vld [tilespmem:s25+$0xFFFFFFE0];
	[tilespmem:s23+$0x0] =	vst v2  }
0x602: {  	v6 =	vadd.f32 v8, v7;
	[tilespmem:s23+$0xFFFFFFA0] =	vst v4;
	v2 =	vld [tilespmem:s23+$0xFFFFFFF0]  }
0x603: {  	[tilespmem:s23+$0xFFFFFFB0] =	vst v5;
	v5 =	vld [tilespmem:s25+$0xFFFFFFF0]  }
0x604: {  	s26 =	simm.s32 $0x47F0;
	s22 =	simm.s32 $0x0;
	v4 =	vld [tilespmem:s23+$0xFFFFFF90];
	[tilespmem:s23+$0xFFFFFFC0] =	vst v6;
	v6 =	vadd.f32 v10, v9  }
.LBB2_80:
0x605: {  	v7 =	vld [tilespmem:s26+$0x0];
	s25 =	sadd.s32 $0x400, s25  }
0x606: {  	s22 =	sadd.s32 $0x80, s22;
	v8 =	vld [tilespmem:s25+$0x0];
	[tilespmem:s23+$0xFFFFFFD0] =	vst v6;
	v1 =	vadd.f32 v3, v1  }
0x607: {  	p0 =	slt.u32 s22, $0x380;
	v3 =	vld [tilespmem:s25+$0xFFFFFF90]  }
0x608: {  	v6 =	vld [tilespmem:s26+$0xFFFFFFA0];
	[tilespmem:s23+$0xFFFFFFE0] =	vst v1;
	v1 =	vadd.f32 v5, v2  }
0x609: {  	v2 =	vld [tilespmem:s25+$0xFFFFFFA0];
	v9 =	vadd.f32 v0, v4  }
0x60a: {  	v4 =	vld [tilespmem:s26+$0xFFFFFFB0];
	[tilespmem:s23+$0xFFFFFFF0] =	vst v1  }
0x60b: {  	v1 =	vld [tilespmem:s25+$0xFFFFFFB0];
	v5 =	vadd.f32 v8, v7;
	[tilespmem:s23+$0xFFFFFF90] =	vst v9;
	s23 =	smov.u32 s26  }
0x60c: {  	v7 =	vld [tilespmem:s26+$0xFFFFFFC0];
	v0 =	vmov v3  }
0x60d: {  	s21 =	simm.s32 $0x6070;
	s24 =	simm.s32 $0x2070;
	v8 =	vld [tilespmem:s25+$0xFFFFFFC0];
	[tilespmem:s26+$0x0] =	vst v5  }
0x60e: {  	v2 =	vadd.f32 v2, v6;
	v6 =	vld [tilespmem:s26+$0xFFFFFFD0]  }
0x60f: {  	v9 =	vld [tilespmem:s25+$0xFFFFFFD0]  }
.Ltmp39:
0x610: {  	[tilespmem:s26+$0xFFFFFFA0] =	vst v2;
	v2 =	vadd.f32 v1, v4;
	v1 =	vld [tilespmem:s26+$0xFFFFFFE0];
	(pc) =	sbr.rel @p0 .LBB2_80-.Ltmp39, $4  }
0x611: {  	v3 =	vld [tilespmem:s25+$0xFFFFFFE0]  }
0x612: {  	[tilespmem:s26+$0xFFFFFFB0] =	vst v2;
	v7 =	vadd.f32 v8, v7;
	v2 =	vld [tilespmem:s26+$0xFFFFFFF0]  }
0x613: {  	v5 =	vld [tilespmem:s25+$0xFFFFFFF0]  }
0x614: {  	s26 =	sadd.s32 $0x400, s26;
	v4 =	vld [tilespmem:s23+$0xFFFFFF90];
	[tilespmem:s23+$0xFFFFFFC0] =	vst v7;
	v6 =	vadd.f32 v9, v6  }
0x615: {  	_ =	sdelay $0x1  }
0x616: {  	v1 =	vadd.f32 v3, v1  }
0x617: {  	[tilespmem:s23+$0xFFFFFFD0] =	vst v6;
	v2 =	vadd.f32 v5, v2  }
0x618: {  	[tilespmem:s23+$0xFFFFFFE0] =	vst v1;
	v0 =	vadd.f32 v0, v4  }
0x619: {  	[tilespmem:s23+$0xFFFFFFF0] =	vst v2  }
0x61a: {  	[tilespmem:s23+$0xFFFFFF90] =	vst v0  }
0x61b: {  	v1 =	vld [tilespmem:s21+$0x0]  }
0x61c: {  	v2 =	vld [tilespmem:s24+$0x0]  }
0x61d: {  	v0 =	vld [tilespmem:s24+$0xFFFFFF90]  }
0x61e: {  	v3 =	vld [tilespmem:s21+$0xFFFFFFA0]  }
0x61f: {  	v4 =	vld [tilespmem:s24+$0xFFFFFFA0]  }
0x620: {  	v5 =	vld [tilespmem:s21+$0xFFFFFFB0]  }
0x621: {  	v6 =	vld [tilespmem:s24+$0xFFFFFFB0]  }
0x622: {  	v7 =	vld [tilespmem:s21+$0xFFFFFFC0]  }
0x623: {  	v8 =	vld [tilespmem:s24+$0xFFFFFFC0]  }
0x624: {  	v9 =	vld [tilespmem:s21+$0xFFFFFFD0]  }
0x625: {  	v10 =	vld [tilespmem:s24+$0xFFFFFFD0];
	v2 =	vadd.f32 v2, v1  }
0x626: {  	v4 =	vadd.f32 v4, v3;
	v1 =	vld [tilespmem:s21+$0xFFFFFFE0]  }
0x627: {  	v5 =	vadd.f32 v6, v5;
	v3 =	vld [tilespmem:s24+$0xFFFFFFE0];
	[tilespmem:s21+$0x0] =	vst v2  }
0x628: {  	v6 =	vadd.f32 v8, v7;
	[tilespmem:s21+$0xFFFFFFA0] =	vst v4;
	v2 =	vld [tilespmem:s21+$0xFFFFFFF0]  }
0x629: {  	[tilespmem:s21+$0xFFFFFFB0] =	vst v5;
	v5 =	vld [tilespmem:s24+$0xFFFFFFF0]  }
0x62a: {  	s25 =	simm.s32 $0x0;
	s26 =	simm.s32 $0x6470;
	v4 =	vld [tilespmem:s21+$0xFFFFFF90];
	[tilespmem:s21+$0xFFFFFFC0] =	vst v6;
	v6 =	vadd.f32 v10, v9  }
.LBB2_82:
0x62b: {  	v7 =	vld [tilespmem:s26+$0x0];
	s24 =	sadd.s32 $0x400, s24  }
0x62c: {  	s25 =	sadd.s32 $0x80, s25;
	v8 =	vld [tilespmem:s24+$0x0];
	[tilespmem:s21+$0xFFFFFFD0] =	vst v6;
	v1 =	vadd.f32 v3, v1  }
0x62d: {  	p0 =	slt.u32 s25, $0x380;
	v3 =	vld [tilespmem:s24+$0xFFFFFF90]  }
0x62e: {  	v6 =	vld [tilespmem:s26+$0xFFFFFFA0];
	[tilespmem:s21+$0xFFFFFFE0] =	vst v1;
	v1 =	vadd.f32 v5, v2  }
0x62f: {  	v2 =	vld [tilespmem:s24+$0xFFFFFFA0];
	v9 =	vadd.f32 v0, v4  }
0x630: {  	v4 =	vld [tilespmem:s26+$0xFFFFFFB0];
	[tilespmem:s21+$0xFFFFFFF0] =	vst v1  }
0x631: {  	v1 =	vld [tilespmem:s24+$0xFFFFFFB0];
	v5 =	vadd.f32 v8, v7;
	[tilespmem:s21+$0xFFFFFF90] =	vst v9;
	s21 =	smov.u32 s26  }
0x632: {  	v7 =	vld [tilespmem:s26+$0xFFFFFFC0];
	v0 =	vmov v3  }
0x633: {  	s22 =	simm.s32 $0x60F0;
	s23 =	simm.s32 $0x20F0;
	v8 =	vld [tilespmem:s24+$0xFFFFFFC0];
	[tilespmem:s26+$0x0] =	vst v5  }
0x634: {  	v2 =	vadd.f32 v2, v6;
	v6 =	vld [tilespmem:s26+$0xFFFFFFD0]  }
0x635: {  	v9 =	vld [tilespmem:s24+$0xFFFFFFD0]  }
.Ltmp40:
0x636: {  	[tilespmem:s26+$0xFFFFFFA0] =	vst v2;
	v2 =	vadd.f32 v1, v4;
	v1 =	vld [tilespmem:s26+$0xFFFFFFE0];
	(pc) =	sbr.rel @p0 .LBB2_82-.Ltmp40, $4  }
0x637: {  	v3 =	vld [tilespmem:s24+$0xFFFFFFE0]  }
0x638: {  	[tilespmem:s26+$0xFFFFFFB0] =	vst v2;
	v7 =	vadd.f32 v8, v7;
	v2 =	vld [tilespmem:s26+$0xFFFFFFF0]  }
0x639: {  	v5 =	vld [tilespmem:s24+$0xFFFFFFF0]  }
0x63a: {  	s26 =	sadd.s32 $0x400, s26;
	v4 =	vld [tilespmem:s21+$0xFFFFFF90];
	[tilespmem:s21+$0xFFFFFFC0] =	vst v7;
	v6 =	vadd.f32 v9, v6  }
0x63b: {  	_ =	sdelay $0x1  }
0x63c: {  	v1 =	vadd.f32 v3, v1  }
0x63d: {  	[tilespmem:s21+$0xFFFFFFD0] =	vst v6;
	v2 =	vadd.f32 v5, v2  }
0x63e: {  	[tilespmem:s21+$0xFFFFFFE0] =	vst v1;
	v0 =	vadd.f32 v0, v4  }
0x63f: {  	[tilespmem:s21+$0xFFFFFFF0] =	vst v2  }
0x640: {  	[tilespmem:s21+$0xFFFFFF90] =	vst v0  }
0x641: {  	v1 =	vld [tilespmem:s22+$0x0]  }
0x642: {  	v2 =	vld [tilespmem:s23+$0x0]  }
0x643: {  	v0 =	vld [tilespmem:s23+$0xFFFFFF90]  }
0x644: {  	v3 =	vld [tilespmem:s22+$0xFFFFFFA0]  }
0x645: {  	v4 =	vld [tilespmem:s23+$0xFFFFFFA0]  }
0x646: {  	v5 =	vld [tilespmem:s22+$0xFFFFFFB0]  }
0x647: {  	v6 =	vld [tilespmem:s23+$0xFFFFFFB0]  }
0x648: {  	v7 =	vld [tilespmem:s22+$0xFFFFFFC0]  }
0x649: {  	v8 =	vld [tilespmem:s23+$0xFFFFFFC0]  }
0x64a: {  	v9 =	vld [tilespmem:s22+$0xFFFFFFD0]  }
0x64b: {  	v10 =	vld [tilespmem:s23+$0xFFFFFFD0];
	v2 =	vadd.f32 v2, v1  }
0x64c: {  	v4 =	vadd.f32 v4, v3;
	v1 =	vld [tilespmem:s22+$0xFFFFFFE0]  }
0x64d: {  	v5 =	vadd.f32 v6, v5;
	v3 =	vld [tilespmem:s23+$0xFFFFFFE0];
	[tilespmem:s22+$0x0] =	vst v2  }
0x64e: {  	v6 =	vadd.f32 v8, v7;
	[tilespmem:s22+$0xFFFFFFA0] =	vst v4;
	v2 =	vld [tilespmem:s22+$0xFFFFFFF0]  }
0x64f: {  	[tilespmem:s22+$0xFFFFFFB0] =	vst v5;
	v5 =	vld [tilespmem:s23+$0xFFFFFFF0]  }
0x650: {  	s25 =	simm.s32 $0x0;
	s26 =	simm.s32 $0x64F0;
	v4 =	vld [tilespmem:s22+$0xFFFFFF90];
	[tilespmem:s22+$0xFFFFFFC0] =	vst v6;
	v6 =	vadd.f32 v10, v9  }
.LBB2_84:
0x651: {  	v7 =	vld [tilespmem:s26+$0x0];
	s23 =	sadd.s32 $0x400, s23  }
0x652: {  	s25 =	sadd.s32 $0x80, s25;
	v8 =	vld [tilespmem:s23+$0x0];
	[tilespmem:s22+$0xFFFFFFD0] =	vst v6;
	v1 =	vadd.f32 v3, v1  }
0x653: {  	p0 =	slt.u32 s25, $0x380;
	v3 =	vld [tilespmem:s23+$0xFFFFFF90]  }
0x654: {  	v6 =	vld [tilespmem:s26+$0xFFFFFFA0];
	[tilespmem:s22+$0xFFFFFFE0] =	vst v1;
	v1 =	vadd.f32 v5, v2  }
0x655: {  	v2 =	vld [tilespmem:s23+$0xFFFFFFA0];
	v9 =	vadd.f32 v0, v4  }
0x656: {  	v4 =	vld [tilespmem:s26+$0xFFFFFFB0];
	[tilespmem:s22+$0xFFFFFFF0] =	vst v1  }
0x657: {  	v1 =	vld [tilespmem:s23+$0xFFFFFFB0];
	v5 =	vadd.f32 v8, v7;
	[tilespmem:s22+$0xFFFFFF90] =	vst v9;
	s22 =	smov.u32 s26  }
0x658: {  	v7 =	vld [tilespmem:s26+$0xFFFFFFC0];
	v0 =	vmov v3  }
0x659: {  	s21 =	simm.s32 $0x6170;
	s24 =	simm.s32 $0x2170;
	v8 =	vld [tilespmem:s23+$0xFFFFFFC0];
	[tilespmem:s26+$0x0] =	vst v5  }
0x65a: {  	v2 =	vadd.f32 v2, v6;
	v6 =	vld [tilespmem:s26+$0xFFFFFFD0]  }
0x65b: {  	v9 =	vld [tilespmem:s23+$0xFFFFFFD0]  }
.Ltmp41:
0x65c: {  	[tilespmem:s26+$0xFFFFFFA0] =	vst v2;
	v2 =	vadd.f32 v1, v4;
	v1 =	vld [tilespmem:s26+$0xFFFFFFE0];
	(pc) =	sbr.rel @p0 .LBB2_84-.Ltmp41, $4  }
0x65d: {  	v3 =	vld [tilespmem:s23+$0xFFFFFFE0]  }
0x65e: {  	[tilespmem:s26+$0xFFFFFFB0] =	vst v2;
	v7 =	vadd.f32 v8, v7;
	v2 =	vld [tilespmem:s26+$0xFFFFFFF0]  }
0x65f: {  	v5 =	vld [tilespmem:s23+$0xFFFFFFF0]  }
0x660: {  	s26 =	sadd.s32 $0x400, s26;
	v4 =	vld [tilespmem:s22+$0xFFFFFF90];
	[tilespmem:s22+$0xFFFFFFC0] =	vst v7;
	v6 =	vadd.f32 v9, v6  }
0x661: {  	_ =	sdelay $0x1  }
0x662: {  	v1 =	vadd.f32 v3, v1  }
0x663: {  	[tilespmem:s22+$0xFFFFFFD0] =	vst v6;
	v2 =	vadd.f32 v5, v2  }
0x664: {  	[tilespmem:s22+$0xFFFFFFE0] =	vst v1;
	v0 =	vadd.f32 v0, v4  }
0x665: {  	[tilespmem:s22+$0xFFFFFFF0] =	vst v2  }
0x666: {  	[tilespmem:s22+$0xFFFFFF90] =	vst v0  }
0x667: {  	v1 =	vld [tilespmem:s21+$0x0]  }
0x668: {  	v2 =	vld [tilespmem:s24+$0x0]  }
0x669: {  	v0 =	vld [tilespmem:s24+$0xFFFFFF90]  }
0x66a: {  	v3 =	vld [tilespmem:s21+$0xFFFFFFA0]  }
0x66b: {  	v4 =	vld [tilespmem:s24+$0xFFFFFFA0]  }
0x66c: {  	v5 =	vld [tilespmem:s21+$0xFFFFFFB0]  }
0x66d: {  	v6 =	vld [tilespmem:s24+$0xFFFFFFB0]  }
0x66e: {  	v7 =	vld [tilespmem:s21+$0xFFFFFFC0]  }
0x66f: {  	v8 =	vld [tilespmem:s24+$0xFFFFFFC0]  }
0x670: {  	v9 =	vld [tilespmem:s21+$0xFFFFFFD0]  }
0x671: {  	v10 =	vld [tilespmem:s24+$0xFFFFFFD0];
	v2 =	vadd.f32 v2, v1  }
0x672: {  	v4 =	vadd.f32 v4, v3;
	v1 =	vld [tilespmem:s21+$0xFFFFFFE0]  }
0x673: {  	v5 =	vadd.f32 v6, v5;
	v3 =	vld [tilespmem:s24+$0xFFFFFFE0];
	[tilespmem:s21+$0x0] =	vst v2  }
0x674: {  	v6 =	vadd.f32 v8, v7;
	[tilespmem:s21+$0xFFFFFFA0] =	vst v4;
	v2 =	vld [tilespmem:s21+$0xFFFFFFF0]  }
0x675: {  	[tilespmem:s21+$0xFFFFFFB0] =	vst v5;
	v5 =	vld [tilespmem:s24+$0xFFFFFFF0]  }
0x676: {  	s25 =	simm.s32 $0x0;
	s26 =	simm.s32 $0x6570;
	v4 =	vld [tilespmem:s21+$0xFFFFFF90];
	[tilespmem:s21+$0xFFFFFFC0] =	vst v6;
	v6 =	vadd.f32 v10, v9  }
.LBB2_86:
0x677: {  	v7 =	vld [tilespmem:s26+$0x0];
	s24 =	sadd.s32 $0x400, s24  }
0x678: {  	s25 =	sadd.s32 $0x80, s25;
	v8 =	vld [tilespmem:s24+$0x0];
	[tilespmem:s21+$0xFFFFFFD0] =	vst v6;
	v1 =	vadd.f32 v3, v1  }
0x679: {  	p0 =	slt.u32 s25, $0x380;
	v3 =	vld [tilespmem:s24+$0xFFFFFF90]  }
0x67a: {  	v6 =	vld [tilespmem:s26+$0xFFFFFFA0];
	[tilespmem:s21+$0xFFFFFFE0] =	vst v1;
	v1 =	vadd.f32 v5, v2  }
0x67b: {  	v2 =	vld [tilespmem:s24+$0xFFFFFFA0];
	v9 =	vadd.f32 v0, v4  }
0x67c: {  	v4 =	vld [tilespmem:s26+$0xFFFFFFB0];
	[tilespmem:s21+$0xFFFFFFF0] =	vst v1  }
0x67d: {  	v1 =	vld [tilespmem:s24+$0xFFFFFFB0];
	v5 =	vadd.f32 v8, v7;
	[tilespmem:s21+$0xFFFFFF90] =	vst v9;
	s21 =	smov.u32 s26  }
0x67e: {  	v7 =	vld [tilespmem:s26+$0xFFFFFFC0];
	v0 =	vmov v3  }
0x67f: {  	s22 =	simm.s32 $0x61F0;
	s23 =	simm.s32 $0x21F0;
	v8 =	vld [tilespmem:s24+$0xFFFFFFC0];
	[tilespmem:s26+$0x0] =	vst v5  }
0x680: {  	v2 =	vadd.f32 v2, v6;
	v6 =	vld [tilespmem:s26+$0xFFFFFFD0]  }
0x681: {  	v9 =	vld [tilespmem:s24+$0xFFFFFFD0]  }
.Ltmp42:
0x682: {  	[tilespmem:s26+$0xFFFFFFA0] =	vst v2;
	v2 =	vadd.f32 v1, v4;
	v1 =	vld [tilespmem:s26+$0xFFFFFFE0];
	(pc) =	sbr.rel @p0 .LBB2_86-.Ltmp42, $4  }
0x683: {  	v3 =	vld [tilespmem:s24+$0xFFFFFFE0]  }
0x684: {  	[tilespmem:s26+$0xFFFFFFB0] =	vst v2;
	v7 =	vadd.f32 v8, v7;
	v2 =	vld [tilespmem:s26+$0xFFFFFFF0]  }
0x685: {  	v5 =	vld [tilespmem:s24+$0xFFFFFFF0]  }
0x686: {  	s26 =	sadd.s32 $0x400, s26;
	v4 =	vld [tilespmem:s21+$0xFFFFFF90];
	[tilespmem:s21+$0xFFFFFFC0] =	vst v7;
	v6 =	vadd.f32 v9, v6  }
0x687: {  	_ =	sdelay $0x1  }
0x688: {  	v1 =	vadd.f32 v3, v1  }
0x689: {  	[tilespmem:s21+$0xFFFFFFD0] =	vst v6;
	v2 =	vadd.f32 v5, v2  }
0x68a: {  	[tilespmem:s21+$0xFFFFFFE0] =	vst v1;
	v0 =	vadd.f32 v0, v4  }
0x68b: {  	[tilespmem:s21+$0xFFFFFFF0] =	vst v2  }
0x68c: {  	[tilespmem:s21+$0xFFFFFF90] =	vst v0  }
0x68d: {  	v1 =	vld [tilespmem:s22+$0x0]  }
0x68e: {  	v2 =	vld [tilespmem:s23+$0x0]  }
0x68f: {  	v0 =	vld [tilespmem:s23+$0xFFFFFF90]  }
0x690: {  	v3 =	vld [tilespmem:s22+$0xFFFFFFA0]  }
0x691: {  	v4 =	vld [tilespmem:s23+$0xFFFFFFA0]  }
0x692: {  	v5 =	vld [tilespmem:s22+$0xFFFFFFB0]  }
0x693: {  	v6 =	vld [tilespmem:s23+$0xFFFFFFB0]  }
0x694: {  	v7 =	vld [tilespmem:s22+$0xFFFFFFC0]  }
0x695: {  	v8 =	vld [tilespmem:s23+$0xFFFFFFC0]  }
0x696: {  	v9 =	vld [tilespmem:s22+$0xFFFFFFD0]  }
0x697: {  	v10 =	vld [tilespmem:s23+$0xFFFFFFD0];
	v2 =	vadd.f32 v2, v1  }
0x698: {  	v4 =	vadd.f32 v4, v3;
	v1 =	vld [tilespmem:s22+$0xFFFFFFE0]  }
0x699: {  	v5 =	vadd.f32 v6, v5;
	v3 =	vld [tilespmem:s23+$0xFFFFFFE0];
	[tilespmem:s22+$0x0] =	vst v2  }
0x69a: {  	v6 =	vadd.f32 v8, v7;
	[tilespmem:s22+$0xFFFFFFA0] =	vst v4;
	v2 =	vld [tilespmem:s22+$0xFFFFFFF0]  }
0x69b: {  	[tilespmem:s22+$0xFFFFFFB0] =	vst v5;
	v5 =	vld [tilespmem:s23+$0xFFFFFFF0]  }
0x69c: {  	s25 =	simm.s32 $0x0;
	s26 =	simm.s32 $0x65F0;
	v4 =	vld [tilespmem:s22+$0xFFFFFF90];
	[tilespmem:s22+$0xFFFFFFC0] =	vst v6;
	v6 =	vadd.f32 v10, v9  }
.LBB2_88:
0x69d: {  	v7 =	vld [tilespmem:s26+$0x0];
	s23 =	sadd.s32 $0x400, s23  }
0x69e: {  	s25 =	sadd.s32 $0x80, s25;
	v8 =	vld [tilespmem:s23+$0x0];
	[tilespmem:s22+$0xFFFFFFD0] =	vst v6;
	v1 =	vadd.f32 v3, v1  }
0x69f: {  	p0 =	slt.u32 s25, $0x380;
	v3 =	vld [tilespmem:s23+$0xFFFFFF90]  }
0x6a0: {  	v6 =	vld [tilespmem:s26+$0xFFFFFFA0];
	[tilespmem:s22+$0xFFFFFFE0] =	vst v1;
	v1 =	vadd.f32 v5, v2  }
0x6a1: {  	v2 =	vld [tilespmem:s23+$0xFFFFFFA0];
	v9 =	vadd.f32 v0, v4  }
0x6a2: {  	v4 =	vld [tilespmem:s26+$0xFFFFFFB0];
	[tilespmem:s22+$0xFFFFFFF0] =	vst v1  }
0x6a3: {  	v1 =	vld [tilespmem:s23+$0xFFFFFFB0];
	v5 =	vadd.f32 v8, v7;
	[tilespmem:s22+$0xFFFFFF90] =	vst v9;
	s22 =	smov.u32 s26  }
0x6a4: {  	v7 =	vld [tilespmem:s26+$0xFFFFFFC0];
	v0 =	vmov v3  }
0x6a5: {  	s21 =	simm.s32 $0x6270;
	s24 =	simm.s32 $0x2270;
	v8 =	vld [tilespmem:s23+$0xFFFFFFC0];
	[tilespmem:s26+$0x0] =	vst v5  }
0x6a6: {  	v2 =	vadd.f32 v2, v6;
	v6 =	vld [tilespmem:s26+$0xFFFFFFD0]  }
0x6a7: {  	v9 =	vld [tilespmem:s23+$0xFFFFFFD0]  }
.Ltmp43:
0x6a8: {  	[tilespmem:s26+$0xFFFFFFA0] =	vst v2;
	v2 =	vadd.f32 v1, v4;
	v1 =	vld [tilespmem:s26+$0xFFFFFFE0];
	(pc) =	sbr.rel @p0 .LBB2_88-.Ltmp43, $4  }
0x6a9: {  	v3 =	vld [tilespmem:s23+$0xFFFFFFE0]  }
0x6aa: {  	[tilespmem:s26+$0xFFFFFFB0] =	vst v2;
	v7 =	vadd.f32 v8, v7;
	v2 =	vld [tilespmem:s26+$0xFFFFFFF0]  }
0x6ab: {  	v5 =	vld [tilespmem:s23+$0xFFFFFFF0]  }
0x6ac: {  	s26 =	sadd.s32 $0x400, s26;
	v4 =	vld [tilespmem:s22+$0xFFFFFF90];
	[tilespmem:s22+$0xFFFFFFC0] =	vst v7;
	v6 =	vadd.f32 v9, v6  }
0x6ad: {  	_ =	sdelay $0x1  }
0x6ae: {  	v1 =	vadd.f32 v3, v1  }
0x6af: {  	[tilespmem:s22+$0xFFFFFFD0] =	vst v6;
	v2 =	vadd.f32 v5, v2  }
0x6b0: {  	[tilespmem:s22+$0xFFFFFFE0] =	vst v1;
	v0 =	vadd.f32 v0, v4  }
0x6b1: {  	[tilespmem:s22+$0xFFFFFFF0] =	vst v2  }
0x6b2: {  	[tilespmem:s22+$0xFFFFFF90] =	vst v0  }
0x6b3: {  	v1 =	vld [tilespmem:s21+$0x0]  }
0x6b4: {  	v2 =	vld [tilespmem:s24+$0x0]  }
0x6b5: {  	v0 =	vld [tilespmem:s24+$0xFFFFFF90]  }
0x6b6: {  	v3 =	vld [tilespmem:s21+$0xFFFFFFA0]  }
0x6b7: {  	v4 =	vld [tilespmem:s24+$0xFFFFFFA0]  }
0x6b8: {  	v5 =	vld [tilespmem:s21+$0xFFFFFFB0]  }
0x6b9: {  	v6 =	vld [tilespmem:s24+$0xFFFFFFB0]  }
0x6ba: {  	v7 =	vld [tilespmem:s21+$0xFFFFFFC0]  }
0x6bb: {  	v8 =	vld [tilespmem:s24+$0xFFFFFFC0]  }
0x6bc: {  	v9 =	vld [tilespmem:s21+$0xFFFFFFD0]  }
0x6bd: {  	v10 =	vld [tilespmem:s24+$0xFFFFFFD0];
	v2 =	vadd.f32 v2, v1  }
0x6be: {  	v4 =	vadd.f32 v4, v3;
	v1 =	vld [tilespmem:s21+$0xFFFFFFE0]  }
0x6bf: {  	v5 =	vadd.f32 v6, v5;
	v3 =	vld [tilespmem:s24+$0xFFFFFFE0];
	[tilespmem:s21+$0x0] =	vst v2  }
0x6c0: {  	v6 =	vadd.f32 v8, v7;
	[tilespmem:s21+$0xFFFFFFA0] =	vst v4;
	v2 =	vld [tilespmem:s21+$0xFFFFFFF0]  }
0x6c1: {  	[tilespmem:s21+$0xFFFFFFB0] =	vst v5;
	v5 =	vld [tilespmem:s24+$0xFFFFFFF0]  }
0x6c2: {  	s25 =	simm.s32 $0x0;
	s26 =	simm.s32 $0x6670;
	v4 =	vld [tilespmem:s21+$0xFFFFFF90];
	[tilespmem:s21+$0xFFFFFFC0] =	vst v6;
	v6 =	vadd.f32 v10, v9  }
.LBB2_90:
0x6c3: {  	v7 =	vld [tilespmem:s26+$0x0];
	s24 =	sadd.s32 $0x400, s24  }
0x6c4: {  	s25 =	sadd.s32 $0x80, s25;
	v8 =	vld [tilespmem:s24+$0x0];
	[tilespmem:s21+$0xFFFFFFD0] =	vst v6;
	v1 =	vadd.f32 v3, v1  }
0x6c5: {  	p0 =	slt.u32 s25, $0x380;
	v3 =	vld [tilespmem:s24+$0xFFFFFF90]  }
0x6c6: {  	v6 =	vld [tilespmem:s26+$0xFFFFFFA0];
	[tilespmem:s21+$0xFFFFFFE0] =	vst v1;
	v1 =	vadd.f32 v5, v2  }
0x6c7: {  	v2 =	vld [tilespmem:s24+$0xFFFFFFA0];
	v9 =	vadd.f32 v0, v4  }
0x6c8: {  	v4 =	vld [tilespmem:s26+$0xFFFFFFB0];
	[tilespmem:s21+$0xFFFFFFF0] =	vst v1  }
0x6c9: {  	v1 =	vld [tilespmem:s24+$0xFFFFFFB0];
	v5 =	vadd.f32 v8, v7;
	[tilespmem:s21+$0xFFFFFF90] =	vst v9;
	s21 =	smov.u32 s26  }
0x6ca: {  	v7 =	vld [tilespmem:s26+$0xFFFFFFC0];
	v0 =	vmov v3  }
0x6cb: {  	s22 =	simm.s32 $0x62F0;
	s23 =	simm.s32 $0x22F0;
	v8 =	vld [tilespmem:s24+$0xFFFFFFC0];
	[tilespmem:s26+$0x0] =	vst v5  }
0x6cc: {  	v2 =	vadd.f32 v2, v6;
	v6 =	vld [tilespmem:s26+$0xFFFFFFD0]  }
0x6cd: {  	v9 =	vld [tilespmem:s24+$0xFFFFFFD0]  }
.Ltmp44:
0x6ce: {  	[tilespmem:s26+$0xFFFFFFA0] =	vst v2;
	v2 =	vadd.f32 v1, v4;
	v1 =	vld [tilespmem:s26+$0xFFFFFFE0];
	(pc) =	sbr.rel @p0 .LBB2_90-.Ltmp44, $4  }
0x6cf: {  	v3 =	vld [tilespmem:s24+$0xFFFFFFE0]  }
0x6d0: {  	[tilespmem:s26+$0xFFFFFFB0] =	vst v2;
	v7 =	vadd.f32 v8, v7;
	v2 =	vld [tilespmem:s26+$0xFFFFFFF0]  }
0x6d1: {  	v5 =	vld [tilespmem:s24+$0xFFFFFFF0]  }
0x6d2: {  	s26 =	sadd.s32 $0x400, s26;
	v4 =	vld [tilespmem:s21+$0xFFFFFF90];
	[tilespmem:s21+$0xFFFFFFC0] =	vst v7;
	v6 =	vadd.f32 v9, v6  }
0x6d3: {  	_ =	sdelay $0x1  }
0x6d4: {  	v1 =	vadd.f32 v3, v1  }
0x6d5: {  	[tilespmem:s21+$0xFFFFFFD0] =	vst v6;
	v2 =	vadd.f32 v5, v2  }
0x6d6: {  	[tilespmem:s21+$0xFFFFFFE0] =	vst v1;
	v0 =	vadd.f32 v0, v4  }
0x6d7: {  	[tilespmem:s21+$0xFFFFFFF0] =	vst v2  }
0x6d8: {  	[tilespmem:s21+$0xFFFFFF90] =	vst v0  }
0x6d9: {  	v1 =	vld [tilespmem:s22+$0x0]  }
0x6da: {  	v2 =	vld [tilespmem:s23+$0x0]  }
0x6db: {  	v0 =	vld [tilespmem:s23+$0xFFFFFF90]  }
0x6dc: {  	v3 =	vld [tilespmem:s22+$0xFFFFFFA0]  }
0x6dd: {  	v4 =	vld [tilespmem:s23+$0xFFFFFFA0]  }
0x6de: {  	v5 =	vld [tilespmem:s22+$0xFFFFFFB0]  }
0x6df: {  	v6 =	vld [tilespmem:s23+$0xFFFFFFB0]  }
0x6e0: {  	v7 =	vld [tilespmem:s22+$0xFFFFFFC0]  }
0x6e1: {  	v8 =	vld [tilespmem:s23+$0xFFFFFFC0]  }
0x6e2: {  	v9 =	vld [tilespmem:s22+$0xFFFFFFD0]  }
0x6e3: {  	v10 =	vld [tilespmem:s23+$0xFFFFFFD0];
	v2 =	vadd.f32 v2, v1  }
0x6e4: {  	v4 =	vadd.f32 v4, v3;
	v1 =	vld [tilespmem:s22+$0xFFFFFFE0]  }
0x6e5: {  	v5 =	vadd.f32 v6, v5;
	v3 =	vld [tilespmem:s23+$0xFFFFFFE0];
	[tilespmem:s22+$0x0] =	vst v2  }
0x6e6: {  	v6 =	vadd.f32 v8, v7;
	[tilespmem:s22+$0xFFFFFFA0] =	vst v4;
	v2 =	vld [tilespmem:s22+$0xFFFFFFF0]  }
0x6e7: {  	[tilespmem:s22+$0xFFFFFFB0] =	vst v5;
	v5 =	vld [tilespmem:s23+$0xFFFFFFF0]  }
0x6e8: {  	s25 =	simm.s32 $0x0;
	s26 =	simm.s32 $0x66F0;
	v4 =	vld [tilespmem:s22+$0xFFFFFF90];
	[tilespmem:s22+$0xFFFFFFC0] =	vst v6;
	v6 =	vadd.f32 v10, v9  }
.LBB2_92:
0x6e9: {  	v7 =	vld [tilespmem:s26+$0x0];
	s23 =	sadd.s32 $0x400, s23  }
0x6ea: {  	s25 =	sadd.s32 $0x80, s25;
	v8 =	vld [tilespmem:s23+$0x0];
	[tilespmem:s22+$0xFFFFFFD0] =	vst v6;
	v1 =	vadd.f32 v3, v1  }
0x6eb: {  	p0 =	slt.u32 s25, $0x380;
	v3 =	vld [tilespmem:s23+$0xFFFFFF90]  }
0x6ec: {  	v6 =	vld [tilespmem:s26+$0xFFFFFFA0];
	[tilespmem:s22+$0xFFFFFFE0] =	vst v1;
	v1 =	vadd.f32 v5, v2  }
0x6ed: {  	v2 =	vld [tilespmem:s23+$0xFFFFFFA0];
	v9 =	vadd.f32 v0, v4  }
0x6ee: {  	v4 =	vld [tilespmem:s26+$0xFFFFFFB0];
	[tilespmem:s22+$0xFFFFFFF0] =	vst v1  }
0x6ef: {  	v1 =	vld [tilespmem:s23+$0xFFFFFFB0];
	v5 =	vadd.f32 v8, v7;
	[tilespmem:s22+$0xFFFFFF90] =	vst v9;
	s22 =	smov.u32 s26  }
0x6f0: {  	v7 =	vld [tilespmem:s26+$0xFFFFFFC0];
	v0 =	vmov v3  }
0x6f1: {  	s21 =	simm.s32 $0x6370;
	s24 =	simm.s32 $0x2370;
	v8 =	vld [tilespmem:s23+$0xFFFFFFC0];
	[tilespmem:s26+$0x0] =	vst v5  }
0x6f2: {  	v2 =	vadd.f32 v2, v6;
	v6 =	vld [tilespmem:s26+$0xFFFFFFD0]  }
0x6f3: {  	v9 =	vld [tilespmem:s23+$0xFFFFFFD0]  }
.Ltmp45:
0x6f4: {  	[tilespmem:s26+$0xFFFFFFA0] =	vst v2;
	v2 =	vadd.f32 v1, v4;
	v1 =	vld [tilespmem:s26+$0xFFFFFFE0];
	(pc) =	sbr.rel @p0 .LBB2_92-.Ltmp45, $4  }
0x6f5: {  	v3 =	vld [tilespmem:s23+$0xFFFFFFE0]  }
0x6f6: {  	[tilespmem:s26+$0xFFFFFFB0] =	vst v2;
	v7 =	vadd.f32 v8, v7;
	v2 =	vld [tilespmem:s26+$0xFFFFFFF0]  }
0x6f7: {  	v5 =	vld [tilespmem:s23+$0xFFFFFFF0]  }
0x6f8: {  	s26 =	sadd.s32 $0x400, s26;
	v4 =	vld [tilespmem:s22+$0xFFFFFF90];
	[tilespmem:s22+$0xFFFFFFC0] =	vst v7;
	v6 =	vadd.f32 v9, v6  }
0x6f9: {  	_ =	sdelay $0x1  }
0x6fa: {  	v1 =	vadd.f32 v3, v1  }
0x6fb: {  	[tilespmem:s22+$0xFFFFFFD0] =	vst v6;
	v2 =	vadd.f32 v5, v2  }
0x6fc: {  	[tilespmem:s22+$0xFFFFFFE0] =	vst v1;
	v0 =	vadd.f32 v0, v4  }
0x6fd: {  	[tilespmem:s22+$0xFFFFFFF0] =	vst v2  }
0x6fe: {  	[tilespmem:s22+$0xFFFFFF90] =	vst v0  }
0x6ff: {  	v1 =	vld [tilespmem:s21+$0x0]  }
0x700: {  	v2 =	vld [tilespmem:s24+$0x0]  }
0x701: {  	v0 =	vld [tilespmem:s24+$0xFFFFFF90]  }
0x702: {  	v3 =	vld [tilespmem:s21+$0xFFFFFFA0]  }
0x703: {  	v4 =	vld [tilespmem:s24+$0xFFFFFFA0]  }
0x704: {  	v5 =	vld [tilespmem:s21+$0xFFFFFFB0]  }
0x705: {  	v6 =	vld [tilespmem:s24+$0xFFFFFFB0]  }
0x706: {  	v7 =	vld [tilespmem:s21+$0xFFFFFFC0]  }
0x707: {  	v8 =	vld [tilespmem:s24+$0xFFFFFFC0]  }
0x708: {  	v9 =	vld [tilespmem:s21+$0xFFFFFFD0]  }
0x709: {  	v10 =	vld [tilespmem:s24+$0xFFFFFFD0];
	v2 =	vadd.f32 v2, v1  }
0x70a: {  	v4 =	vadd.f32 v4, v3;
	v1 =	vld [tilespmem:s21+$0xFFFFFFE0]  }
0x70b: {  	v5 =	vadd.f32 v6, v5;
	v3 =	vld [tilespmem:s24+$0xFFFFFFE0];
	[tilespmem:s21+$0x0] =	vst v2  }
0x70c: {  	v6 =	vadd.f32 v8, v7;
	[tilespmem:s21+$0xFFFFFFA0] =	vst v4;
	v2 =	vld [tilespmem:s21+$0xFFFFFFF0]  }
0x70d: {  	[tilespmem:s21+$0xFFFFFFB0] =	vst v5;
	v5 =	vld [tilespmem:s24+$0xFFFFFFF0]  }
0x70e: {  	s25 =	simm.s32 $0x0;
	s26 =	simm.s32 $0x6770;
	v4 =	vld [tilespmem:s21+$0xFFFFFF90];
	[tilespmem:s21+$0xFFFFFFC0] =	vst v6;
	v6 =	vadd.f32 v10, v9  }
.LBB2_94:
0x70f: {  	v7 =	vld [tilespmem:s26+$0x0];
	s24 =	sadd.s32 $0x400, s24  }
0x710: {  	s25 =	sadd.s32 $0x80, s25;
	v8 =	vld [tilespmem:s24+$0x0];
	[tilespmem:s21+$0xFFFFFFD0] =	vst v6;
	v1 =	vadd.f32 v3, v1  }
0x711: {  	p0 =	slt.u32 s25, $0x380;
	v3 =	vld [tilespmem:s24+$0xFFFFFF90]  }
0x712: {  	v6 =	vld [tilespmem:s26+$0xFFFFFFA0];
	[tilespmem:s21+$0xFFFFFFE0] =	vst v1;
	v1 =	vadd.f32 v5, v2  }
0x713: {  	v2 =	vld [tilespmem:s24+$0xFFFFFFA0];
	v9 =	vadd.f32 v0, v4  }
0x714: {  	v4 =	vld [tilespmem:s26+$0xFFFFFFB0];
	[tilespmem:s21+$0xFFFFFFF0] =	vst v1  }
0x715: {  	v1 =	vld [tilespmem:s24+$0xFFFFFFB0];
	v5 =	vadd.f32 v8, v7;
	[tilespmem:s21+$0xFFFFFF90] =	vst v9;
	s21 =	smov.u32 s26  }
0x716: {  	v7 =	vld [tilespmem:s26+$0xFFFFFFC0];
	v0 =	vmov v3  }
0x717: {  	s22 =	simm.s32 $0x63F0;
	s23 =	simm.s32 $0x23F0;
	v8 =	vld [tilespmem:s24+$0xFFFFFFC0];
	[tilespmem:s26+$0x0] =	vst v5  }
0x718: {  	v2 =	vadd.f32 v2, v6;
	v6 =	vld [tilespmem:s26+$0xFFFFFFD0]  }
0x719: {  	v9 =	vld [tilespmem:s24+$0xFFFFFFD0]  }
.Ltmp46:
0x71a: {  	[tilespmem:s26+$0xFFFFFFA0] =	vst v2;
	v2 =	vadd.f32 v1, v4;
	v1 =	vld [tilespmem:s26+$0xFFFFFFE0];
	(pc) =	sbr.rel @p0 .LBB2_94-.Ltmp46, $4  }
0x71b: {  	v3 =	vld [tilespmem:s24+$0xFFFFFFE0]  }
0x71c: {  	[tilespmem:s26+$0xFFFFFFB0] =	vst v2;
	v7 =	vadd.f32 v8, v7;
	v2 =	vld [tilespmem:s26+$0xFFFFFFF0]  }
0x71d: {  	v5 =	vld [tilespmem:s24+$0xFFFFFFF0]  }
0x71e: {  	s26 =	sadd.s32 $0x400, s26;
	v4 =	vld [tilespmem:s21+$0xFFFFFF90];
	[tilespmem:s21+$0xFFFFFFC0] =	vst v7;
	v6 =	vadd.f32 v9, v6  }
0x71f: {  	_ =	sdelay $0x1  }
0x720: {  	v1 =	vadd.f32 v3, v1  }
0x721: {  	[tilespmem:s21+$0xFFFFFFD0] =	vst v6;
	v2 =	vadd.f32 v5, v2  }
0x722: {  	[tilespmem:s21+$0xFFFFFFE0] =	vst v1;
	v0 =	vadd.f32 v0, v4  }
0x723: {  	[tilespmem:s21+$0xFFFFFFF0] =	vst v2  }
0x724: {  	[tilespmem:s21+$0xFFFFFF90] =	vst v0  }
0x725: {  	v1 =	vld [tilespmem:s22+$0x0]  }
0x726: {  	v2 =	vld [tilespmem:s23+$0x0]  }
0x727: {  	v0 =	vld [tilespmem:s23+$0xFFFFFF90]  }
0x728: {  	v3 =	vld [tilespmem:s22+$0xFFFFFFA0]  }
0x729: {  	v4 =	vld [tilespmem:s23+$0xFFFFFFA0]  }
0x72a: {  	v5 =	vld [tilespmem:s22+$0xFFFFFFB0]  }
0x72b: {  	v6 =	vld [tilespmem:s23+$0xFFFFFFB0]  }
0x72c: {  	v7 =	vld [tilespmem:s22+$0xFFFFFFC0]  }
0x72d: {  	v8 =	vld [tilespmem:s23+$0xFFFFFFC0]  }
0x72e: {  	v9 =	vld [tilespmem:s22+$0xFFFFFFD0]  }
0x72f: {  	v10 =	vld [tilespmem:s23+$0xFFFFFFD0];
	v2 =	vadd.f32 v2, v1  }
0x730: {  	v4 =	vadd.f32 v4, v3;
	v1 =	vld [tilespmem:s22+$0xFFFFFFE0]  }
0x731: {  	v5 =	vadd.f32 v6, v5;
	v3 =	vld [tilespmem:s23+$0xFFFFFFE0];
	[tilespmem:s22+$0x0] =	vst v2  }
0x732: {  	v6 =	vadd.f32 v8, v7;
	[tilespmem:s22+$0xFFFFFFA0] =	vst v4;
	v2 =	vld [tilespmem:s22+$0xFFFFFFF0]  }
0x733: {  	[tilespmem:s22+$0xFFFFFFB0] =	vst v5;
	v5 =	vld [tilespmem:s23+$0xFFFFFFF0]  }
0x734: {  	s24 =	simm.s32 $0x67F0;
	s21 =	simm.s32 $0x0;
	v4 =	vld [tilespmem:s22+$0xFFFFFF90];
	[tilespmem:s22+$0xFFFFFFC0] =	vst v6;
	v6 =	vadd.f32 v10, v9  }
.LBB2_96:
0x735: {  	v7 =	vld [tilespmem:s24+$0x0];
	s23 =	sadd.s32 $0x400, s23  }
0x736: {  	s21 =	sadd.s32 $0x80, s21;
	v8 =	vld [tilespmem:s23+$0x0];
	[tilespmem:s22+$0xFFFFFFD0] =	vst v6;
	v1 =	vadd.f32 v3, v1  }
0x737: {  	p0 =	slt.u32 s21, $0x380;
	v3 =	vld [tilespmem:s23+$0xFFFFFF90]  }
0x738: {  	v6 =	vld [tilespmem:s24+$0xFFFFFFA0];
	[tilespmem:s22+$0xFFFFFFE0] =	vst v1;
	v1 =	vadd.f32 v5, v2  }
0x739: {  	v2 =	vld [tilespmem:s23+$0xFFFFFFA0];
	v9 =	vadd.f32 v0, v4  }
0x73a: {  	v4 =	vld [tilespmem:s24+$0xFFFFFFB0];
	[tilespmem:s22+$0xFFFFFFF0] =	vst v1  }
0x73b: {  	v1 =	vld [tilespmem:s23+$0xFFFFFFB0];
	v5 =	vadd.f32 v8, v7;
	[tilespmem:s22+$0xFFFFFF90] =	vst v9;
	s22 =	smov.u32 s24  }
0x73c: {  	v7 =	vld [tilespmem:s24+$0xFFFFFFC0];
	v0 =	vmov v3  }
0x73d: {  	v8 =	vld [tilespmem:s23+$0xFFFFFFC0];
	[tilespmem:s24+$0x0] =	vst v5  }
0x73e: {  	v2 =	vadd.f32 v2, v6;
	v6 =	vld [tilespmem:s24+$0xFFFFFFD0]  }
0x73f: {  	v9 =	vld [tilespmem:s23+$0xFFFFFFD0]  }
.Ltmp47:
0x740: {  	[tilespmem:s24+$0xFFFFFFA0] =	vst v2;
	v2 =	vadd.f32 v1, v4;
	v1 =	vld [tilespmem:s24+$0xFFFFFFE0];
	(pc) =	sbr.rel @p0 .LBB2_96-.Ltmp47, $4  }
0x741: {  	v3 =	vld [tilespmem:s23+$0xFFFFFFE0]  }
0x742: {  	[tilespmem:s24+$0xFFFFFFB0] =	vst v2;
	v7 =	vadd.f32 v8, v7;
	v2 =	vld [tilespmem:s24+$0xFFFFFFF0]  }
0x743: {  	v5 =	vld [tilespmem:s23+$0xFFFFFFF0]  }
0x744: {  	s24 =	sadd.s32 $0x400, s24;
	v4 =	vld [tilespmem:s22+$0xFFFFFF90];
	[tilespmem:s22+$0xFFFFFFC0] =	vst v7;
	v6 =	vadd.f32 v9, v6  }
0x745: {  	_ =	sdelay $0x1  }
0x746: {  	v1 =	vadd.f32 v3, v1  }
0x747: {  	[tilespmem:s22+$0xFFFFFFD0] =	vst v6;
	v2 =	vadd.f32 v5, v2  }
0x748: {  	[tilespmem:s22+$0xFFFFFFE0] =	vst v1;
	v0 =	vadd.f32 v0, v4  }
0x749: {  	[tilespmem:s22+$0xFFFFFFF0] =	vst v2  }
0x74a: {  	[tilespmem:s22+$0xFFFFFF90] =	vst v0  }
0x74b: {  	[hbm4b:s10+s2] =	stream.linear.scatter [tilespmem:s13], [sflag:$0x3], $0x4000, $0x38;
	[tilespmem:$0xC000] =	vst v63  }
0x74c: {  	_ =	swait.ge [sflag:s18], $0x4000  }
0x74d: {  	[sflag:s18] =	ssyncset.done $0x0  }
0x74e: {  	s22 =	simm.s32 $0x8040;
	[sflag:s18] =	ssyncadd.s32 $0xFFFFC000  }
0x74f: {  	s24 =	simm.s32 $0x40;
	v1 =	vld [tilespmem:s22+$0x30]  }
0x750: {  	v2 =	vld [tilespmem:s24+$0x30]  }
0x751: {  	v0 =	vld [tilespmem:s24+$0xFFFFFFC0]  }
0x752: {  	v3 =	vld [tilespmem:s22+$0xFFFFFFD0]  }
0x753: {  	v4 =	vld [tilespmem:s24+$0xFFFFFFD0]  }
0x754: {  	v5 =	vld [tilespmem:s22+$0xFFFFFFE0]  }
0x755: {  	v6 =	vld [tilespmem:s24+$0xFFFFFFE0]  }
0x756: {  	v7 =	vld [tilespmem:s22+$0xFFFFFFF0]  }
0x757: {  	v8 =	vld [tilespmem:s24+$0xFFFFFFF0]  }
0x758: {  	v9 =	vld [tilespmem:s22+$0x0]  }
0x759: {  	v10 =	vld [tilespmem:s24+$0x0];
	v2 =	vadd.f32 v2, v1  }
0x75a: {  	v4 =	vadd.f32 v4, v3;
	v1 =	vld [tilespmem:s22+$0x10]  }
0x75b: {  	v5 =	vadd.f32 v6, v5;
	v3 =	vld [tilespmem:s24+$0x10];
	[tilespmem:s22+$0x30] =	vst v2  }
0x75c: {  	v6 =	vadd.f32 v8, v7;
	[tilespmem:s22+$0xFFFFFFD0] =	vst v4;
	v2 =	vld [tilespmem:s22+$0x20]  }
0x75d: {  	[tilespmem:s22+$0xFFFFFFE0] =	vst v5;
	v5 =	vld [tilespmem:s24+$0x20]  }
0x75e: {  	s25 =	simm.s32 $0x0;
	s26 =	simm.s32 $0x8440;
	v4 =	vld [tilespmem:s22+$0xFFFFFFC0];
	[tilespmem:s22+$0xFFFFFFF0] =	vst v6;
	v6 =	vadd.f32 v10, v9  }
.LBB2_98:
0x75f: {  	v7 =	vld [tilespmem:s26+$0x30];
	s24 =	sadd.s32 $0x400, s24  }
0x760: {  	s25 =	sadd.s32 $0x80, s25;
	v8 =	vld [tilespmem:s24+$0x30];
	[tilespmem:s22+$0x0] =	vst v6;
	v1 =	vadd.f32 v3, v1  }
0x761: {  	p0 =	slt.u32 s25, $0x380;
	v3 =	vld [tilespmem:s24+$0xFFFFFFC0]  }
0x762: {  	v6 =	vld [tilespmem:s26+$0xFFFFFFD0];
	[tilespmem:s22+$0x10] =	vst v1;
	v1 =	vadd.f32 v5, v2  }
0x763: {  	v2 =	vld [tilespmem:s24+$0xFFFFFFD0];
	v9 =	vadd.f32 v0, v4  }
0x764: {  	v4 =	vld [tilespmem:s26+$0xFFFFFFE0];
	[tilespmem:s22+$0x20] =	vst v1  }
0x765: {  	v1 =	vld [tilespmem:s24+$0xFFFFFFE0];
	v5 =	vadd.f32 v8, v7;
	[tilespmem:s22+$0xFFFFFFC0] =	vst v9;
	s22 =	smov.u32 s26  }
0x766: {  	v7 =	vld [tilespmem:s26+$0xFFFFFFF0];
	v0 =	vmov v3  }
0x767: {  	s23 =	simm.s32 $0xF0;
	s21 =	simm.s32 $0x80F0;
	v8 =	vld [tilespmem:s24+$0xFFFFFFF0];
	[tilespmem:s26+$0x30] =	vst v5  }
0x768: {  	v2 =	vadd.f32 v2, v6;
	v6 =	vld [tilespmem:s26+$0x0]  }
0x769: {  	v9 =	vld [tilespmem:s24+$0x0]  }
.Ltmp48:
0x76a: {  	[tilespmem:s26+$0xFFFFFFD0] =	vst v2;
	v2 =	vadd.f32 v1, v4;
	v1 =	vld [tilespmem:s26+$0x10];
	(pc) =	sbr.rel @p0 .LBB2_98-.Ltmp48, $4  }
0x76b: {  	v3 =	vld [tilespmem:s24+$0x10]  }
0x76c: {  	[tilespmem:s26+$0xFFFFFFE0] =	vst v2;
	v7 =	vadd.f32 v8, v7;
	v2 =	vld [tilespmem:s26+$0x20]  }
0x76d: {  	v5 =	vld [tilespmem:s24+$0x20]  }
0x76e: {  	s26 =	sadd.s32 $0x400, s26;
	v4 =	vld [tilespmem:s22+$0xFFFFFFC0];
	[tilespmem:s22+$0xFFFFFFF0] =	vst v7;
	v6 =	vadd.f32 v9, v6  }
0x76f: {  	_ =	sdelay $0x1  }
0x770: {  	v1 =	vadd.f32 v3, v1  }
0x771: {  	[tilespmem:s22+$0x0] =	vst v6;
	v2 =	vadd.f32 v5, v2  }
0x772: {  	[tilespmem:s22+$0x10] =	vst v1;
	v0 =	vadd.f32 v0, v4  }
0x773: {  	[tilespmem:s22+$0x20] =	vst v2  }
0x774: {  	[tilespmem:s22+$0xFFFFFFC0] =	vst v0  }
0x775: {  	v1 =	vld [tilespmem:s21+$0x0]  }
0x776: {  	v2 =	vld [tilespmem:s23+$0x0]  }
0x777: {  	v0 =	vld [tilespmem:s23+$0xFFFFFF90]  }
0x778: {  	v3 =	vld [tilespmem:s21+$0xFFFFFFA0]  }
0x779: {  	v4 =	vld [tilespmem:s23+$0xFFFFFFA0]  }
0x77a: {  	v5 =	vld [tilespmem:s21+$0xFFFFFFB0]  }
0x77b: {  	v6 =	vld [tilespmem:s23+$0xFFFFFFB0]  }
0x77c: {  	v7 =	vld [tilespmem:s21+$0xFFFFFFC0]  }
0x77d: {  	v8 =	vld [tilespmem:s23+$0xFFFFFFC0]  }
0x77e: {  	v9 =	vld [tilespmem:s21+$0xFFFFFFD0]  }
0x77f: {  	v10 =	vld [tilespmem:s23+$0xFFFFFFD0];
	v2 =	vadd.f32 v2, v1  }
0x780: {  	v4 =	vadd.f32 v4, v3;
	v1 =	vld [tilespmem:s21+$0xFFFFFFE0]  }
0x781: {  	v5 =	vadd.f32 v6, v5;
	v3 =	vld [tilespmem:s23+$0xFFFFFFE0];
	[tilespmem:s21+$0x0] =	vst v2  }
0x782: {  	v6 =	vadd.f32 v8, v7;
	[tilespmem:s21+$0xFFFFFFA0] =	vst v4;
	v2 =	vld [tilespmem:s21+$0xFFFFFFF0]  }
0x783: {  	[tilespmem:s21+$0xFFFFFFB0] =	vst v5;
	v5 =	vld [tilespmem:s23+$0xFFFFFFF0]  }
0x784: {  	s25 =	simm.s32 $0x0;
	s26 =	simm.s32 $0x84F0;
	v4 =	vld [tilespmem:s21+$0xFFFFFF90];
	[tilespmem:s21+$0xFFFFFFC0] =	vst v6;
	v6 =	vadd.f32 v10, v9  }
.LBB2_100:
0x785: {  	v7 =	vld [tilespmem:s26+$0x0];
	s23 =	sadd.s32 $0x400, s23  }
0x786: {  	s25 =	sadd.s32 $0x80, s25;
	v8 =	vld [tilespmem:s23+$0x0];
	[tilespmem:s21+$0xFFFFFFD0] =	vst v6;
	v1 =	vadd.f32 v3, v1  }
0x787: {  	p0 =	slt.u32 s25, $0x380;
	v3 =	vld [tilespmem:s23+$0xFFFFFF90]  }
0x788: {  	v6 =	vld [tilespmem:s26+$0xFFFFFFA0];
	[tilespmem:s21+$0xFFFFFFE0] =	vst v1;
	v1 =	vadd.f32 v5, v2  }
0x789: {  	v2 =	vld [tilespmem:s23+$0xFFFFFFA0];
	v9 =	vadd.f32 v0, v4  }
0x78a: {  	v4 =	vld [tilespmem:s26+$0xFFFFFFB0];
	[tilespmem:s21+$0xFFFFFFF0] =	vst v1  }
0x78b: {  	v1 =	vld [tilespmem:s23+$0xFFFFFFB0];
	v5 =	vadd.f32 v8, v7;
	[tilespmem:s21+$0xFFFFFF90] =	vst v9;
	s21 =	smov.u32 s26  }
0x78c: {  	v7 =	vld [tilespmem:s26+$0xFFFFFFC0];
	v0 =	vmov v3  }
0x78d: {  	s24 =	simm.s32 $0x170;
	s22 =	simm.s32 $0x8170;
	v8 =	vld [tilespmem:s23+$0xFFFFFFC0];
	[tilespmem:s26+$0x0] =	vst v5  }
0x78e: {  	v2 =	vadd.f32 v2, v6;
	v6 =	vld [tilespmem:s26+$0xFFFFFFD0]  }
0x78f: {  	v9 =	vld [tilespmem:s23+$0xFFFFFFD0]  }
.Ltmp49:
0x790: {  	[tilespmem:s26+$0xFFFFFFA0] =	vst v2;
	v2 =	vadd.f32 v1, v4;
	v1 =	vld [tilespmem:s26+$0xFFFFFFE0];
	(pc) =	sbr.rel @p0 .LBB2_100-.Ltmp49, $4  }
0x791: {  	v3 =	vld [tilespmem:s23+$0xFFFFFFE0]  }
0x792: {  	[tilespmem:s26+$0xFFFFFFB0] =	vst v2;
	v7 =	vadd.f32 v8, v7;
	v2 =	vld [tilespmem:s26+$0xFFFFFFF0]  }
0x793: {  	v5 =	vld [tilespmem:s23+$0xFFFFFFF0]  }
0x794: {  	s26 =	sadd.s32 $0x400, s26;
	v4 =	vld [tilespmem:s21+$0xFFFFFF90];
	[tilespmem:s21+$0xFFFFFFC0] =	vst v7;
	v6 =	vadd.f32 v9, v6  }
0x795: {  	_ =	sdelay $0x1  }
0x796: {  	v1 =	vadd.f32 v3, v1  }
0x797: {  	[tilespmem:s21+$0xFFFFFFD0] =	vst v6;
	v2 =	vadd.f32 v5, v2  }
0x798: {  	[tilespmem:s21+$0xFFFFFFE0] =	vst v1;
	v0 =	vadd.f32 v0, v4  }
0x799: {  	[tilespmem:s21+$0xFFFFFFF0] =	vst v2  }
0x79a: {  	[tilespmem:s21+$0xFFFFFF90] =	vst v0  }
0x79b: {  	v1 =	vld [tilespmem:s22+$0x0]  }
0x79c: {  	v2 =	vld [tilespmem:s24+$0x0]  }
0x79d: {  	v0 =	vld [tilespmem:s24+$0xFFFFFF90]  }
0x79e: {  	v3 =	vld [tilespmem:s22+$0xFFFFFFA0]  }
0x79f: {  	v4 =	vld [tilespmem:s24+$0xFFFFFFA0]  }
0x7a0: {  	v5 =	vld [tilespmem:s22+$0xFFFFFFB0]  }
0x7a1: {  	v6 =	vld [tilespmem:s24+$0xFFFFFFB0]  }
0x7a2: {  	v7 =	vld [tilespmem:s22+$0xFFFFFFC0]  }
0x7a3: {  	v8 =	vld [tilespmem:s24+$0xFFFFFFC0]  }
0x7a4: {  	v9 =	vld [tilespmem:s22+$0xFFFFFFD0]  }
0x7a5: {  	v10 =	vld [tilespmem:s24+$0xFFFFFFD0];
	v2 =	vadd.f32 v2, v1  }
0x7a6: {  	v4 =	vadd.f32 v4, v3;
	v1 =	vld [tilespmem:s22+$0xFFFFFFE0]  }
0x7a7: {  	v5 =	vadd.f32 v6, v5;
	v3 =	vld [tilespmem:s24+$0xFFFFFFE0];
	[tilespmem:s22+$0x0] =	vst v2  }
0x7a8: {  	v6 =	vadd.f32 v8, v7;
	[tilespmem:s22+$0xFFFFFFA0] =	vst v4;
	v2 =	vld [tilespmem:s22+$0xFFFFFFF0]  }
0x7a9: {  	[tilespmem:s22+$0xFFFFFFB0] =	vst v5;
	v5 =	vld [tilespmem:s24+$0xFFFFFFF0]  }
0x7aa: {  	s25 =	simm.s32 $0x0;
	s26 =	simm.s32 $0x8570;
	v4 =	vld [tilespmem:s22+$0xFFFFFF90];
	[tilespmem:s22+$0xFFFFFFC0] =	vst v6;
	v6 =	vadd.f32 v10, v9  }
.LBB2_102:
0x7ab: {  	v7 =	vld [tilespmem:s26+$0x0];
	s24 =	sadd.s32 $0x400, s24  }
0x7ac: {  	s25 =	sadd.s32 $0x80, s25;
	v8 =	vld [tilespmem:s24+$0x0];
	[tilespmem:s22+$0xFFFFFFD0] =	vst v6;
	v1 =	vadd.f32 v3, v1  }
0x7ad: {  	p0 =	slt.u32 s25, $0x380;
	v3 =	vld [tilespmem:s24+$0xFFFFFF90]  }
0x7ae: {  	v6 =	vld [tilespmem:s26+$0xFFFFFFA0];
	[tilespmem:s22+$0xFFFFFFE0] =	vst v1;
	v1 =	vadd.f32 v5, v2  }
0x7af: {  	v2 =	vld [tilespmem:s24+$0xFFFFFFA0];
	v9 =	vadd.f32 v0, v4  }
0x7b0: {  	v4 =	vld [tilespmem:s26+$0xFFFFFFB0];
	[tilespmem:s22+$0xFFFFFFF0] =	vst v1  }
0x7b1: {  	v1 =	vld [tilespmem:s24+$0xFFFFFFB0];
	v5 =	vadd.f32 v8, v7;
	[tilespmem:s22+$0xFFFFFF90] =	vst v9;
	s22 =	smov.u32 s26  }
0x7b2: {  	v7 =	vld [tilespmem:s26+$0xFFFFFFC0];
	v0 =	vmov v3  }
0x7b3: {  	s23 =	simm.s32 $0x1F0;
	s21 =	simm.s32 $0x81F0;
	v8 =	vld [tilespmem:s24+$0xFFFFFFC0];
	[tilespmem:s26+$0x0] =	vst v5  }
0x7b4: {  	v2 =	vadd.f32 v2, v6;
	v6 =	vld [tilespmem:s26+$0xFFFFFFD0]  }
0x7b5: {  	v9 =	vld [tilespmem:s24+$0xFFFFFFD0]  }
.Ltmp50:
0x7b6: {  	[tilespmem:s26+$0xFFFFFFA0] =	vst v2;
	v2 =	vadd.f32 v1, v4;
	v1 =	vld [tilespmem:s26+$0xFFFFFFE0];
	(pc) =	sbr.rel @p0 .LBB2_102-.Ltmp50, $4  }
0x7b7: {  	v3 =	vld [tilespmem:s24+$0xFFFFFFE0]  }
0x7b8: {  	[tilespmem:s26+$0xFFFFFFB0] =	vst v2;
	v7 =	vadd.f32 v8, v7;
	v2 =	vld [tilespmem:s26+$0xFFFFFFF0]  }
0x7b9: {  	v5 =	vld [tilespmem:s24+$0xFFFFFFF0]  }
0x7ba: {  	s26 =	sadd.s32 $0x400, s26;
	v4 =	vld [tilespmem:s22+$0xFFFFFF90];
	[tilespmem:s22+$0xFFFFFFC0] =	vst v7;
	v6 =	vadd.f32 v9, v6  }
0x7bb: {  	_ =	sdelay $0x1  }
0x7bc: {  	v1 =	vadd.f32 v3, v1  }
0x7bd: {  	[tilespmem:s22+$0xFFFFFFD0] =	vst v6;
	v2 =	vadd.f32 v5, v2  }
0x7be: {  	[tilespmem:s22+$0xFFFFFFE0] =	vst v1;
	v0 =	vadd.f32 v0, v4  }
0x7bf: {  	[tilespmem:s22+$0xFFFFFFF0] =	vst v2  }
0x7c0: {  	[tilespmem:s22+$0xFFFFFF90] =	vst v0  }
0x7c1: {  	v1 =	vld [tilespmem:s21+$0x0]  }
0x7c2: {  	v2 =	vld [tilespmem:s23+$0x0]  }
0x7c3: {  	v0 =	vld [tilespmem:s23+$0xFFFFFF90]  }
0x7c4: {  	v3 =	vld [tilespmem:s21+$0xFFFFFFA0]  }
0x7c5: {  	v4 =	vld [tilespmem:s23+$0xFFFFFFA0]  }
0x7c6: {  	v5 =	vld [tilespmem:s21+$0xFFFFFFB0]  }
0x7c7: {  	v6 =	vld [tilespmem:s23+$0xFFFFFFB0]  }
0x7c8: {  	v7 =	vld [tilespmem:s21+$0xFFFFFFC0]  }
0x7c9: {  	v8 =	vld [tilespmem:s23+$0xFFFFFFC0]  }
0x7ca: {  	v9 =	vld [tilespmem:s21+$0xFFFFFFD0]  }
0x7cb: {  	v10 =	vld [tilespmem:s23+$0xFFFFFFD0];
	v2 =	vadd.f32 v2, v1  }
0x7cc: {  	v4 =	vadd.f32 v4, v3;
	v1 =	vld [tilespmem:s21+$0xFFFFFFE0]  }
0x7cd: {  	v5 =	vadd.f32 v6, v5;
	v3 =	vld [tilespmem:s23+$0xFFFFFFE0];
	[tilespmem:s21+$0x0] =	vst v2  }
0x7ce: {  	v6 =	vadd.f32 v8, v7;
	[tilespmem:s21+$0xFFFFFFA0] =	vst v4;
	v2 =	vld [tilespmem:s21+$0xFFFFFFF0]  }
0x7cf: {  	[tilespmem:s21+$0xFFFFFFB0] =	vst v5;
	v5 =	vld [tilespmem:s23+$0xFFFFFFF0]  }
0x7d0: {  	s25 =	simm.s32 $0x0;
	s26 =	simm.s32 $0x85F0;
	v4 =	vld [tilespmem:s21+$0xFFFFFF90];
	[tilespmem:s21+$0xFFFFFFC0] =	vst v6;
	v6 =	vadd.f32 v10, v9  }
.LBB2_104:
0x7d1: {  	v7 =	vld [tilespmem:s26+$0x0];
	s23 =	sadd.s32 $0x400, s23  }
0x7d2: {  	s25 =	sadd.s32 $0x80, s25;
	v8 =	vld [tilespmem:s23+$0x0];
	[tilespmem:s21+$0xFFFFFFD0] =	vst v6;
	v1 =	vadd.f32 v3, v1  }
0x7d3: {  	p0 =	slt.u32 s25, $0x380;
	v3 =	vld [tilespmem:s23+$0xFFFFFF90]  }
0x7d4: {  	v6 =	vld [tilespmem:s26+$0xFFFFFFA0];
	[tilespmem:s21+$0xFFFFFFE0] =	vst v1;
	v1 =	vadd.f32 v5, v2  }
0x7d5: {  	v2 =	vld [tilespmem:s23+$0xFFFFFFA0];
	v9 =	vadd.f32 v0, v4  }
0x7d6: {  	v4 =	vld [tilespmem:s26+$0xFFFFFFB0];
	[tilespmem:s21+$0xFFFFFFF0] =	vst v1  }
0x7d7: {  	v1 =	vld [tilespmem:s23+$0xFFFFFFB0];
	v5 =	vadd.f32 v8, v7;
	[tilespmem:s21+$0xFFFFFF90] =	vst v9;
	s21 =	smov.u32 s26  }
0x7d8: {  	v7 =	vld [tilespmem:s26+$0xFFFFFFC0];
	v0 =	vmov v3  }
0x7d9: {  	s24 =	simm.s32 $0x270;
	s22 =	simm.s32 $0x8270;
	v8 =	vld [tilespmem:s23+$0xFFFFFFC0];
	[tilespmem:s26+$0x0] =	vst v5  }
0x7da: {  	v2 =	vadd.f32 v2, v6;
	v6 =	vld [tilespmem:s26+$0xFFFFFFD0]  }
0x7db: {  	v9 =	vld [tilespmem:s23+$0xFFFFFFD0]  }
.Ltmp51:
0x7dc: {  	[tilespmem:s26+$0xFFFFFFA0] =	vst v2;
	v2 =	vadd.f32 v1, v4;
	v1 =	vld [tilespmem:s26+$0xFFFFFFE0];
	(pc) =	sbr.rel @p0 .LBB2_104-.Ltmp51, $4  }
0x7dd: {  	v3 =	vld [tilespmem:s23+$0xFFFFFFE0]  }
0x7de: {  	[tilespmem:s26+$0xFFFFFFB0] =	vst v2;
	v7 =	vadd.f32 v8, v7;
	v2 =	vld [tilespmem:s26+$0xFFFFFFF0]  }
0x7df: {  	v5 =	vld [tilespmem:s23+$0xFFFFFFF0]  }
0x7e0: {  	s26 =	sadd.s32 $0x400, s26;
	v4 =	vld [tilespmem:s21+$0xFFFFFF90];
	[tilespmem:s21+$0xFFFFFFC0] =	vst v7;
	v6 =	vadd.f32 v9, v6  }
0x7e1: {  	_ =	sdelay $0x1  }
0x7e2: {  	v1 =	vadd.f32 v3, v1  }
0x7e3: {  	[tilespmem:s21+$0xFFFFFFD0] =	vst v6;
	v2 =	vadd.f32 v5, v2  }
0x7e4: {  	[tilespmem:s21+$0xFFFFFFE0] =	vst v1;
	v0 =	vadd.f32 v0, v4  }
0x7e5: {  	[tilespmem:s21+$0xFFFFFFF0] =	vst v2  }
0x7e6: {  	[tilespmem:s21+$0xFFFFFF90] =	vst v0  }
0x7e7: {  	v1 =	vld [tilespmem:s22+$0x0]  }
0x7e8: {  	v2 =	vld [tilespmem:s24+$0x0]  }
0x7e9: {  	v0 =	vld [tilespmem:s24+$0xFFFFFF90]  }
0x7ea: {  	v3 =	vld [tilespmem:s22+$0xFFFFFFA0]  }
0x7eb: {  	v4 =	vld [tilespmem:s24+$0xFFFFFFA0]  }
0x7ec: {  	v5 =	vld [tilespmem:s22+$0xFFFFFFB0]  }
0x7ed: {  	v6 =	vld [tilespmem:s24+$0xFFFFFFB0]  }
0x7ee: {  	v7 =	vld [tilespmem:s22+$0xFFFFFFC0]  }
0x7ef: {  	v8 =	vld [tilespmem:s24+$0xFFFFFFC0]  }
0x7f0: {  	v9 =	vld [tilespmem:s22+$0xFFFFFFD0]  }
0x7f1: {  	v10 =	vld [tilespmem:s24+$0xFFFFFFD0];
	v2 =	vadd.f32 v2, v1  }
0x7f2: {  	v4 =	vadd.f32 v4, v3;
	v1 =	vld [tilespmem:s22+$0xFFFFFFE0]  }
0x7f3: {  	v5 =	vadd.f32 v6, v5;
	v3 =	vld [tilespmem:s24+$0xFFFFFFE0];
	[tilespmem:s22+$0x0] =	vst v2  }
0x7f4: {  	v6 =	vadd.f32 v8, v7;
	[tilespmem:s22+$0xFFFFFFA0] =	vst v4;
	v2 =	vld [tilespmem:s22+$0xFFFFFFF0]  }
0x7f5: {  	[tilespmem:s22+$0xFFFFFFB0] =	vst v5;
	v5 =	vld [tilespmem:s24+$0xFFFFFFF0]  }
0x7f6: {  	s25 =	simm.s32 $0x0;
	s26 =	simm.s32 $0x8670;
	v4 =	vld [tilespmem:s22+$0xFFFFFF90];
	[tilespmem:s22+$0xFFFFFFC0] =	vst v6;
	v6 =	vadd.f32 v10, v9  }
.LBB2_106:
0x7f7: {  	v7 =	vld [tilespmem:s26+$0x0];
	s24 =	sadd.s32 $0x400, s24  }
0x7f8: {  	s25 =	sadd.s32 $0x80, s25;
	v8 =	vld [tilespmem:s24+$0x0];
	[tilespmem:s22+$0xFFFFFFD0] =	vst v6;
	v1 =	vadd.f32 v3, v1  }
0x7f9: {  	p0 =	slt.u32 s25, $0x380;
	v3 =	vld [tilespmem:s24+$0xFFFFFF90]  }
0x7fa: {  	v6 =	vld [tilespmem:s26+$0xFFFFFFA0];
	[tilespmem:s22+$0xFFFFFFE0] =	vst v1;
	v1 =	vadd.f32 v5, v2  }
0x7fb: {  	v2 =	vld [tilespmem:s24+$0xFFFFFFA0];
	v9 =	vadd.f32 v0, v4  }
0x7fc: {  	v4 =	vld [tilespmem:s26+$0xFFFFFFB0];
	[tilespmem:s22+$0xFFFFFFF0] =	vst v1  }
0x7fd: {  	v1 =	vld [tilespmem:s24+$0xFFFFFFB0];
	v5 =	vadd.f32 v8, v7;
	[tilespmem:s22+$0xFFFFFF90] =	vst v9;
	s22 =	smov.u32 s26  }
0x7fe: {  	v7 =	vld [tilespmem:s26+$0xFFFFFFC0];
	v0 =	vmov v3  }
0x7ff: {  	s23 =	simm.s32 $0x2F0;
	s21 =	simm.s32 $0x82F0;
	v8 =	vld [tilespmem:s24+$0xFFFFFFC0];
	[tilespmem:s26+$0x0] =	vst v5  }
0x800: {  	v2 =	vadd.f32 v2, v6;
	v6 =	vld [tilespmem:s26+$0xFFFFFFD0]  }
0x801: {  	v9 =	vld [tilespmem:s24+$0xFFFFFFD0]  }
.Ltmp52:
0x802: {  	[tilespmem:s26+$0xFFFFFFA0] =	vst v2;
	v2 =	vadd.f32 v1, v4;
	v1 =	vld [tilespmem:s26+$0xFFFFFFE0];
	(pc) =	sbr.rel @p0 .LBB2_106-.Ltmp52, $4  }
0x803: {  	v3 =	vld [tilespmem:s24+$0xFFFFFFE0]  }
0x804: {  	[tilespmem:s26+$0xFFFFFFB0] =	vst v2;
	v7 =	vadd.f32 v8, v7;
	v2 =	vld [tilespmem:s26+$0xFFFFFFF0]  }
0x805: {  	v5 =	vld [tilespmem:s24+$0xFFFFFFF0]  }
0x806: {  	s26 =	sadd.s32 $0x400, s26;
	v4 =	vld [tilespmem:s22+$0xFFFFFF90];
	[tilespmem:s22+$0xFFFFFFC0] =	vst v7;
	v6 =	vadd.f32 v9, v6  }
0x807: {  	_ =	sdelay $0x1  }
0x808: {  	v1 =	vadd.f32 v3, v1  }
0x809: {  	[tilespmem:s22+$0xFFFFFFD0] =	vst v6;
	v2 =	vadd.f32 v5, v2  }
0x80a: {  	[tilespmem:s22+$0xFFFFFFE0] =	vst v1;
	v0 =	vadd.f32 v0, v4  }
0x80b: {  	[tilespmem:s22+$0xFFFFFFF0] =	vst v2  }
0x80c: {  	[tilespmem:s22+$0xFFFFFF90] =	vst v0  }
0x80d: {  	v1 =	vld [tilespmem:s21+$0x0]  }
0x80e: {  	v2 =	vld [tilespmem:s23+$0x0]  }
0x80f: {  	v0 =	vld [tilespmem:s23+$0xFFFFFF90]  }
0x810: {  	v3 =	vld [tilespmem:s21+$0xFFFFFFA0]  }
0x811: {  	v4 =	vld [tilespmem:s23+$0xFFFFFFA0]  }
0x812: {  	v5 =	vld [tilespmem:s21+$0xFFFFFFB0]  }
0x813: {  	v6 =	vld [tilespmem:s23+$0xFFFFFFB0]  }
0x814: {  	v7 =	vld [tilespmem:s21+$0xFFFFFFC0]  }
0x815: {  	v8 =	vld [tilespmem:s23+$0xFFFFFFC0]  }
0x816: {  	v9 =	vld [tilespmem:s21+$0xFFFFFFD0]  }
0x817: {  	v10 =	vld [tilespmem:s23+$0xFFFFFFD0];
	v2 =	vadd.f32 v2, v1  }
0x818: {  	v4 =	vadd.f32 v4, v3;
	v1 =	vld [tilespmem:s21+$0xFFFFFFE0]  }
0x819: {  	v5 =	vadd.f32 v6, v5;
	v3 =	vld [tilespmem:s23+$0xFFFFFFE0];
	[tilespmem:s21+$0x0] =	vst v2  }
0x81a: {  	v6 =	vadd.f32 v8, v7;
	[tilespmem:s21+$0xFFFFFFA0] =	vst v4;
	v2 =	vld [tilespmem:s21+$0xFFFFFFF0]  }
0x81b: {  	[tilespmem:s21+$0xFFFFFFB0] =	vst v5;
	v5 =	vld [tilespmem:s23+$0xFFFFFFF0]  }
0x81c: {  	s25 =	simm.s32 $0x0;
	s26 =	simm.s32 $0x86F0;
	v4 =	vld [tilespmem:s21+$0xFFFFFF90];
	[tilespmem:s21+$0xFFFFFFC0] =	vst v6;
	v6 =	vadd.f32 v10, v9  }
.LBB2_108:
0x81d: {  	v7 =	vld [tilespmem:s26+$0x0];
	s23 =	sadd.s32 $0x400, s23  }
0x81e: {  	s25 =	sadd.s32 $0x80, s25;
	v8 =	vld [tilespmem:s23+$0x0];
	[tilespmem:s21+$0xFFFFFFD0] =	vst v6;
	v1 =	vadd.f32 v3, v1  }
0x81f: {  	p0 =	slt.u32 s25, $0x380;
	v3 =	vld [tilespmem:s23+$0xFFFFFF90]  }
0x820: {  	v6 =	vld [tilespmem:s26+$0xFFFFFFA0];
	[tilespmem:s21+$0xFFFFFFE0] =	vst v1;
	v1 =	vadd.f32 v5, v2  }
0x821: {  	v2 =	vld [tilespmem:s23+$0xFFFFFFA0];
	v9 =	vadd.f32 v0, v4  }
0x822: {  	v4 =	vld [tilespmem:s26+$0xFFFFFFB0];
	[tilespmem:s21+$0xFFFFFFF0] =	vst v1  }
0x823: {  	v1 =	vld [tilespmem:s23+$0xFFFFFFB0];
	v5 =	vadd.f32 v8, v7;
	[tilespmem:s21+$0xFFFFFF90] =	vst v9;
	s21 =	smov.u32 s26  }
0x824: {  	v7 =	vld [tilespmem:s26+$0xFFFFFFC0];
	v0 =	vmov v3  }
0x825: {  	s24 =	simm.s32 $0x370;
	s22 =	simm.s32 $0x8370;
	v8 =	vld [tilespmem:s23+$0xFFFFFFC0];
	[tilespmem:s26+$0x0] =	vst v5  }
0x826: {  	v2 =	vadd.f32 v2, v6;
	v6 =	vld [tilespmem:s26+$0xFFFFFFD0]  }
0x827: {  	v9 =	vld [tilespmem:s23+$0xFFFFFFD0]  }
.Ltmp53:
0x828: {  	[tilespmem:s26+$0xFFFFFFA0] =	vst v2;
	v2 =	vadd.f32 v1, v4;
	v1 =	vld [tilespmem:s26+$0xFFFFFFE0];
	(pc) =	sbr.rel @p0 .LBB2_108-.Ltmp53, $4  }
0x829: {  	v3 =	vld [tilespmem:s23+$0xFFFFFFE0]  }
0x82a: {  	[tilespmem:s26+$0xFFFFFFB0] =	vst v2;
	v7 =	vadd.f32 v8, v7;
	v2 =	vld [tilespmem:s26+$0xFFFFFFF0]  }
0x82b: {  	v5 =	vld [tilespmem:s23+$0xFFFFFFF0]  }
0x82c: {  	s26 =	sadd.s32 $0x400, s26;
	v4 =	vld [tilespmem:s21+$0xFFFFFF90];
	[tilespmem:s21+$0xFFFFFFC0] =	vst v7;
	v6 =	vadd.f32 v9, v6  }
0x82d: {  	_ =	sdelay $0x1  }
0x82e: {  	v1 =	vadd.f32 v3, v1  }
0x82f: {  	[tilespmem:s21+$0xFFFFFFD0] =	vst v6;
	v2 =	vadd.f32 v5, v2  }
0x830: {  	[tilespmem:s21+$0xFFFFFFE0] =	vst v1;
	v0 =	vadd.f32 v0, v4  }
0x831: {  	[tilespmem:s21+$0xFFFFFFF0] =	vst v2  }
0x832: {  	[tilespmem:s21+$0xFFFFFF90] =	vst v0  }
0x833: {  	v1 =	vld [tilespmem:s22+$0x0]  }
0x834: {  	v2 =	vld [tilespmem:s24+$0x0]  }
0x835: {  	v0 =	vld [tilespmem:s24+$0xFFFFFF90]  }
0x836: {  	v3 =	vld [tilespmem:s22+$0xFFFFFFA0]  }
0x837: {  	v4 =	vld [tilespmem:s24+$0xFFFFFFA0]  }
0x838: {  	v5 =	vld [tilespmem:s22+$0xFFFFFFB0]  }
0x839: {  	v6 =	vld [tilespmem:s24+$0xFFFFFFB0]  }
0x83a: {  	v7 =	vld [tilespmem:s22+$0xFFFFFFC0]  }
0x83b: {  	v8 =	vld [tilespmem:s24+$0xFFFFFFC0]  }
0x83c: {  	v9 =	vld [tilespmem:s22+$0xFFFFFFD0]  }
0x83d: {  	v10 =	vld [tilespmem:s24+$0xFFFFFFD0];
	v2 =	vadd.f32 v2, v1  }
0x83e: {  	v4 =	vadd.f32 v4, v3;
	v1 =	vld [tilespmem:s22+$0xFFFFFFE0]  }
0x83f: {  	v5 =	vadd.f32 v6, v5;
	v3 =	vld [tilespmem:s24+$0xFFFFFFE0];
	[tilespmem:s22+$0x0] =	vst v2  }
0x840: {  	v6 =	vadd.f32 v8, v7;
	[tilespmem:s22+$0xFFFFFFA0] =	vst v4;
	v2 =	vld [tilespmem:s22+$0xFFFFFFF0]  }
0x841: {  	[tilespmem:s22+$0xFFFFFFB0] =	vst v5;
	v5 =	vld [tilespmem:s24+$0xFFFFFFF0]  }
0x842: {  	s26 =	simm.s32 $0x8770;
	s21 =	simm.s32 $0x0;
	v4 =	vld [tilespmem:s22+$0xFFFFFF90];
	[tilespmem:s22+$0xFFFFFFC0] =	vst v6;
	v6 =	vadd.f32 v10, v9  }
.LBB2_110:
0x843: {  	v7 =	vld [tilespmem:s26+$0x0];
	s24 =	sadd.s32 $0x400, s24  }
0x844: {  	s21 =	sadd.s32 $0x80, s21;
	v8 =	vld [tilespmem:s24+$0x0];
	[tilespmem:s22+$0xFFFFFFD0] =	vst v6;
	v1 =	vadd.f32 v3, v1  }
0x845: {  	p0 =	slt.u32 s21, $0x380;
	v3 =	vld [tilespmem:s24+$0xFFFFFF90]  }
0x846: {  	v6 =	vld [tilespmem:s26+$0xFFFFFFA0];
	[tilespmem:s22+$0xFFFFFFE0] =	vst v1;
	v1 =	vadd.f32 v5, v2  }
0x847: {  	v2 =	vld [tilespmem:s24+$0xFFFFFFA0];
	v9 =	vadd.f32 v0, v4  }
0x848: {  	v4 =	vld [tilespmem:s26+$0xFFFFFFB0];
	[tilespmem:s22+$0xFFFFFFF0] =	vst v1  }
0x849: {  	v1 =	vld [tilespmem:s24+$0xFFFFFFB0];
	v5 =	vadd.f32 v8, v7;
	[tilespmem:s22+$0xFFFFFF90] =	vst v9;
	s22 =	smov.u32 s26  }
0x84a: {  	v7 =	vld [tilespmem:s26+$0xFFFFFFC0];
	v0 =	vmov v3  }
0x84b: {  	s25 =	simm.s32 $0x3F0;
	s23 =	simm.s32 $0x83F0;
	v8 =	vld [tilespmem:s24+$0xFFFFFFC0];
	[tilespmem:s26+$0x0] =	vst v5  }
0x84c: {  	v2 =	vadd.f32 v2, v6;
	v6 =	vld [tilespmem:s26+$0xFFFFFFD0]  }
0x84d: {  	v9 =	vld [tilespmem:s24+$0xFFFFFFD0]  }
.Ltmp54:
0x84e: {  	[tilespmem:s26+$0xFFFFFFA0] =	vst v2;
	v2 =	vadd.f32 v1, v4;
	v1 =	vld [tilespmem:s26+$0xFFFFFFE0];
	(pc) =	sbr.rel @p0 .LBB2_110-.Ltmp54, $4  }
0x84f: {  	v3 =	vld [tilespmem:s24+$0xFFFFFFE0]  }
0x850: {  	[tilespmem:s26+$0xFFFFFFB0] =	vst v2;
	v7 =	vadd.f32 v8, v7;
	v2 =	vld [tilespmem:s26+$0xFFFFFFF0]  }
0x851: {  	v5 =	vld [tilespmem:s24+$0xFFFFFFF0]  }
0x852: {  	s26 =	sadd.s32 $0x400, s26;
	v4 =	vld [tilespmem:s22+$0xFFFFFF90];
	[tilespmem:s22+$0xFFFFFFC0] =	vst v7;
	v6 =	vadd.f32 v9, v6  }
0x853: {  	_ =	sdelay $0x1  }
0x854: {  	v1 =	vadd.f32 v3, v1  }
0x855: {  	[tilespmem:s22+$0xFFFFFFD0] =	vst v6;
	v2 =	vadd.f32 v5, v2  }
0x856: {  	[tilespmem:s22+$0xFFFFFFE0] =	vst v1;
	v0 =	vadd.f32 v0, v4  }
0x857: {  	[tilespmem:s22+$0xFFFFFFF0] =	vst v2  }
0x858: {  	[tilespmem:s22+$0xFFFFFF90] =	vst v0  }
0x859: {  	v1 =	vld [tilespmem:s23+$0x0]  }
0x85a: {  	v2 =	vld [tilespmem:s25+$0x0]  }
0x85b: {  	v0 =	vld [tilespmem:s25+$0xFFFFFF90]  }
0x85c: {  	v3 =	vld [tilespmem:s23+$0xFFFFFFA0]  }
0x85d: {  	v4 =	vld [tilespmem:s25+$0xFFFFFFA0]  }
0x85e: {  	v5 =	vld [tilespmem:s23+$0xFFFFFFB0]  }
0x85f: {  	v6 =	vld [tilespmem:s25+$0xFFFFFFB0]  }
0x860: {  	v7 =	vld [tilespmem:s23+$0xFFFFFFC0]  }
0x861: {  	v8 =	vld [tilespmem:s25+$0xFFFFFFC0]  }
0x862: {  	v9 =	vld [tilespmem:s23+$0xFFFFFFD0]  }
0x863: {  	v10 =	vld [tilespmem:s25+$0xFFFFFFD0];
	v2 =	vadd.f32 v2, v1  }
0x864: {  	v4 =	vadd.f32 v4, v3;
	v1 =	vld [tilespmem:s23+$0xFFFFFFE0]  }
0x865: {  	v5 =	vadd.f32 v6, v5;
	v3 =	vld [tilespmem:s25+$0xFFFFFFE0];
	[tilespmem:s23+$0x0] =	vst v2  }
0x866: {  	v6 =	vadd.f32 v8, v7;
	[tilespmem:s23+$0xFFFFFFA0] =	vst v4;
	v2 =	vld [tilespmem:s23+$0xFFFFFFF0]  }
0x867: {  	[tilespmem:s23+$0xFFFFFFB0] =	vst v5;
	v5 =	vld [tilespmem:s25+$0xFFFFFFF0]  }
0x868: {  	s26 =	simm.s32 $0x87F0;
	s22 =	simm.s32 $0x0;
	v4 =	vld [tilespmem:s23+$0xFFFFFF90];
	[tilespmem:s23+$0xFFFFFFC0] =	vst v6;
	v6 =	vadd.f32 v10, v9  }
.LBB2_112:
0x869: {  	v7 =	vld [tilespmem:s26+$0x0];
	s25 =	sadd.s32 $0x400, s25  }
0x86a: {  	s22 =	sadd.s32 $0x80, s22;
	v8 =	vld [tilespmem:s25+$0x0];
	[tilespmem:s23+$0xFFFFFFD0] =	vst v6;
	v1 =	vadd.f32 v3, v1  }
0x86b: {  	p0 =	slt.u32 s22, $0x380;
	v3 =	vld [tilespmem:s25+$0xFFFFFF90]  }
0x86c: {  	v6 =	vld [tilespmem:s26+$0xFFFFFFA0];
	[tilespmem:s23+$0xFFFFFFE0] =	vst v1;
	v1 =	vadd.f32 v5, v2  }
0x86d: {  	v2 =	vld [tilespmem:s25+$0xFFFFFFA0];
	v9 =	vadd.f32 v0, v4  }
0x86e: {  	v4 =	vld [tilespmem:s26+$0xFFFFFFB0];
	[tilespmem:s23+$0xFFFFFFF0] =	vst v1  }
0x86f: {  	v1 =	vld [tilespmem:s25+$0xFFFFFFB0];
	v5 =	vadd.f32 v8, v7;
	[tilespmem:s23+$0xFFFFFF90] =	vst v9;
	s23 =	smov.u32 s26  }
0x870: {  	v7 =	vld [tilespmem:s26+$0xFFFFFFC0];
	v0 =	vmov v3  }
0x871: {  	s21 =	simm.s32 $0xA070;
	s24 =	simm.s32 $0x2070;
	v8 =	vld [tilespmem:s25+$0xFFFFFFC0];
	[tilespmem:s26+$0x0] =	vst v5  }
0x872: {  	v2 =	vadd.f32 v2, v6;
	v6 =	vld [tilespmem:s26+$0xFFFFFFD0]  }
0x873: {  	v9 =	vld [tilespmem:s25+$0xFFFFFFD0]  }
.Ltmp55:
0x874: {  	[tilespmem:s26+$0xFFFFFFA0] =	vst v2;
	v2 =	vadd.f32 v1, v4;
	v1 =	vld [tilespmem:s26+$0xFFFFFFE0];
	(pc) =	sbr.rel @p0 .LBB2_112-.Ltmp55, $4  }
0x875: {  	v3 =	vld [tilespmem:s25+$0xFFFFFFE0]  }
0x876: {  	[tilespmem:s26+$0xFFFFFFB0] =	vst v2;
	v7 =	vadd.f32 v8, v7;
	v2 =	vld [tilespmem:s26+$0xFFFFFFF0]  }
0x877: {  	v5 =	vld [tilespmem:s25+$0xFFFFFFF0]  }
0x878: {  	s26 =	sadd.s32 $0x400, s26;
	v4 =	vld [tilespmem:s23+$0xFFFFFF90];
	[tilespmem:s23+$0xFFFFFFC0] =	vst v7;
	v6 =	vadd.f32 v9, v6  }
0x879: {  	_ =	sdelay $0x1  }
0x87a: {  	v1 =	vadd.f32 v3, v1  }
0x87b: {  	[tilespmem:s23+$0xFFFFFFD0] =	vst v6;
	v2 =	vadd.f32 v5, v2  }
0x87c: {  	[tilespmem:s23+$0xFFFFFFE0] =	vst v1;
	v0 =	vadd.f32 v0, v4  }
0x87d: {  	[tilespmem:s23+$0xFFFFFFF0] =	vst v2  }
0x87e: {  	[tilespmem:s23+$0xFFFFFF90] =	vst v0  }
0x87f: {  	v1 =	vld [tilespmem:s21+$0x0]  }
0x880: {  	v2 =	vld [tilespmem:s24+$0x0]  }
0x881: {  	v0 =	vld [tilespmem:s24+$0xFFFFFF90]  }
0x882: {  	v3 =	vld [tilespmem:s21+$0xFFFFFFA0]  }
0x883: {  	v4 =	vld [tilespmem:s24+$0xFFFFFFA0]  }
0x884: {  	v5 =	vld [tilespmem:s21+$0xFFFFFFB0]  }
0x885: {  	v6 =	vld [tilespmem:s24+$0xFFFFFFB0]  }
0x886: {  	v7 =	vld [tilespmem:s21+$0xFFFFFFC0]  }
0x887: {  	v8 =	vld [tilespmem:s24+$0xFFFFFFC0]  }
0x888: {  	v9 =	vld [tilespmem:s21+$0xFFFFFFD0]  }
0x889: {  	v10 =	vld [tilespmem:s24+$0xFFFFFFD0];
	v2 =	vadd.f32 v2, v1  }
0x88a: {  	v4 =	vadd.f32 v4, v3;
	v1 =	vld [tilespmem:s21+$0xFFFFFFE0]  }
0x88b: {  	v5 =	vadd.f32 v6, v5;
	v3 =	vld [tilespmem:s24+$0xFFFFFFE0];
	[tilespmem:s21+$0x0] =	vst v2  }
0x88c: {  	v6 =	vadd.f32 v8, v7;
	[tilespmem:s21+$0xFFFFFFA0] =	vst v4;
	v2 =	vld [tilespmem:s21+$0xFFFFFFF0]  }
0x88d: {  	[tilespmem:s21+$0xFFFFFFB0] =	vst v5;
	v5 =	vld [tilespmem:s24+$0xFFFFFFF0]  }
0x88e: {  	s25 =	simm.s32 $0x0;
	s26 =	simm.s32 $0xA470;
	v4 =	vld [tilespmem:s21+$0xFFFFFF90];
	[tilespmem:s21+$0xFFFFFFC0] =	vst v6;
	v6 =	vadd.f32 v10, v9  }
.LBB2_114:
0x88f: {  	v7 =	vld [tilespmem:s26+$0x0];
	s24 =	sadd.s32 $0x400, s24  }
0x890: {  	s25 =	sadd.s32 $0x80, s25;
	v8 =	vld [tilespmem:s24+$0x0];
	[tilespmem:s21+$0xFFFFFFD0] =	vst v6;
	v1 =	vadd.f32 v3, v1  }
0x891: {  	p0 =	slt.u32 s25, $0x380;
	v3 =	vld [tilespmem:s24+$0xFFFFFF90]  }
0x892: {  	v6 =	vld [tilespmem:s26+$0xFFFFFFA0];
	[tilespmem:s21+$0xFFFFFFE0] =	vst v1;
	v1 =	vadd.f32 v5, v2  }
0x893: {  	v2 =	vld [tilespmem:s24+$0xFFFFFFA0];
	v9 =	vadd.f32 v0, v4  }
0x894: {  	v4 =	vld [tilespmem:s26+$0xFFFFFFB0];
	[tilespmem:s21+$0xFFFFFFF0] =	vst v1  }
0x895: {  	v1 =	vld [tilespmem:s24+$0xFFFFFFB0];
	v5 =	vadd.f32 v8, v7;
	[tilespmem:s21+$0xFFFFFF90] =	vst v9;
	s21 =	smov.u32 s26  }
0x896: {  	v7 =	vld [tilespmem:s26+$0xFFFFFFC0];
	v0 =	vmov v3  }
0x897: {  	s22 =	simm.s32 $0xA0F0;
	s23 =	simm.s32 $0x20F0;
	v8 =	vld [tilespmem:s24+$0xFFFFFFC0];
	[tilespmem:s26+$0x0] =	vst v5  }
0x898: {  	v2 =	vadd.f32 v2, v6;
	v6 =	vld [tilespmem:s26+$0xFFFFFFD0]  }
0x899: {  	v9 =	vld [tilespmem:s24+$0xFFFFFFD0]  }
.Ltmp56:
0x89a: {  	[tilespmem:s26+$0xFFFFFFA0] =	vst v2;
	v2 =	vadd.f32 v1, v4;
	v1 =	vld [tilespmem:s26+$0xFFFFFFE0];
	(pc) =	sbr.rel @p0 .LBB2_114-.Ltmp56, $4  }
0x89b: {  	v3 =	vld [tilespmem:s24+$0xFFFFFFE0]  }
0x89c: {  	[tilespmem:s26+$0xFFFFFFB0] =	vst v2;
	v7 =	vadd.f32 v8, v7;
	v2 =	vld [tilespmem:s26+$0xFFFFFFF0]  }
0x89d: {  	v5 =	vld [tilespmem:s24+$0xFFFFFFF0]  }
0x89e: {  	s26 =	sadd.s32 $0x400, s26;
	v4 =	vld [tilespmem:s21+$0xFFFFFF90];
	[tilespmem:s21+$0xFFFFFFC0] =	vst v7;
	v6 =	vadd.f32 v9, v6  }
0x89f: {  	_ =	sdelay $0x1  }
0x8a0: {  	v1 =	vadd.f32 v3, v1  }
0x8a1: {  	[tilespmem:s21+$0xFFFFFFD0] =	vst v6;
	v2 =	vadd.f32 v5, v2  }
0x8a2: {  	[tilespmem:s21+$0xFFFFFFE0] =	vst v1;
	v0 =	vadd.f32 v0, v4  }
0x8a3: {  	[tilespmem:s21+$0xFFFFFFF0] =	vst v2  }
0x8a4: {  	[tilespmem:s21+$0xFFFFFF90] =	vst v0  }
0x8a5: {  	v1 =	vld [tilespmem:s22+$0x0]  }
0x8a6: {  	v2 =	vld [tilespmem:s23+$0x0]  }
0x8a7: {  	v0 =	vld [tilespmem:s23+$0xFFFFFF90]  }
0x8a8: {  	v3 =	vld [tilespmem:s22+$0xFFFFFFA0]  }
0x8a9: {  	v4 =	vld [tilespmem:s23+$0xFFFFFFA0]  }
0x8aa: {  	v5 =	vld [tilespmem:s22+$0xFFFFFFB0]  }
0x8ab: {  	v6 =	vld [tilespmem:s23+$0xFFFFFFB0]  }
0x8ac: {  	v7 =	vld [tilespmem:s22+$0xFFFFFFC0]  }
0x8ad: {  	v8 =	vld [tilespmem:s23+$0xFFFFFFC0]  }
0x8ae: {  	v9 =	vld [tilespmem:s22+$0xFFFFFFD0]  }
0x8af: {  	v10 =	vld [tilespmem:s23+$0xFFFFFFD0];
	v2 =	vadd.f32 v2, v1  }
0x8b0: {  	v4 =	vadd.f32 v4, v3;
	v1 =	vld [tilespmem:s22+$0xFFFFFFE0]  }
0x8b1: {  	v5 =	vadd.f32 v6, v5;
	v3 =	vld [tilespmem:s23+$0xFFFFFFE0];
	[tilespmem:s22+$0x0] =	vst v2  }
0x8b2: {  	v6 =	vadd.f32 v8, v7;
	[tilespmem:s22+$0xFFFFFFA0] =	vst v4;
	v2 =	vld [tilespmem:s22+$0xFFFFFFF0]  }
0x8b3: {  	[tilespmem:s22+$0xFFFFFFB0] =	vst v5;
	v5 =	vld [tilespmem:s23+$0xFFFFFFF0]  }
0x8b4: {  	s25 =	simm.s32 $0x0;
	s26 =	simm.s32 $0xA4F0;
	v4 =	vld [tilespmem:s22+$0xFFFFFF90];
	[tilespmem:s22+$0xFFFFFFC0] =	vst v6;
	v6 =	vadd.f32 v10, v9  }
.LBB2_116:
0x8b5: {  	v7 =	vld [tilespmem:s26+$0x0];
	s23 =	sadd.s32 $0x400, s23  }
0x8b6: {  	s25 =	sadd.s32 $0x80, s25;
	v8 =	vld [tilespmem:s23+$0x0];
	[tilespmem:s22+$0xFFFFFFD0] =	vst v6;
	v1 =	vadd.f32 v3, v1  }
0x8b7: {  	p0 =	slt.u32 s25, $0x380;
	v3 =	vld [tilespmem:s23+$0xFFFFFF90]  }
0x8b8: {  	v6 =	vld [tilespmem:s26+$0xFFFFFFA0];
	[tilespmem:s22+$0xFFFFFFE0] =	vst v1;
	v1 =	vadd.f32 v5, v2  }
0x8b9: {  	v2 =	vld [tilespmem:s23+$0xFFFFFFA0];
	v9 =	vadd.f32 v0, v4  }
0x8ba: {  	v4 =	vld [tilespmem:s26+$0xFFFFFFB0];
	[tilespmem:s22+$0xFFFFFFF0] =	vst v1  }
0x8bb: {  	v1 =	vld [tilespmem:s23+$0xFFFFFFB0];
	v5 =	vadd.f32 v8, v7;
	[tilespmem:s22+$0xFFFFFF90] =	vst v9;
	s22 =	smov.u32 s26  }
0x8bc: {  	v7 =	vld [tilespmem:s26+$0xFFFFFFC0];
	v0 =	vmov v3  }
0x8bd: {  	s21 =	simm.s32 $0xA170;
	s24 =	simm.s32 $0x2170;
	v8 =	vld [tilespmem:s23+$0xFFFFFFC0];
	[tilespmem:s26+$0x0] =	vst v5  }
0x8be: {  	v2 =	vadd.f32 v2, v6;
	v6 =	vld [tilespmem:s26+$0xFFFFFFD0]  }
0x8bf: {  	v9 =	vld [tilespmem:s23+$0xFFFFFFD0]  }
.Ltmp57:
0x8c0: {  	[tilespmem:s26+$0xFFFFFFA0] =	vst v2;
	v2 =	vadd.f32 v1, v4;
	v1 =	vld [tilespmem:s26+$0xFFFFFFE0];
	(pc) =	sbr.rel @p0 .LBB2_116-.Ltmp57, $4  }
0x8c1: {  	v3 =	vld [tilespmem:s23+$0xFFFFFFE0]  }
0x8c2: {  	[tilespmem:s26+$0xFFFFFFB0] =	vst v2;
	v7 =	vadd.f32 v8, v7;
	v2 =	vld [tilespmem:s26+$0xFFFFFFF0]  }
0x8c3: {  	v5 =	vld [tilespmem:s23+$0xFFFFFFF0]  }
0x8c4: {  	s26 =	sadd.s32 $0x400, s26;
	v4 =	vld [tilespmem:s22+$0xFFFFFF90];
	[tilespmem:s22+$0xFFFFFFC0] =	vst v7;
	v6 =	vadd.f32 v9, v6  }
0x8c5: {  	_ =	sdelay $0x1  }
0x8c6: {  	v1 =	vadd.f32 v3, v1  }
0x8c7: {  	[tilespmem:s22+$0xFFFFFFD0] =	vst v6;
	v2 =	vadd.f32 v5, v2  }
0x8c8: {  	[tilespmem:s22+$0xFFFFFFE0] =	vst v1;
	v0 =	vadd.f32 v0, v4  }
0x8c9: {  	[tilespmem:s22+$0xFFFFFFF0] =	vst v2  }
0x8ca: {  	[tilespmem:s22+$0xFFFFFF90] =	vst v0  }
0x8cb: {  	v1 =	vld [tilespmem:s21+$0x0]  }
0x8cc: {  	v2 =	vld [tilespmem:s24+$0x0]  }
0x8cd: {  	v0 =	vld [tilespmem:s24+$0xFFFFFF90]  }
0x8ce: {  	v3 =	vld [tilespmem:s21+$0xFFFFFFA0]  }
0x8cf: {  	v4 =	vld [tilespmem:s24+$0xFFFFFFA0]  }
0x8d0: {  	v5 =	vld [tilespmem:s21+$0xFFFFFFB0]  }
0x8d1: {  	v6 =	vld [tilespmem:s24+$0xFFFFFFB0]  }
0x8d2: {  	v7 =	vld [tilespmem:s21+$0xFFFFFFC0]  }
0x8d3: {  	v8 =	vld [tilespmem:s24+$0xFFFFFFC0]  }
0x8d4: {  	v9 =	vld [tilespmem:s21+$0xFFFFFFD0]  }
0x8d5: {  	v10 =	vld [tilespmem:s24+$0xFFFFFFD0];
	v2 =	vadd.f32 v2, v1  }
0x8d6: {  	v4 =	vadd.f32 v4, v3;
	v1 =	vld [tilespmem:s21+$0xFFFFFFE0]  }
0x8d7: {  	v5 =	vadd.f32 v6, v5;
	v3 =	vld [tilespmem:s24+$0xFFFFFFE0];
	[tilespmem:s21+$0x0] =	vst v2  }
0x8d8: {  	v6 =	vadd.f32 v8, v7;
	[tilespmem:s21+$0xFFFFFFA0] =	vst v4;
	v2 =	vld [tilespmem:s21+$0xFFFFFFF0]  }
0x8d9: {  	[tilespmem:s21+$0xFFFFFFB0] =	vst v5;
	v5 =	vld [tilespmem:s24+$0xFFFFFFF0]  }
0x8da: {  	s25 =	simm.s32 $0x0;
	s26 =	simm.s32 $0xA570;
	v4 =	vld [tilespmem:s21+$0xFFFFFF90];
	[tilespmem:s21+$0xFFFFFFC0] =	vst v6;
	v6 =	vadd.f32 v10, v9  }
.LBB2_118:
0x8db: {  	v7 =	vld [tilespmem:s26+$0x0];
	s24 =	sadd.s32 $0x400, s24  }
0x8dc: {  	s25 =	sadd.s32 $0x80, s25;
	v8 =	vld [tilespmem:s24+$0x0];
	[tilespmem:s21+$0xFFFFFFD0] =	vst v6;
	v1 =	vadd.f32 v3, v1  }
0x8dd: {  	p0 =	slt.u32 s25, $0x380;
	v3 =	vld [tilespmem:s24+$0xFFFFFF90]  }
0x8de: {  	v6 =	vld [tilespmem:s26+$0xFFFFFFA0];
	[tilespmem:s21+$0xFFFFFFE0] =	vst v1;
	v1 =	vadd.f32 v5, v2  }
0x8df: {  	v2 =	vld [tilespmem:s24+$0xFFFFFFA0];
	v9 =	vadd.f32 v0, v4  }
0x8e0: {  	v4 =	vld [tilespmem:s26+$0xFFFFFFB0];
	[tilespmem:s21+$0xFFFFFFF0] =	vst v1  }
0x8e1: {  	v1 =	vld [tilespmem:s24+$0xFFFFFFB0];
	v5 =	vadd.f32 v8, v7;
	[tilespmem:s21+$0xFFFFFF90] =	vst v9;
	s21 =	smov.u32 s26  }
0x8e2: {  	v7 =	vld [tilespmem:s26+$0xFFFFFFC0];
	v0 =	vmov v3  }
0x8e3: {  	s22 =	simm.s32 $0xA1F0;
	s23 =	simm.s32 $0x21F0;
	v8 =	vld [tilespmem:s24+$0xFFFFFFC0];
	[tilespmem:s26+$0x0] =	vst v5  }
0x8e4: {  	v2 =	vadd.f32 v2, v6;
	v6 =	vld [tilespmem:s26+$0xFFFFFFD0]  }
0x8e5: {  	v9 =	vld [tilespmem:s24+$0xFFFFFFD0]  }
.Ltmp58:
0x8e6: {  	[tilespmem:s26+$0xFFFFFFA0] =	vst v2;
	v2 =	vadd.f32 v1, v4;
	v1 =	vld [tilespmem:s26+$0xFFFFFFE0];
	(pc) =	sbr.rel @p0 .LBB2_118-.Ltmp58, $4  }
0x8e7: {  	v3 =	vld [tilespmem:s24+$0xFFFFFFE0]  }
0x8e8: {  	[tilespmem:s26+$0xFFFFFFB0] =	vst v2;
	v7 =	vadd.f32 v8, v7;
	v2 =	vld [tilespmem:s26+$0xFFFFFFF0]  }
0x8e9: {  	v5 =	vld [tilespmem:s24+$0xFFFFFFF0]  }
0x8ea: {  	s26 =	sadd.s32 $0x400, s26;
	v4 =	vld [tilespmem:s21+$0xFFFFFF90];
	[tilespmem:s21+$0xFFFFFFC0] =	vst v7;
	v6 =	vadd.f32 v9, v6  }
0x8eb: {  	_ =	sdelay $0x1  }
0x8ec: {  	v1 =	vadd.f32 v3, v1  }
0x8ed: {  	[tilespmem:s21+$0xFFFFFFD0] =	vst v6;
	v2 =	vadd.f32 v5, v2  }
0x8ee: {  	[tilespmem:s21+$0xFFFFFFE0] =	vst v1;
	v0 =	vadd.f32 v0, v4  }
0x8ef: {  	[tilespmem:s21+$0xFFFFFFF0] =	vst v2  }
0x8f0: {  	[tilespmem:s21+$0xFFFFFF90] =	vst v0  }
0x8f1: {  	v1 =	vld [tilespmem:s22+$0x0]  }
0x8f2: {  	v2 =	vld [tilespmem:s23+$0x0]  }
0x8f3: {  	v0 =	vld [tilespmem:s23+$0xFFFFFF90]  }
0x8f4: {  	v3 =	vld [tilespmem:s22+$0xFFFFFFA0]  }
0x8f5: {  	v4 =	vld [tilespmem:s23+$0xFFFFFFA0]  }
0x8f6: {  	v5 =	vld [tilespmem:s22+$0xFFFFFFB0]  }
0x8f7: {  	v6 =	vld [tilespmem:s23+$0xFFFFFFB0]  }
0x8f8: {  	v7 =	vld [tilespmem:s22+$0xFFFFFFC0]  }
0x8f9: {  	v8 =	vld [tilespmem:s23+$0xFFFFFFC0]  }
0x8fa: {  	v9 =	vld [tilespmem:s22+$0xFFFFFFD0]  }
0x8fb: {  	v10 =	vld [tilespmem:s23+$0xFFFFFFD0];
	v2 =	vadd.f32 v2, v1  }
0x8fc: {  	v4 =	vadd.f32 v4, v3;
	v1 =	vld [tilespmem:s22+$0xFFFFFFE0]  }
0x8fd: {  	v5 =	vadd.f32 v6, v5;
	v3 =	vld [tilespmem:s23+$0xFFFFFFE0];
	[tilespmem:s22+$0x0] =	vst v2  }
0x8fe: {  	v6 =	vadd.f32 v8, v7;
	[tilespmem:s22+$0xFFFFFFA0] =	vst v4;
	v2 =	vld [tilespmem:s22+$0xFFFFFFF0]  }
0x8ff: {  	[tilespmem:s22+$0xFFFFFFB0] =	vst v5;
	v5 =	vld [tilespmem:s23+$0xFFFFFFF0]  }
0x900: {  	s25 =	simm.s32 $0x0;
	s26 =	simm.s32 $0xA5F0;
	v4 =	vld [tilespmem:s22+$0xFFFFFF90];
	[tilespmem:s22+$0xFFFFFFC0] =	vst v6;
	v6 =	vadd.f32 v10, v9  }
.LBB2_120:
0x901: {  	v7 =	vld [tilespmem:s26+$0x0];
	s23 =	sadd.s32 $0x400, s23  }
0x902: {  	s25 =	sadd.s32 $0x80, s25;
	v8 =	vld [tilespmem:s23+$0x0];
	[tilespmem:s22+$0xFFFFFFD0] =	vst v6;
	v1 =	vadd.f32 v3, v1  }
0x903: {  	p0 =	slt.u32 s25, $0x380;
	v3 =	vld [tilespmem:s23+$0xFFFFFF90]  }
0x904: {  	v6 =	vld [tilespmem:s26+$0xFFFFFFA0];
	[tilespmem:s22+$0xFFFFFFE0] =	vst v1;
	v1 =	vadd.f32 v5, v2  }
0x905: {  	v2 =	vld [tilespmem:s23+$0xFFFFFFA0];
	v9 =	vadd.f32 v0, v4  }
0x906: {  	v4 =	vld [tilespmem:s26+$0xFFFFFFB0];
	[tilespmem:s22+$0xFFFFFFF0] =	vst v1  }
0x907: {  	v1 =	vld [tilespmem:s23+$0xFFFFFFB0];
	v5 =	vadd.f32 v8, v7;
	[tilespmem:s22+$0xFFFFFF90] =	vst v9;
	s22 =	smov.u32 s26  }
0x908: {  	v7 =	vld [tilespmem:s26+$0xFFFFFFC0];
	v0 =	vmov v3  }
0x909: {  	s21 =	simm.s32 $0xA270;
	s24 =	simm.s32 $0x2270;
	v8 =	vld [tilespmem:s23+$0xFFFFFFC0];
	[tilespmem:s26+$0x0] =	vst v5  }
0x90a: {  	v2 =	vadd.f32 v2, v6;
	v6 =	vld [tilespmem:s26+$0xFFFFFFD0]  }
0x90b: {  	v9 =	vld [tilespmem:s23+$0xFFFFFFD0]  }
.Ltmp59:
0x90c: {  	[tilespmem:s26+$0xFFFFFFA0] =	vst v2;
	v2 =	vadd.f32 v1, v4;
	v1 =	vld [tilespmem:s26+$0xFFFFFFE0];
	(pc) =	sbr.rel @p0 .LBB2_120-.Ltmp59, $4  }
0x90d: {  	v3 =	vld [tilespmem:s23+$0xFFFFFFE0]  }
0x90e: {  	[tilespmem:s26+$0xFFFFFFB0] =	vst v2;
	v7 =	vadd.f32 v8, v7;
	v2 =	vld [tilespmem:s26+$0xFFFFFFF0]  }
0x90f: {  	v5 =	vld [tilespmem:s23+$0xFFFFFFF0]  }
0x910: {  	s26 =	sadd.s32 $0x400, s26;
	v4 =	vld [tilespmem:s22+$0xFFFFFF90];
	[tilespmem:s22+$0xFFFFFFC0] =	vst v7;
	v6 =	vadd.f32 v9, v6  }
0x911: {  	_ =	sdelay $0x1  }
0x912: {  	v1 =	vadd.f32 v3, v1  }
0x913: {  	[tilespmem:s22+$0xFFFFFFD0] =	vst v6;
	v2 =	vadd.f32 v5, v2  }
0x914: {  	[tilespmem:s22+$0xFFFFFFE0] =	vst v1;
	v0 =	vadd.f32 v0, v4  }
0x915: {  	[tilespmem:s22+$0xFFFFFFF0] =	vst v2  }
0x916: {  	[tilespmem:s22+$0xFFFFFF90] =	vst v0  }
0x917: {  	v1 =	vld [tilespmem:s21+$0x0]  }
0x918: {  	v2 =	vld [tilespmem:s24+$0x0]  }
0x919: {  	v0 =	vld [tilespmem:s24+$0xFFFFFF90]  }
0x91a: {  	v3 =	vld [tilespmem:s21+$0xFFFFFFA0]  }
0x91b: {  	v4 =	vld [tilespmem:s24+$0xFFFFFFA0]  }
0x91c: {  	v5 =	vld [tilespmem:s21+$0xFFFFFFB0]  }
0x91d: {  	v6 =	vld [tilespmem:s24+$0xFFFFFFB0]  }
0x91e: {  	v7 =	vld [tilespmem:s21+$0xFFFFFFC0]  }
0x91f: {  	v8 =	vld [tilespmem:s24+$0xFFFFFFC0]  }
0x920: {  	v9 =	vld [tilespmem:s21+$0xFFFFFFD0]  }
0x921: {  	v10 =	vld [tilespmem:s24+$0xFFFFFFD0];
	v2 =	vadd.f32 v2, v1  }
0x922: {  	v4 =	vadd.f32 v4, v3;
	v1 =	vld [tilespmem:s21+$0xFFFFFFE0]  }
0x923: {  	v5 =	vadd.f32 v6, v5;
	v3 =	vld [tilespmem:s24+$0xFFFFFFE0];
	[tilespmem:s21+$0x0] =	vst v2  }
0x924: {  	v6 =	vadd.f32 v8, v7;
	[tilespmem:s21+$0xFFFFFFA0] =	vst v4;
	v2 =	vld [tilespmem:s21+$0xFFFFFFF0]  }
0x925: {  	[tilespmem:s21+$0xFFFFFFB0] =	vst v5;
	v5 =	vld [tilespmem:s24+$0xFFFFFFF0]  }
0x926: {  	s25 =	simm.s32 $0x0;
	s26 =	simm.s32 $0xA670;
	v4 =	vld [tilespmem:s21+$0xFFFFFF90];
	[tilespmem:s21+$0xFFFFFFC0] =	vst v6;
	v6 =	vadd.f32 v10, v9  }
.LBB2_122:
0x927: {  	v7 =	vld [tilespmem:s26+$0x0];
	s24 =	sadd.s32 $0x400, s24  }
0x928: {  	s25 =	sadd.s32 $0x80, s25;
	v8 =	vld [tilespmem:s24+$0x0];
	[tilespmem:s21+$0xFFFFFFD0] =	vst v6;
	v1 =	vadd.f32 v3, v1  }
0x929: {  	p0 =	slt.u32 s25, $0x380;
	v3 =	vld [tilespmem:s24+$0xFFFFFF90]  }
0x92a: {  	v6 =	vld [tilespmem:s26+$0xFFFFFFA0];
	[tilespmem:s21+$0xFFFFFFE0] =	vst v1;
	v1 =	vadd.f32 v5, v2  }
0x92b: {  	v2 =	vld [tilespmem:s24+$0xFFFFFFA0];
	v9 =	vadd.f32 v0, v4  }
0x92c: {  	v4 =	vld [tilespmem:s26+$0xFFFFFFB0];
	[tilespmem:s21+$0xFFFFFFF0] =	vst v1  }
0x92d: {  	v1 =	vld [tilespmem:s24+$0xFFFFFFB0];
	v5 =	vadd.f32 v8, v7;
	[tilespmem:s21+$0xFFFFFF90] =	vst v9;
	s21 =	smov.u32 s26  }
0x92e: {  	v7 =	vld [tilespmem:s26+$0xFFFFFFC0];
	v0 =	vmov v3  }
0x92f: {  	s22 =	simm.s32 $0xA2F0;
	s23 =	simm.s32 $0x22F0;
	v8 =	vld [tilespmem:s24+$0xFFFFFFC0];
	[tilespmem:s26+$0x0] =	vst v5  }
0x930: {  	v2 =	vadd.f32 v2, v6;
	v6 =	vld [tilespmem:s26+$0xFFFFFFD0]  }
0x931: {  	v9 =	vld [tilespmem:s24+$0xFFFFFFD0]  }
.Ltmp60:
0x932: {  	[tilespmem:s26+$0xFFFFFFA0] =	vst v2;
	v2 =	vadd.f32 v1, v4;
	v1 =	vld [tilespmem:s26+$0xFFFFFFE0];
	(pc) =	sbr.rel @p0 .LBB2_122-.Ltmp60, $4  }
0x933: {  	v3 =	vld [tilespmem:s24+$0xFFFFFFE0]  }
0x934: {  	[tilespmem:s26+$0xFFFFFFB0] =	vst v2;
	v7 =	vadd.f32 v8, v7;
	v2 =	vld [tilespmem:s26+$0xFFFFFFF0]  }
0x935: {  	v5 =	vld [tilespmem:s24+$0xFFFFFFF0]  }
0x936: {  	s26 =	sadd.s32 $0x400, s26;
	v4 =	vld [tilespmem:s21+$0xFFFFFF90];
	[tilespmem:s21+$0xFFFFFFC0] =	vst v7;
	v6 =	vadd.f32 v9, v6  }
0x937: {  	_ =	sdelay $0x1  }
0x938: {  	v1 =	vadd.f32 v3, v1  }
0x939: {  	[tilespmem:s21+$0xFFFFFFD0] =	vst v6;
	v2 =	vadd.f32 v5, v2  }
0x93a: {  	[tilespmem:s21+$0xFFFFFFE0] =	vst v1;
	v0 =	vadd.f32 v0, v4  }
0x93b: {  	[tilespmem:s21+$0xFFFFFFF0] =	vst v2  }
0x93c: {  	[tilespmem:s21+$0xFFFFFF90] =	vst v0  }
0x93d: {  	v1 =	vld [tilespmem:s22+$0x0]  }
0x93e: {  	v2 =	vld [tilespmem:s23+$0x0]  }
0x93f: {  	v0 =	vld [tilespmem:s23+$0xFFFFFF90]  }
0x940: {  	v3 =	vld [tilespmem:s22+$0xFFFFFFA0]  }
0x941: {  	v4 =	vld [tilespmem:s23+$0xFFFFFFA0]  }
0x942: {  	v5 =	vld [tilespmem:s22+$0xFFFFFFB0]  }
0x943: {  	v6 =	vld [tilespmem:s23+$0xFFFFFFB0]  }
0x944: {  	v7 =	vld [tilespmem:s22+$0xFFFFFFC0]  }
0x945: {  	v8 =	vld [tilespmem:s23+$0xFFFFFFC0]  }
0x946: {  	v9 =	vld [tilespmem:s22+$0xFFFFFFD0]  }
0x947: {  	v10 =	vld [tilespmem:s23+$0xFFFFFFD0];
	v2 =	vadd.f32 v2, v1  }
0x948: {  	v4 =	vadd.f32 v4, v3;
	v1 =	vld [tilespmem:s22+$0xFFFFFFE0]  }
0x949: {  	v5 =	vadd.f32 v6, v5;
	v3 =	vld [tilespmem:s23+$0xFFFFFFE0];
	[tilespmem:s22+$0x0] =	vst v2  }
0x94a: {  	v6 =	vadd.f32 v8, v7;
	[tilespmem:s22+$0xFFFFFFA0] =	vst v4;
	v2 =	vld [tilespmem:s22+$0xFFFFFFF0]  }
0x94b: {  	[tilespmem:s22+$0xFFFFFFB0] =	vst v5;
	v5 =	vld [tilespmem:s23+$0xFFFFFFF0]  }
0x94c: {  	s25 =	simm.s32 $0x0;
	s26 =	simm.s32 $0xA6F0;
	v4 =	vld [tilespmem:s22+$0xFFFFFF90];
	[tilespmem:s22+$0xFFFFFFC0] =	vst v6;
	v6 =	vadd.f32 v10, v9  }
.LBB2_124:
0x94d: {  	v7 =	vld [tilespmem:s26+$0x0];
	s23 =	sadd.s32 $0x400, s23  }
0x94e: {  	s25 =	sadd.s32 $0x80, s25;
	v8 =	vld [tilespmem:s23+$0x0];
	[tilespmem:s22+$0xFFFFFFD0] =	vst v6;
	v1 =	vadd.f32 v3, v1  }
0x94f: {  	p0 =	slt.u32 s25, $0x380;
	v3 =	vld [tilespmem:s23+$0xFFFFFF90]  }
0x950: {  	v6 =	vld [tilespmem:s26+$0xFFFFFFA0];
	[tilespmem:s22+$0xFFFFFFE0] =	vst v1;
	v1 =	vadd.f32 v5, v2  }
0x951: {  	v2 =	vld [tilespmem:s23+$0xFFFFFFA0];
	v9 =	vadd.f32 v0, v4  }
0x952: {  	v4 =	vld [tilespmem:s26+$0xFFFFFFB0];
	[tilespmem:s22+$0xFFFFFFF0] =	vst v1  }
0x953: {  	v1 =	vld [tilespmem:s23+$0xFFFFFFB0];
	v5 =	vadd.f32 v8, v7;
	[tilespmem:s22+$0xFFFFFF90] =	vst v9;
	s22 =	smov.u32 s26  }
0x954: {  	v7 =	vld [tilespmem:s26+$0xFFFFFFC0];
	v0 =	vmov v3  }
0x955: {  	s21 =	simm.s32 $0xA370;
	s24 =	simm.s32 $0x2370;
	v8 =	vld [tilespmem:s23+$0xFFFFFFC0];
	[tilespmem:s26+$0x0] =	vst v5  }
0x956: {  	v2 =	vadd.f32 v2, v6;
	v6 =	vld [tilespmem:s26+$0xFFFFFFD0]  }
0x957: {  	v9 =	vld [tilespmem:s23+$0xFFFFFFD0]  }
.Ltmp61:
0x958: {  	[tilespmem:s26+$0xFFFFFFA0] =	vst v2;
	v2 =	vadd.f32 v1, v4;
	v1 =	vld [tilespmem:s26+$0xFFFFFFE0];
	(pc) =	sbr.rel @p0 .LBB2_124-.Ltmp61, $4  }
0x959: {  	v3 =	vld [tilespmem:s23+$0xFFFFFFE0]  }
0x95a: {  	[tilespmem:s26+$0xFFFFFFB0] =	vst v2;
	v7 =	vadd.f32 v8, v7;
	v2 =	vld [tilespmem:s26+$0xFFFFFFF0]  }
0x95b: {  	v5 =	vld [tilespmem:s23+$0xFFFFFFF0]  }
0x95c: {  	s26 =	sadd.s32 $0x400, s26;
	v4 =	vld [tilespmem:s22+$0xFFFFFF90];
	[tilespmem:s22+$0xFFFFFFC0] =	vst v7;
	v6 =	vadd.f32 v9, v6  }
0x95d: {  	_ =	sdelay $0x1  }
0x95e: {  	v1 =	vadd.f32 v3, v1  }
0x95f: {  	[tilespmem:s22+$0xFFFFFFD0] =	vst v6;
	v2 =	vadd.f32 v5, v2  }
0x960: {  	[tilespmem:s22+$0xFFFFFFE0] =	vst v1;
	v0 =	vadd.f32 v0, v4  }
0x961: {  	[tilespmem:s22+$0xFFFFFFF0] =	vst v2  }
0x962: {  	[tilespmem:s22+$0xFFFFFF90] =	vst v0  }
0x963: {  	v1 =	vld [tilespmem:s21+$0x0]  }
0x964: {  	v2 =	vld [tilespmem:s24+$0x0]  }
0x965: {  	v0 =	vld [tilespmem:s24+$0xFFFFFF90]  }
0x966: {  	v3 =	vld [tilespmem:s21+$0xFFFFFFA0]  }
0x967: {  	v4 =	vld [tilespmem:s24+$0xFFFFFFA0]  }
0x968: {  	v5 =	vld [tilespmem:s21+$0xFFFFFFB0]  }
0x969: {  	v6 =	vld [tilespmem:s24+$0xFFFFFFB0]  }
0x96a: {  	v7 =	vld [tilespmem:s21+$0xFFFFFFC0]  }
0x96b: {  	v8 =	vld [tilespmem:s24+$0xFFFFFFC0]  }
0x96c: {  	v9 =	vld [tilespmem:s21+$0xFFFFFFD0]  }
0x96d: {  	v10 =	vld [tilespmem:s24+$0xFFFFFFD0];
	v2 =	vadd.f32 v2, v1  }
0x96e: {  	v4 =	vadd.f32 v4, v3;
	v1 =	vld [tilespmem:s21+$0xFFFFFFE0]  }
0x96f: {  	v5 =	vadd.f32 v6, v5;
	v3 =	vld [tilespmem:s24+$0xFFFFFFE0];
	[tilespmem:s21+$0x0] =	vst v2  }
0x970: {  	v6 =	vadd.f32 v8, v7;
	[tilespmem:s21+$0xFFFFFFA0] =	vst v4;
	v2 =	vld [tilespmem:s21+$0xFFFFFFF0]  }
0x971: {  	[tilespmem:s21+$0xFFFFFFB0] =	vst v5;
	v5 =	vld [tilespmem:s24+$0xFFFFFFF0]  }
0x972: {  	s25 =	simm.s32 $0x0;
	s26 =	simm.s32 $0xA770;
	v4 =	vld [tilespmem:s21+$0xFFFFFF90];
	[tilespmem:s21+$0xFFFFFFC0] =	vst v6;
	v6 =	vadd.f32 v10, v9  }
.LBB2_126:
0x973: {  	v7 =	vld [tilespmem:s26+$0x0];
	s24 =	sadd.s32 $0x400, s24  }
0x974: {  	s25 =	sadd.s32 $0x80, s25;
	v8 =	vld [tilespmem:s24+$0x0];
	[tilespmem:s21+$0xFFFFFFD0] =	vst v6;
	v1 =	vadd.f32 v3, v1  }
0x975: {  	p0 =	slt.u32 s25, $0x380;
	v3 =	vld [tilespmem:s24+$0xFFFFFF90]  }
0x976: {  	v6 =	vld [tilespmem:s26+$0xFFFFFFA0];
	[tilespmem:s21+$0xFFFFFFE0] =	vst v1;
	v1 =	vadd.f32 v5, v2  }
0x977: {  	v2 =	vld [tilespmem:s24+$0xFFFFFFA0];
	v9 =	vadd.f32 v0, v4  }
0x978: {  	v4 =	vld [tilespmem:s26+$0xFFFFFFB0];
	[tilespmem:s21+$0xFFFFFFF0] =	vst v1  }
0x979: {  	v1 =	vld [tilespmem:s24+$0xFFFFFFB0];
	v5 =	vadd.f32 v8, v7;
	[tilespmem:s21+$0xFFFFFF90] =	vst v9;
	s21 =	smov.u32 s26  }
0x97a: {  	v7 =	vld [tilespmem:s26+$0xFFFFFFC0];
	v0 =	vmov v3  }
0x97b: {  	s22 =	simm.s32 $0xA3F0;
	s23 =	simm.s32 $0x23F0;
	v8 =	vld [tilespmem:s24+$0xFFFFFFC0];
	[tilespmem:s26+$0x0] =	vst v5  }
0x97c: {  	v2 =	vadd.f32 v2, v6;
	v6 =	vld [tilespmem:s26+$0xFFFFFFD0]  }
0x97d: {  	v9 =	vld [tilespmem:s24+$0xFFFFFFD0]  }
.Ltmp62:
0x97e: {  	[tilespmem:s26+$0xFFFFFFA0] =	vst v2;
	v2 =	vadd.f32 v1, v4;
	v1 =	vld [tilespmem:s26+$0xFFFFFFE0];
	(pc) =	sbr.rel @p0 .LBB2_126-.Ltmp62, $4  }
0x97f: {  	v3 =	vld [tilespmem:s24+$0xFFFFFFE0]  }
0x980: {  	[tilespmem:s26+$0xFFFFFFB0] =	vst v2;
	v7 =	vadd.f32 v8, v7;
	v2 =	vld [tilespmem:s26+$0xFFFFFFF0]  }
0x981: {  	v5 =	vld [tilespmem:s24+$0xFFFFFFF0]  }
0x982: {  	s26 =	sadd.s32 $0x400, s26;
	v4 =	vld [tilespmem:s21+$0xFFFFFF90];
	[tilespmem:s21+$0xFFFFFFC0] =	vst v7;
	v6 =	vadd.f32 v9, v6  }
0x983: {  	_ =	sdelay $0x1  }
0x984: {  	v1 =	vadd.f32 v3, v1  }
0x985: {  	[tilespmem:s21+$0xFFFFFFD0] =	vst v6;
	v2 =	vadd.f32 v5, v2  }
0x986: {  	[tilespmem:s21+$0xFFFFFFE0] =	vst v1;
	v0 =	vadd.f32 v0, v4  }
0x987: {  	[tilespmem:s21+$0xFFFFFFF0] =	vst v2  }
0x988: {  	[tilespmem:s21+$0xFFFFFF90] =	vst v0  }
0x989: {  	v1 =	vld [tilespmem:s22+$0x0]  }
0x98a: {  	v2 =	vld [tilespmem:s23+$0x0]  }
0x98b: {  	v0 =	vld [tilespmem:s23+$0xFFFFFF90]  }
0x98c: {  	v3 =	vld [tilespmem:s22+$0xFFFFFFA0]  }
0x98d: {  	v4 =	vld [tilespmem:s23+$0xFFFFFFA0]  }
0x98e: {  	v5 =	vld [tilespmem:s22+$0xFFFFFFB0]  }
0x98f: {  	v6 =	vld [tilespmem:s23+$0xFFFFFFB0]  }
0x990: {  	v7 =	vld [tilespmem:s22+$0xFFFFFFC0]  }
0x991: {  	v8 =	vld [tilespmem:s23+$0xFFFFFFC0]  }
0x992: {  	v9 =	vld [tilespmem:s22+$0xFFFFFFD0]  }
0x993: {  	v10 =	vld [tilespmem:s23+$0xFFFFFFD0];
	v2 =	vadd.f32 v2, v1  }
0x994: {  	v4 =	vadd.f32 v4, v3;
	v1 =	vld [tilespmem:s22+$0xFFFFFFE0]  }
0x995: {  	v5 =	vadd.f32 v6, v5;
	v3 =	vld [tilespmem:s23+$0xFFFFFFE0];
	[tilespmem:s22+$0x0] =	vst v2  }
0x996: {  	v6 =	vadd.f32 v8, v7;
	[tilespmem:s22+$0xFFFFFFA0] =	vst v4;
	v2 =	vld [tilespmem:s22+$0xFFFFFFF0]  }
0x997: {  	[tilespmem:s22+$0xFFFFFFB0] =	vst v5;
	v5 =	vld [tilespmem:s23+$0xFFFFFFF0]  }
0x998: {  	s24 =	simm.s32 $0xA7F0;
	s21 =	simm.s32 $0x0;
	v4 =	vld [tilespmem:s22+$0xFFFFFF90];
	[tilespmem:s22+$0xFFFFFFC0] =	vst v6;
	v6 =	vadd.f32 v10, v9  }
.LBB2_128:
0x999: {  	v7 =	vld [tilespmem:s24+$0x0];
	s23 =	sadd.s32 $0x400, s23  }
0x99a: {  	s21 =	sadd.s32 $0x80, s21;
	v8 =	vld [tilespmem:s23+$0x0];
	[tilespmem:s22+$0xFFFFFFD0] =	vst v6;
	v1 =	vadd.f32 v3, v1  }
0x99b: {  	p0 =	slt.u32 s21, $0x380;
	v3 =	vld [tilespmem:s23+$0xFFFFFF90]  }
0x99c: {  	v6 =	vld [tilespmem:s24+$0xFFFFFFA0];
	[tilespmem:s22+$0xFFFFFFE0] =	vst v1;
	v1 =	vadd.f32 v5, v2  }
0x99d: {  	v2 =	vld [tilespmem:s23+$0xFFFFFFA0];
	v9 =	vadd.f32 v0, v4  }
0x99e: {  	v4 =	vld [tilespmem:s24+$0xFFFFFFB0];
	[tilespmem:s22+$0xFFFFFFF0] =	vst v1  }
0x99f: {  	v1 =	vld [tilespmem:s23+$0xFFFFFFB0];
	v5 =	vadd.f32 v8, v7;
	[tilespmem:s22+$0xFFFFFF90] =	vst v9;
	s22 =	smov.u32 s24  }
0x9a0: {  	v7 =	vld [tilespmem:s24+$0xFFFFFFC0];
	v0 =	vmov v3  }
0x9a1: {  	v8 =	vld [tilespmem:s23+$0xFFFFFFC0];
	[tilespmem:s24+$0x0] =	vst v5  }
0x9a2: {  	v2 =	vadd.f32 v2, v6;
	v6 =	vld [tilespmem:s24+$0xFFFFFFD0]  }
0x9a3: {  	v9 =	vld [tilespmem:s23+$0xFFFFFFD0]  }
.Ltmp63:
0x9a4: {  	[tilespmem:s24+$0xFFFFFFA0] =	vst v2;
	v2 =	vadd.f32 v1, v4;
	v1 =	vld [tilespmem:s24+$0xFFFFFFE0];
	(pc) =	sbr.rel @p0 .LBB2_128-.Ltmp63, $4  }
0x9a5: {  	v3 =	vld [tilespmem:s23+$0xFFFFFFE0]  }
0x9a6: {  	[tilespmem:s24+$0xFFFFFFB0] =	vst v2;
	v7 =	vadd.f32 v8, v7;
	v2 =	vld [tilespmem:s24+$0xFFFFFFF0]  }
0x9a7: {  	v5 =	vld [tilespmem:s23+$0xFFFFFFF0]  }
0x9a8: {  	s24 =	sadd.s32 $0x400, s24;
	v4 =	vld [tilespmem:s22+$0xFFFFFF90];
	[tilespmem:s22+$0xFFFFFFC0] =	vst v7;
	v6 =	vadd.f32 v9, v6  }
0x9a9: {  	_ =	sdelay $0x1  }
0x9aa: {  	v1 =	vadd.f32 v3, v1  }
0x9ab: {  	[tilespmem:s22+$0xFFFFFFD0] =	vst v6;
	v2 =	vadd.f32 v5, v2  }
0x9ac: {  	[tilespmem:s22+$0xFFFFFFE0] =	vst v1;
	v0 =	vadd.f32 v0, v4  }
0x9ad: {  	[tilespmem:s22+$0xFFFFFFF0] =	vst v2  }
0x9ae: {  	s20 =	sadd.s32 $0x1, s20;
	[tilespmem:s22+$0xFFFFFF90] =	vst v0  }
0x9af: {  	[hbm4b:s11+s2] =	stream.linear.scatter [tilespmem:s14], [sflag:$0x4], $0x4000, $0x38;
	[tilespmem:$0xC000] =	vst v63  }
0x9b0: {  	p0 =	sne.s32 s20, s12;
	_ =	swait.ge [sflag:s17], $0x4000  }
.Ltmp64:
0x9b1: {  	[sflag:s17] =	ssyncset.done $0x0;
	(pc) =	sbr.rel @p0 .LBB2_1-.Ltmp64, $4  }
0x9b2: {  	[sflag:s17] =	ssyncadd.s32 $0xFFFFC000  }
0x9b3: {  	_ =	swait.ge [sflag:s19], $0x4000  }
0x9b4: {  	[sflag:s19] =	ssyncset.done $0x0  }
0x9b5: {  	[sflag:s19] =	ssyncadd.s32 $0xFFFFC000  }
0x9b6: {  	_ =	sfence.sel $0x180000  }
0x9b7: {  	[bflag:$0x0] =	sbarrier.arrive $0xFFFF  }
0x9b8: {  	p0 =	sne.s32 s1, $0x0;
	_ =	strace $0x90000047  }
0x9b9: {  	s0 =	sadd.s32 @!p0 $0x100000, s0;
	[bflag:$0x2] =	sbarrier.arrive $0xFFFF  }
0x9ba: {  	[sflag:s0] =	ssyncadd.tile.s32 @!p0 $0x1;
	_ =	shalt  }
.Lfunc_end2:
_tile_overlayer_lowered:
.L_overlay_start_2:
0x9bb: {  	(tag) =	ssettag $0x2  }
0x9bc: {  	s0 =	rddreg [dreg:$0x0];
	s2 =	stileid.u32  }
0x9bd: {  	s1 =	rddreg [dreg:$0x1];
	p0 =	sne.s32 s2, $0x0  }
0x9be: {  	s3 =	rddreg [dreg:$0x2];
	[bflag:$0x3] =	sbarrier.arrive $0xFFFF;
	s2 =	simm.s32 @!p0 $0x1C05  }
0x9bf: {  	[timem:s3], [sflag:s2] =	dma.local @!p0 [hbm:s0], s1  }
0x9c0: {  	s0 =	simm.s32 @!p0 $0x5  }
0x9c1: {  	_ =	swait.ge @!p0 [sflag:s0], s1  }
0x9c2: {  	s1 =	ssub.s32 @!p0 $0x0, s1;
	[sflag:s0] =	ssyncset.done @!p0 $0x0  }
0x9c3: {  	[sflag:s0] =	ssyncadd.s32 @!p0 s1  }
0x9c4: {  	[bflag:$0x3] =	sbarrier.arrive $0xFFFF  }
0x9c5: {  	_ =	shalt  }

</sc_bundles>
